<compile_context>
chip_gen: v7x
topology: tpu7x:2x2x1
jax: 0.10.2.dev20260603
libtpu: 0.0.44.dev20260713+nightly
codegen_flags: <defaults>
</compile_context>

<pallas_src>
import jax
import jax.numpy as jnp
from jax import lax
from jax.experimental import pallas as pl
from jax.experimental.pallas import tpu as pltpu
from jax.experimental.pallas import tpu_sc as plsc

N = 10000
E = 320000
NB = 8
NC = 2
NS = 16
NW = NC * NS
K = 128
NBLK = E // K
BPT = -(-NBLK // NW)
ROWS_PT = N // NS

_F32 = jnp.float32



def _dup2(a, w, b):
    h0 = jnp.maximum(a[:, 0:1] * w + b, 0.0)
    h1 = jnp.maximum(a[:, 1:2] * w + b, 0.0)
    return jnp.concatenate([h0, h1], axis=1)


def _dot(a, b):
    return jnp.dot(a, b, preferred_element_type=_F32)


def _tc_node_pre(x_ref, wn_ref, bn_ref, w1a_ref, w1b_ref,
                 ne_ref, a_ref, b_ref):
    ne = _dup2(x_ref[...], wn_ref[...], bn_ref[...])
    ne_ref[...] = ne
    a_ref[...] = _dot(ne, w1a_ref[...])
    b_ref[...] = _dot(ne, w1b_ref[...])


def _tc_edge_pre(sp_ref, w2e_ref, b2e_ref, w1c_ref, be1_ref,
                 w1e_ref, b1e_ref, v1a_ref, be2_ref,
                 c_ref, s_ref, sp16_ref):
    sp = sp_ref[...]
    inv = jnp.where(sp != 0.0, 1.0 / sp, 0.0)
    ie = _dup2(inv, w2e_ref[...], b2e_ref[...])
    c_ref[...] = _dot(ie, w1c_ref[...]) + be1_ref[...]
    se = _dup2(sp, w1e_ref[...], b1e_ref[...])
    s_ref[...] = _dot(se, v1a_ref[...]) + be2_ref[...]
    blk = sp.shape[0]
    sp16_ref[...] = jnp.concatenate(
        [sp, jnp.zeros((blk, 14), _F32)], axis=1)


def _tc_w2(t_ref, w2_ref, b2_ref, o_ref):
    o_ref[...] = _dot(t_ref[...], w2_ref[...]) + b2_ref[...]


def _tc_mid(ebp_ref, ebm_ref, ss_ref,
            w2enc_ref, benc_ref, v1_ref,
            pw1_ref, pb1_ref, pw2_ref, pb2_ref,
            w1o_ref, pp_ref, pm_ref, idsp_ref):
    ebp = ebp_ref[0] + ebp_ref[1]
    ebm = ebm_ref[0] + ebm_ref[1]
    ss = ss_ref[0] + ss_ref[1]
    ssum = ss[:, 0:2]
    inv = jnp.where(ssum != 0.0, 1.0 / ssum, 0.0)
    idsp = _dup2(inv, w2enc_ref[...], benc_ref[...])
    pw1 = pw1_ref[...]
    h = jnp.maximum(_dot(ebp, pw1[0:64]) + _dot(ebm, pw1[64:128])
                    + _dot(idsp, pw1[128:192]) + pb1_ref[...], 0.0)
    w1o_ref[...] = _dot(h, pw2_ref[...]) + pb2_ref[...]
    v1b = v1_ref[...][64:128]
    pp_ref[...] = _dot(ebp, v1b)
    pm_ref[...] = _dot(ebm, v1b)
    idsp_ref[...] = idsp


def _tc_final(ne_ref, w1_ref, vp_ref, vm_ref, idsp_ref, batch_ref, glob_ref,
              wg_ref, bg_ref,
              pw1_ref, pb1_ref, pw2_ref, pb2_ref,
              ew1_ref, eb1_ref, ew2_ref, eb2_ref, dw_ref, db_ref,
              out_ref):
    eb2p = vp_ref[0] + vp_ref[1]
    eb2m = vm_ref[0] + vm_ref[1]
    idsp = idsp_ref[...]
    pw1 = pw1_ref[...]
    h = jnp.maximum(_dot(eb2p, pw1[0:64]) + _dot(eb2m, pw1[64:128])
                    + _dot(idsp, pw1[128:192]) + pb1_ref[...], 0.0)
    w2 = _dot(h, pw2_ref[...]) + pb2_ref[...]
    ge0 = jnp.maximum(glob_ref[...] * wg_ref[...] + bg_ref[...], 0.0)
    ge = jnp.concatenate([ge0, ge0], axis=1)
    bidx = batch_ref[0, 0, :]
    blk = bidx.shape[0]
    oh = (bidx[:, None]
          == lax.broadcasted_iota(jnp.int32, (blk, NB), 1)).astype(_F32)
    gb = _dot(oh, ge)
    ne = ne_ref[...]
    w1v = w1_ref[...]
    ew1 = ew1_ref[...]
    h2 = jnp.maximum(_dot(ne, ew1[0:128]) + _dot(w2, ew1[128:256])
                     + _dot(gb, ew1[256:288]) + _dot(w1v, ew1[288:416])
                     + eb1_ref[...], 0.0)
    res = _dot(h2, ew2_ref[...]) + eb2_ref[...]
    out_ref[...] = _dot(res, dw_ref[...]) + db_ref[...]


def _full(shape):
    nd = len(shape)
    return pl.BlockSpec(shape, lambda i, _nd=nd: (0,) * _nd)


def _rows(blk, width):
    return pl.BlockSpec((blk, width), lambda i: (i, 0))


def _parts(blk, width):
    return pl.BlockSpec((NC, blk, width), lambda i: (0, i, 0))



_MESH = plsc.VectorSubcoreMesh(core_axis_name="c", subcore_axis_name="s",
                               num_cores=NC, num_subcores=NS)
_SC_PARAMS = pltpu.CompilerParams(use_tc_tiling_on_sc=False)


def _sc_gather1(a, b, c, row2d, col2d, t1_o,
                idx_r0, idx_c0, abuf0, bbuf0, cbuf0,
                idx_r1, idx_c1, abuf1, bbuf1, cbuf1, tbuf,
                sem10, sem20, sem30, sem11, sem21, sem31):
    cc = lax.axis_index("c")
    s = lax.axis_index("s")
    w = s * NC + cc
    slots = ((idx_r0, idx_c0, abuf0, bbuf0, cbuf0, sem10, sem20, sem30),
             (idx_r1, idx_c1, abuf1, bbuf1, cbuf1, sem11, sem21, sem31))

    def body(i, carry):
        descs = []
        for q in range(2):
            bb = w + (2 * i + q) * NW
            ir, ic, ab, bbf, cb, s1, s2, s3 = slots[q]

            @pl.when(bb < NBLK)
            def _(bb=bb, ir=ir, ic=ic, ab=ab, bbf=bbf, cb=cb,
                  s1=s1, s2=s2, s3=s3):
                pltpu.sync_copy(row2d.at[bb], ir)
                pltpu.sync_copy(col2d.at[bb], ic)
                pltpu.async_copy(a.at[ir], ab, s1)
                pltpu.async_copy(b.at[ic], bbf, s2)
                pltpu.async_copy(c.at[pl.ds(bb * K, K)], cb, s3)

        for q in range(2):
            bb = w + (2 * i + q) * NW
            ir, ic, ab, bbf, cb, s1, s2, s3 = slots[q]

            @pl.when(bb < NBLK)
            def _(bb=bb, ab=ab, bbf=bbf, cb=cb, s1=s1, s2=s2, s3=s3):
                pltpu.make_async_copy(a, ab, s1).wait()
                pltpu.make_async_copy(a, bbf, s2).wait()
                pltpu.make_async_copy(c.at[pl.ds(bb * K, K)], cb, s3).wait()

                def compute(e, cy):
                    for j in range(8):
                        sl = pl.ds(j * 16, 16)
                        tbuf[e, sl] = jnp.maximum(
                            ab[e, sl] + bbf[e, sl] + cb[e, sl], 0.0)
                    return cy

                lax.fori_loop(0, K, compute, 0)
                pltpu.sync_copy(tbuf, t1_o.at[pl.ds(bb * K, K)])

        return carry

    lax.fori_loop(0, (BPT + 1) // 2, body, 0)


def _sc_gather2(pp, pm, sarr, row2d, col2d, t2p_o, t2m_o,
                idx_r0, idx_c0, abuf0, bbuf0,
                idx_r1, idx_c1, abuf1, bbuf1, cbuf, tpbuf, tmbuf,
                sem10, sem20, sem11, sem21, sem3):
    cc = lax.axis_index("c")
    s = lax.axis_index("s")
    w = s * NC + cc
    slots = ((idx_r0, idx_c0, abuf0, bbuf0, sem10, sem20),
             (idx_r1, idx_c1, abuf1, bbuf1, sem11, sem21))

    def body(i, carry):
        for q in range(2):
            bb = w + (2 * i + q) * NW
            ir, ic, ab, bbf, s1, s2 = slots[q]

            @pl.when(bb < NBLK)
            def _(bb=bb, ir=ir, ic=ic, ab=ab, bbf=bbf, s1=s1, s2=s2):
                pltpu.sync_copy(row2d.at[bb], ir)
                pltpu.sync_copy(col2d.at[bb], ic)
                pltpu.async_copy(pp.at[ic], ab, s1)
                pltpu.async_copy(pm.at[ir], bbf, s2)

        for q in range(2):
            bb = w + (2 * i + q) * NW
            ir, ic, ab, bbf, s1, s2 = slots[q]

            @pl.when(bb < NBLK)
            def _(bb=bb, ab=ab, bbf=bbf, s1=s1, s2=s2):
                d3 = pltpu.async_copy(sarr.at[pl.ds(bb * K, K)], cbuf, sem3)
                pltpu.make_async_copy(pp, ab, s1).wait()
                pltpu.make_async_copy(pm, bbf, s2).wait()
                d3.wait()

                def compute(e, cy):
                    for j in range(8):
                        sl = pl.ds(j * 16, 16)
                        cv = cbuf[e, sl]
                        tpbuf[e, sl] = jnp.maximum(cv + ab[e, sl], 0.0)
                        tmbuf[e, sl] = jnp.maximum(cv + bbf[e, sl], 0.0)
                    return cy

                lax.fori_loop(0, K, compute, 0)
                pltpu.sync_copy(tpbuf, t2p_o.at[pl.ds(bb * K, K)])
                pltpu.sync_copy(tmbuf, t2m_o.at[pl.ds(bb * K, K)])

        return carry

    lax.fori_loop(0, (BPT + 1) // 2, body, 0)


def _sc_scatter1(ep, row2d, col2d, sp16, z64, z16,
                 ebp_o, ebm_o, ss_o,
                 up_sh, um_sh, ss_sh,
                 idx_r, idx_c, ebuf, p16, sem1, sem2):
    cc = lax.axis_index("c")
    s = lax.axis_index("s")
    w = s * NC + cc
    rows = pl.ds(s * ROWS_PT, ROWS_PT)

    pltpu.sync_copy(z64, up_sh.at[rows])
    pltpu.sync_copy(z64, um_sh.at[rows])
    pltpu.sync_copy(z16, ss_sh.at[rows])
    plsc.subcore_barrier()

    def body(i, carry):
        bb = w + i * NW

        @pl.when(bb < NBLK)
        def _():
            pltpu.sync_copy(row2d.at[bb], idx_r)
            pltpu.sync_copy(col2d.at[bb], idx_c)
            d1 = pltpu.async_copy(ep.at[pl.ds(bb * K, K)], ebuf, sem1)
            d2 = pltpu.async_copy(sp16.at[pl.ds(bb * K, K)], p16, sem2)
            d1.wait()
            d2.wait()
            pltpu.sync_copy(ebuf, up_sh.at[idx_r], add=True)
            pltpu.sync_copy(ebuf, um_sh.at[idx_c], add=True)
            pltpu.sync_copy(p16, ss_sh.at[idx_r], add=True)
            pltpu.sync_copy(p16, ss_sh.at[idx_c], add=True)

        return carry

    lax.fori_loop(0, BPT, body, 0)
    plsc.subcore_barrier()
    dst = pl.ds(cc * N + s * ROWS_PT, ROWS_PT)
    pltpu.sync_copy(up_sh.at[rows], ebp_o.at[dst])
    pltpu.sync_copy(um_sh.at[rows], ebm_o.at[dst])
    pltpu.sync_copy(ss_sh.at[rows], ss_o.at[dst])


def _sc_scatter2(epp, epm, row2d, col2d, z64,
                 vp_o, vm_o,
                 vp_sh, vm_sh,
                 idx_r, idx_c, pbuf, mbuf, sem1, sem2):
    cc = lax.axis_index("c")
    s = lax.axis_index("s")
    w = s * NC + cc
    rows = pl.ds(s * ROWS_PT, ROWS_PT)

    pltpu.sync_copy(z64, vp_sh.at[rows])
    pltpu.sync_copy(z64, vm_sh.at[rows])
    plsc.subcore_barrier()

    def body(i, carry):
        bb = w + i * NW

        @pl.when(bb < NBLK)
        def _():
            pltpu.sync_copy(row2d.at[bb], idx_r)
            pltpu.sync_copy(col2d.at[bb], idx_c)
            d1 = pltpu.async_copy(epp.at[pl.ds(bb * K, K)], pbuf, sem1)
            d2 = pltpu.async_copy(epm.at[pl.ds(bb * K, K)], mbuf, sem2)
            d1.wait()
            d2.wait()
            pltpu.sync_copy(pbuf, vp_sh.at[idx_c], add=True)
            pltpu.sync_copy(mbuf, vm_sh.at[idx_r], add=True)

        return carry

    lax.fori_loop(0, BPT, body, 0)
    plsc.subcore_barrier()
    dst = pl.ds(cc * N + s * ROWS_PT, ROWS_PT)
    pltpu.sync_copy(vp_sh.at[rows], vp_o.at[dst])
    pltpu.sync_copy(vm_sh.at[rows], vm_o.at[dst])


def _sds(shape, dtype=_F32):
    return jax.ShapeDtypeStruct(shape, dtype)


_gather1 = pl.kernel(
    _sc_gather1, mesh=_MESH, compiler_params=_SC_PARAMS,
    out_type=[_sds((E, 128))],
    scratch_types=[
        pltpu.VMEM((K,), jnp.int32), pltpu.VMEM((K,), jnp.int32),
        pltpu.VMEM((K, 128), _F32), pltpu.VMEM((K, 128), _F32),
        pltpu.VMEM((K, 128), _F32),
        pltpu.VMEM((K,), jnp.int32), pltpu.VMEM((K,), jnp.int32),
        pltpu.VMEM((K, 128), _F32), pltpu.VMEM((K, 128), _F32),
        pltpu.VMEM((K, 128), _F32),
        pltpu.VMEM((K, 128), _F32),
        pltpu.SemaphoreType.DMA, pltpu.SemaphoreType.DMA,
        pltpu.SemaphoreType.DMA, pltpu.SemaphoreType.DMA,
        pltpu.SemaphoreType.DMA, pltpu.SemaphoreType.DMA,
    ])

_gather2 = pl.kernel(
    _sc_gather2, mesh=_MESH, compiler_params=_SC_PARAMS,
    out_type=[_sds((E, 128)), _sds((E, 128))],
    scratch_types=[
        pltpu.VMEM((K,), jnp.int32), pltpu.VMEM((K,), jnp.int32),
        pltpu.VMEM((K, 128), _F32), pltpu.VMEM((K, 128), _F32),
        pltpu.VMEM((K,), jnp.int32), pltpu.VMEM((K,), jnp.int32),
        pltpu.VMEM((K, 128), _F32), pltpu.VMEM((K, 128), _F32),
        pltpu.VMEM((K, 128), _F32),
        pltpu.VMEM((K, 128), _F32), pltpu.VMEM((K, 128), _F32),
        pltpu.SemaphoreType.DMA, pltpu.SemaphoreType.DMA,
        pltpu.SemaphoreType.DMA, pltpu.SemaphoreType.DMA,
        pltpu.SemaphoreType.DMA,
    ])

_scatter1 = pl.kernel(
    _sc_scatter1, mesh=_MESH, compiler_params=_SC_PARAMS,
    out_type=[_sds((NC * N, 64)), _sds((NC * N, 64)), _sds((NC * N, 16))],
    scratch_types=[
        pltpu.VMEM_SHARED((N, 64), _F32), pltpu.VMEM_SHARED((N, 64), _F32),
        pltpu.VMEM_SHARED((N, 16), _F32),
        pltpu.VMEM((K,), jnp.int32), pltpu.VMEM((K,), jnp.int32),
        pltpu.VMEM((K, 64), _F32), pltpu.VMEM((K, 16), _F32),
        pltpu.SemaphoreType.DMA, pltpu.SemaphoreType.DMA,
    ])

_scatter2 = pl.kernel(
    _sc_scatter2, mesh=_MESH, compiler_params=_SC_PARAMS,
    out_type=[_sds((NC * N, 64)), _sds((NC * N, 64))],
    scratch_types=[
        pltpu.VMEM_SHARED((N, 64), _F32), pltpu.VMEM_SHARED((N, 64), _F32),
        pltpu.VMEM((K,), jnp.int32), pltpu.VMEM((K,), jnp.int32),
        pltpu.VMEM((K, 64), _F32), pltpu.VMEM((K, 64), _F32),
        pltpu.SemaphoreType.DMA, pltpu.SemaphoreType.DMA,
    ])



def _impl(x, edge_index, batch, edge_attr, glob_attr, p):
    r2 = lambda a: a.reshape(1, -1)
    w1 = p['phi_e1_W1']

    bn1, nbk = 2000, N // 2000
    ne, amat, bmat = pl.pallas_call(
        _tc_node_pre,
        grid=(nbk,),
        in_specs=[_rows(bn1, 2), _full((1, 64)), _full((1, 64)),
                  _full((128, 128)), _full((128, 128))],
        out_specs=[_rows(bn1, 128), _rows(bn1, 128), _rows(bn1, 128)],
        out_shape=[_sds((N, 128)), _sds((N, 128)), _sds((N, 128))],
    )(x, r2(p['enc1_node_W']), r2(p['enc1_node_b']),
      w1[0:128], w1[128:256])

    be, ebk = 2000, E // 2000
    cmat, smat, sp16 = pl.pallas_call(
        _tc_edge_pre,
        grid=(ebk,),
        in_specs=[_rows(be, 2), _full((1, 32)), _full((1, 32)),
                  _full((64, 128)), _full((1, 128)),
                  _full((1, 32)), _full((1, 32)),
                  _full((64, 128)), _full((1, 128))],
        out_specs=[_rows(be, 128), _rows(be, 128), _rows(be, 16)],
        out_shape=[_sds((E, 128)), _sds((E, 128)), _sds((E, 16))],
    )(edge_attr, r2(p['enc2_edge_W']), r2(p['enc2_edge_b']),
      w1[256:320], r2(p['phi_e1_b1']),
      r2(p['enc1_edge_W']), r2(p['enc1_edge_b']),
      p['phi_e2_W1'][0:64], r2(p['phi_e2_b1']))

    row2d = edge_index[0].reshape(NBLK, K)
    col2d = edge_index[1].reshape(NBLK, K)
    z64 = jnp.zeros((ROWS_PT, 64), _F32)
    z16 = jnp.zeros((ROWS_PT, 16), _F32)

    def w2call(t, w2, b2):
        return pl.pallas_call(
            _tc_w2, grid=(ebk,),
            in_specs=[_rows(be, 128), _full((128, 64)), _full((1, 64))],
            out_specs=_rows(be, 64),
            out_shape=_sds((E, 64)),
        )(t, w2, r2(b2))

    t1, = _gather1(amat, bmat, cmat, row2d, col2d)
    ep1 = w2call(t1, p['phi_e1_W2'], p['phi_e1_b2'])
    ebp_p, ebm_p, ss_p = _scatter1(ep1, row2d, col2d, sp16, z64, z16)

    bm, mbk = 2000, N // 2000
    w1v, pp, pm, idsp = pl.pallas_call(
        _tc_mid,
        grid=(mbk,),
        in_specs=[_parts(bm, 64)] * 2 + [_parts(bm, 16)] +
                 [_full((1, 32)), _full((1, 32)), _full((128, 128)),
                  _full((192, 128)), _full((1, 128)),
                  _full((128, 128)), _full((1, 128))],
        out_specs=[_rows(bm, 128), _rows(bm, 128), _rows(bm, 128),
                   _rows(bm, 64)],
        out_shape=[_sds((N, 128))] * 3 + [_sds((N, 64))],
    )(ebp_p.reshape(NC, N, 64), ebm_p.reshape(NC, N, 64),
      ss_p.reshape(NC, N, 16),
      r2(p['enc2_edge_W']), r2(p['enc2_edge_b']), p['phi_e2_W1'],
      p['phi_v1_W1'], r2(p['phi_v1_b1']),
      p['phi_v1_W2'], r2(p['phi_v1_b2']))

    t2p, t2m = _gather2(pp, pm, smat, row2d, col2d)
    ep2p = w2call(t2p, p['phi_e2_W2'], p['phi_e2_b2'])
    ep2m = w2call(t2m, p['phi_e2_W2'], p['phi_e2_b2'])
    vp_p, vm_p = _scatter2(ep2p, ep2m, row2d, col2d, z64)

    out = pl.pallas_call(
        _tc_final,
        grid=(mbk,),
        in_specs=[_rows(bm, 128), _rows(bm, 128)] +
                 [_parts(bm, 64)] * 2 +
                 [_rows(bm, 64),
                  pl.BlockSpec((1, 1, bm), lambda i: (i, 0, 0)),
                  _full((NB, 1)),
                  _full((1, 16)), _full((1, 16)),
                  _full((192, 128)), _full((1, 128)),
                  _full((128, 128)), _full((1, 128)),
                  _full((416, 128)), _full((1, 128)),
                  _full((128, 128)), _full((1, 128)),
                  _full((128, 2)), _full((1, 2))],
        out_specs=_rows(bm, 2),
        out_shape=_sds((N, 2)),
    )(ne, w1v,
      vp_p.reshape(NC, N, 64), vm_p.reshape(NC, N, 64),
      idsp, batch.reshape(mbk, 1, bm), glob_attr,
      r2(p['enc1_glob_W']), r2(p['enc1_glob_b']),
      p['phi_v2_W1'], r2(p['phi_v2_b1']),
      p['phi_v2_W2'], r2(p['phi_v2_b2']),
      p['ext_dec_W1'], r2(p['ext_dec_b1']),
      p['ext_dec_W2'], r2(p['ext_dec_b2']),
      p['dec_W'], r2(p['dec_b']))
    return out


_run = jax.jit(_impl)


def kernel(x, edge_index, batch, node_attr, edge_attr, glob_attr, params):
    del node_attr
    return _run(x, edge_index, batch, edge_attr, glob_attr, params)

# --- scband reference (transcript-rebuilt; emitter-appended) ---
"""Pipeline reference for scband-burgers-approximator-44298292691125 (READ-ONLY COPY).

The authoritative reference and input builder live on the scoring server;
editing this copy changes nothing except your own understanding.
"""

import jax, jax.numpy as jnp
import numpy as np

N = 10000
E = 320000
B = 8
NODE_EMB = 64
EDGE_EMB = 32
GLOB_EMB = 16
HID = 128


def clean(a):
    return jnp.nan_to_num(a, nan=0.0, posinf=0.0, neginf=0.0)


def dup_encode(a, W, b):
    # DuplicatedEncoder: shared per-channel linear+act applied to each of the 2 channels, concatenated -> [M, 2*emb]
    h0 = jax.nn.relu(a[:, 0:1] @ W + b)
    h1 = jax.nn.relu(a[:, 1:2] @ W + b)
    return jnp.concatenate([h0, h1], axis=-1)


def mlp(a, p, name):
    # depth-2 MLP: Linear -> relu -> Linear (bn in eval mode ~ identity, dropout=0)
    h = jax.nn.relu(a @ p[name + '_W1'] + p[name + '_b1'])
    return h @ p[name + '_W2'] + p[name + '_b2']


def _make_params():
    key = jax.random.key(42)
    params = {}
    def lin(k, din, dout):
        return jax.random.normal(k, (din, dout), dtype=jnp.float32) / np.sqrt(din)
    keys = jax.random.split(key, 16)
    enc_dims = [('enc1_node', NODE_EMB), ('enc1_edge', EDGE_EMB), ('enc1_glob', GLOB_EMB), ('enc2_edge', EDGE_EMB)]
    for i, (nm, d) in enumerate(enc_dims):
        params[nm + '_W'] = lin(keys[i], 1, d)
        params[nm + '_b'] = jnp.zeros((d,), jnp.float32)
    mlp_dims = [('phi_e1', 4 * NODE_EMB + 2 * EDGE_EMB, HID, 2 * EDGE_EMB),
                ('phi_v1', 6 * EDGE_EMB, HID, 2 * NODE_EMB),
                ('phi_e2', 4 * EDGE_EMB, HID, 2 * EDGE_EMB),
                ('phi_v2', 6 * EDGE_EMB, HID, 2 * NODE_EMB),
                ('ext_dec', 6 * NODE_EMB + 2 * GLOB_EMB, HID, 2 * NODE_EMB)]
    for i, (nm, din, dh, dout) in enumerate(mlp_dims):
        k1, k2 = jax.random.split(keys[4 + i])
        params[nm + '_W1'] = lin(k1, din, dh)
        params[nm + '_b1'] = jnp.zeros((dh,), jnp.float32)
        params[nm + '_W2'] = lin(k2, dh, dout)
        params[nm + '_b2'] = jnp.zeros((dout,), jnp.float32)
    params['dec_W'] = lin(keys[9], 2 * NODE_EMB, 2)
    params['dec_b'] = jnp.zeros((2,), jnp.float32)
    return params


def setup_inputs(seed: int = 0) -> dict:
    key = jax.random.key(seed)
    k = jax.random.split(key, 6)
    return {
        'x': jax.random.normal(k[0], (N, 2), jnp.float32),
        'edge_index': jax.random.randint(k[1], (2, E), 0, N),
        'batch': jnp.sort(jax.random.randint(k[2], (N,), 0, B)),
        'node_attr': jax.random.normal(k[3], (N, 2), jnp.float32),
        'edge_attr': jax.random.uniform(k[4], (E, 2), jnp.float32) + 0.1,
        'glob_attr': jax.random.uniform(k[5], (B, 1), jnp.float32),
        'params': _make_params(),
    }


def _forward(x, edge_index, batch, node_attr, edge_attr, glob_attr, params):
    row = edge_index[0]
    col = edge_index[1]
    spacing = edge_attr
    glob2 = jnp.tile(glob_attr, (1, 2))
    inv_spacing = clean(1.0 / spacing)
    ssum = jax.ops.segment_sum(spacing, row, num_segments=N) + jax.ops.segment_sum(spacing, col, num_segments=N)
    inv_double_spacing = clean(1.0 / ssum)
    node_emb = dup_encode(x, params['enc1_node_W'], params['enc1_node_b'])
    spacing_emb = dup_encode(spacing, params['enc1_edge_W'], params['enc1_edge_b'])
    glob_emb = dup_encode(glob2, params['enc1_glob_W'], params['enc1_glob_b'])
    inv_spacing_emb = dup_encode(inv_spacing, params['enc2_edge_W'], params['enc2_edge_b'])
    inv_double_spacing_emb = dup_encode(inv_double_spacing, params['enc2_edge_W'], params['enc2_edge_b'])
    edge_prime1 = mlp(jnp.concatenate([node_emb[row], node_emb[col], inv_spacing_emb], axis=-1), params, 'phi_e1')
    edge_bar1_plus = jax.ops.segment_sum(edge_prime1, row, num_segments=N)
    edge_bar1_minus = jax.ops.segment_sum(edge_prime1, col, num_segments=N)
    w1 = mlp(jnp.concatenate([edge_bar1_plus, edge_bar1_minus, inv_double_spacing_emb], axis=-1), params, 'phi_v1')
    edge_prime2_plus = mlp(jnp.concatenate([spacing_emb, edge_bar1_plus[col]], axis=-1), params, 'phi_e2')
    edge_prime2_minus = mlp(jnp.concatenate([spacing_emb, edge_bar1_minus[row]], axis=-1), params, 'phi_e2')
    edge_bar2_plus = jax.ops.segment_sum(edge_prime2_plus, col, num_segments=N)
    edge_bar2_minus = jax.ops.segment_sum(edge_prime2_minus, row, num_segments=N)
    w2 = mlp(jnp.concatenate([edge_bar2_plus, edge_bar2_minus, inv_double_spacing_emb], axis=-1), params, 'phi_v2')
    result = mlp(jnp.concatenate([node_emb, w2, glob_emb[batch], w1], axis=-1), params, 'ext_dec')
    return result @ params['dec_W'] + params['dec_b']


def reference(x, edge_index, batch, node_attr, edge_attr, glob_attr, params):
    return _forward(x, edge_index, batch, node_attr, edge_attr, glob_attr, params)

if __name__ == "__main__":
    import jax
    _d = setup_inputs()
    print(jax.jit(kernel)(*tuple(_d.values())))

</pallas_src>

<mosaic_0001>
#map = affine_map<(d0, d1) -> (0, 0)>
module attributes {stable_mosaic.version = 14 : i64} {
  func.func @_sc_gather1(%arg0: i32, %arg1: i32, %arg2: memref<10000x128xf32, #tpu.memory_space<hbm>>, %arg3: memref<10000x128xf32, #tpu.memory_space<hbm>>, %arg4: memref<320000x128xf32, #tpu.memory_space<hbm>>, %arg5: memref<2500x128xi32, #tpu.memory_space<hbm>>, %arg6: memref<2500x128xi32, #tpu.memory_space<hbm>>, %arg7: memref<320000x128xf32, #tpu.memory_space<hbm>>, %arg8: memref<128xi32, #tpu.memory_space<vmem>>, %arg9: memref<128xi32, #tpu.memory_space<vmem>>, %arg10: memref<128x128xf32, #tpu.memory_space<vmem>>, %arg11: memref<128x128xf32, #tpu.memory_space<vmem>>, %arg12: memref<128x128xf32, #tpu.memory_space<vmem>>, %arg13: memref<128xi32, #tpu.memory_space<vmem>>, %arg14: memref<128xi32, #tpu.memory_space<vmem>>, %arg15: memref<128x128xf32, #tpu.memory_space<vmem>>, %arg16: memref<128x128xf32, #tpu.memory_space<vmem>>, %arg17: memref<128x128xf32, #tpu.memory_space<vmem>>, %arg18: memref<128x128xf32, #tpu.memory_space<vmem>>, %arg19: memref<!tpu.dma_semaphore, #tpu.memory_space<semaphore_mem>>, %arg20: memref<!tpu.dma_semaphore, #tpu.memory_space<semaphore_mem>>, %arg21: memref<!tpu.dma_semaphore, #tpu.memory_space<semaphore_mem>>, %arg22: memref<!tpu.dma_semaphore, #tpu.memory_space<semaphore_mem>>, %arg23: memref<!tpu.dma_semaphore, #tpu.memory_space<semaphore_mem>>, %arg24: memref<!tpu.dma_semaphore, #tpu.memory_space<semaphore_mem>>) attributes {dimension_semantics = [#tpu.dimension_semantics<core_parallel>, #tpu.dimension_semantics<subcore_parallel>], iteration_bounds = array<i64: 2, 16>, scalar_prefetch = 0 : i64, scratch_operands = 17 : i64, tpu.core_type = #tpu.core_type<sc_vector_subcore>, window_params = [{transform_indices = #map}, {transform_indices = #map}, {transform_indices = #map}, {transform_indices = #map}, {transform_indices = #map}, {transform_indices = #map}]} {
    %mul3A = arith.constant 2 : i32
    %mul3A_0 = arith.muli %arg1, %mul3A : i32
    %add3A = arith.addi %mul3A_0, %arg0 : i32
    %scan3A = arith.constant 0 : i32
    %scan3A_1 = arith.constant 0 : i32
    %scan3A_2 = arith.constant 40 : i32
    %scan3A_3 = arith.addi %scan3A_1, %scan3A_2 : i32
    %scan3A_4 = arith.constant 1 : i32
    scf.for %scan3A_6 = %scan3A_1 to %scan3A_3 step %scan3A_4  : i32 {
      %mul3A_7 = arith.constant 2 : i32
      %mul3A_8 = arith.muli %mul3A_7, %scan3A_6 : i32
      %add3A_9 = arith.constant 0 : i32
      %add3A_10 = arith.addi %mul3A_8, %add3A_9 : i32
      %mul3A_11 = arith.constant 32 : i32
      %mul3A_12 = arith.muli %add3A_10, %mul3A_11 : i32
      %add3A_13 = arith.addi %add3A, %mul3A_12 : i32
      %lt3A = arith.constant 2500 : i32
      %lt3A_14 = arith.cmpi slt, %add3A_13, %lt3A : i32
      %convert_element_type3A = arith.extui %lt3A_14 : i1 to i32
      %cond3A = arith.constant 0 : i32
      %cond3A_15 = arith.cmpi ne, %convert_element_type3A, %cond3A : i32
      scf.if %cond3A_15 {
        "tpu.region"() ({
          %run_scoped3A = tpu.sem_alloc : memref<!tpu.dma_semaphore, #tpu.memory_space<semaphore_mem>>
          %dma_start3A_63 = arith.constant 0 : i32
          %dma_start3A_64 = tpu.memref_slice %arg5[%add3A_13, %dma_start3A_63] : memref<2500x128xi32, #tpu.memory_space<hbm>> -> memref<1x128xi32, #tpu.memory_space<hbm>>
          %dma_start3A_65 = tpu.memref_squeeze %dma_start3A_64 : memref<1x128xi32, #tpu.memory_space<hbm>> -> memref<128xi32, #tpu.memory_space<hbm>>
          %dma_start3A_66 = arith.constant 0 : i32
          %dma_start3A_67 = tpu.memref_slice %arg5[%add3A_13, %dma_start3A_66] : memref<2500x128xi32, #tpu.memory_space<hbm>> -> memref<1x128xi32, #tpu.memory_space<hbm>>
          %dma_start3A_68 = tpu.memref_squeeze %dma_start3A_67 : memref<1x128xi32, #tpu.memory_space<hbm>> -> memref<128xi32, #tpu.memory_space<hbm>>
          tpu.enqueue_dma source(%dma_start3A_68 : memref<128xi32, #tpu.memory_space<hbm>>) target(%arg8 : memref<128xi32, #tpu.memory_space<vmem>>) target_semaphore(%run_scoped3A : memref<!tpu.dma_semaphore, #tpu.memory_space<semaphore_mem>>)
          %dma_wait3A = arith.constant 0 : i32
          %dma_wait3A_69 = tpu.memref_slice %arg5[%add3A_13, %dma_wait3A] : memref<2500x128xi32, #tpu.memory_space<hbm>> -> memref<1x128xi32, #tpu.memory_space<hbm>>
          %dma_wait3A_70 = tpu.memref_squeeze %dma_wait3A_69 : memref<1x128xi32, #tpu.memory_space<hbm>> -> memref<128xi32, #tpu.memory_space<hbm>>
          %dma_wait3A_71 = arith.constant 0 : i32
          %dma_wait3A_72 = tpu.memref_slice %arg5[%add3A_13, %dma_wait3A_71] : memref<2500x128xi32, #tpu.memory_space<hbm>> -> memref<1x128xi32, #tpu.memory_space<hbm>>
          %dma_wait3A_73 = tpu.memref_squeeze %dma_wait3A_72 : memref<1x128xi32, #tpu.memory_space<hbm>> -> memref<128xi32, #tpu.memory_space<hbm>>
          tpu.wait_dma2 semaphore(%run_scoped3A : memref<!tpu.dma_semaphore, #tpu.memory_space<semaphore_mem>>) src(%dma_wait3A_73 : memref<128xi32, #tpu.memory_space<hbm>>) dst(%arg8 : memref<128xi32, #tpu.memory_space<vmem>>)
          tpu.yield
        }) : () -> ()
        "tpu.region"() ({
          %run_scoped3A = tpu.sem_alloc : memref<!tpu.dma_semaphore, #tpu.memory_space<semaphore_mem>>
          %dma_start3A_63 = arith.constant 0 : i32
          %dma_start3A_64 = tpu.memref_slice %arg6[%add3A_13, %dma_start3A_63] : memref<2500x128xi32, #tpu.memory_space<hbm>> -> memref<1x128xi32, #tpu.memory_space<hbm>>
          %dma_start3A_65 = tpu.memref_squeeze %dma_start3A_64 : memref<1x128xi32, #tpu.memory_space<hbm>> -> memref<128xi32, #tpu.memory_space<hbm>>
          %dma_start3A_66 = arith.constant 0 : i32
          %dma_start3A_67 = tpu.memref_slice %arg6[%add3A_13, %dma_start3A_66] : memref<2500x128xi32, #tpu.memory_space<hbm>> -> memref<1x128xi32, #tpu.memory_space<hbm>>
          %dma_start3A_68 = tpu.memref_squeeze %dma_start3A_67 : memref<1x128xi32, #tpu.memory_space<hbm>> -> memref<128xi32, #tpu.memory_space<hbm>>
          tpu.enqueue_dma source(%dma_start3A_68 : memref<128xi32, #tpu.memory_space<hbm>>) target(%arg9 : memref<128xi32, #tpu.memory_space<vmem>>) target_semaphore(%run_scoped3A : memref<!tpu.dma_semaphore, #tpu.memory_space<semaphore_mem>>)
          %dma_wait3A = arith.constant 0 : i32
          %dma_wait3A_69 = tpu.memref_slice %arg6[%add3A_13, %dma_wait3A] : memref<2500x128xi32, #tpu.memory_space<hbm>> -> memref<1x128xi32, #tpu.memory_space<hbm>>
          %dma_wait3A_70 = tpu.memref_squeeze %dma_wait3A_69 : memref<1x128xi32, #tpu.memory_space<hbm>> -> memref<128xi32, #tpu.memory_space<hbm>>
          %dma_wait3A_71 = arith.constant 0 : i32
          %dma_wait3A_72 = tpu.memref_slice %arg6[%add3A_13, %dma_wait3A_71] : memref<2500x128xi32, #tpu.memory_space<hbm>> -> memref<1x128xi32, #tpu.memory_space<hbm>>
          %dma_wait3A_73 = tpu.memref_squeeze %dma_wait3A_72 : memref<1x128xi32, #tpu.memory_space<hbm>> -> memref<128xi32, #tpu.memory_space<hbm>>
          tpu.wait_dma2 semaphore(%run_scoped3A : memref<!tpu.dma_semaphore, #tpu.memory_space<semaphore_mem>>) src(%dma_wait3A_73 : memref<128xi32, #tpu.memory_space<hbm>>) dst(%arg9 : memref<128xi32, #tpu.memory_space<vmem>>)
          tpu.yield
        }) : () -> ()
        %dma_start3A = arith.constant 0 : i32
        %dma_start3A_52 = arith.constant 0 : i32
        %dma_start3A_53 = tpu.memref_slice %arg2[%dma_start3A, %dma_start3A_52] : memref<10000x128xf32, #tpu.memory_space<hbm>> -> memref<10000x128xf32, #tpu.memory_space<hbm>>
        tpu.enqueue_indirect_dma source(%dma_start3A_53 : memref<10000x128xf32, #tpu.memory_space<hbm>>) target(%arg10 : memref<128x128xf32, #tpu.memory_space<vmem>>) offsets(%arg8 : memref<128xi32, #tpu.memory_space<vmem>>) semaphore(%arg19 : memref<!tpu.dma_semaphore, #tpu.memory_space<semaphore_mem>>)
        %dma_start3A_54 = arith.constant 0 : i32
        %dma_start3A_55 = arith.constant 0 : i32
        %dma_start3A_56 = tpu.memref_slice %arg3[%dma_start3A_54, %dma_start3A_55] : memref<10000x128xf32, #tpu.memory_space<hbm>> -> memref<10000x128xf32, #tpu.memory_space<hbm>>
        tpu.enqueue_indirect_dma source(%dma_start3A_56 : memref<10000x128xf32, #tpu.memory_space<hbm>>) target(%arg11 : memref<128x128xf32, #tpu.memory_space<vmem>>) offsets(%arg9 : memref<128xi32, #tpu.memory_space<vmem>>) semaphore(%arg20 : memref<!tpu.dma_semaphore, #tpu.memory_space<semaphore_mem>>)
        %mul3A_57 = arith.constant 128 : i32
        %mul3A_58 = arith.muli %add3A_13, %mul3A_57 : i32
        %dma_start3A_59 = arith.constant 0 : i32
        %dma_start3A_60 = tpu.memref_slice %arg4[%mul3A_58, %dma_start3A_59] : memref<320000x128xf32, #tpu.memory_space<hbm>> -> memref<128x128xf32, #tpu.memory_space<hbm>>
        %dma_start3A_61 = arith.constant 0 : i32
        %dma_start3A_62 = tpu.memref_slice %arg4[%mul3A_58, %dma_start3A_61] : memref<320000x128xf32, #tpu.memory_space<hbm>> -> memref<128x128xf32, #tpu.memory_space<hbm>>
        tpu.enqueue_dma source(%dma_start3A_62 : memref<128x128xf32, #tpu.memory_space<hbm>>) target(%arg12 : memref<128x128xf32, #tpu.memory_space<vmem>>) target_semaphore(%arg21 : memref<!tpu.dma_semaphore, #tpu.memory_space<semaphore_mem>>)
      } else {
      }
      %mul3A_16 = arith.constant 2 : i32
      %mul3A_17 = arith.muli %mul3A_16, %scan3A_6 : i32
      %add3A_18 = arith.constant 1 : i32
      %add3A_19 = arith.addi %mul3A_17, %add3A_18 : i32
      %mul3A_20 = arith.constant 32 : i32
      %mul3A_21 = arith.muli %add3A_19, %mul3A_20 : i32
      %add3A_22 = arith.addi %add3A, %mul3A_21 : i32
      %lt3A_23 = arith.constant 2500 : i32
      %lt3A_24 = arith.cmpi slt, %add3A_22, %lt3A_23 : i32
      %convert_element_type3A_25 = arith.extui %lt3A_24 : i1 to i32
      %cond3A_26 = arith.constant 0 : i32
      %cond3A_27 = arith.cmpi ne, %convert_element_type3A_25, %cond3A_26 : i32
      scf.if %cond3A_27 {
        "tpu.region"() ({
          %run_scoped3A = tpu.sem_alloc : memref<!tpu.dma_semaphore, #tpu.memory_space<semaphore_mem>>
          %dma_start3A_63 = arith.constant 0 : i32
          %dma_start3A_64 = tpu.memref_slice %arg5[%add3A_22, %dma_start3A_63] : memref<2500x128xi32, #tpu.memory_space<hbm>> -> memref<1x128xi32, #tpu.memory_space<hbm>>
          %dma_start3A_65 = tpu.memref_squeeze %dma_start3A_64 : memref<1x128xi32, #tpu.memory_space<hbm>> -> memref<128xi32, #tpu.memory_space<hbm>>
          %dma_start3A_66 = arith.constant 0 : i32
          %dma_start3A_67 = tpu.memref_slice %arg5[%add3A_22, %dma_start3A_66] : memref<2500x128xi32, #tpu.memory_space<hbm>> -> memref<1x128xi32, #tpu.memory_space<hbm>>
          %dma_start3A_68 = tpu.memref_squeeze %dma_start3A_67 : memref<1x128xi32, #tpu.memory_space<hbm>> -> memref<128xi32, #tpu.memory_space<hbm>>
          tpu.enqueue_dma source(%dma_start3A_68 : memref<128xi32, #tpu.memory_space<hbm>>) target(%arg13 : memref<128xi32, #tpu.memory_space<vmem>>) target_semaphore(%run_scoped3A : memref<!tpu.dma_semaphore, #tpu.memory_space<semaphore_mem>>)
          %dma_wait3A = arith.constant 0 : i32
          %dma_wait3A_69 = tpu.memref_slice %arg5[%add3A_22, %dma_wait3A] : memref<2500x128xi32, #tpu.memory_space<hbm>> -> memref<1x128xi32, #tpu.memory_space<hbm>>
          %dma_wait3A_70 = tpu.memref_squeeze %dma_wait3A_69 : memref<1x128xi32, #tpu.memory_space<hbm>> -> memref<128xi32, #tpu.memory_space<hbm>>
          %dma_wait3A_71 = arith.constant 0 : i32
          %dma_wait3A_72 = tpu.memref_slice %arg5[%add3A_22, %dma_wait3A_71] : memref<2500x128xi32, #tpu.memory_space<hbm>> -> memref<1x128xi32, #tpu.memory_space<hbm>>
          %dma_wait3A_73 = tpu.memref_squeeze %dma_wait3A_72 : memref<1x128xi32, #tpu.memory_space<hbm>> -> memref<128xi32, #tpu.memory_space<hbm>>
          tpu.wait_dma2 semaphore(%run_scoped3A : memref<!tpu.dma_semaphore, #tpu.memory_space<semaphore_mem>>) src(%dma_wait3A_73 : memref<128xi32, #tpu.memory_space<hbm>>) dst(%arg13 : memref<128xi32, #tpu.memory_space<vmem>>)
          tpu.yield
        }) : () -> ()
        "tpu.region"() ({
          %run_scoped3A = tpu.sem_alloc : memref<!tpu.dma_semaphore, #tpu.memory_space<semaphore_mem>>
          %dma_start3A_63 = arith.constant 0 : i32
          %dma_start3A_64 = tpu.memref_slice %arg6[%add3A_22, %dma_start3A_63] : memref<2500x128xi32, #tpu.memory_space<hbm>> -> memref<1x128xi32, #tpu.memory_space<hbm>>
          %dma_start3A_65 = tpu.memref_squeeze %dma_start3A_64 : memref<1x128xi32, #tpu.memory_space<hbm>> -> memref<128xi32, #tpu.memory_space<hbm>>
          %dma_start3A_66 = arith.constant 0 : i32
          %dma_start3A_67 = tpu.memref_slice %arg6[%add3A_22, %dma_start3A_66] : memref<2500x128xi32, #tpu.memory_space<hbm>> -> memref<1x128xi32, #tpu.memory_space<hbm>>
          %dma_start3A_68 = tpu.memref_squeeze %dma_start3A_67 : memref<1x128xi32, #tpu.memory_space<hbm>> -> memref<128xi32, #tpu.memory_space<hbm>>
          tpu.enqueue_dma source(%dma_start3A_68 : memref<128xi32, #tpu.memory_space<hbm>>) target(%arg14 : memref<128xi32, #tpu.memory_space<vmem>>) target_semaphore(%run_scoped3A : memref<!tpu.dma_semaphore, #tpu.memory_space<semaphore_mem>>)
          %dma_wait3A = arith.constant 0 : i32
          %dma_wait3A_69 = tpu.memref_slice %arg6[%add3A_22, %dma_wait3A] : memref<2500x128xi32, #tpu.memory_space<hbm>> -> memref<1x128xi32, #tpu.memory_space<hbm>>
          %dma_wait3A_70 = tpu.memref_squeeze %dma_wait3A_69 : memref<1x128xi32, #tpu.memory_space<hbm>> -> memref<128xi32, #tpu.memory_space<hbm>>
          %dma_wait3A_71 = arith.constant 0 : i32
          %dma_wait3A_72 = tpu.memref_slice %arg6[%add3A_22, %dma_wait3A_71] : memref<2500x128xi32, #tpu.memory_space<hbm>> -> memref<1x128xi32, #tpu.memory_space<hbm>>
          %dma_wait3A_73 = tpu.memref_squeeze %dma_wait3A_72 : memref<1x128xi32, #tpu.memory_space<hbm>> -> memref<128xi32, #tpu.memory_space<hbm>>
          tpu.wait_dma2 semaphore(%run_scoped3A : memref<!tpu.dma_semaphore, #tpu.memory_space<semaphore_mem>>) src(%dma_wait3A_73 : memref<128xi32, #tpu.memory_space<hbm>>) dst(%arg14 : memref<128xi32, #tpu.memory_space<vmem>>)
          tpu.yield
        }) : () -> ()
        %dma_start3A = arith.constant 0 : i32
        %dma_start3A_52 = arith.constant 0 : i32
        %dma_start3A_53 = tpu.memref_slice %arg2[%dma_start3A, %dma_start3A_52] : memref<10000x128xf32, #tpu.memory_space<hbm>> -> memref<10000x128xf32, #tpu.memory_space<hbm>>
        tpu.enqueue_indirect_dma source(%dma_start3A_53 : memref<10000x128xf32, #tpu.memory_space<hbm>>) target(%arg15 : memref<128x128xf32, #tpu.memory_space<vmem>>) offsets(%arg13 : memref<128xi32, #tpu.memory_space<vmem>>) semaphore(%arg22 : memref<!tpu.dma_semaphore, #tpu.memory_space<semaphore_mem>>)
        %dma_start3A_54 = arith.constant 0 : i32
        %dma_start3A_55 = arith.constant 0 : i32
        %dma_start3A_56 = tpu.memref_slice %arg3[%dma_start3A_54, %dma_start3A_55] : memref<10000x128xf32, #tpu.memory_space<hbm>> -> memref<10000x128xf32, #tpu.memory_space<hbm>>
        tpu.enqueue_indirect_dma source(%dma_start3A_56 : memref<10000x128xf32, #tpu.memory_space<hbm>>) target(%arg16 : memref<128x128xf32, #tpu.memory_space<vmem>>) offsets(%arg14 : memref<128xi32, #tpu.memory_space<vmem>>) semaphore(%arg23 : memref<!tpu.dma_semaphore, #tpu.memory_space<semaphore_mem>>)
        %mul3A_57 = arith.constant 128 : i32
        %mul3A_58 = arith.muli %add3A_22, %mul3A_57 : i32
        %dma_start3A_59 = arith.constant 0 : i32
        %dma_start3A_60 = tpu.memref_slice %arg4[%mul3A_58, %dma_start3A_59] : memref<320000x128xf32, #tpu.memory_space<hbm>> -> memref<128x128xf32, #tpu.memory_space<hbm>>
        %dma_start3A_61 = arith.constant 0 : i32
        %dma_start3A_62 = tpu.memref_slice %arg4[%mul3A_58, %dma_start3A_61] : memref<320000x128xf32, #tpu.memory_space<hbm>> -> memref<128x128xf32, #tpu.memory_space<hbm>>
        tpu.enqueue_dma source(%dma_start3A_62 : memref<128x128xf32, #tpu.memory_space<hbm>>) target(%arg17 : memref<128x128xf32, #tpu.memory_space<vmem>>) target_semaphore(%arg24 : memref<!tpu.dma_semaphore, #tpu.memory_space<semaphore_mem>>)
      } else {
      }
      %mul3A_28 = arith.constant 2 : i32
      %mul3A_29 = arith.muli %mul3A_28, %scan3A_6 : i32
      %add3A_30 = arith.constant 0 : i32
      %add3A_31 = arith.addi %mul3A_29, %add3A_30 : i32
      %mul3A_32 = arith.constant 32 : i32
      %mul3A_33 = arith.muli %add3A_31, %mul3A_32 : i32
      %add3A_34 = arith.addi %add3A, %mul3A_33 : i32
      %lt3A_35 = arith.constant 2500 : i32
      %lt3A_36 = arith.cmpi slt, %add3A_34, %lt3A_35 : i32
      %convert_element_type3A_37 = arith.extui %lt3A_36 : i1 to i32
      %cond3A_38 = arith.constant 0 : i32
      %cond3A_39 = arith.cmpi ne, %convert_element_type3A_37, %cond3A_38 : i32
      scf.if %cond3A_39 {
        tpu.wait_dma2 semaphore(%arg19 : memref<!tpu.dma_semaphore, #tpu.memory_space<semaphore_mem>>) src(%arg2 : memref<10000x128xf32, #tpu.memory_space<hbm>>) dst(%arg10 : memref<128x128xf32, #tpu.memory_space<vmem>>)
        tpu.wait_dma2 semaphore(%arg20 : memref<!tpu.dma_semaphore, #tpu.memory_space<semaphore_mem>>) src(%arg2 : memref<10000x128xf32, #tpu.memory_space<hbm>>) dst(%arg11 : memref<128x128xf32, #tpu.memory_space<vmem>>)
        %mul3A_52 = arith.constant 128 : i32
        %mul3A_53 = arith.muli %add3A_34, %mul3A_52 : i32
        %dma_wait3A = arith.constant 0 : i32
        %dma_wait3A_54 = tpu.memref_slice %arg4[%mul3A_53, %dma_wait3A] : memref<320000x128xf32, #tpu.memory_space<hbm>> -> memref<128x128xf32, #tpu.memory_space<hbm>>
        %dma_wait3A_55 = arith.constant 0 : i32
        %dma_wait3A_56 = tpu.memref_slice %arg4[%mul3A_53, %dma_wait3A_55] : memref<320000x128xf32, #tpu.memory_space<hbm>> -> memref<128x128xf32, #tpu.memory_space<hbm>>
        tpu.wait_dma2 semaphore(%arg21 : memref<!tpu.dma_semaphore, #tpu.memory_space<semaphore_mem>>) src(%dma_wait3A_56 : memref<128x128xf32, #tpu.memory_space<hbm>>) dst(%arg12 : memref<128x128xf32, #tpu.memory_space<vmem>>)
        %scan3A_57 = arith.constant 0 : i32
        %scan3A_58 = arith.constant 0 : i32
        %scan3A_59 = arith.constant 128 : i32
        %scan3A_60 = arith.addi %scan3A_58, %scan3A_59 : i32
        %scan3A_61 = arith.constant 1 : i32
        scf.for %scan3A_65 = %scan3A_58 to %scan3A_60 step %scan3A_61  : i32 {
          %get3A = arith.index_cast %scan3A_65 : i32 to index
          %get3A_66 = arith.constant 0 : index
          %get3A_67 = tpu.vector_load %arg10[%get3A, %get3A_66] {strides = array<i32>} : memref<128x128xf32, #tpu.memory_space<vmem>>, vector<1x16xf32>,
          %get3A_68 = vector.shape_cast %get3A_67 : vector<1x16xf32> to vector<16xf32>
          %get3A_69 = arith.index_cast %scan3A_65 : i32 to index
          %get3A_70 = arith.constant 0 : index
          %get3A_71 = tpu.vector_load %arg11[%get3A_69, %get3A_70] {strides = array<i32>} : memref<128x128xf32, #tpu.memory_space<vmem>>, vector<1x16xf32>,
          %get3A_72 = vector.shape_cast %get3A_71 : vector<1x16xf32> to vector<16xf32>
          %add3A_73 = arith.addf %get3A_68, %get3A_72 : vector<16xf32>
          %get3A_74 = arith.index_cast %scan3A_65 : i32 to index
          %get3A_75 = arith.constant 0 : index
          %get3A_76 = tpu.vector_load %arg12[%get3A_74, %get3A_75] {strides = array<i32>} : memref<128x128xf32, #tpu.memory_space<vmem>>, vector<1x16xf32>,
          %get3A_77 = vector.shape_cast %get3A_76 : vector<1x16xf32> to vector<16xf32>
          %add3A_78 = arith.addf %add3A_73, %get3A_77 : vector<16xf32>
          %max3A = arith.constant 0.000000e+00 : f32
          %max3A_79 = vector.broadcast %max3A : f32 to vector<16xf32>
          %max3A_80 = arith.maximumf %add3A_78, %max3A_79 : vector<16xf32>
          %swap3A = arith.index_cast %scan3A_65 : i32 to index
          %swap3A_81 = arith.constant 0 : index
          %swap3A_82 = tpu.vector_load %arg18[%swap3A, %swap3A_81] {strides = array<i32>} : memref<128x128xf32, #tpu.memory_space<vmem>>, vector<1x16xf32>,
          %swap3A_83 = vector.shape_cast %swap3A_82 : vector<1x16xf32> to vector<16xf32>
          %swap3A_84 = vector.shape_cast %max3A_80 : vector<16xf32> to vector<1x16xf32>
          tpu.vector_store %arg18[%swap3A, %swap3A_81], %swap3A_84 {strides = array<i32>} : memref<128x128xf32, #tpu.memory_space<vmem>>, vector<1x16xf32>,
          %get3A_85 = arith.index_cast %scan3A_65 : i32 to index
          %get3A_86 = arith.constant 16 : index
          %get3A_87 = tpu.vector_load %arg10[%get3A_85, %get3A_86] {strides = array<i32>} : memref<128x128xf32, #tpu.memory_space<vmem>>, vector<1x16xf32>,
          %get3A_88 = vector.shape_cast %get3A_87 : vector<1x16xf32> to vector<16xf32>
          %get3A_89 = arith.index_cast %scan3A_65 : i32 to index
          %get3A_90 = arith.constant 16 : index
          %get3A_91 = tpu.vector_load %arg11[%get3A_89, %get3A_90] {strides = array<i32>} : memref<128x128xf32, #tpu.memory_space<vmem>>, vector<1x16xf32>,
          %get3A_92 = vector.shape_cast %get3A_91 : vector<1x16xf32> to vector<16xf32>
          %add3A_93 = arith.addf %get3A_88, %get3A_92 : vector<16xf32>
          %get3A_94 = arith.index_cast %scan3A_65 : i32 to index
          %get3A_95 = arith.constant 16 : index
          %get3A_96 = tpu.vector_load %arg12[%get3A_94, %get3A_95] {strides = array<i32>} : memref<128x128xf32, #tpu.memory_space<vmem>>, vector<1x16xf32>,
          %get3A_97 = vector.shape_cast %get3A_96 : vector<1x16xf32> to vector<16xf32>
          %add3A_98 = arith.addf %add3A_93, %get3A_97 : vector<16xf32>
          %max3A_99 = arith.constant 0.000000e+00 : f32
          %max3A_100 = vector.broadcast %max3A_99 : f32 to vector<16xf32>
          %max3A_101 = arith.maximumf %add3A_98, %max3A_100 : vector<16xf32>
          %swap3A_102 = arith.index_cast %scan3A_65 : i32 to index
          %swap3A_103 = arith.constant 16 : index
          %swap3A_104 = tpu.vector_load %arg18[%swap3A_102, %swap3A_103] {strides = array<i32>} : memref<128x128xf32, #tpu.memory_space<vmem>>, vector<1x16xf32>,
          %swap3A_105 = vector.shape_cast %swap3A_104 : vector<1x16xf32> to vector<16xf32>
          %swap3A_106 = vector.shape_cast %max3A_101 : vector<16xf32> to vector<1x16xf32>
          tpu.vector_store %arg18[%swap3A_102, %swap3A_103], %swap3A_106 {strides = array<i32>} : memref<128x128xf32, #tpu.memory_space<vmem>>, vector<1x16xf32>,
          %get3A_107 = arith.index_cast %scan3A_65 : i32 to index
          %get3A_108 = arith.constant 32 : index
          %get3A_109 = tpu.vector_load %arg10[%get3A_107, %get3A_108] {strides = array<i32>} : memref<128x128xf32, #tpu.memory_space<vmem>>, vector<1x16xf32>,
          %get3A_110 = vector.shape_cast %get3A_109 : vector<1x16xf32> to vector<16xf32>
          %get3A_111 = arith.index_cast %scan3A_65 : i32 to index
          %get3A_112 = arith.constant 32 : index
          %get3A_113 = tpu.vector_load %arg11[%get3A_111, %get3A_112] {strides = array<i32>} : memref<128x128xf32, #tpu.memory_space<vmem>>, vector<1x16xf32>,
          %get3A_114 = vector.shape_cast %get3A_113 : vector<1x16xf32> to vector<16xf32>
          %add3A_115 = arith.addf %get3A_110, %get3A_114 : vector<16xf32>
          %get3A_116 = arith.index_cast %scan3A_65 : i32 to index
          %get3A_117 = arith.constant 32 : index
          %get3A_118 = tpu.vector_load %arg12[%get3A_116, %get3A_117] {strides = array<i32>} : memref<128x128xf32, #tpu.memory_space<vmem>>, vector<1x16xf32>,
          %get3A_119 = vector.shape_cast %get3A_118 : vector<1x16xf32> to vector<16xf32>
          %add3A_120 = arith.addf %add3A_115, %get3A_119 : vector<16xf32>
          %max3A_121 = arith.constant 0.000000e+00 : f32
          %max3A_122 = vector.broadcast %max3A_121 : f32 to vector<16xf32>
          %max3A_123 = arith.maximumf %add3A_120, %max3A_122 : vector<16xf32>
          %swap3A_124 = arith.index_cast %scan3A_65 : i32 to index
          %swap3A_125 = arith.constant 32 : index
          %swap3A_126 = tpu.vector_load %arg18[%swap3A_124, %swap3A_125] {strides = array<i32>} : memref<128x128xf32, #tpu.memory_space<vmem>>, vector<1x16xf32>,
          %swap3A_127 = vector.shape_cast %swap3A_126 : vector<1x16xf32> to vector<16xf32>
          %swap3A_128 = vector.shape_cast %max3A_123 : vector<16xf32> to vector<1x16xf32>
          tpu.vector_store %arg18[%swap3A_124, %swap3A_125], %swap3A_128 {strides = array<i32>} : memref<128x128xf32, #tpu.memory_space<vmem>>, vector<1x16xf32>,
          %get3A_129 = arith.index_cast %scan3A_65 : i32 to index
          %get3A_130 = arith.constant 48 : index
          %get3A_131 = tpu.vector_load %arg10[%get3A_129, %get3A_130] {strides = array<i32>} : memref<128x128xf32, #tpu.memory_space<vmem>>, vector<1x16xf32>,
          %get3A_132 = vector.shape_cast %get3A_131 : vector<1x16xf32> to vector<16xf32>
          %get3A_133 = arith.index_cast %scan3A_65 : i32 to index
          %get3A_134 = arith.constant 48 : index
          %get3A_135 = tpu.vector_load %arg11[%get3A_133, %get3A_134] {strides = array<i32>} : memref<128x128xf32, #tpu.memory_space<vmem>>, vector<1x16xf32>,
          %get3A_136 = vector.shape_cast %get3A_135 : vector<1x16xf32> to vector<16xf32>
          %add3A_137 = arith.addf %get3A_132, %get3A_136 : vector<16xf32>
          %get3A_138 = arith.index_cast %scan3A_65 : i32 to index
          %get3A_139 = arith.constant 48 : index
          %get3A_140 = tpu.vector_load %arg12[%get3A_138, %get3A_139] {strides = array<i32>} : memref<128x128xf32, #tpu.memory_space<vmem>>, vector<1x16xf32>,
          %get3A_141 = vector.shape_cast %get3A_140 : vector<1x16xf32> to vector<16xf32>
          %add3A_142 = arith.addf %add3A_137, %get3A_141 : vector<16xf32>
          %max3A_143 = arith.constant 0.000000e+00 : f32
          %max3A_144 = vector.broadcast %max3A_143 : f32 to vector<16xf32>
          %max3A_145 = arith.maximumf %add3A_142, %max3A_144 : vector<16xf32>
          %swap3A_146 = arith.index_cast %scan3A_65 : i32 to index
          %swap3A_147 = arith.constant 48 : index
          %swap3A_148 = tpu.vector_load %arg18[%swap3A_146, %swap3A_147] {strides = array<i32>} : memref<128x128xf32, #tpu.memory_space<vmem>>, vector<1x16xf32>,
          %swap3A_149 = vector.shape_cast %swap3A_148 : vector<1x16xf32> to vector<16xf32>
          %swap3A_150 = vector.shape_cast %max3A_145 : vector<16xf32> to vector<1x16xf32>
          tpu.vector_store %arg18[%swap3A_146, %swap3A_147], %swap3A_150 {strides = array<i32>} : memref<128x128xf32, #tpu.memory_space<vmem>>, vector<1x16xf32>,
          %get3A_151 = arith.index_cast %scan3A_65 : i32 to index
          %get3A_152 = arith.constant 64 : index
          %get3A_153 = tpu.vector_load %arg10[%get3A_151, %get3A_152] {strides = array<i32>} : memref<128x128xf32, #tpu.memory_space<vmem>>, vector<1x16xf32>,
          %get3A_154 = vector.shape_cast %get3A_153 : vector<1x16xf32> to vector<16xf32>
          %get3A_155 = arith.index_cast %scan3A_65 : i32 to index
          %get3A_156 = arith.constant 64 : index
          %get3A_157 = tpu.vector_load %arg11[%get3A_155, %get3A_156] {strides = array<i32>} : memref<128x128xf32, #tpu.memory_space<vmem>>, vector<1x16xf32>,
          %get3A_158 = vector.shape_cast %get3A_157 : vector<1x16xf32> to vector<16xf32>
          %add3A_159 = arith.addf %get3A_154, %get3A_158 : vector<16xf32>
          %get3A_160 = arith.index_cast %scan3A_65 : i32 to index
          %get3A_161 = arith.constant 64 : index
          %get3A_162 = tpu.vector_load %arg12[%get3A_160, %get3A_161] {strides = array<i32>} : memref<128x128xf32, #tpu.memory_space<vmem>>, vector<1x16xf32>,
          %get3A_163 = vector.shape_cast %get3A_162 : vector<1x16xf32> to vector<16xf32>
          %add3A_164 = arith.addf %add3A_159, %get3A_163 : vector<16xf32>
          %max3A_165 = arith.constant 0.000000e+00 : f32
          %max3A_166 = vector.broadcast %max3A_165 : f32 to vector<16xf32>
          %max3A_167 = arith.maximumf %add3A_164, %max3A_166 : vector<16xf32>
          %swap3A_168 = arith.index_cast %scan3A_65 : i32 to index
          %swap3A_169 = arith.constant 64 : index
          %swap3A_170 = tpu.vector_load %arg18[%swap3A_168, %swap3A_169] {strides = array<i32>} : memref<128x128xf32, #tpu.memory_space<vmem>>, vector<1x16xf32>,
          %swap3A_171 = vector.shape_cast %swap3A_170 : vector<1x16xf32> to vector<16xf32>
          %swap3A_172 = vector.shape_cast %max3A_167 : vector<16xf32> to vector<1x16xf32>
          tpu.vector_store %arg18[%swap3A_168, %swap3A_169], %swap3A_172 {strides = array<i32>} : memref<128x128xf32, #tpu.memory_space<vmem>>, vector<1x16xf32>,
          %get3A_173 = arith.index_cast %scan3A_65 : i32 to index
          %get3A_174 = arith.constant 80 : index
          %get3A_175 = tpu.vector_load %arg10[%get3A_173, %get3A_174] {strides = array<i32>} : memref<128x128xf32, #tpu.memory_space<vmem>>, vector<1x16xf32>,
          %get3A_176 = vector.shape_cast %get3A_175 : vector<1x16xf32> to vector<16xf32>
          %get3A_177 = arith.index_cast %scan3A_65 : i32 to index
          %get3A_178 = arith.constant 80 : index
          %get3A_179 = tpu.vector_load %arg11[%get3A_177, %get3A_178] {strides = array<i32>} : memref<128x128xf32, #tpu.memory_space<vmem>>, vector<1x16xf32>,
          %get3A_180 = vector.shape_cast %get3A_179 : vector<1x16xf32> to vector<16xf32>
          %add3A_181 = arith.addf %get3A_176, %get3A_180 : vector<16xf32>
          %get3A_182 = arith.index_cast %scan3A_65 : i32 to index
          %get3A_183 = arith.constant 80 : index
          %get3A_184 = tpu.vector_load %arg12[%get3A_182, %get3A_183] {strides = array<i32>} : memref<128x128xf32, #tpu.memory_space<vmem>>, vector<1x16xf32>,
          %get3A_185 = vector.shape_cast %get3A_184 : vector<1x16xf32> to vector<16xf32>
          %add3A_186 = arith.addf %add3A_181, %get3A_185 : vector<16xf32>
          %max3A_187 = arith.constant 0.000000e+00 : f32
          %max3A_188 = vector.broadcast %max3A_187 : f32 to vector<16xf32>
          %max3A_189 = arith.maximumf %add3A_186, %max3A_188 : vector<16xf32>
          %swap3A_190 = arith.index_cast %scan3A_65 : i32 to index
          %swap3A_191 = arith.constant 80 : index
          %swap3A_192 = tpu.vector_load %arg18[%swap3A_190, %swap3A_191] {strides = array<i32>} : memref<128x128xf32, #tpu.memory_space<vmem>>, vector<1x16xf32>,
          %swap3A_193 = vector.shape_cast %swap3A_192 : vector<1x16xf32> to vector<16xf32>
          %swap3A_194 = vector.shape_cast %max3A_189 : vector<16xf32> to vector<1x16xf32>
          tpu.vector_store %arg18[%swap3A_190, %swap3A_191], %swap3A_194 {strides = array<i32>} : memref<128x128xf32, #tpu.memory_space<vmem>>, vector<1x16xf32>,
          %get3A_195 = arith.index_cast %scan3A_65 : i32 to index
          %get3A_196 = arith.constant 96 : index
          %get3A_197 = tpu.vector_load %arg10[%get3A_195, %get3A_196] {strides = array<i32>} : memref<128x128xf32, #tpu.memory_space<vmem>>, vector<1x16xf32>,
          %get3A_198 = vector.shape_cast %get3A_197 : vector<1x16xf32> to vector<16xf32>
          %get3A_199 = arith.index_cast %scan3A_65 : i32 to index
          %get3A_200 = arith.constant 96 : index
          %get3A_201 = tpu.vector_load %arg11[%get3A_199, %get3A_200] {strides = array<i32>} : memref<128x128xf32, #tpu.memory_space<vmem>>, vector<1x16xf32>,
          %get3A_202 = vector.shape_cast %get3A_201 : vector<1x16xf32> to vector<16xf32>
          %add3A_203 = arith.addf %get3A_198, %get3A_202 : vector<16xf32>
          %get3A_204 = arith.index_cast %scan3A_65 : i32 to index
          %get3A_205 = arith.constant 96 : index
          %get3A_206 = tpu.vector_load %arg12[%get3A_204, %get3A_205] {strides = array<i32>} : memref<128x128xf32, #tpu.memory_space<vmem>>, vector<1x16xf32>,
          %get3A_207 = vector.shape_cast %get3A_206 : vector<1x16xf32> to vector<16xf32>
          %add3A_208 = arith.addf %add3A_203, %get3A_207 : vector<16xf32>
          %max3A_209 = arith.constant 0.000000e+00 : f32
          %max3A_210 = vector.broadcast %max3A_209 : f32 to vector<16xf32>
          %max3A_211 = arith.maximumf %add3A_208, %max3A_210 : vector<16xf32>
          %swap3A_212 = arith.index_cast %scan3A_65 : i32 to index
          %swap3A_213 = arith.constant 96 : index
          %swap3A_214 = tpu.vector_load %arg18[%swap3A_212, %swap3A_213] {strides = array<i32>} : memref<128x128xf32, #tpu.memory_space<vmem>>, vector<1x16xf32>,
          %swap3A_215 = vector.shape_cast %swap3A_214 : vector<1x16xf32> to vector<16xf32>
          %swap3A_216 = vector.shape_cast %max3A_211 : vector<16xf32> to vector<1x16xf32>
          tpu.vector_store %arg18[%swap3A_212, %swap3A_213], %swap3A_216 {strides = array<i32>} : memref<128x128xf32, #tpu.memory_space<vmem>>, vector<1x16xf32>,
          %get3A_217 = arith.index_cast %scan3A_65 : i32 to index
          %get3A_218 = arith.constant 112 : index
          %get3A_219 = tpu.vector_load %arg10[%get3A_217, %get3A_218] {strides = array<i32>} : memref<128x128xf32, #tpu.memory_space<vmem>>, vector<1x16xf32>,
          %get3A_220 = vector.shape_cast %get3A_219 : vector<1x16xf32> to vector<16xf32>
          %get3A_221 = arith.index_cast %scan3A_65 : i32 to index
          %get3A_222 = arith.constant 112 : index
          %get3A_223 = tpu.vector_load %arg11[%get3A_221, %get3A_222] {strides = array<i32>} : memref<128x128xf32, #tpu.memory_space<vmem>>, vector<1x16xf32>,
          %get3A_224 = vector.shape_cast %get3A_223 : vector<1x16xf32> to vector<16xf32>
          %add3A_225 = arith.addf %get3A_220, %get3A_224 : vector<16xf32>
          %get3A_226 = arith.index_cast %scan3A_65 : i32 to index
          %get3A_227 = arith.constant 112 : index
          %get3A_228 = tpu.vector_load %arg12[%get3A_226, %get3A_227] {strides = array<i32>} : memref<128x128xf32, #tpu.memory_space<vmem>>, vector<1x16xf32>,
          %get3A_229 = vector.shape_cast %get3A_228 : vector<1x16xf32> to vector<16xf32>
          %add3A_230 = arith.addf %add3A_225, %get3A_229 : vector<16xf32>
          %max3A_231 = arith.constant 0.000000e+00 : f32
          %max3A_232 = vector.broadcast %max3A_231 : f32 to vector<16xf32>
          %max3A_233 = arith.maximumf %add3A_230, %max3A_232 : vector<16xf32>
          %swap3A_234 = arith.index_cast %scan3A_65 : i32 to index
          %swap3A_235 = arith.constant 112 : index
          %swap3A_236 = tpu.vector_load %arg18[%swap3A_234, %swap3A_235] {strides = array<i32>} : memref<128x128xf32, #tpu.memory_space<vmem>>, vector<1x16xf32>,
          %swap3A_237 = vector.shape_cast %swap3A_236 : vector<1x16xf32> to vector<16xf32>
          %swap3A_238 = vector.shape_cast %max3A_233 : vector<16xf32> to vector<1x16xf32>
          tpu.vector_store %arg18[%swap3A_234, %swap3A_235], %swap3A_238 {strides = array<i32>} : memref<128x128xf32, #tpu.memory_space<vmem>>, vector<1x16xf32>,
        }
        %scan3A_62 = arith.constant 128 : i32
        %mul3A_63 = arith.constant 128 : i32
        %mul3A_64 = arith.muli %add3A_34, %mul3A_63 : i32
        "tpu.region"() ({
          %run_scoped3A = tpu.sem_alloc : memref<!tpu.dma_semaphore, #tpu.memory_space<semaphore_mem>>
          %dma_start3A = arith.constant 0 : i32
          %dma_start3A_65 = tpu.memref_slice %arg7[%mul3A_64, %dma_start3A] : memref<320000x128xf32, #tpu.memory_space<hbm>> -> memref<128x128xf32, #tpu.memory_space<hbm>>
          %dma_start3A_66 = arith.constant 0 : i32
          %dma_start3A_67 = tpu.memref_slice %arg7[%mul3A_64, %dma_start3A_66] : memref<320000x128xf32, #tpu.memory_space<hbm>> -> memref<128x128xf32, #tpu.memory_space<hbm>>
          tpu.enqueue_dma source(%arg18 : memref<128x128xf32, #tpu.memory_space<vmem>>) target(%dma_start3A_67 : memref<128x128xf32, #tpu.memory_space<hbm>>) target_semaphore(%run_scoped3A : memref<!tpu.dma_semaphore, #tpu.memory_space<semaphore_mem>>)
          %dma_wait3A_68 = arith.constant 0 : i32
          %dma_wait3A_69 = tpu.memref_slice %arg7[%mul3A_64, %dma_wait3A_68] : memref<320000x128xf32, #tpu.memory_space<hbm>> -> memref<128x128xf32, #tpu.memory_space<hbm>>
          %dma_wait3A_70 = arith.constant 0 : i32
          %dma_wait3A_71 = tpu.memref_slice %arg7[%mul3A_64, %dma_wait3A_70] : memref<320000x128xf32, #tpu.memory_space<hbm>> -> memref<128x128xf32, #tpu.memory_space<hbm>>
          tpu.wait_dma2 semaphore(%run_scoped3A : memref<!tpu.dma_semaphore, #tpu.memory_space<semaphore_mem>>) src(%arg18 : memref<128x128xf32, #tpu.memory_space<vmem>>) dst(%dma_wait3A_71 : memref<128x128xf32, #tpu.memory_space<hbm>>)
          tpu.yield
        }) : () -> ()
      } else {
      }
      %mul3A_40 = arith.constant 2 : i32
      %mul3A_41 = arith.muli %mul3A_40, %scan3A_6 : i32
      %add3A_42 = arith.constant 1 : i32
      %add3A_43 = arith.addi %mul3A_41, %add3A_42 : i32
      %mul3A_44 = arith.constant 32 : i32
      %mul3A_45 = arith.muli %add3A_43, %mul3A_44 : i32
      %add3A_46 = arith.addi %add3A, %mul3A_45 : i32
      %lt3A_47 = arith.constant 2500 : i32
      %lt3A_48 = arith.cmpi slt, %add3A_46, %lt3A_47 : i32
      %convert_element_type3A_49 = arith.extui %lt3A_48 : i1 to i32
      %cond3A_50 = arith.constant 0 : i32
      %cond3A_51 = arith.cmpi ne, %convert_element_type3A_49, %cond3A_50 : i32
      scf.if %cond3A_51 {
        tpu.wait_dma2 semaphore(%arg22 : memref<!tpu.dma_semaphore, #tpu.memory_space<semaphore_mem>>) src(%arg2 : memref<10000x128xf32, #tpu.memory_space<hbm>>) dst(%arg15 : memref<128x128xf32, #tpu.memory_space<vmem>>)
        tpu.wait_dma2 semaphore(%arg23 : memref<!tpu.dma_semaphore, #tpu.memory_space<semaphore_mem>>) src(%arg2 : memref<10000x128xf32, #tpu.memory_space<hbm>>) dst(%arg16 : memref<128x128xf32, #tpu.memory_space<vmem>>)
        %mul3A_52 = arith.constant 128 : i32
        %mul3A_53 = arith.muli %add3A_46, %mul3A_52 : i32
        %dma_wait3A = arith.constant 0 : i32
        %dma_wait3A_54 = tpu.memref_slice %arg4[%mul3A_53, %dma_wait3A] : memref<320000x128xf32, #tpu.memory_space<hbm>> -> memref<128x128xf32, #tpu.memory_space<hbm>>
        %dma_wait3A_55 = arith.constant 0 : i32
        %dma_wait3A_56 = tpu.memref_slice %arg4[%mul3A_53, %dma_wait3A_55] : memref<320000x128xf32, #tpu.memory_space<hbm>> -> memref<128x128xf32, #tpu.memory_space<hbm>>
        tpu.wait_dma2 semaphore(%arg24 : memref<!tpu.dma_semaphore, #tpu.memory_space<semaphore_mem>>) src(%dma_wait3A_56 : memref<128x128xf32, #tpu.memory_space<hbm>>) dst(%arg17 : memref<128x128xf32, #tpu.memory_space<vmem>>)
        %scan3A_57 = arith.constant 0 : i32
        %scan3A_58 = arith.constant 0 : i32
        %scan3A_59 = arith.constant 128 : i32
        %scan3A_60 = arith.addi %scan3A_58, %scan3A_59 : i32
        %scan3A_61 = arith.constant 1 : i32
        scf.for %scan3A_65 = %scan3A_58 to %scan3A_60 step %scan3A_61  : i32 {
          %get3A = arith.index_cast %scan3A_65 : i32 to index
          %get3A_66 = arith.constant 0 : index
          %get3A_67 = tpu.vector_load %arg15[%get3A, %get3A_66] {strides = array<i32>} : memref<128x128xf32, #tpu.memory_space<vmem>>, vector<1x16xf32>,
          %get3A_68 = vector.shape_cast %get3A_67 : vector<1x16xf32> to vector<16xf32>
          %get3A_69 = arith.index_cast %scan3A_65 : i32 to index
          %get3A_70 = arith.constant 0 : index
          %get3A_71 = tpu.vector_load %arg16[%get3A_69, %get3A_70] {strides = array<i32>} : memref<128x128xf32, #tpu.memory_space<vmem>>, vector<1x16xf32>,
          %get3A_72 = vector.shape_cast %get3A_71 : vector<1x16xf32> to vector<16xf32>
          %add3A_73 = arith.addf %get3A_68, %get3A_72 : vector<16xf32>
          %get3A_74 = arith.index_cast %scan3A_65 : i32 to index
          %get3A_75 = arith.constant 0 : index
          %get3A_76 = tpu.vector_load %arg17[%get3A_74, %get3A_75] {strides = array<i32>} : memref<128x128xf32, #tpu.memory_space<vmem>>, vector<1x16xf32>,
          %get3A_77 = vector.shape_cast %get3A_76 : vector<1x16xf32> to vector<16xf32>
          %add3A_78 = arith.addf %add3A_73, %get3A_77 : vector<16xf32>
          %max3A = arith.constant 0.000000e+00 : f32
          %max3A_79 = vector.broadcast %max3A : f32 to vector<16xf32>
          %max3A_80 = arith.maximumf %add3A_78, %max3A_79 : vector<16xf32>
          %swap3A = arith.index_cast %scan3A_65 : i32 to index
          %swap3A_81 = arith.constant 0 : index
          %swap3A_82 = tpu.vector_load %arg18[%swap3A, %swap3A_81] {strides = array<i32>} : memref<128x128xf32, #tpu.memory_space<vmem>>, vector<1x16xf32>,
          %swap3A_83 = vector.shape_cast %swap3A_82 : vector<1x16xf32> to vector<16xf32>
          %swap3A_84 = vector.shape_cast %max3A_80 : vector<16xf32> to vector<1x16xf32>
          tpu.vector_store %arg18[%swap3A, %swap3A_81], %swap3A_84 {strides = array<i32>} : memref<128x128xf32, #tpu.memory_space<vmem>>, vector<1x16xf32>,
          %get3A_85 = arith.index_cast %scan3A_65 : i32 to index
          %get3A_86 = arith.constant 16 : index
          %get3A_87 = tpu.vector_load %arg15[%get3A_85, %get3A_86] {strides = array<i32>} : memref<128x128xf32, #tpu.memory_space<vmem>>, vector<1x16xf32>,
          %get3A_88 = vector.shape_cast %get3A_87 : vector<1x16xf32> to vector<16xf32>
          %get3A_89 = arith.index_cast %scan3A_65 : i32 to index
          %get3A_90 = arith.constant 16 : index
          %get3A_91 = tpu.vector_load %arg16[%get3A_89, %get3A_90] {strides = array<i32>} : memref<128x128xf32, #tpu.memory_space<vmem>>, vector<1x16xf32>,
          %get3A_92 = vector.shape_cast %get3A_91 : vector<1x16xf32> to vector<16xf32>
          %add3A_93 = arith.addf %get3A_88, %get3A_92 : vector<16xf32>
          %get3A_94 = arith.index_cast %scan3A_65 : i32 to index
          %get3A_95 = arith.constant 16 : index
          %get3A_96 = tpu.vector_load %arg17[%get3A_94, %get3A_95] {strides = array<i32>} : memref<128x128xf32, #tpu.memory_space<vmem>>, vector<1x16xf32>,
          %get3A_97 = vector.shape_cast %get3A_96 : vector<1x16xf32> to vector<16xf32>
          %add3A_98 = arith.addf %add3A_93, %get3A_97 : vector<16xf32>
          %max3A_99 = arith.constant 0.000000e+00 : f32
          %max3A_100 = vector.broadcast %max3A_99 : f32 to vector<16xf32>
          %max3A_101 = arith.maximumf %add3A_98, %max3A_100 : vector<16xf32>
          %swap3A_102 = arith.index_cast %scan3A_65 : i32 to index
          %swap3A_103 = arith.constant 16 : index
          %swap3A_104 = tpu.vector_load %arg18[%swap3A_102, %swap3A_103] {strides = array<i32>} : memref<128x128xf32, #tpu.memory_space<vmem>>, vector<1x16xf32>,
          %swap3A_105 = vector.shape_cast %swap3A_104 : vector<1x16xf32> to vector<16xf32>
          %swap3A_106 = vector.shape_cast %max3A_101 : vector<16xf32> to vector<1x16xf32>
          tpu.vector_store %arg18[%swap3A_102, %swap3A_103], %swap3A_106 {strides = array<i32>} : memref<128x128xf32, #tpu.memory_space<vmem>>, vector<1x16xf32>,
          %get3A_107 = arith.index_cast %scan3A_65 : i32 to index
          %get3A_108 = arith.constant 32 : index
          %get3A_109 = tpu.vector_load %arg15[%get3A_107, %get3A_108] {strides = array<i32>} : memref<128x128xf32, #tpu.memory_space<vmem>>, vector<1x16xf32>,
          %get3A_110 = vector.shape_cast %get3A_109 : vector<1x16xf32> to vector<16xf32>
          %get3A_111 = arith.index_cast %scan3A_65 : i32 to index
          %get3A_112 = arith.constant 32 : index
          %get3A_113 = tpu.vector_load %arg16[%get3A_111, %get3A_112] {strides = array<i32>} : memref<128x128xf32, #tpu.memory_space<vmem>>, vector<1x16xf32>,
          %get3A_114 = vector.shape_cast %get3A_113 : vector<1x16xf32> to vector<16xf32>
          %add3A_115 = arith.addf %get3A_110, %get3A_114 : vector<16xf32>
          %get3A_116 = arith.index_cast %scan3A_65 : i32 to index
          %get3A_117 = arith.constant 32 : index
          %get3A_118 = tpu.vector_load %arg17[%get3A_116, %get3A_117] {strides = array<i32>} : memref<128x128xf32, #tpu.memory_space<vmem>>, vector<1x16xf32>,
          %get3A_119 = vector.shape_cast %get3A_118 : vector<1x16xf32> to vector<16xf32>
          %add3A_120 = arith.addf %add3A_115, %get3A_119 : vector<16xf32>
          %max3A_121 = arith.constant 0.000000e+00 : f32
          %max3A_122 = vector.broadcast %max3A_121 : f32 to vector<16xf32>
          %max3A_123 = arith.maximumf %add3A_120, %max3A_122 : vector<16xf32>
          %swap3A_124 = arith.index_cast %scan3A_65 : i32 to index
          %swap3A_125 = arith.constant 32 : index
          %swap3A_126 = tpu.vector_load %arg18[%swap3A_124, %swap3A_125] {strides = array<i32>} : memref<128x128xf32, #tpu.memory_space<vmem>>, vector<1x16xf32>,
          %swap3A_127 = vector.shape_cast %swap3A_126 : vector<1x16xf32> to vector<16xf32>
          %swap3A_128 = vector.shape_cast %max3A_123 : vector<16xf32> to vector<1x16xf32>
          tpu.vector_store %arg18[%swap3A_124, %swap3A_125], %swap3A_128 {strides = array<i32>} : memref<128x128xf32, #tpu.memory_space<vmem>>, vector<1x16xf32>,
          %get3A_129 = arith.index_cast %scan3A_65 : i32 to index
          %get3A_130 = arith.constant 48 : index
          %get3A_131 = tpu.vector_load %arg15[%get3A_129, %get3A_130] {strides = array<i32>} : memref<128x128xf32, #tpu.memory_space<vmem>>, vector<1x16xf32>,
          %get3A_132 = vector.shape_cast %get3A_131 : vector<1x16xf32> to vector<16xf32>
          %get3A_133 = arith.index_cast %scan3A_65 : i32 to index
          %get3A_134 = arith.constant 48 : index
          %get3A_135 = tpu.vector_load %arg16[%get3A_133, %get3A_134] {strides = array<i32>} : memref<128x128xf32, #tpu.memory_space<vmem>>, vector<1x16xf32>,
          %get3A_136 = vector.shape_cast %get3A_135 : vector<1x16xf32> to vector<16xf32>
          %add3A_137 = arith.addf %get3A_132, %get3A_136 : vector<16xf32>
          %get3A_138 = arith.index_cast %scan3A_65 : i32 to index
          %get3A_139 = arith.constant 48 : index
          %get3A_140 = tpu.vector_load %arg17[%get3A_138, %get3A_139] {strides = array<i32>} : memref<128x128xf32, #tpu.memory_space<vmem>>, vector<1x16xf32>,
          %get3A_141 = vector.shape_cast %get3A_140 : vector<1x16xf32> to vector<16xf32>
          %add3A_142 = arith.addf %add3A_137, %get3A_141 : vector<16xf32>
          %max3A_143 = arith.constant 0.000000e+00 : f32
          %max3A_144 = vector.broadcast %max3A_143 : f32 to vector<16xf32>
          %max3A_145 = arith.maximumf %add3A_142, %max3A_144 : vector<16xf32>
          %swap3A_146 = arith.index_cast %scan3A_65 : i32 to index
          %swap3A_147 = arith.constant 48 : index
          %swap3A_148 = tpu.vector_load %arg18[%swap3A_146, %swap3A_147] {strides = array<i32>} : memref<128x128xf32, #tpu.memory_space<vmem>>, vector<1x16xf32>,
          %swap3A_149 = vector.shape_cast %swap3A_148 : vector<1x16xf32> to vector<16xf32>
          %swap3A_150 = vector.shape_cast %max3A_145 : vector<16xf32> to vector<1x16xf32>
          tpu.vector_store %arg18[%swap3A_146, %swap3A_147], %swap3A_150 {strides = array<i32>} : memref<128x128xf32, #tpu.memory_space<vmem>>, vector<1x16xf32>,
          %get3A_151 = arith.index_cast %scan3A_65 : i32 to index
          %get3A_152 = arith.constant 64 : index
          %get3A_153 = tpu.vector_load %arg15[%get3A_151, %get3A_152] {strides = array<i32>} : memref<128x128xf32, #tpu.memory_space<vmem>>, vector<1x16xf32>,
          %get3A_154 = vector.shape_cast %get3A_153 : vector<1x16xf32> to vector<16xf32>
          %get3A_155 = arith.index_cast %scan3A_65 : i32 to index
          %get3A_156 = arith.constant 64 : index
          %get3A_157 = tpu.vector_load %arg16[%get3A_155, %get3A_156] {strides = array<i32>} : memref<128x128xf32, #tpu.memory_space<vmem>>, vector<1x16xf32>,
          %get3A_158 = vector.shape_cast %get3A_157 : vector<1x16xf32> to vector<16xf32>
          %add3A_159 = arith.addf %get3A_154, %get3A_158 : vector<16xf32>
          %get3A_160 = arith.index_cast %scan3A_65 : i32 to index
          %get3A_161 = arith.constant 64 : index
          %get3A_162 = tpu.vector_load %arg17[%get3A_160, %get3A_161] {strides = array<i32>} : memref<128x128xf32, #tpu.memory_space<vmem>>, vector<1x16xf32>,
          %get3A_163 = vector.shape_cast %get3A_162 : vector<1x16xf32> to vector<16xf32>
          %add3A_164 = arith.addf %add3A_159, %get3A_163 : vector<16xf32>
          %max3A_165 = arith.constant 0.000000e+00 : f32
          %max3A_166 = vector.broadcast %max3A_165 : f32 to vector<16xf32>
          %max3A_167 = arith.maximumf %add3A_164, %max3A_166 : vector<16xf32>
          %swap3A_168 = arith.index_cast %scan3A_65 : i32 to index
          %swap3A_169 = arith.constant 64 : index
          %swap3A_170 = tpu.vector_load %arg18[%swap3A_168, %swap3A_169] {strides = array<i32>} : memref<128x128xf32, #tpu.memory_space<vmem>>, vector<1x16xf32>,
          %swap3A_171 = vector.shape_cast %swap3A_170 : vector<1x16xf32> to vector<16xf32>
          %swap3A_172 = vector.shape_cast %max3A_167 : vector<16xf32> to vector<1x16xf32>
          tpu.vector_store %arg18[%swap3A_168, %swap3A_169], %swap3A_172 {strides = array<i32>} : memref<128x128xf32, #tpu.memory_space<vmem>>, vector<1x16xf32>,
          %get3A_173 = arith.index_cast %scan3A_65 : i32 to index
          %get3A_174 = arith.constant 80 : index
          %get3A_175 = tpu.vector_load %arg15[%get3A_173, %get3A_174] {strides = array<i32>} : memref<128x128xf32, #tpu.memory_space<vmem>>, vector<1x16xf32>,
          %get3A_176 = vector.shape_cast %get3A_175 : vector<1x16xf32> to vector<16xf32>
          %get3A_177 = arith.index_cast %scan3A_65 : i32 to index
          %get3A_178 = arith.constant 80 : index
          %get3A_179 = tpu.vector_load %arg16[%get3A_177, %get3A_178] {strides = array<i32>} : memref<128x128xf32, #tpu.memory_space<vmem>>, vector<1x16xf32>,
          %get3A_180 = vector.shape_cast %get3A_179 : vector<1x16xf32> to vector<16xf32>
          %add3A_181 = arith.addf %get3A_176, %get3A_180 : vector<16xf32>
          %get3A_182 = arith.index_cast %scan3A_65 : i32 to index
          %get3A_183 = arith.constant 80 : index
          %get3A_184 = tpu.vector_load %arg17[%get3A_182, %get3A_183] {strides = array<i32>} : memref<128x128xf32, #tpu.memory_space<vmem>>, vector<1x16xf32>,
          %get3A_185 = vector.shape_cast %get3A_184 : vector<1x16xf32> to vector<16xf32>
          %add3A_186 = arith.addf %add3A_181, %get3A_185 : vector<16xf32>
          %max3A_187 = arith.constant 0.000000e+00 : f32
          %max3A_188 = vector.broadcast %max3A_187 : f32 to vector<16xf32>
          %max3A_189 = arith.maximumf %add3A_186, %max3A_188 : vector<16xf32>
          %swap3A_190 = arith.index_cast %scan3A_65 : i32 to index
          %swap3A_191 = arith.constant 80 : index
          %swap3A_192 = tpu.vector_load %arg18[%swap3A_190, %swap3A_191] {strides = array<i32>} : memref<128x128xf32, #tpu.memory_space<vmem>>, vector<1x16xf32>,
          %swap3A_193 = vector.shape_cast %swap3A_192 : vector<1x16xf32> to vector<16xf32>
          %swap3A_194 = vector.shape_cast %max3A_189 : vector<16xf32> to vector<1x16xf32>
          tpu.vector_store %arg18[%swap3A_190, %swap3A_191], %swap3A_194 {strides = array<i32>} : memref<128x128xf32, #tpu.memory_space<vmem>>, vector<1x16xf32>,
          %get3A_195 = arith.index_cast %scan3A_65 : i32 to index
          %get3A_196 = arith.constant 96 : index
          %get3A_197 = tpu.vector_load %arg15[%get3A_195, %get3A_196] {strides = array<i32>} : memref<128x128xf32, #tpu.memory_space<vmem>>, vector<1x16xf32>,
          %get3A_198 = vector.shape_cast %get3A_197 : vector<1x16xf32> to vector<16xf32>
          %get3A_199 = arith.index_cast %scan3A_65 : i32 to index
          %get3A_200 = arith.constant 96 : index
          %get3A_201 = tpu.vector_load %arg16[%get3A_199, %get3A_200] {strides = array<i32>} : memref<128x128xf32, #tpu.memory_space<vmem>>, vector<1x16xf32>,
          %get3A_202 = vector.shape_cast %get3A_201 : vector<1x16xf32> to vector<16xf32>
          %add3A_203 = arith.addf %get3A_198, %get3A_202 : vector<16xf32>
          %get3A_204 = arith.index_cast %scan3A_65 : i32 to index
          %get3A_205 = arith.constant 96 : index
          %get3A_206 = tpu.vector_load %arg17[%get3A_204, %get3A_205] {strides = array<i32>} : memref<128x128xf32, #tpu.memory_space<vmem>>, vector<1x16xf32>,
          %get3A_207 = vector.shape_cast %get3A_206 : vector<1x16xf32> to vector<16xf32>
          %add3A_208 = arith.addf %add3A_203, %get3A_207 : vector<16xf32>
          %max3A_209 = arith.constant 0.000000e+00 : f32
          %max3A_210 = vector.broadcast %max3A_209 : f32 to vector<16xf32>
          %max3A_211 = arith.maximumf %add3A_208, %max3A_210 : vector<16xf32>
          %swap3A_212 = arith.index_cast %scan3A_65 : i32 to index
          %swap3A_213 = arith.constant 96 : index
          %swap3A_214 = tpu.vector_load %arg18[%swap3A_212, %swap3A_213] {strides = array<i32>} : memref<128x128xf32, #tpu.memory_space<vmem>>, vector<1x16xf32>,
          %swap3A_215 = vector.shape_cast %swap3A_214 : vector<1x16xf32> to vector<16xf32>
          %swap3A_216 = vector.shape_cast %max3A_211 : vector<16xf32> to vector<1x16xf32>
          tpu.vector_store %arg18[%swap3A_212, %swap3A_213], %swap3A_216 {strides = array<i32>} : memref<128x128xf32, #tpu.memory_space<vmem>>, vector<1x16xf32>,
          %get3A_217 = arith.index_cast %scan3A_65 : i32 to index
          %get3A_218 = arith.constant 112 : index
          %get3A_219 = tpu.vector_load %arg15[%get3A_217, %get3A_218] {strides = array<i32>} : memref<128x128xf32, #tpu.memory_space<vmem>>, vector<1x16xf32>,
          %get3A_220 = vector.shape_cast %get3A_219 : vector<1x16xf32> to vector<16xf32>
          %get3A_221 = arith.index_cast %scan3A_65 : i32 to index
          %get3A_222 = arith.constant 112 : index
          %get3A_223 = tpu.vector_load %arg16[%get3A_221, %get3A_222] {strides = array<i32>} : memref<128x128xf32, #tpu.memory_space<vmem>>, vector<1x16xf32>,
          %get3A_224 = vector.shape_cast %get3A_223 : vector<1x16xf32> to vector<16xf32>
          %add3A_225 = arith.addf %get3A_220, %get3A_224 : vector<16xf32>
          %get3A_226 = arith.index_cast %scan3A_65 : i32 to index
          %get3A_227 = arith.constant 112 : index
          %get3A_228 = tpu.vector_load %arg17[%get3A_226, %get3A_227] {strides = array<i32>} : memref<128x128xf32, #tpu.memory_space<vmem>>, vector<1x16xf32>,
          %get3A_229 = vector.shape_cast %get3A_228 : vector<1x16xf32> to vector<16xf32>
          %add3A_230 = arith.addf %add3A_225, %get3A_229 : vector<16xf32>
          %max3A_231 = arith.constant 0.000000e+00 : f32
          %max3A_232 = vector.broadcast %max3A_231 : f32 to vector<16xf32>
          %max3A_233 = arith.maximumf %add3A_230, %max3A_232 : vector<16xf32>
          %swap3A_234 = arith.index_cast %scan3A_65 : i32 to index
          %swap3A_235 = arith.constant 112 : index
          %swap3A_236 = tpu.vector_load %arg18[%swap3A_234, %swap3A_235] {strides = array<i32>} : memref<128x128xf32, #tpu.memory_space<vmem>>, vector<1x16xf32>,
          %swap3A_237 = vector.shape_cast %swap3A_236 : vector<1x16xf32> to vector<16xf32>
          %swap3A_238 = vector.shape_cast %max3A_233 : vector<16xf32> to vector<1x16xf32>
          tpu.vector_store %arg18[%swap3A_234, %swap3A_235], %swap3A_238 {strides = array<i32>} : memref<128x128xf32, #tpu.memory_space<vmem>>, vector<1x16xf32>,
        }
        %scan3A_62 = arith.constant 128 : i32
        %mul3A_63 = arith.constant 128 : i32
        %mul3A_64 = arith.muli %add3A_46, %mul3A_63 : i32
        "tpu.region"() ({
          %run_scoped3A = tpu.sem_alloc : memref<!tpu.dma_semaphore, #tpu.memory_space<semaphore_mem>>
          %dma_start3A = arith.constant 0 : i32
          %dma_start3A_65 = tpu.memref_slice %arg7[%mul3A_64, %dma_start3A] : memref<320000x128xf32, #tpu.memory_space<hbm>> -> memref<128x128xf32, #tpu.memory_space<hbm>>
          %dma_start3A_66 = arith.constant 0 : i32
          %dma_start3A_67 = tpu.memref_slice %arg7[%mul3A_64, %dma_start3A_66] : memref<320000x128xf32, #tpu.memory_space<hbm>> -> memref<128x128xf32, #tpu.memory_space<hbm>>
          tpu.enqueue_dma source(%arg18 : memref<128x128xf32, #tpu.memory_space<vmem>>) target(%dma_start3A_67 : memref<128x128xf32, #tpu.memory_space<hbm>>) target_semaphore(%run_scoped3A : memref<!tpu.dma_semaphore, #tpu.memory_space<semaphore_mem>>)
          %dma_wait3A_68 = arith.constant 0 : i32
          %dma_wait3A_69 = tpu.memref_slice %arg7[%mul3A_64, %dma_wait3A_68] : memref<320000x128xf32, #tpu.memory_space<hbm>> -> memref<128x128xf32, #tpu.memory_space<hbm>>
          %dma_wait3A_70 = arith.constant 0 : i32
          %dma_wait3A_71 = tpu.memref_slice %arg7[%mul3A_64, %dma_wait3A_70] : memref<320000x128xf32, #tpu.memory_space<hbm>> -> memref<128x128xf32, #tpu.memory_space<hbm>>
          tpu.wait_dma2 semaphore(%run_scoped3A : memref<!tpu.dma_semaphore, #tpu.memory_space<semaphore_mem>>) src(%arg18 : memref<128x128xf32, #tpu.memory_space<vmem>>) dst(%dma_wait3A_71 : memref<128x128xf32, #tpu.memory_space<hbm>>)
          tpu.yield
        }) : () -> ()
      } else {
      }
    }
    %scan3A_5 = arith.constant 40 : i32
    return
  }
}

#map = affine_map<(d0, d1) -> (0, 0)>
module attributes {stable_mosaic.version = 14 : i64} {
  func.func @_sc_gather2(%arg0: i32, %arg1: i32, %arg2: memref<10000x128xf32, #tpu.memory_space<hbm>>, %arg3: memref<10000x128xf32, #tpu.memory_space<hbm>>, %arg4: memref<320000x128xf32, #tpu.memory_space<hbm>>, %arg5: memref<2500x128xi32, #tpu.memory_space<hbm>>, %arg6: memref<2500x128xi32, #tpu.memory_space<hbm>>, %arg7: memref<320000x128xf32, #tpu.memory_space<hbm>>, %arg8: memref<320000x128xf32, #tpu.memory_space<hbm>>, %arg9: memref<128xi32, #tpu.memory_space<vmem>>, %arg10: memref<128xi32, #tpu.memory_space<vmem>>, %arg11: memref<128x128xf32, #tpu.memory_space<vmem>>, %arg12: memref<128x128xf32, #tpu.memory_space<vmem>>, %arg13: memref<128xi32, #tpu.memory_space<vmem>>, %arg14: memref<128xi32, #tpu.memory_space<vmem>>, %arg15: memref<128x128xf32, #tpu.memory_space<vmem>>, %arg16: memref<128x128xf32, #tpu.memory_space<vmem>>, %arg17: memref<128x128xf32, #tpu.memory_space<vmem>>, %arg18: memref<128x128xf32, #tpu.memory_space<vmem>>, %arg19: memref<128x128xf32, #tpu.memory_space<vmem>>, %arg20: memref<!tpu.dma_semaphore, #tpu.memory_space<semaphore_mem>>, %arg21: memref<!tpu.dma_semaphore, #tpu.memory_space<semaphore_mem>>, %arg22: memref<!tpu.dma_semaphore, #tpu.memory_space<semaphore_mem>>, %arg23: memref<!tpu.dma_semaphore, #tpu.memory_space<semaphore_mem>>, %arg24: memref<!tpu.dma_semaphore, #tpu.memory_space<semaphore_mem>>) attributes {dimension_semantics = [#tpu.dimension_semantics<core_parallel>, #tpu.dimension_semantics<subcore_parallel>], iteration_bounds = array<i64: 2, 16>, scalar_prefetch = 0 : i64, scratch_operands = 16 : i64, tpu.core_type = #tpu.core_type<sc_vector_subcore>, window_params = [{transform_indices = #map}, {transform_indices = #map}, {transform_indices = #map}, {transform_indices = #map}, {transform_indices = #map}, {transform_indices = #map}, {transform_indices = #map}]} {
    %mul3A = arith.constant 2 : i32
    %mul3A_0 = arith.muli %arg1, %mul3A : i32
    %add3A = arith.addi %mul3A_0, %arg0 : i32
    %scan3A = arith.constant 0 : i32
    %scan3A_1 = arith.constant 0 : i32
    %scan3A_2 = arith.constant 40 : i32
    %scan3A_3 = arith.addi %scan3A_1, %scan3A_2 : i32
    %scan3A_4 = arith.constant 1 : i32
    scf.for %scan3A_6 = %scan3A_1 to %scan3A_3 step %scan3A_4  : i32 {
      %mul3A_7 = arith.constant 2 : i32
      %mul3A_8 = arith.muli %mul3A_7, %scan3A_6 : i32
      %add3A_9 = arith.constant 0 : i32
      %add3A_10 = arith.addi %mul3A_8, %add3A_9 : i32
      %mul3A_11 = arith.constant 32 : i32
      %mul3A_12 = arith.muli %add3A_10, %mul3A_11 : i32
      %add3A_13 = arith.addi %add3A, %mul3A_12 : i32
      %lt3A = arith.constant 2500 : i32
      %lt3A_14 = arith.cmpi slt, %add3A_13, %lt3A : i32
      %convert_element_type3A = arith.extui %lt3A_14 : i1 to i32
      %cond3A = arith.constant 0 : i32
      %cond3A_15 = arith.cmpi ne, %convert_element_type3A, %cond3A : i32
      scf.if %cond3A_15 {
        "tpu.region"() ({
          %run_scoped3A = tpu.sem_alloc : memref<!tpu.dma_semaphore, #tpu.memory_space<semaphore_mem>>
          %dma_start3A_57 = arith.constant 0 : i32
          %dma_start3A_58 = tpu.memref_slice %arg5[%add3A_13, %dma_start3A_57] : memref<2500x128xi32, #tpu.memory_space<hbm>> -> memref<1x128xi32, #tpu.memory_space<hbm>>
          %dma_start3A_59 = tpu.memref_squeeze %dma_start3A_58 : memref<1x128xi32, #tpu.memory_space<hbm>> -> memref<128xi32, #tpu.memory_space<hbm>>
          %dma_start3A_60 = arith.constant 0 : i32
          %dma_start3A_61 = tpu.memref_slice %arg5[%add3A_13, %dma_start3A_60] : memref<2500x128xi32, #tpu.memory_space<hbm>> -> memref<1x128xi32, #tpu.memory_space<hbm>>
          %dma_start3A_62 = tpu.memref_squeeze %dma_start3A_61 : memref<1x128xi32, #tpu.memory_space<hbm>> -> memref<128xi32, #tpu.memory_space<hbm>>
          tpu.enqueue_dma source(%dma_start3A_62 : memref<128xi32, #tpu.memory_space<hbm>>) target(%arg9 : memref<128xi32, #tpu.memory_space<vmem>>) target_semaphore(%run_scoped3A : memref<!tpu.dma_semaphore, #tpu.memory_space<semaphore_mem>>)
          %dma_wait3A = arith.constant 0 : i32
          %dma_wait3A_63 = tpu.memref_slice %arg5[%add3A_13, %dma_wait3A] : memref<2500x128xi32, #tpu.memory_space<hbm>> -> memref<1x128xi32, #tpu.memory_space<hbm>>
          %dma_wait3A_64 = tpu.memref_squeeze %dma_wait3A_63 : memref<1x128xi32, #tpu.memory_space<hbm>> -> memref<128xi32, #tpu.memory_space<hbm>>
          %dma_wait3A_65 = arith.constant 0 : i32
          %dma_wait3A_66 = tpu.memref_slice %arg5[%add3A_13, %dma_wait3A_65] : memref<2500x128xi32, #tpu.memory_space<hbm>> -> memref<1x128xi32, #tpu.memory_space<hbm>>
          %dma_wait3A_67 = tpu.memref_squeeze %dma_wait3A_66 : memref<1x128xi32, #tpu.memory_space<hbm>> -> memref<128xi32, #tpu.memory_space<hbm>>
          tpu.wait_dma2 semaphore(%run_scoped3A : memref<!tpu.dma_semaphore, #tpu.memory_space<semaphore_mem>>) src(%dma_wait3A_67 : memref<128xi32, #tpu.memory_space<hbm>>) dst(%arg9 : memref<128xi32, #tpu.memory_space<vmem>>)
          tpu.yield
        }) : () -> ()
        "tpu.region"() ({
          %run_scoped3A = tpu.sem_alloc : memref<!tpu.dma_semaphore, #tpu.memory_space<semaphore_mem>>
          %dma_start3A_57 = arith.constant 0 : i32
          %dma_start3A_58 = tpu.memref_slice %arg6[%add3A_13, %dma_start3A_57] : memref<2500x128xi32, #tpu.memory_space<hbm>> -> memref<1x128xi32, #tpu.memory_space<hbm>>
          %dma_start3A_59 = tpu.memref_squeeze %dma_start3A_58 : memref<1x128xi32, #tpu.memory_space<hbm>> -> memref<128xi32, #tpu.memory_space<hbm>>
          %dma_start3A_60 = arith.constant 0 : i32
          %dma_start3A_61 = tpu.memref_slice %arg6[%add3A_13, %dma_start3A_60] : memref<2500x128xi32, #tpu.memory_space<hbm>> -> memref<1x128xi32, #tpu.memory_space<hbm>>
          %dma_start3A_62 = tpu.memref_squeeze %dma_start3A_61 : memref<1x128xi32, #tpu.memory_space<hbm>> -> memref<128xi32, #tpu.memory_space<hbm>>
          tpu.enqueue_dma source(%dma_start3A_62 : memref<128xi32, #tpu.memory_space<hbm>>) target(%arg10 : memref<128xi32, #tpu.memory_space<vmem>>) target_semaphore(%run_scoped3A : memref<!tpu.dma_semaphore, #tpu.memory_space<semaphore_mem>>)
          %dma_wait3A = arith.constant 0 : i32
          %dma_wait3A_63 = tpu.memref_slice %arg6[%add3A_13, %dma_wait3A] : memref<2500x128xi32, #tpu.memory_space<hbm>> -> memref<1x128xi32, #tpu.memory_space<hbm>>
          %dma_wait3A_64 = tpu.memref_squeeze %dma_wait3A_63 : memref<1x128xi32, #tpu.memory_space<hbm>> -> memref<128xi32, #tpu.memory_space<hbm>>
          %dma_wait3A_65 = arith.constant 0 : i32
          %dma_wait3A_66 = tpu.memref_slice %arg6[%add3A_13, %dma_wait3A_65] : memref<2500x128xi32, #tpu.memory_space<hbm>> -> memref<1x128xi32, #tpu.memory_space<hbm>>
          %dma_wait3A_67 = tpu.memref_squeeze %dma_wait3A_66 : memref<1x128xi32, #tpu.memory_space<hbm>> -> memref<128xi32, #tpu.memory_space<hbm>>
          tpu.wait_dma2 semaphore(%run_scoped3A : memref<!tpu.dma_semaphore, #tpu.memory_space<semaphore_mem>>) src(%dma_wait3A_67 : memref<128xi32, #tpu.memory_space<hbm>>) dst(%arg10 : memref<128xi32, #tpu.memory_space<vmem>>)
          tpu.yield
        }) : () -> ()
        %dma_start3A = arith.constant 0 : i32
        %dma_start3A_52 = arith.constant 0 : i32
        %dma_start3A_53 = tpu.memref_slice %arg2[%dma_start3A, %dma_start3A_52] : memref<10000x128xf32, #tpu.memory_space<hbm>> -> memref<10000x128xf32, #tpu.memory_space<hbm>>
        tpu.enqueue_indirect_dma source(%dma_start3A_53 : memref<10000x128xf32, #tpu.memory_space<hbm>>) target(%arg11 : memref<128x128xf32, #tpu.memory_space<vmem>>) offsets(%arg10 : memref<128xi32, #tpu.memory_space<vmem>>) semaphore(%arg20 : memref<!tpu.dma_semaphore, #tpu.memory_space<semaphore_mem>>)
        %dma_start3A_54 = arith.constant 0 : i32
        %dma_start3A_55 = arith.constant 0 : i32
        %dma_start3A_56 = tpu.memref_slice %arg3[%dma_start3A_54, %dma_start3A_55] : memref<10000x128xf32, #tpu.memory_space<hbm>> -> memref<10000x128xf32, #tpu.memory_space<hbm>>
        tpu.enqueue_indirect_dma source(%dma_start3A_56 : memref<10000x128xf32, #tpu.memory_space<hbm>>) target(%arg12 : memref<128x128xf32, #tpu.memory_space<vmem>>) offsets(%arg9 : memref<128xi32, #tpu.memory_space<vmem>>) semaphore(%arg21 : memref<!tpu.dma_semaphore, #tpu.memory_space<semaphore_mem>>)
      } else {
      }
      %mul3A_16 = arith.constant 2 : i32
      %mul3A_17 = arith.muli %mul3A_16, %scan3A_6 : i32
      %add3A_18 = arith.constant 1 : i32
      %add3A_19 = arith.addi %mul3A_17, %add3A_18 : i32
      %mul3A_20 = arith.constant 32 : i32
      %mul3A_21 = arith.muli %add3A_19, %mul3A_20 : i32
      %add3A_22 = arith.addi %add3A, %mul3A_21 : i32
      %lt3A_23 = arith.constant 2500 : i32
      %lt3A_24 = arith.cmpi slt, %add3A_22, %lt3A_23 : i32
      %convert_element_type3A_25 = arith.extui %lt3A_24 : i1 to i32
      %cond3A_26 = arith.constant 0 : i32
      %cond3A_27 = arith.cmpi ne, %convert_element_type3A_25, %cond3A_26 : i32
      scf.if %cond3A_27 {
        "tpu.region"() ({
          %run_scoped3A = tpu.sem_alloc : memref<!tpu.dma_semaphore, #tpu.memory_space<semaphore_mem>>
          %dma_start3A_57 = arith.constant 0 : i32
          %dma_start3A_58 = tpu.memref_slice %arg5[%add3A_22, %dma_start3A_57] : memref<2500x128xi32, #tpu.memory_space<hbm>> -> memref<1x128xi32, #tpu.memory_space<hbm>>
          %dma_start3A_59 = tpu.memref_squeeze %dma_start3A_58 : memref<1x128xi32, #tpu.memory_space<hbm>> -> memref<128xi32, #tpu.memory_space<hbm>>
          %dma_start3A_60 = arith.constant 0 : i32
          %dma_start3A_61 = tpu.memref_slice %arg5[%add3A_22, %dma_start3A_60] : memref<2500x128xi32, #tpu.memory_space<hbm>> -> memref<1x128xi32, #tpu.memory_space<hbm>>
          %dma_start3A_62 = tpu.memref_squeeze %dma_start3A_61 : memref<1x128xi32, #tpu.memory_space<hbm>> -> memref<128xi32, #tpu.memory_space<hbm>>
          tpu.enqueue_dma source(%dma_start3A_62 : memref<128xi32, #tpu.memory_space<hbm>>) target(%arg13 : memref<128xi32, #tpu.memory_space<vmem>>) target_semaphore(%run_scoped3A : memref<!tpu.dma_semaphore, #tpu.memory_space<semaphore_mem>>)
          %dma_wait3A = arith.constant 0 : i32
          %dma_wait3A_63 = tpu.memref_slice %arg5[%add3A_22, %dma_wait3A] : memref<2500x128xi32, #tpu.memory_space<hbm>> -> memref<1x128xi32, #tpu.memory_space<hbm>>
          %dma_wait3A_64 = tpu.memref_squeeze %dma_wait3A_63 : memref<1x128xi32, #tpu.memory_space<hbm>> -> memref<128xi32, #tpu.memory_space<hbm>>
          %dma_wait3A_65 = arith.constant 0 : i32
          %dma_wait3A_66 = tpu.memref_slice %arg5[%add3A_22, %dma_wait3A_65] : memref<2500x128xi32, #tpu.memory_space<hbm>> -> memref<1x128xi32, #tpu.memory_space<hbm>>
          %dma_wait3A_67 = tpu.memref_squeeze %dma_wait3A_66 : memref<1x128xi32, #tpu.memory_space<hbm>> -> memref<128xi32, #tpu.memory_space<hbm>>
          tpu.wait_dma2 semaphore(%run_scoped3A : memref<!tpu.dma_semaphore, #tpu.memory_space<semaphore_mem>>) src(%dma_wait3A_67 : memref<128xi32, #tpu.memory_space<hbm>>) dst(%arg13 : memref<128xi32, #tpu.memory_space<vmem>>)
          tpu.yield
        }) : () -> ()
        "tpu.region"() ({
          %run_scoped3A = tpu.sem_alloc : memref<!tpu.dma_semaphore, #tpu.memory_space<semaphore_mem>>
          %dma_start3A_57 = arith.constant 0 : i32
          %dma_start3A_58 = tpu.memref_slice %arg6[%add3A_22, %dma_start3A_57] : memref<2500x128xi32, #tpu.memory_space<hbm>> -> memref<1x128xi32, #tpu.memory_space<hbm>>
          %dma_start3A_59 = tpu.memref_squeeze %dma_start3A_58 : memref<1x128xi32, #tpu.memory_space<hbm>> -> memref<128xi32, #tpu.memory_space<hbm>>
          %dma_start3A_60 = arith.constant 0 : i32
          %dma_start3A_61 = tpu.memref_slice %arg6[%add3A_22, %dma_start3A_60] : memref<2500x128xi32, #tpu.memory_space<hbm>> -> memref<1x128xi32, #tpu.memory_space<hbm>>
          %dma_start3A_62 = tpu.memref_squeeze %dma_start3A_61 : memref<1x128xi32, #tpu.memory_space<hbm>> -> memref<128xi32, #tpu.memory_space<hbm>>
          tpu.enqueue_dma source(%dma_start3A_62 : memref<128xi32, #tpu.memory_space<hbm>>) target(%arg14 : memref<128xi32, #tpu.memory_space<vmem>>) target_semaphore(%run_scoped3A : memref<!tpu.dma_semaphore, #tpu.memory_space<semaphore_mem>>)
          %dma_wait3A = arith.constant 0 : i32
          %dma_wait3A_63 = tpu.memref_slice %arg6[%add3A_22, %dma_wait3A] : memref<2500x128xi32, #tpu.memory_space<hbm>> -> memref<1x128xi32, #tpu.memory_space<hbm>>
          %dma_wait3A_64 = tpu.memref_squeeze %dma_wait3A_63 : memref<1x128xi32, #tpu.memory_space<hbm>> -> memref<128xi32, #tpu.memory_space<hbm>>
          %dma_wait3A_65 = arith.constant 0 : i32
          %dma_wait3A_66 = tpu.memref_slice %arg6[%add3A_22, %dma_wait3A_65] : memref<2500x128xi32, #tpu.memory_space<hbm>> -> memref<1x128xi32, #tpu.memory_space<hbm>>
          %dma_wait3A_67 = tpu.memref_squeeze %dma_wait3A_66 : memref<1x128xi32, #tpu.memory_space<hbm>> -> memref<128xi32, #tpu.memory_space<hbm>>
          tpu.wait_dma2 semaphore(%run_scoped3A : memref<!tpu.dma_semaphore, #tpu.memory_space<semaphore_mem>>) src(%dma_wait3A_67 : memref<128xi32, #tpu.memory_space<hbm>>) dst(%arg14 : memref<128xi32, #tpu.memory_space<vmem>>)
          tpu.yield
        }) : () -> ()
        %dma_start3A = arith.constant 0 : i32
        %dma_start3A_52 = arith.constant 0 : i32
        %dma_start3A_53 = tpu.memref_slice %arg2[%dma_start3A, %dma_start3A_52] : memref<10000x128xf32, #tpu.memory_space<hbm>> -> memref<10000x128xf32, #tpu.memory_space<hbm>>
        tpu.enqueue_indirect_dma source(%dma_start3A_53 : memref<10000x128xf32, #tpu.memory_space<hbm>>) target(%arg15 : memref<128x128xf32, #tpu.memory_space<vmem>>) offsets(%arg14 : memref<128xi32, #tpu.memory_space<vmem>>) semaphore(%arg22 : memref<!tpu.dma_semaphore, #tpu.memory_space<semaphore_mem>>)
        %dma_start3A_54 = arith.constant 0 : i32
        %dma_start3A_55 = arith.constant 0 : i32
        %dma_start3A_56 = tpu.memref_slice %arg3[%dma_start3A_54, %dma_start3A_55] : memref<10000x128xf32, #tpu.memory_space<hbm>> -> memref<10000x128xf32, #tpu.memory_space<hbm>>
        tpu.enqueue_indirect_dma source(%dma_start3A_56 : memref<10000x128xf32, #tpu.memory_space<hbm>>) target(%arg16 : memref<128x128xf32, #tpu.memory_space<vmem>>) offsets(%arg13 : memref<128xi32, #tpu.memory_space<vmem>>) semaphore(%arg23 : memref<!tpu.dma_semaphore, #tpu.memory_space<semaphore_mem>>)
      } else {
      }
      %mul3A_28 = arith.constant 2 : i32
      %mul3A_29 = arith.muli %mul3A_28, %scan3A_6 : i32
      %add3A_30 = arith.constant 0 : i32
      %add3A_31 = arith.addi %mul3A_29, %add3A_30 : i32
      %mul3A_32 = arith.constant 32 : i32
      %mul3A_33 = arith.muli %add3A_31, %mul3A_32 : i32
      %add3A_34 = arith.addi %add3A, %mul3A_33 : i32
      %lt3A_35 = arith.constant 2500 : i32
      %lt3A_36 = arith.cmpi slt, %add3A_34, %lt3A_35 : i32
      %convert_element_type3A_37 = arith.extui %lt3A_36 : i1 to i32
      %cond3A_38 = arith.constant 0 : i32
      %cond3A_39 = arith.cmpi ne, %convert_element_type3A_37, %cond3A_38 : i32
      scf.if %cond3A_39 {
        %mul3A_52 = arith.constant 128 : i32
        %mul3A_53 = arith.muli %add3A_34, %mul3A_52 : i32
        %dma_start3A = arith.constant 0 : i32
        %dma_start3A_54 = tpu.memref_slice %arg4[%mul3A_53, %dma_start3A] : memref<320000x128xf32, #tpu.memory_space<hbm>> -> memref<128x128xf32, #tpu.memory_space<hbm>>
        %dma_start3A_55 = arith.constant 0 : i32
        %dma_start3A_56 = tpu.memref_slice %arg4[%mul3A_53, %dma_start3A_55] : memref<320000x128xf32, #tpu.memory_space<hbm>> -> memref<128x128xf32, #tpu.memory_space<hbm>>
        tpu.enqueue_dma source(%dma_start3A_56 : memref<128x128xf32, #tpu.memory_space<hbm>>) target(%arg17 : memref<128x128xf32, #tpu.memory_space<vmem>>) target_semaphore(%arg24 : memref<!tpu.dma_semaphore, #tpu.memory_space<semaphore_mem>>)
        tpu.wait_dma2 semaphore(%arg20 : memref<!tpu.dma_semaphore, #tpu.memory_space<semaphore_mem>>) src(%arg2 : memref<10000x128xf32, #tpu.memory_space<hbm>>) dst(%arg11 : memref<128x128xf32, #tpu.memory_space<vmem>>)
        tpu.wait_dma2 semaphore(%arg21 : memref<!tpu.dma_semaphore, #tpu.memory_space<semaphore_mem>>) src(%arg3 : memref<10000x128xf32, #tpu.memory_space<hbm>>) dst(%arg12 : memref<128x128xf32, #tpu.memory_space<vmem>>)
        %dma_wait3A = arith.constant 0 : i32
        %dma_wait3A_57 = tpu.memref_slice %arg4[%mul3A_53, %dma_wait3A] : memref<320000x128xf32, #tpu.memory_space<hbm>> -> memref<128x128xf32, #tpu.memory_space<hbm>>
        %dma_wait3A_58 = arith.constant 0 : i32
        %dma_wait3A_59 = tpu.memref_slice %arg4[%mul3A_53, %dma_wait3A_58] : memref<320000x128xf32, #tpu.memory_space<hbm>> -> memref<128x128xf32, #tpu.memory_space<hbm>>
        tpu.wait_dma2 semaphore(%arg24 : memref<!tpu.dma_semaphore, #tpu.memory_space<semaphore_mem>>) src(%dma_wait3A_59 : memref<128x128xf32, #tpu.memory_space<hbm>>) dst(%arg17 : memref<128x128xf32, #tpu.memory_space<vmem>>)
        %scan3A_60 = arith.constant 0 : i32
        %scan3A_61 = arith.constant 0 : i32
        %scan3A_62 = arith.constant 128 : i32
        %scan3A_63 = arith.addi %scan3A_61, %scan3A_62 : i32
        %scan3A_64 = arith.constant 1 : i32
        scf.for %scan3A_70 = %scan3A_61 to %scan3A_63 step %scan3A_64  : i32 {
          %get3A = arith.index_cast %scan3A_70 : i32 to index
          %get3A_71 = arith.constant 0 : index
          %get3A_72 = tpu.vector_load %arg17[%get3A, %get3A_71] {strides = array<i32>} : memref<128x128xf32, #tpu.memory_space<vmem>>, vector<1x16xf32>,
          %get3A_73 = vector.shape_cast %get3A_72 : vector<1x16xf32> to vector<16xf32>
          %get3A_74 = arith.index_cast %scan3A_70 : i32 to index
          %get3A_75 = arith.constant 0 : index
          %get3A_76 = tpu.vector_load %arg11[%get3A_74, %get3A_75] {strides = array<i32>} : memref<128x128xf32, #tpu.memory_space<vmem>>, vector<1x16xf32>,
          %get3A_77 = vector.shape_cast %get3A_76 : vector<1x16xf32> to vector<16xf32>
          %add3A_78 = arith.addf %get3A_73, %get3A_77 : vector<16xf32>
          %max3A = arith.constant 0.000000e+00 : f32
          %max3A_79 = vector.broadcast %max3A : f32 to vector<16xf32>
          %max3A_80 = arith.maximumf %add3A_78, %max3A_79 : vector<16xf32>
          %swap3A = arith.index_cast %scan3A_70 : i32 to index
          %swap3A_81 = arith.constant 0 : index
          %swap3A_82 = tpu.vector_load %arg18[%swap3A, %swap3A_81] {strides = array<i32>} : memref<128x128xf32, #tpu.memory_space<vmem>>, vector<1x16xf32>,
          %swap3A_83 = vector.shape_cast %swap3A_82 : vector<1x16xf32> to vector<16xf32>
          %swap3A_84 = vector.shape_cast %max3A_80 : vector<16xf32> to vector<1x16xf32>
          tpu.vector_store %arg18[%swap3A, %swap3A_81], %swap3A_84 {strides = array<i32>} : memref<128x128xf32, #tpu.memory_space<vmem>>, vector<1x16xf32>,
          %get3A_85 = arith.index_cast %scan3A_70 : i32 to index
          %get3A_86 = arith.constant 0 : index
          %get3A_87 = tpu.vector_load %arg12[%get3A_85, %get3A_86] {strides = array<i32>} : memref<128x128xf32, #tpu.memory_space<vmem>>, vector<1x16xf32>,
          %get3A_88 = vector.shape_cast %get3A_87 : vector<1x16xf32> to vector<16xf32>
          %add3A_89 = arith.addf %get3A_73, %get3A_88 : vector<16xf32>
          %max3A_90 = arith.constant 0.000000e+00 : f32
          %max3A_91 = vector.broadcast %max3A_90 : f32 to vector<16xf32>
          %max3A_92 = arith.maximumf %add3A_89, %max3A_91 : vector<16xf32>
          %swap3A_93 = arith.index_cast %scan3A_70 : i32 to index
          %swap3A_94 = arith.constant 0 : index
          %swap3A_95 = tpu.vector_load %arg19[%swap3A_93, %swap3A_94] {strides = array<i32>} : memref<128x128xf32, #tpu.memory_space<vmem>>, vector<1x16xf32>,
          %swap3A_96 = vector.shape_cast %swap3A_95 : vector<1x16xf32> to vector<16xf32>
          %swap3A_97 = vector.shape_cast %max3A_92 : vector<16xf32> to vector<1x16xf32>
          tpu.vector_store %arg19[%swap3A_93, %swap3A_94], %swap3A_97 {strides = array<i32>} : memref<128x128xf32, #tpu.memory_space<vmem>>, vector<1x16xf32>,
          %get3A_98 = arith.index_cast %scan3A_70 : i32 to index
          %get3A_99 = arith.constant 16 : index
          %get3A_100 = tpu.vector_load %arg17[%get3A_98, %get3A_99] {strides = array<i32>} : memref<128x128xf32, #tpu.memory_space<vmem>>, vector<1x16xf32>,
          %get3A_101 = vector.shape_cast %get3A_100 : vector<1x16xf32> to vector<16xf32>
          %get3A_102 = arith.index_cast %scan3A_70 : i32 to index
          %get3A_103 = arith.constant 16 : index
          %get3A_104 = tpu.vector_load %arg11[%get3A_102, %get3A_103] {strides = array<i32>} : memref<128x128xf32, #tpu.memory_space<vmem>>, vector<1x16xf32>,
          %get3A_105 = vector.shape_cast %get3A_104 : vector<1x16xf32> to vector<16xf32>
          %add3A_106 = arith.addf %get3A_101, %get3A_105 : vector<16xf32>
          %max3A_107 = arith.constant 0.000000e+00 : f32
          %max3A_108 = vector.broadcast %max3A_107 : f32 to vector<16xf32>
          %max3A_109 = arith.maximumf %add3A_106, %max3A_108 : vector<16xf32>
          %swap3A_110 = arith.index_cast %scan3A_70 : i32 to index
          %swap3A_111 = arith.constant 16 : index
          %swap3A_112 = tpu.vector_load %arg18[%swap3A_110, %swap3A_111] {strides = array<i32>} : memref<128x128xf32, #tpu.memory_space<vmem>>, vector<1x16xf32>,
          %swap3A_113 = vector.shape_cast %swap3A_112 : vector<1x16xf32> to vector<16xf32>
          %swap3A_114 = vector.shape_cast %max3A_109 : vector<16xf32> to vector<1x16xf32>
          tpu.vector_store %arg18[%swap3A_110, %swap3A_111], %swap3A_114 {strides = array<i32>} : memref<128x128xf32, #tpu.memory_space<vmem>>, vector<1x16xf32>,
          %get3A_115 = arith.index_cast %scan3A_70 : i32 to index
          %get3A_116 = arith.constant 16 : index
          %get3A_117 = tpu.vector_load %arg12[%get3A_115, %get3A_116] {strides = array<i32>} : memref<128x128xf32, #tpu.memory_space<vmem>>, vector<1x16xf32>,
          %get3A_118 = vector.shape_cast %get3A_117 : vector<1x16xf32> to vector<16xf32>
          %add3A_119 = arith.addf %get3A_101, %get3A_118 : vector<16xf32>
          %max3A_120 = arith.constant 0.000000e+00 : f32
          %max3A_121 = vector.broadcast %max3A_120 : f32 to vector<16xf32>
          %max3A_122 = arith.maximumf %add3A_119, %max3A_121 : vector<16xf32>
          %swap3A_123 = arith.index_cast %scan3A_70 : i32 to index
          %swap3A_124 = arith.constant 16 : index
          %swap3A_125 = tpu.vector_load %arg19[%swap3A_123, %swap3A_124] {strides = array<i32>} : memref<128x128xf32, #tpu.memory_space<vmem>>, vector<1x16xf32>,
          %swap3A_126 = vector.shape_cast %swap3A_125 : vector<1x16xf32> to vector<16xf32>
          %swap3A_127 = vector.shape_cast %max3A_122 : vector<16xf32> to vector<1x16xf32>
          tpu.vector_store %arg19[%swap3A_123, %swap3A_124], %swap3A_127 {strides = array<i32>} : memref<128x128xf32, #tpu.memory_space<vmem>>, vector<1x16xf32>,
          %get3A_128 = arith.index_cast %scan3A_70 : i32 to index
          %get3A_129 = arith.constant 32 : index
          %get3A_130 = tpu.vector_load %arg17[%get3A_128, %get3A_129] {strides = array<i32>} : memref<128x128xf32, #tpu.memory_space<vmem>>, vector<1x16xf32>,
          %get3A_131 = vector.shape_cast %get3A_130 : vector<1x16xf32> to vector<16xf32>
          %get3A_132 = arith.index_cast %scan3A_70 : i32 to index
          %get3A_133 = arith.constant 32 : index
          %get3A_134 = tpu.vector_load %arg11[%get3A_132, %get3A_133] {strides = array<i32>} : memref<128x128xf32, #tpu.memory_space<vmem>>, vector<1x16xf32>,
          %get3A_135 = vector.shape_cast %get3A_134 : vector<1x16xf32> to vector<16xf32>
          %add3A_136 = arith.addf %get3A_131, %get3A_135 : vector<16xf32>
          %max3A_137 = arith.constant 0.000000e+00 : f32
          %max3A_138 = vector.broadcast %max3A_137 : f32 to vector<16xf32>
          %max3A_139 = arith.maximumf %add3A_136, %max3A_138 : vector<16xf32>
          %swap3A_140 = arith.index_cast %scan3A_70 : i32 to index
          %swap3A_141 = arith.constant 32 : index
          %swap3A_142 = tpu.vector_load %arg18[%swap3A_140, %swap3A_141] {strides = array<i32>} : memref<128x128xf32, #tpu.memory_space<vmem>>, vector<1x16xf32>,
          %swap3A_143 = vector.shape_cast %swap3A_142 : vector<1x16xf32> to vector<16xf32>
          %swap3A_144 = vector.shape_cast %max3A_139 : vector<16xf32> to vector<1x16xf32>
          tpu.vector_store %arg18[%swap3A_140, %swap3A_141], %swap3A_144 {strides = array<i32>} : memref<128x128xf32, #tpu.memory_space<vmem>>, vector<1x16xf32>,
          %get3A_145 = arith.index_cast %scan3A_70 : i32 to index
          %get3A_146 = arith.constant 32 : index
          %get3A_147 = tpu.vector_load %arg12[%get3A_145, %get3A_146] {strides = array<i32>} : memref<128x128xf32, #tpu.memory_space<vmem>>, vector<1x16xf32>,
          %get3A_148 = vector.shape_cast %get3A_147 : vector<1x16xf32> to vector<16xf32>
          %add3A_149 = arith.addf %get3A_131, %get3A_148 : vector<16xf32>
          %max3A_150 = arith.constant 0.000000e+00 : f32
          %max3A_151 = vector.broadcast %max3A_150 : f32 to vector<16xf32>
          %max3A_152 = arith.maximumf %add3A_149, %max3A_151 : vector<16xf32>
          %swap3A_153 = arith.index_cast %scan3A_70 : i32 to index
          %swap3A_154 = arith.constant 32 : index
          %swap3A_155 = tpu.vector_load %arg19[%swap3A_153, %swap3A_154] {strides = array<i32>} : memref<128x128xf32, #tpu.memory_space<vmem>>, vector<1x16xf32>,
          %swap3A_156 = vector.shape_cast %swap3A_155 : vector<1x16xf32> to vector<16xf32>
          %swap3A_157 = vector.shape_cast %max3A_152 : vector<16xf32> to vector<1x16xf32>
          tpu.vector_store %arg19[%swap3A_153, %swap3A_154], %swap3A_157 {strides = array<i32>} : memref<128x128xf32, #tpu.memory_space<vmem>>, vector<1x16xf32>,
          %get3A_158 = arith.index_cast %scan3A_70 : i32 to index
          %get3A_159 = arith.constant 48 : index
          %get3A_160 = tpu.vector_load %arg17[%get3A_158, %get3A_159] {strides = array<i32>} : memref<128x128xf32, #tpu.memory_space<vmem>>, vector<1x16xf32>,
          %get3A_161 = vector.shape_cast %get3A_160 : vector<1x16xf32> to vector<16xf32>
          %get3A_162 = arith.index_cast %scan3A_70 : i32 to index
          %get3A_163 = arith.constant 48 : index
          %get3A_164 = tpu.vector_load %arg11[%get3A_162, %get3A_163] {strides = array<i32>} : memref<128x128xf32, #tpu.memory_space<vmem>>, vector<1x16xf32>,
          %get3A_165 = vector.shape_cast %get3A_164 : vector<1x16xf32> to vector<16xf32>
          %add3A_166 = arith.addf %get3A_161, %get3A_165 : vector<16xf32>
          %max3A_167 = arith.constant 0.000000e+00 : f32
          %max3A_168 = vector.broadcast %max3A_167 : f32 to vector<16xf32>
          %max3A_169 = arith.maximumf %add3A_166, %max3A_168 : vector<16xf32>
          %swap3A_170 = arith.index_cast %scan3A_70 : i32 to index
          %swap3A_171 = arith.constant 48 : index
          %swap3A_172 = tpu.vector_load %arg18[%swap3A_170, %swap3A_171] {strides = array<i32>} : memref<128x128xf32, #tpu.memory_space<vmem>>, vector<1x16xf32>,
          %swap3A_173 = vector.shape_cast %swap3A_172 : vector<1x16xf32> to vector<16xf32>
          %swap3A_174 = vector.shape_cast %max3A_169 : vector<16xf32> to vector<1x16xf32>
          tpu.vector_store %arg18[%swap3A_170, %swap3A_171], %swap3A_174 {strides = array<i32>} : memref<128x128xf32, #tpu.memory_space<vmem>>, vector<1x16xf32>,
          %get3A_175 = arith.index_cast %scan3A_70 : i32 to index
          %get3A_176 = arith.constant 48 : index
          %get3A_177 = tpu.vector_load %arg12[%get3A_175, %get3A_176] {strides = array<i32>} : memref<128x128xf32, #tpu.memory_space<vmem>>, vector<1x16xf32>,
          %get3A_178 = vector.shape_cast %get3A_177 : vector<1x16xf32> to vector<16xf32>
          %add3A_179 = arith.addf %get3A_161, %get3A_178 : vector<16xf32>
          %max3A_180 = arith.constant 0.000000e+00 : f32
          %max3A_181 = vector.broadcast %max3A_180 : f32 to vector<16xf32>
          %max3A_182 = arith.maximumf %add3A_179, %max3A_181 : vector<16xf32>
          %swap3A_183 = arith.index_cast %scan3A_70 : i32 to index
          %swap3A_184 = arith.constant 48 : index
          %swap3A_185 = tpu.vector_load %arg19[%swap3A_183, %swap3A_184] {strides = array<i32>} : memref<128x128xf32, #tpu.memory_space<vmem>>, vector<1x16xf32>,
          %swap3A_186 = vector.shape_cast %swap3A_185 : vector<1x16xf32> to vector<16xf32>
          %swap3A_187 = vector.shape_cast %max3A_182 : vector<16xf32> to vector<1x16xf32>
          tpu.vector_store %arg19[%swap3A_183, %swap3A_184], %swap3A_187 {strides = array<i32>} : memref<128x128xf32, #tpu.memory_space<vmem>>, vector<1x16xf32>,
          %get3A_188 = arith.index_cast %scan3A_70 : i32 to index
          %get3A_189 = arith.constant 64 : index
          %get3A_190 = tpu.vector_load %arg17[%get3A_188, %get3A_189] {strides = array<i32>} : memref<128x128xf32, #tpu.memory_space<vmem>>, vector<1x16xf32>,
          %get3A_191 = vector.shape_cast %get3A_190 : vector<1x16xf32> to vector<16xf32>
          %get3A_192 = arith.index_cast %scan3A_70 : i32 to index
          %get3A_193 = arith.constant 64 : index
          %get3A_194 = tpu.vector_load %arg11[%get3A_192, %get3A_193] {strides = array<i32>} : memref<128x128xf32, #tpu.memory_space<vmem>>, vector<1x16xf32>,
          %get3A_195 = vector.shape_cast %get3A_194 : vector<1x16xf32> to vector<16xf32>
          %add3A_196 = arith.addf %get3A_191, %get3A_195 : vector<16xf32>
          %max3A_197 = arith.constant 0.000000e+00 : f32
          %max3A_198 = vector.broadcast %max3A_197 : f32 to vector<16xf32>
          %max3A_199 = arith.maximumf %add3A_196, %max3A_198 : vector<16xf32>
          %swap3A_200 = arith.index_cast %scan3A_70 : i32 to index
          %swap3A_201 = arith.constant 64 : index
          %swap3A_202 = tpu.vector_load %arg18[%swap3A_200, %swap3A_201] {strides = array<i32>} : memref<128x128xf32, #tpu.memory_space<vmem>>, vector<1x16xf32>,
          %swap3A_203 = vector.shape_cast %swap3A_202 : vector<1x16xf32> to vector<16xf32>
          %swap3A_204 = vector.shape_cast %max3A_199 : vector<16xf32> to vector<1x16xf32>
          tpu.vector_store %arg18[%swap3A_200, %swap3A_201], %swap3A_204 {strides = array<i32>} : memref<128x128xf32, #tpu.memory_space<vmem>>, vector<1x16xf32>,
          %get3A_205 = arith.index_cast %scan3A_70 : i32 to index
          %get3A_206 = arith.constant 64 : index
          %get3A_207 = tpu.vector_load %arg12[%get3A_205, %get3A_206] {strides = array<i32>} : memref<128x128xf32, #tpu.memory_space<vmem>>, vector<1x16xf32>,
          %get3A_208 = vector.shape_cast %get3A_207 : vector<1x16xf32> to vector<16xf32>
          %add3A_209 = arith.addf %get3A_191, %get3A_208 : vector<16xf32>
          %max3A_210 = arith.constant 0.000000e+00 : f32
          %max3A_211 = vector.broadcast %max3A_210 : f32 to vector<16xf32>
          %max3A_212 = arith.maximumf %add3A_209, %max3A_211 : vector<16xf32>
          %swap3A_213 = arith.index_cast %scan3A_70 : i32 to index
          %swap3A_214 = arith.constant 64 : index
          %swap3A_215 = tpu.vector_load %arg19[%swap3A_213, %swap3A_214] {strides = array<i32>} : memref<128x128xf32, #tpu.memory_space<vmem>>, vector<1x16xf32>,
          %swap3A_216 = vector.shape_cast %swap3A_215 : vector<1x16xf32> to vector<16xf32>
          %swap3A_217 = vector.shape_cast %max3A_212 : vector<16xf32> to vector<1x16xf32>
          tpu.vector_store %arg19[%swap3A_213, %swap3A_214], %swap3A_217 {strides = array<i32>} : memref<128x128xf32, #tpu.memory_space<vmem>>, vector<1x16xf32>,
          %get3A_218 = arith.index_cast %scan3A_70 : i32 to index
          %get3A_219 = arith.constant 80 : index
          %get3A_220 = tpu.vector_load %arg17[%get3A_218, %get3A_219] {strides = array<i32>} : memref<128x128xf32, #tpu.memory_space<vmem>>, vector<1x16xf32>,
          %get3A_221 = vector.shape_cast %get3A_220 : vector<1x16xf32> to vector<16xf32>
          %get3A_222 = arith.index_cast %scan3A_70 : i32 to index
          %get3A_223 = arith.constant 80 : index
          %get3A_224 = tpu.vector_load %arg11[%get3A_222, %get3A_223] {strides = array<i32>} : memref<128x128xf32, #tpu.memory_space<vmem>>, vector<1x16xf32>,
          %get3A_225 = vector.shape_cast %get3A_224 : vector<1x16xf32> to vector<16xf32>
          %add3A_226 = arith.addf %get3A_221, %get3A_225 : vector<16xf32>
          %max3A_227 = arith.constant 0.000000e+00 : f32
          %max3A_228 = vector.broadcast %max3A_227 : f32 to vector<16xf32>
          %max3A_229 = arith.maximumf %add3A_226, %max3A_228 : vector<16xf32>
          %swap3A_230 = arith.index_cast %scan3A_70 : i32 to index
          %swap3A_231 = arith.constant 80 : index
          %swap3A_232 = tpu.vector_load %arg18[%swap3A_230, %swap3A_231] {strides = array<i32>} : memref<128x128xf32, #tpu.memory_space<vmem>>, vector<1x16xf32>,
          %swap3A_233 = vector.shape_cast %swap3A_232 : vector<1x16xf32> to vector<16xf32>
          %swap3A_234 = vector.shape_cast %max3A_229 : vector<16xf32> to vector<1x16xf32>
          tpu.vector_store %arg18[%swap3A_230, %swap3A_231], %swap3A_234 {strides = array<i32>} : memref<128x128xf32, #tpu.memory_space<vmem>>, vector<1x16xf32>,
          %get3A_235 = arith.index_cast %scan3A_70 : i32 to index
          %get3A_236 = arith.constant 80 : index
          %get3A_237 = tpu.vector_load %arg12[%get3A_235, %get3A_236] {strides = array<i32>} : memref<128x128xf32, #tpu.memory_space<vmem>>, vector<1x16xf32>,
          %get3A_238 = vector.shape_cast %get3A_237 : vector<1x16xf32> to vector<16xf32>
          %add3A_239 = arith.addf %get3A_221, %get3A_238 : vector<16xf32>
          %max3A_240 = arith.constant 0.000000e+00 : f32
          %max3A_241 = vector.broadcast %max3A_240 : f32 to vector<16xf32>
          %max3A_242 = arith.maximumf %add3A_239, %max3A_241 : vector<16xf32>
          %swap3A_243 = arith.index_cast %scan3A_70 : i32 to index
          %swap3A_244 = arith.constant 80 : index
          %swap3A_245 = tpu.vector_load %arg19[%swap3A_243, %swap3A_244] {strides = array<i32>} : memref<128x128xf32, #tpu.memory_space<vmem>>, vector<1x16xf32>,
          %swap3A_246 = vector.shape_cast %swap3A_245 : vector<1x16xf32> to vector<16xf32>
          %swap3A_247 = vector.shape_cast %max3A_242 : vector<16xf32> to vector<1x16xf32>
          tpu.vector_store %arg19[%swap3A_243, %swap3A_244], %swap3A_247 {strides = array<i32>} : memref<128x128xf32, #tpu.memory_space<vmem>>, vector<1x16xf32>,
          %get3A_248 = arith.index_cast %scan3A_70 : i32 to index
          %get3A_249 = arith.constant 96 : index
          %get3A_250 = tpu.vector_load %arg17[%get3A_248, %get3A_249] {strides = array<i32>} : memref<128x128xf32, #tpu.memory_space<vmem>>, vector<1x16xf32>,
          %get3A_251 = vector.shape_cast %get3A_250 : vector<1x16xf32> to vector<16xf32>
          %get3A_252 = arith.index_cast %scan3A_70 : i32 to index
          %get3A_253 = arith.constant 96 : index
          %get3A_254 = tpu.vector_load %arg11[%get3A_252, %get3A_253] {strides = array<i32>} : memref<128x128xf32, #tpu.memory_space<vmem>>, vector<1x16xf32>,
          %get3A_255 = vector.shape_cast %get3A_254 : vector<1x16xf32> to vector<16xf32>
          %add3A_256 = arith.addf %get3A_251, %get3A_255 : vector<16xf32>
          %max3A_257 = arith.constant 0.000000e+00 : f32
          %max3A_258 = vector.broadcast %max3A_257 : f32 to vector<16xf32>
          %max3A_259 = arith.maximumf %add3A_256, %max3A_258 : vector<16xf32>
          %swap3A_260 = arith.index_cast %scan3A_70 : i32 to index
          %swap3A_261 = arith.constant 96 : index
          %swap3A_262 = tpu.vector_load %arg18[%swap3A_260, %swap3A_261] {strides = array<i32>} : memref<128x128xf32, #tpu.memory_space<vmem>>, vector<1x16xf32>,
          %swap3A_263 = vector.shape_cast %swap3A_262 : vector<1x16xf32> to vector<16xf32>
          %swap3A_264 = vector.shape_cast %max3A_259 : vector<16xf32> to vector<1x16xf32>
          tpu.vector_store %arg18[%swap3A_260, %swap3A_261], %swap3A_264 {strides = array<i32>} : memref<128x128xf32, #tpu.memory_space<vmem>>, vector<1x16xf32>,
          %get3A_265 = arith.index_cast %scan3A_70 : i32 to index
          %get3A_266 = arith.constant 96 : index
          %get3A_267 = tpu.vector_load %arg12[%get3A_265, %get3A_266] {strides = array<i32>} : memref<128x128xf32, #tpu.memory_space<vmem>>, vector<1x16xf32>,
          %get3A_268 = vector.shape_cast %get3A_267 : vector<1x16xf32> to vector<16xf32>
          %add3A_269 = arith.addf %get3A_251, %get3A_268 : vector<16xf32>
          %max3A_270 = arith.constant 0.000000e+00 : f32
          %max3A_271 = vector.broadcast %max3A_270 : f32 to vector<16xf32>
          %max3A_272 = arith.maximumf %add3A_269, %max3A_271 : vector<16xf32>
          %swap3A_273 = arith.index_cast %scan3A_70 : i32 to index
          %swap3A_274 = arith.constant 96 : index
          %swap3A_275 = tpu.vector_load %arg19[%swap3A_273, %swap3A_274] {strides = array<i32>} : memref<128x128xf32, #tpu.memory_space<vmem>>, vector<1x16xf32>,
          %swap3A_276 = vector.shape_cast %swap3A_275 : vector<1x16xf32> to vector<16xf32>
          %swap3A_277 = vector.shape_cast %max3A_272 : vector<16xf32> to vector<1x16xf32>
          tpu.vector_store %arg19[%swap3A_273, %swap3A_274], %swap3A_277 {strides = array<i32>} : memref<128x128xf32, #tpu.memory_space<vmem>>, vector<1x16xf32>,
          %get3A_278 = arith.index_cast %scan3A_70 : i32 to index
          %get3A_279 = arith.constant 112 : index
          %get3A_280 = tpu.vector_load %arg17[%get3A_278, %get3A_279] {strides = array<i32>} : memref<128x128xf32, #tpu.memory_space<vmem>>, vector<1x16xf32>,
          %get3A_281 = vector.shape_cast %get3A_280 : vector<1x16xf32> to vector<16xf32>
          %get3A_282 = arith.index_cast %scan3A_70 : i32 to index
          %get3A_283 = arith.constant 112 : index
          %get3A_284 = tpu.vector_load %arg11[%get3A_282, %get3A_283] {strides = array<i32>} : memref<128x128xf32, #tpu.memory_space<vmem>>, vector<1x16xf32>,
          %get3A_285 = vector.shape_cast %get3A_284 : vector<1x16xf32> to vector<16xf32>
          %add3A_286 = arith.addf %get3A_281, %get3A_285 : vector<16xf32>
          %max3A_287 = arith.constant 0.000000e+00 : f32
          %max3A_288 = vector.broadcast %max3A_287 : f32 to vector<16xf32>
          %max3A_289 = arith.maximumf %add3A_286, %max3A_288 : vector<16xf32>
          %swap3A_290 = arith.index_cast %scan3A_70 : i32 to index
          %swap3A_291 = arith.constant 112 : index
          %swap3A_292 = tpu.vector_load %arg18[%swap3A_290, %swap3A_291] {strides = array<i32>} : memref<128x128xf32, #tpu.memory_space<vmem>>, vector<1x16xf32>,
          %swap3A_293 = vector.shape_cast %swap3A_292 : vector<1x16xf32> to vector<16xf32>
          %swap3A_294 = vector.shape_cast %max3A_289 : vector<16xf32> to vector<1x16xf32>
          tpu.vector_store %arg18[%swap3A_290, %swap3A_291], %swap3A_294 {strides = array<i32>} : memref<128x128xf32, #tpu.memory_space<vmem>>, vector<1x16xf32>,
          %get3A_295 = arith.index_cast %scan3A_70 : i32 to index
          %get3A_296 = arith.constant 112 : index
          %get3A_297 = tpu.vector_load %arg12[%get3A_295, %get3A_296] {strides = array<i32>} : memref<128x128xf32, #tpu.memory_space<vmem>>, vector<1x16xf32>,
          %get3A_298 = vector.shape_cast %get3A_297 : vector<1x16xf32> to vector<16xf32>
          %add3A_299 = arith.addf %get3A_281, %get3A_298 : vector<16xf32>
          %max3A_300 = arith.constant 0.000000e+00 : f32
          %max3A_301 = vector.broadcast %max3A_300 : f32 to vector<16xf32>
          %max3A_302 = arith.maximumf %add3A_299, %max3A_301 : vector<16xf32>
          %swap3A_303 = arith.index_cast %scan3A_70 : i32 to index
          %swap3A_304 = arith.constant 112 : index
          %swap3A_305 = tpu.vector_load %arg19[%swap3A_303, %swap3A_304] {strides = array<i32>} : memref<128x128xf32, #tpu.memory_space<vmem>>, vector<1x16xf32>,
          %swap3A_306 = vector.shape_cast %swap3A_305 : vector<1x16xf32> to vector<16xf32>
          %swap3A_307 = vector.shape_cast %max3A_302 : vector<16xf32> to vector<1x16xf32>
          tpu.vector_store %arg19[%swap3A_303, %swap3A_304], %swap3A_307 {strides = array<i32>} : memref<128x128xf32, #tpu.memory_space<vmem>>, vector<1x16xf32>,
        }
        %scan3A_65 = arith.constant 128 : i32
        %mul3A_66 = arith.constant 128 : i32
        %mul3A_67 = arith.muli %add3A_34, %mul3A_66 : i32
        "tpu.region"() ({
          %run_scoped3A = tpu.sem_alloc : memref<!tpu.dma_semaphore, #tpu.memory_space<semaphore_mem>>
          %dma_start3A_70 = arith.constant 0 : i32
          %dma_start3A_71 = tpu.memref_slice %arg7[%mul3A_67, %dma_start3A_70] : memref<320000x128xf32, #tpu.memory_space<hbm>> -> memref<128x128xf32, #tpu.memory_space<hbm>>
          %dma_start3A_72 = arith.constant 0 : i32
          %dma_start3A_73 = tpu.memref_slice %arg7[%mul3A_67, %dma_start3A_72] : memref<320000x128xf32, #tpu.memory_space<hbm>> -> memref<128x128xf32, #tpu.memory_space<hbm>>
          tpu.enqueue_dma source(%arg18 : memref<128x128xf32, #tpu.memory_space<vmem>>) target(%dma_start3A_73 : memref<128x128xf32, #tpu.memory_space<hbm>>) target_semaphore(%run_scoped3A : memref<!tpu.dma_semaphore, #tpu.memory_space<semaphore_mem>>)
          %dma_wait3A_74 = arith.constant 0 : i32
          %dma_wait3A_75 = tpu.memref_slice %arg7[%mul3A_67, %dma_wait3A_74] : memref<320000x128xf32, #tpu.memory_space<hbm>> -> memref<128x128xf32, #tpu.memory_space<hbm>>
          %dma_wait3A_76 = arith.constant 0 : i32
          %dma_wait3A_77 = tpu.memref_slice %arg7[%mul3A_67, %dma_wait3A_76] : memref<320000x128xf32, #tpu.memory_space<hbm>> -> memref<128x128xf32, #tpu.memory_space<hbm>>
          tpu.wait_dma2 semaphore(%run_scoped3A : memref<!tpu.dma_semaphore, #tpu.memory_space<semaphore_mem>>) src(%arg18 : memref<128x128xf32, #tpu.memory_space<vmem>>) dst(%dma_wait3A_77 : memref<128x128xf32, #tpu.memory_space<hbm>>)
          tpu.yield
        }) : () -> ()
        %mul3A_68 = arith.constant 128 : i32
        %mul3A_69 = arith.muli %add3A_34, %mul3A_68 : i32
        "tpu.region"() ({
          %run_scoped3A = tpu.sem_alloc : memref<!tpu.dma_semaphore, #tpu.memory_space<semaphore_mem>>
          %dma_start3A_70 = arith.constant 0 : i32
          %dma_start3A_71 = tpu.memref_slice %arg8[%mul3A_69, %dma_start3A_70] : memref<320000x128xf32, #tpu.memory_space<hbm>> -> memref<128x128xf32, #tpu.memory_space<hbm>>
          %dma_start3A_72 = arith.constant 0 : i32
          %dma_start3A_73 = tpu.memref_slice %arg8[%mul3A_69, %dma_start3A_72] : memref<320000x128xf32, #tpu.memory_space<hbm>> -> memref<128x128xf32, #tpu.memory_space<hbm>>
          tpu.enqueue_dma source(%arg19 : memref<128x128xf32, #tpu.memory_space<vmem>>) target(%dma_start3A_73 : memref<128x128xf32, #tpu.memory_space<hbm>>) target_semaphore(%run_scoped3A : memref<!tpu.dma_semaphore, #tpu.memory_space<semaphore_mem>>)
          %dma_wait3A_74 = arith.constant 0 : i32
          %dma_wait3A_75 = tpu.memref_slice %arg8[%mul3A_69, %dma_wait3A_74] : memref<320000x128xf32, #tpu.memory_space<hbm>> -> memref<128x128xf32, #tpu.memory_space<hbm>>
          %dma_wait3A_76 = arith.constant 0 : i32
          %dma_wait3A_77 = tpu.memref_slice %arg8[%mul3A_69, %dma_wait3A_76] : memref<320000x128xf32, #tpu.memory_space<hbm>> -> memref<128x128xf32, #tpu.memory_space<hbm>>
          tpu.wait_dma2 semaphore(%run_scoped3A : memref<!tpu.dma_semaphore, #tpu.memory_space<semaphore_mem>>) src(%arg19 : memref<128x128xf32, #tpu.memory_space<vmem>>) dst(%dma_wait3A_77 : memref<128x128xf32, #tpu.memory_space<hbm>>)
          tpu.yield
        }) : () -> ()
      } else {
      }
      %mul3A_40 = arith.constant 2 : i32
      %mul3A_41 = arith.muli %mul3A_40, %scan3A_6 : i32
      %add3A_42 = arith.constant 1 : i32
      %add3A_43 = arith.addi %mul3A_41, %add3A_42 : i32
      %mul3A_44 = arith.constant 32 : i32
      %mul3A_45 = arith.muli %add3A_43, %mul3A_44 : i32
      %add3A_46 = arith.addi %add3A, %mul3A_45 : i32
      %lt3A_47 = arith.constant 2500 : i32
      %lt3A_48 = arith.cmpi slt, %add3A_46, %lt3A_47 : i32
      %convert_element_type3A_49 = arith.extui %lt3A_48 : i1 to i32
      %cond3A_50 = arith.constant 0 : i32
      %cond3A_51 = arith.cmpi ne, %convert_element_type3A_49, %cond3A_50 : i32
      scf.if %cond3A_51 {
        %mul3A_52 = arith.constant 128 : i32
        %mul3A_53 = arith.muli %add3A_46, %mul3A_52 : i32
        %dma_start3A = arith.constant 0 : i32
        %dma_start3A_54 = tpu.memref_slice %arg4[%mul3A_53, %dma_start3A] : memref<320000x128xf32, #tpu.memory_space<hbm>> -> memref<128x128xf32, #tpu.memory_space<hbm>>
        %dma_start3A_55 = arith.constant 0 : i32
        %dma_start3A_56 = tpu.memref_slice %arg4[%mul3A_53, %dma_start3A_55] : memref<320000x128xf32, #tpu.memory_space<hbm>> -> memref<128x128xf32, #tpu.memory_space<hbm>>
        tpu.enqueue_dma source(%dma_start3A_56 : memref<128x128xf32, #tpu.memory_space<hbm>>) target(%arg17 : memref<128x128xf32, #tpu.memory_space<vmem>>) target_semaphore(%arg24 : memref<!tpu.dma_semaphore, #tpu.memory_space<semaphore_mem>>)
        tpu.wait_dma2 semaphore(%arg22 : memref<!tpu.dma_semaphore, #tpu.memory_space<semaphore_mem>>) src(%arg2 : memref<10000x128xf32, #tpu.memory_space<hbm>>) dst(%arg15 : memref<128x128xf32, #tpu.memory_space<vmem>>)
        tpu.wait_dma2 semaphore(%arg23 : memref<!tpu.dma_semaphore, #tpu.memory_space<semaphore_mem>>) src(%arg3 : memref<10000x128xf32, #tpu.memory_space<hbm>>) dst(%arg16 : memref<128x128xf32, #tpu.memory_space<vmem>>)
        %dma_wait3A = arith.constant 0 : i32
        %dma_wait3A_57 = tpu.memref_slice %arg4[%mul3A_53, %dma_wait3A] : memref<320000x128xf32, #tpu.memory_space<hbm>> -> memref<128x128xf32, #tpu.memory_space<hbm>>
        %dma_wait3A_58 = arith.constant 0 : i32
        %dma_wait3A_59 = tpu.memref_slice %arg4[%mul3A_53, %dma_wait3A_58] : memref<320000x128xf32, #tpu.memory_space<hbm>> -> memref<128x128xf32, #tpu.memory_space<hbm>>
        tpu.wait_dma2 semaphore(%arg24 : memref<!tpu.dma_semaphore, #tpu.memory_space<semaphore_mem>>) src(%dma_wait3A_59 : memref<128x128xf32, #tpu.memory_space<hbm>>) dst(%arg17 : memref<128x128xf32, #tpu.memory_space<vmem>>)
        %scan3A_60 = arith.constant 0 : i32
        %scan3A_61 = arith.constant 0 : i32
        %scan3A_62 = arith.constant 128 : i32
        %scan3A_63 = arith.addi %scan3A_61, %scan3A_62 : i32
        %scan3A_64 = arith.constant 1 : i32
        scf.for %scan3A_70 = %scan3A_61 to %scan3A_63 step %scan3A_64  : i32 {
          %get3A = arith.index_cast %scan3A_70 : i32 to index
          %get3A_71 = arith.constant 0 : index
          %get3A_72 = tpu.vector_load %arg17[%get3A, %get3A_71] {strides = array<i32>} : memref<128x128xf32, #tpu.memory_space<vmem>>, vector<1x16xf32>,
          %get3A_73 = vector.shape_cast %get3A_72 : vector<1x16xf32> to vector<16xf32>
          %get3A_74 = arith.index_cast %scan3A_70 : i32 to index
          %get3A_75 = arith.constant 0 : index
          %get3A_76 = tpu.vector_load %arg15[%get3A_74, %get3A_75] {strides = array<i32>} : memref<128x128xf32, #tpu.memory_space<vmem>>, vector<1x16xf32>,
          %get3A_77 = vector.shape_cast %get3A_76 : vector<1x16xf32> to vector<16xf32>
          %add3A_78 = arith.addf %get3A_73, %get3A_77 : vector<16xf32>
          %max3A = arith.constant 0.000000e+00 : f32
          %max3A_79 = vector.broadcast %max3A : f32 to vector<16xf32>
          %max3A_80 = arith.maximumf %add3A_78, %max3A_79 : vector<16xf32>
          %swap3A = arith.index_cast %scan3A_70 : i32 to index
          %swap3A_81 = arith.constant 0 : index
          %swap3A_82 = tpu.vector_load %arg18[%swap3A, %swap3A_81] {strides = array<i32>} : memref<128x128xf32, #tpu.memory_space<vmem>>, vector<1x16xf32>,
          %swap3A_83 = vector.shape_cast %swap3A_82 : vector<1x16xf32> to vector<16xf32>
          %swap3A_84 = vector.shape_cast %max3A_80 : vector<16xf32> to vector<1x16xf32>
          tpu.vector_store %arg18[%swap3A, %swap3A_81], %swap3A_84 {strides = array<i32>} : memref<128x128xf32, #tpu.memory_space<vmem>>, vector<1x16xf32>,
          %get3A_85 = arith.index_cast %scan3A_70 : i32 to index
          %get3A_86 = arith.constant 0 : index
          %get3A_87 = tpu.vector_load %arg16[%get3A_85, %get3A_86] {strides = array<i32>} : memref<128x128xf32, #tpu.memory_space<vmem>>, vector<1x16xf32>,
          %get3A_88 = vector.shape_cast %get3A_87 : vector<1x16xf32> to vector<16xf32>
          %add3A_89 = arith.addf %get3A_73, %get3A_88 : vector<16xf32>
          %max3A_90 = arith.constant 0.000000e+00 : f32
          %max3A_91 = vector.broadcast %max3A_90 : f32 to vector<16xf32>
          %max3A_92 = arith.maximumf %add3A_89, %max3A_91 : vector<16xf32>
          %swap3A_93 = arith.index_cast %scan3A_70 : i32 to index
          %swap3A_94 = arith.constant 0 : index
          %swap3A_95 = tpu.vector_load %arg19[%swap3A_93, %swap3A_94] {strides = array<i32>} : memref<128x128xf32, #tpu.memory_space<vmem>>, vector<1x16xf32>,
          %swap3A_96 = vector.shape_cast %swap3A_95 : vector<1x16xf32> to vector<16xf32>
          %swap3A_97 = vector.shape_cast %max3A_92 : vector<16xf32> to vector<1x16xf32>
          tpu.vector_store %arg19[%swap3A_93, %swap3A_94], %swap3A_97 {strides = array<i32>} : memref<128x128xf32, #tpu.memory_space<vmem>>, vector<1x16xf32>,
          %get3A_98 = arith.index_cast %scan3A_70 : i32 to index
          %get3A_99 = arith.constant 16 : index
          %get3A_100 = tpu.vector_load %arg17[%get3A_98, %get3A_99] {strides = array<i32>} : memref<128x128xf32, #tpu.memory_space<vmem>>, vector<1x16xf32>,
          %get3A_101 = vector.shape_cast %get3A_100 : vector<1x16xf32> to vector<16xf32>
          %get3A_102 = arith.index_cast %scan3A_70 : i32 to index
          %get3A_103 = arith.constant 16 : index
          %get3A_104 = tpu.vector_load %arg15[%get3A_102, %get3A_103] {strides = array<i32>} : memref<128x128xf32, #tpu.memory_space<vmem>>, vector<1x16xf32>,
          %get3A_105 = vector.shape_cast %get3A_104 : vector<1x16xf32> to vector<16xf32>
          %add3A_106 = arith.addf %get3A_101, %get3A_105 : vector<16xf32>
          %max3A_107 = arith.constant 0.000000e+00 : f32
          %max3A_108 = vector.broadcast %max3A_107 : f32 to vector<16xf32>
          %max3A_109 = arith.maximumf %add3A_106, %max3A_108 : vector<16xf32>
          %swap3A_110 = arith.index_cast %scan3A_70 : i32 to index
          %swap3A_111 = arith.constant 16 : index
          %swap3A_112 = tpu.vector_load %arg18[%swap3A_110, %swap3A_111] {strides = array<i32>} : memref<128x128xf32, #tpu.memory_space<vmem>>, vector<1x16xf32>,
          %swap3A_113 = vector.shape_cast %swap3A_112 : vector<1x16xf32> to vector<16xf32>
          %swap3A_114 = vector.shape_cast %max3A_109 : vector<16xf32> to vector<1x16xf32>
          tpu.vector_store %arg18[%swap3A_110, %swap3A_111], %swap3A_114 {strides = array<i32>} : memref<128x128xf32, #tpu.memory_space<vmem>>, vector<1x16xf32>,
          %get3A_115 = arith.index_cast %scan3A_70 : i32 to index
          %get3A_116 = arith.constant 16 : index
          %get3A_117 = tpu.vector_load %arg16[%get3A_115, %get3A_116] {strides = array<i32>} : memref<128x128xf32, #tpu.memory_space<vmem>>, vector<1x16xf32>,
          %get3A_118 = vector.shape_cast %get3A_117 : vector<1x16xf32> to vector<16xf32>
          %add3A_119 = arith.addf %get3A_101, %get3A_118 : vector<16xf32>
          %max3A_120 = arith.constant 0.000000e+00 : f32
          %max3A_121 = vector.broadcast %max3A_120 : f32 to vector<16xf32>
          %max3A_122 = arith.maximumf %add3A_119, %max3A_121 : vector<16xf32>
          %swap3A_123 = arith.index_cast %scan3A_70 : i32 to index
          %swap3A_124 = arith.constant 16 : index
          %swap3A_125 = tpu.vector_load %arg19[%swap3A_123, %swap3A_124] {strides = array<i32>} : memref<128x128xf32, #tpu.memory_space<vmem>>, vector<1x16xf32>,
          %swap3A_126 = vector.shape_cast %swap3A_125 : vector<1x16xf32> to vector<16xf32>
          %swap3A_127 = vector.shape_cast %max3A_122 : vector<16xf32> to vector<1x16xf32>
          tpu.vector_store %arg19[%swap3A_123, %swap3A_124], %swap3A_127 {strides = array<i32>} : memref<128x128xf32, #tpu.memory_space<vmem>>, vector<1x16xf32>,
          %get3A_128 = arith.index_cast %scan3A_70 : i32 to index
          %get3A_129 = arith.constant 32 : index
          %get3A_130 = tpu.vector_load %arg17[%get3A_128, %get3A_129] {strides = array<i32>} : memref<128x128xf32, #tpu.memory_space<vmem>>, vector<1x16xf32>,
          %get3A_131 = vector.shape_cast %get3A_130 : vector<1x16xf32> to vector<16xf32>
          %get3A_132 = arith.index_cast %scan3A_70 : i32 to index
          %get3A_133 = arith.constant 32 : index
          %get3A_134 = tpu.vector_load %arg15[%get3A_132, %get3A_133] {strides = array<i32>} : memref<128x128xf32, #tpu.memory_space<vmem>>, vector<1x16xf32>,
          %get3A_135 = vector.shape_cast %get3A_134 : vector<1x16xf32> to vector<16xf32>
          %add3A_136 = arith.addf %get3A_131, %get3A_135 : vector<16xf32>
          %max3A_137 = arith.constant 0.000000e+00 : f32
          %max3A_138 = vector.broadcast %max3A_137 : f32 to vector<16xf32>
          %max3A_139 = arith.maximumf %add3A_136, %max3A_138 : vector<16xf32>
          %swap3A_140 = arith.index_cast %scan3A_70 : i32 to index
          %swap3A_141 = arith.constant 32 : index
          %swap3A_142 = tpu.vector_load %arg18[%swap3A_140, %swap3A_141] {strides = array<i32>} : memref<128x128xf32, #tpu.memory_space<vmem>>, vector<1x16xf32>,
          %swap3A_143 = vector.shape_cast %swap3A_142 : vector<1x16xf32> to vector<16xf32>
          %swap3A_144 = vector.shape_cast %max3A_139 : vector<16xf32> to vector<1x16xf32>
          tpu.vector_store %arg18[%swap3A_140, %swap3A_141], %swap3A_144 {strides = array<i32>} : memref<128x128xf32, #tpu.memory_space<vmem>>, vector<1x16xf32>,
          %get3A_145 = arith.index_cast %scan3A_70 : i32 to index
          %get3A_146 = arith.constant 32 : index
          %get3A_147 = tpu.vector_load %arg16[%get3A_145, %get3A_146] {strides = array<i32>} : memref<128x128xf32, #tpu.memory_space<vmem>>, vector<1x16xf32>,
          %get3A_148 = vector.shape_cast %get3A_147 : vector<1x16xf32> to vector<16xf32>
          %add3A_149 = arith.addf %get3A_131, %get3A_148 : vector<16xf32>
          %max3A_150 = arith.constant 0.000000e+00 : f32
          %max3A_151 = vector.broadcast %max3A_150 : f32 to vector<16xf32>
          %max3A_152 = arith.maximumf %add3A_149, %max3A_151 : vector<16xf32>
          %swap3A_153 = arith.index_cast %scan3A_70 : i32 to index
          %swap3A_154 = arith.constant 32 : index
          %swap3A_155 = tpu.vector_load %arg19[%swap3A_153, %swap3A_154] {strides = array<i32>} : memref<128x128xf32, #tpu.memory_space<vmem>>, vector<1x16xf32>,
          %swap3A_156 = vector.shape_cast %swap3A_155 : vector<1x16xf32> to vector<16xf32>
          %swap3A_157 = vector.shape_cast %max3A_152 : vector<16xf32> to vector<1x16xf32>
          tpu.vector_store %arg19[%swap3A_153, %swap3A_154], %swap3A_157 {strides = array<i32>} : memref<128x128xf32, #tpu.memory_space<vmem>>, vector<1x16xf32>,
          %get3A_158 = arith.index_cast %scan3A_70 : i32 to index
          %get3A_159 = arith.constant 48 : index
          %get3A_160 = tpu.vector_load %arg17[%get3A_158, %get3A_159] {strides = array<i32>} : memref<128x128xf32, #tpu.memory_space<vmem>>, vector<1x16xf32>,
          %get3A_161 = vector.shape_cast %get3A_160 : vector<1x16xf32> to vector<16xf32>
          %get3A_162 = arith.index_cast %scan3A_70 : i32 to index
          %get3A_163 = arith.constant 48 : index
          %get3A_164 = tpu.vector_load %arg15[%get3A_162, %get3A_163] {strides = array<i32>} : memref<128x128xf32, #tpu.memory_space<vmem>>, vector<1x16xf32>,
          %get3A_165 = vector.shape_cast %get3A_164 : vector<1x16xf32> to vector<16xf32>
          %add3A_166 = arith.addf %get3A_161, %get3A_165 : vector<16xf32>
          %max3A_167 = arith.constant 0.000000e+00 : f32
          %max3A_168 = vector.broadcast %max3A_167 : f32 to vector<16xf32>
          %max3A_169 = arith.maximumf %add3A_166, %max3A_168 : vector<16xf32>
          %swap3A_170 = arith.index_cast %scan3A_70 : i32 to index
          %swap3A_171 = arith.constant 48 : index
          %swap3A_172 = tpu.vector_load %arg18[%swap3A_170, %swap3A_171] {strides = array<i32>} : memref<128x128xf32, #tpu.memory_space<vmem>>, vector<1x16xf32>,
          %swap3A_173 = vector.shape_cast %swap3A_172 : vector<1x16xf32> to vector<16xf32>
          %swap3A_174 = vector.shape_cast %max3A_169 : vector<16xf32> to vector<1x16xf32>
          tpu.vector_store %arg18[%swap3A_170, %swap3A_171], %swap3A_174 {strides = array<i32>} : memref<128x128xf32, #tpu.memory_space<vmem>>, vector<1x16xf32>,
          %get3A_175 = arith.index_cast %scan3A_70 : i32 to index
          %get3A_176 = arith.constant 48 : index
          %get3A_177 = tpu.vector_load %arg16[%get3A_175, %get3A_176] {strides = array<i32>} : memref<128x128xf32, #tpu.memory_space<vmem>>, vector<1x16xf32>,
          %get3A_178 = vector.shape_cast %get3A_177 : vector<1x16xf32> to vector<16xf32>
          %add3A_179 = arith.addf %get3A_161, %get3A_178 : vector<16xf32>
          %max3A_180 = arith.constant 0.000000e+00 : f32
          %max3A_181 = vector.broadcast %max3A_180 : f32 to vector<16xf32>
          %max3A_182 = arith.maximumf %add3A_179, %max3A_181 : vector<16xf32>
          %swap3A_183 = arith.index_cast %scan3A_70 : i32 to index
          %swap3A_184 = arith.constant 48 : index
          %swap3A_185 = tpu.vector_load %arg19[%swap3A_183, %swap3A_184] {strides = array<i32>} : memref<128x128xf32, #tpu.memory_space<vmem>>, vector<1x16xf32>,
          %swap3A_186 = vector.shape_cast %swap3A_185 : vector<1x16xf32> to vector<16xf32>
          %swap3A_187 = vector.shape_cast %max3A_182 : vector<16xf32> to vector<1x16xf32>
          tpu.vector_store %arg19[%swap3A_183, %swap3A_184], %swap3A_187 {strides = array<i32>} : memref<128x128xf32, #tpu.memory_space<vmem>>, vector<1x16xf32>,
          %get3A_188 = arith.index_cast %scan3A_70 : i32 to index
          %get3A_189 = arith.constant 64 : index
          %get3A_190 = tpu.vector_load %arg17[%get3A_188, %get3A_189] {strides = array<i32>} : memref<128x128xf32, #tpu.memory_space<vmem>>, vector<1x16xf32>,
          %get3A_191 = vector.shape_cast %get3A_190 : vector<1x16xf32> to vector<16xf32>
          %get3A_192 = arith.index_cast %scan3A_70 : i32 to index
          %get3A_193 = arith.constant 64 : index
          %get3A_194 = tpu.vector_load %arg15[%get3A_192, %get3A_193] {strides = array<i32>} : memref<128x128xf32, #tpu.memory_space<vmem>>, vector<1x16xf32>,
          %get3A_195 = vector.shape_cast %get3A_194 : vector<1x16xf32> to vector<16xf32>
          %add3A_196 = arith.addf %get3A_191, %get3A_195 : vector<16xf32>
          %max3A_197 = arith.constant 0.000000e+00 : f32
          %max3A_198 = vector.broadcast %max3A_197 : f32 to vector<16xf32>
          %max3A_199 = arith.maximumf %add3A_196, %max3A_198 : vector<16xf32>
          %swap3A_200 = arith.index_cast %scan3A_70 : i32 to index
          %swap3A_201 = arith.constant 64 : index
          %swap3A_202 = tpu.vector_load %arg18[%swap3A_200, %swap3A_201] {strides = array<i32>} : memref<128x128xf32, #tpu.memory_space<vmem>>, vector<1x16xf32>,
          %swap3A_203 = vector.shape_cast %swap3A_202 : vector<1x16xf32> to vector<16xf32>
          %swap3A_204 = vector.shape_cast %max3A_199 : vector<16xf32> to vector<1x16xf32>
          tpu.vector_store %arg18[%swap3A_200, %swap3A_201], %swap3A_204 {strides = array<i32>} : memref<128x128xf32, #tpu.memory_space<vmem>>, vector<1x16xf32>,
          %get3A_205 = arith.index_cast %scan3A_70 : i32 to index
          %get3A_206 = arith.constant 64 : index
          %get3A_207 = tpu.vector_load %arg16[%get3A_205, %get3A_206] {strides = array<i32>} : memref<128x128xf32, #tpu.memory_space<vmem>>, vector<1x16xf32>,
          %get3A_208 = vector.shape_cast %get3A_207 : vector<1x16xf32> to vector<16xf32>
          %add3A_209 = arith.addf %get3A_191, %get3A_208 : vector<16xf32>
          %max3A_210 = arith.constant 0.000000e+00 : f32
          %max3A_211 = vector.broadcast %max3A_210 : f32 to vector<16xf32>
          %max3A_212 = arith.maximumf %add3A_209, %max3A_211 : vector<16xf32>
          %swap3A_213 = arith.index_cast %scan3A_70 : i32 to index
          %swap3A_214 = arith.constant 64 : index
          %swap3A_215 = tpu.vector_load %arg19[%swap3A_213, %swap3A_214] {strides = array<i32>} : memref<128x128xf32, #tpu.memory_space<vmem>>, vector<1x16xf32>,
          %swap3A_216 = vector.shape_cast %swap3A_215 : vector<1x16xf32> to vector<16xf32>
          %swap3A_217 = vector.shape_cast %max3A_212 : vector<16xf32> to vector<1x16xf32>
          tpu.vector_store %arg19[%swap3A_213, %swap3A_214], %swap3A_217 {strides = array<i32>} : memref<128x128xf32, #tpu.memory_space<vmem>>, vector<1x16xf32>,
          %get3A_218 = arith.index_cast %scan3A_70 : i32 to index
          %get3A_219 = arith.constant 80 : index
          %get3A_220 = tpu.vector_load %arg17[%get3A_218, %get3A_219] {strides = array<i32>} : memref<128x128xf32, #tpu.memory_space<vmem>>, vector<1x16xf32>,
          %get3A_221 = vector.shape_cast %get3A_220 : vector<1x16xf32> to vector<16xf32>
          %get3A_222 = arith.index_cast %scan3A_70 : i32 to index
          %get3A_223 = arith.constant 80 : index
          %get3A_224 = tpu.vector_load %arg15[%get3A_222, %get3A_223] {strides = array<i32>} : memref<128x128xf32, #tpu.memory_space<vmem>>, vector<1x16xf32>,
          %get3A_225 = vector.shape_cast %get3A_224 : vector<1x16xf32> to vector<16xf32>
          %add3A_226 = arith.addf %get3A_221, %get3A_225 : vector<16xf32>
          %max3A_227 = arith.constant 0.000000e+00 : f32
          %max3A_228 = vector.broadcast %max3A_227 : f32 to vector<16xf32>
          %max3A_229 = arith.maximumf %add3A_226, %max3A_228 : vector<16xf32>
          %swap3A_230 = arith.index_cast %scan3A_70 : i32 to index
          %swap3A_231 = arith.constant 80 : index
          %swap3A_232 = tpu.vector_load %arg18[%swap3A_230, %swap3A_231] {strides = array<i32>} : memref<128x128xf32, #tpu.memory_space<vmem>>, vector<1x16xf32>,
          %swap3A_233 = vector.shape_cast %swap3A_232 : vector<1x16xf32> to vector<16xf32>
          %swap3A_234 = vector.shape_cast %max3A_229 : vector<16xf32> to vector<1x16xf32>
          tpu.vector_store %arg18[%swap3A_230, %swap3A_231], %swap3A_234 {strides = array<i32>} : memref<128x128xf32, #tpu.memory_space<vmem>>, vector<1x16xf32>,
          %get3A_235 = arith.index_cast %scan3A_70 : i32 to index
          %get3A_236 = arith.constant 80 : index
          %get3A_237 = tpu.vector_load %arg16[%get3A_235, %get3A_236] {strides = array<i32>} : memref<128x128xf32, #tpu.memory_space<vmem>>, vector<1x16xf32>,
          %get3A_238 = vector.shape_cast %get3A_237 : vector<1x16xf32> to vector<16xf32>
          %add3A_239 = arith.addf %get3A_221, %get3A_238 : vector<16xf32>
          %max3A_240 = arith.constant 0.000000e+00 : f32
          %max3A_241 = vector.broadcast %max3A_240 : f32 to vector<16xf32>
          %max3A_242 = arith.maximumf %add3A_239, %max3A_241 : vector<16xf32>
          %swap3A_243 = arith.index_cast %scan3A_70 : i32 to index
          %swap3A_244 = arith.constant 80 : index
          %swap3A_245 = tpu.vector_load %arg19[%swap3A_243, %swap3A_244] {strides = array<i32>} : memref<128x128xf32, #tpu.memory_space<vmem>>, vector<1x16xf32>,
          %swap3A_246 = vector.shape_cast %swap3A_245 : vector<1x16xf32> to vector<16xf32>
          %swap3A_247 = vector.shape_cast %max3A_242 : vector<16xf32> to vector<1x16xf32>
          tpu.vector_store %arg19[%swap3A_243, %swap3A_244], %swap3A_247 {strides = array<i32>} : memref<128x128xf32, #tpu.memory_space<vmem>>, vector<1x16xf32>,
          %get3A_248 = arith.index_cast %scan3A_70 : i32 to index
          %get3A_249 = arith.constant 96 : index
          %get3A_250 = tpu.vector_load %arg17[%get3A_248, %get3A_249] {strides = array<i32>} : memref<128x128xf32, #tpu.memory_space<vmem>>, vector<1x16xf32>,
          %get3A_251 = vector.shape_cast %get3A_250 : vector<1x16xf32> to vector<16xf32>
          %get3A_252 = arith.index_cast %scan3A_70 : i32 to index
          %get3A_253 = arith.constant 96 : index
          %get3A_254 = tpu.vector_load %arg15[%get3A_252, %get3A_253] {strides = array<i32>} : memref<128x128xf32, #tpu.memory_space<vmem>>, vector<1x16xf32>,
          %get3A_255 = vector.shape_cast %get3A_254 : vector<1x16xf32> to vector<16xf32>
          %add3A_256 = arith.addf %get3A_251, %get3A_255 : vector<16xf32>
          %max3A_257 = arith.constant 0.000000e+00 : f32
          %max3A_258 = vector.broadcast %max3A_257 : f32 to vector<16xf32>
          %max3A_259 = arith.maximumf %add3A_256, %max3A_258 : vector<16xf32>
          %swap3A_260 = arith.index_cast %scan3A_70 : i32 to index
          %swap3A_261 = arith.constant 96 : index
          %swap3A_262 = tpu.vector_load %arg18[%swap3A_260, %swap3A_261] {strides = array<i32>} : memref<128x128xf32, #tpu.memory_space<vmem>>, vector<1x16xf32>,
          %swap3A_263 = vector.shape_cast %swap3A_262 : vector<1x16xf32> to vector<16xf32>
          %swap3A_264 = vector.shape_cast %max3A_259 : vector<16xf32> to vector<1x16xf32>
          tpu.vector_store %arg18[%swap3A_260, %swap3A_261], %swap3A_264 {strides = array<i32>} : memref<128x128xf32, #tpu.memory_space<vmem>>, vector<1x16xf32>,
          %get3A_265 = arith.index_cast %scan3A_70 : i32 to index
          %get3A_266 = arith.constant 96 : index
          %get3A_267 = tpu.vector_load %arg16[%get3A_265, %get3A_266] {strides = array<i32>} : memref<128x128xf32, #tpu.memory_space<vmem>>, vector<1x16xf32>,
          %get3A_268 = vector.shape_cast %get3A_267 : vector<1x16xf32> to vector<16xf32>
          %add3A_269 = arith.addf %get3A_251, %get3A_268 : vector<16xf32>
          %max3A_270 = arith.constant 0.000000e+00 : f32
          %max3A_271 = vector.broadcast %max3A_270 : f32 to vector<16xf32>
          %max3A_272 = arith.maximumf %add3A_269, %max3A_271 : vector<16xf32>
          %swap3A_273 = arith.index_cast %scan3A_70 : i32 to index
          %swap3A_274 = arith.constant 96 : index
          %swap3A_275 = tpu.vector_load %arg19[%swap3A_273, %swap3A_274] {strides = array<i32>} : memref<128x128xf32, #tpu.memory_space<vmem>>, vector<1x16xf32>,
          %swap3A_276 = vector.shape_cast %swap3A_275 : vector<1x16xf32> to vector<16xf32>
          %swap3A_277 = vector.shape_cast %max3A_272 : vector<16xf32> to vector<1x16xf32>
          tpu.vector_store %arg19[%swap3A_273, %swap3A_274], %swap3A_277 {strides = array<i32>} : memref<128x128xf32, #tpu.memory_space<vmem>>, vector<1x16xf32>,
          %get3A_278 = arith.index_cast %scan3A_70 : i32 to index
          %get3A_279 = arith.constant 112 : index
          %get3A_280 = tpu.vector_load %arg17[%get3A_278, %get3A_279] {strides = array<i32>} : memref<128x128xf32, #tpu.memory_space<vmem>>, vector<1x16xf32>,
          %get3A_281 = vector.shape_cast %get3A_280 : vector<1x16xf32> to vector<16xf32>
          %get3A_282 = arith.index_cast %scan3A_70 : i32 to index
          %get3A_283 = arith.constant 112 : index
          %get3A_284 = tpu.vector_load %arg15[%get3A_282, %get3A_283] {strides = array<i32>} : memref<128x128xf32, #tpu.memory_space<vmem>>, vector<1x16xf32>,
          %get3A_285 = vector.shape_cast %get3A_284 : vector<1x16xf32> to vector<16xf32>
          %add3A_286 = arith.addf %get3A_281, %get3A_285 : vector<16xf32>
          %max3A_287 = arith.constant 0.000000e+00 : f32
          %max3A_288 = vector.broadcast %max3A_287 : f32 to vector<16xf32>
          %max3A_289 = arith.maximumf %add3A_286, %max3A_288 : vector<16xf32>
          %swap3A_290 = arith.index_cast %scan3A_70 : i32 to index
          %swap3A_291 = arith.constant 112 : index
          %swap3A_292 = tpu.vector_load %arg18[%swap3A_290, %swap3A_291] {strides = array<i32>} : memref<128x128xf32, #tpu.memory_space<vmem>>, vector<1x16xf32>,
          %swap3A_293 = vector.shape_cast %swap3A_292 : vector<1x16xf32> to vector<16xf32>
          %swap3A_294 = vector.shape_cast %max3A_289 : vector<16xf32> to vector<1x16xf32>
          tpu.vector_store %arg18[%swap3A_290, %swap3A_291], %swap3A_294 {strides = array<i32>} : memref<128x128xf32, #tpu.memory_space<vmem>>, vector<1x16xf32>,
          %get3A_295 = arith.index_cast %scan3A_70 : i32 to index
          %get3A_296 = arith.constant 112 : index
          %get3A_297 = tpu.vector_load %arg16[%get3A_295, %get3A_296] {strides = array<i32>} : memref<128x128xf32, #tpu.memory_space<vmem>>, vector<1x16xf32>,
          %get3A_298 = vector.shape_cast %get3A_297 : vector<1x16xf32> to vector<16xf32>
          %add3A_299 = arith.addf %get3A_281, %get3A_298 : vector<16xf32>
          %max3A_300 = arith.constant 0.000000e+00 : f32
          %max3A_301 = vector.broadcast %max3A_300 : f32 to vector<16xf32>
          %max3A_302 = arith.maximumf %add3A_299, %max3A_301 : vector<16xf32>
          %swap3A_303 = arith.index_cast %scan3A_70 : i32 to index
          %swap3A_304 = arith.constant 112 : index
          %swap3A_305 = tpu.vector_load %arg19[%swap3A_303, %swap3A_304] {strides = array<i32>} : memref<128x128xf32, #tpu.memory_space<vmem>>, vector<1x16xf32>,
          %swap3A_306 = vector.shape_cast %swap3A_305 : vector<1x16xf32> to vector<16xf32>
          %swap3A_307 = vector.shape_cast %max3A_302 : vector<16xf32> to vector<1x16xf32>
          tpu.vector_store %arg19[%swap3A_303, %swap3A_304], %swap3A_307 {strides = array<i32>} : memref<128x128xf32, #tpu.memory_space<vmem>>, vector<1x16xf32>,
        }
        %scan3A_65 = arith.constant 128 : i32
        %mul3A_66 = arith.constant 128 : i32
        %mul3A_67 = arith.muli %add3A_46, %mul3A_66 : i32
        "tpu.region"() ({
          %run_scoped3A = tpu.sem_alloc : memref<!tpu.dma_semaphore, #tpu.memory_space<semaphore_mem>>
          %dma_start3A_70 = arith.constant 0 : i32
          %dma_start3A_71 = tpu.memref_slice %arg7[%mul3A_67, %dma_start3A_70] : memref<320000x128xf32, #tpu.memory_space<hbm>> -> memref<128x128xf32, #tpu.memory_space<hbm>>
          %dma_start3A_72 = arith.constant 0 : i32
          %dma_start3A_73 = tpu.memref_slice %arg7[%mul3A_67, %dma_start3A_72] : memref<320000x128xf32, #tpu.memory_space<hbm>> -> memref<128x128xf32, #tpu.memory_space<hbm>>
          tpu.enqueue_dma source(%arg18 : memref<128x128xf32, #tpu.memory_space<vmem>>) target(%dma_start3A_73 : memref<128x128xf32, #tpu.memory_space<hbm>>) target_semaphore(%run_scoped3A : memref<!tpu.dma_semaphore, #tpu.memory_space<semaphore_mem>>)
          %dma_wait3A_74 = arith.constant 0 : i32
          %dma_wait3A_75 = tpu.memref_slice %arg7[%mul3A_67, %dma_wait3A_74] : memref<320000x128xf32, #tpu.memory_space<hbm>> -> memref<128x128xf32, #tpu.memory_space<hbm>>
          %dma_wait3A_76 = arith.constant 0 : i32
          %dma_wait3A_77 = tpu.memref_slice %arg7[%mul3A_67, %dma_wait3A_76] : memref<320000x128xf32, #tpu.memory_space<hbm>> -> memref<128x128xf32, #tpu.memory_space<hbm>>
          tpu.wait_dma2 semaphore(%run_scoped3A : memref<!tpu.dma_semaphore, #tpu.memory_space<semaphore_mem>>) src(%arg18 : memref<128x128xf32, #tpu.memory_space<vmem>>) dst(%dma_wait3A_77 : memref<128x128xf32, #tpu.memory_space<hbm>>)
          tpu.yield
        }) : () -> ()
        %mul3A_68 = arith.constant 128 : i32
        %mul3A_69 = arith.muli %add3A_46, %mul3A_68 : i32
        "tpu.region"() ({
          %run_scoped3A = tpu.sem_alloc : memref<!tpu.dma_semaphore, #tpu.memory_space<semaphore_mem>>
          %dma_start3A_70 = arith.constant 0 : i32
          %dma_start3A_71 = tpu.memref_slice %arg8[%mul3A_69, %dma_start3A_70] : memref<320000x128xf32, #tpu.memory_space<hbm>> -> memref<128x128xf32, #tpu.memory_space<hbm>>
          %dma_start3A_72 = arith.constant 0 : i32
          %dma_start3A_73 = tpu.memref_slice %arg8[%mul3A_69, %dma_start3A_72] : memref<320000x128xf32, #tpu.memory_space<hbm>> -> memref<128x128xf32, #tpu.memory_space<hbm>>
          tpu.enqueue_dma source(%arg19 : memref<128x128xf32, #tpu.memory_space<vmem>>) target(%dma_start3A_73 : memref<128x128xf32, #tpu.memory_space<hbm>>) target_semaphore(%run_scoped3A : memref<!tpu.dma_semaphore, #tpu.memory_space<semaphore_mem>>)
          %dma_wait3A_74 = arith.constant 0 : i32
          %dma_wait3A_75 = tpu.memref_slice %arg8[%mul3A_69, %dma_wait3A_74] : memref<320000x128xf32, #tpu.memory_space<hbm>> -> memref<128x128xf32, #tpu.memory_space<hbm>>
          %dma_wait3A_76 = arith.constant 0 : i32
          %dma_wait3A_77 = tpu.memref_slice %arg8[%mul3A_69, %dma_wait3A_76] : memref<320000x128xf32, #tpu.memory_space<hbm>> -> memref<128x128xf32, #tpu.memory_space<hbm>>
          tpu.wait_dma2 semaphore(%run_scoped3A : memref<!tpu.dma_semaphore, #tpu.memory_space<semaphore_mem>>) src(%arg19 : memref<128x128xf32, #tpu.memory_space<vmem>>) dst(%dma_wait3A_77 : memref<128x128xf32, #tpu.memory_space<hbm>>)
          tpu.yield
        }) : () -> ()
      } else {
      }
    }
    %scan3A_5 = arith.constant 40 : i32
    return
  }
}

#map = affine_map<(d0, d1) -> (0, 0)>
module attributes {stable_mosaic.version = 14 : i64} {
  func.func @_sc_scatter2(%arg0: i32, %arg1: i32, %arg2: memref<320000x64xf32, #tpu.memory_space<hbm>>, %arg3: memref<320000x64xf32, #tpu.memory_space<hbm>>, %arg4: memref<2500x128xi32, #tpu.memory_space<hbm>>, %arg5: memref<2500x128xi32, #tpu.memory_space<hbm>>, %arg6: memref<625x64xf32, #tpu.memory_space<hbm>>, %arg7: memref<20000x64xf32, #tpu.memory_space<hbm>>, %arg8: memref<20000x64xf32, #tpu.memory_space<hbm>>, %arg9: memref<10000x64xf32, #tpu.memory_space<vmem_shared>>, %arg10: memref<10000x64xf32, #tpu.memory_space<vmem_shared>>, %arg11: memref<128xi32, #tpu.memory_space<vmem>>, %arg12: memref<128xi32, #tpu.memory_space<vmem>>, %arg13: memref<128x64xf32, #tpu.memory_space<vmem>>, %arg14: memref<128x64xf32, #tpu.memory_space<vmem>>, %arg15: memref<!tpu.dma_semaphore, #tpu.memory_space<semaphore_mem>>, %arg16: memref<!tpu.dma_semaphore, #tpu.memory_space<semaphore_mem>>) attributes {dimension_semantics = [#tpu.dimension_semantics<core_parallel>, #tpu.dimension_semantics<subcore_parallel>], iteration_bounds = array<i64: 2, 16>, scalar_prefetch = 0 : i64, scratch_operands = 8 : i64, tpu.core_type = #tpu.core_type<sc_vector_subcore>, window_params = [{transform_indices = #map}, {transform_indices = #map}, {transform_indices = #map}, {transform_indices = #map}, {transform_indices = #map}, {transform_indices = #map}, {transform_indices = #map}]} {
    %mul3A = arith.constant 2 : i32
    %mul3A_0 = arith.muli %arg1, %mul3A : i32
    %add3A = arith.addi %mul3A_0, %arg0 : i32
    %mul3A_1 = arith.constant 625 : i32
    %mul3A_2 = arith.muli %arg1, %mul3A_1 : i32
    "tpu.region"() ({
      %run_scoped3A = tpu.sem_alloc : memref<!tpu.dma_semaphore, #tpu.memory_space<semaphore_mem>>
      %dma_start3A = arith.constant 0 : i32
      %dma_start3A_14 = tpu.memref_slice %arg9[%mul3A_2, %dma_start3A] : memref<10000x64xf32, #tpu.memory_space<vmem_shared>> -> memref<625x64xf32, #tpu.memory_space<vmem_shared>>
      tpu.enqueue_dma source(%arg6 : memref<625x64xf32, #tpu.memory_space<hbm>>) target(%dma_start3A_14 : memref<625x64xf32, #tpu.memory_space<vmem_shared>>) target_semaphore(%run_scoped3A : memref<!tpu.dma_semaphore, #tpu.memory_space<semaphore_mem>>)
      %dma_wait3A = arith.constant 0 : i32
      %dma_wait3A_15 = tpu.memref_slice %arg9[%mul3A_2, %dma_wait3A] : memref<10000x64xf32, #tpu.memory_space<vmem_shared>> -> memref<625x64xf32, #tpu.memory_space<vmem_shared>>
      tpu.wait_dma2 semaphore(%run_scoped3A : memref<!tpu.dma_semaphore, #tpu.memory_space<semaphore_mem>>) src(%arg6 : memref<625x64xf32, #tpu.memory_space<hbm>>) dst(%dma_wait3A_15 : memref<625x64xf32, #tpu.memory_space<vmem_shared>>)
      tpu.yield
    }) : () -> ()
    "tpu.region"() ({
      %run_scoped3A = tpu.sem_alloc : memref<!tpu.dma_semaphore, #tpu.memory_space<semaphore_mem>>
      %dma_start3A = arith.constant 0 : i32
      %dma_start3A_14 = tpu.memref_slice %arg10[%mul3A_2, %dma_start3A] : memref<10000x64xf32, #tpu.memory_space<vmem_shared>> -> memref<625x64xf32, #tpu.memory_space<vmem_shared>>
      tpu.enqueue_dma source(%arg6 : memref<625x64xf32, #tpu.memory_space<hbm>>) target(%dma_start3A_14 : memref<625x64xf32, #tpu.memory_space<vmem_shared>>) target_semaphore(%run_scoped3A : memref<!tpu.dma_semaphore, #tpu.memory_space<semaphore_mem>>)
      %dma_wait3A = arith.constant 0 : i32
      %dma_wait3A_15 = tpu.memref_slice %arg10[%mul3A_2, %dma_wait3A] : memref<10000x64xf32, #tpu.memory_space<vmem_shared>> -> memref<625x64xf32, #tpu.memory_space<vmem_shared>>
      tpu.wait_dma2 semaphore(%run_scoped3A : memref<!tpu.dma_semaphore, #tpu.memory_space<semaphore_mem>>) src(%arg6 : memref<625x64xf32, #tpu.memory_space<hbm>>) dst(%dma_wait3A_15 : memref<625x64xf32, #tpu.memory_space<vmem_shared>>)
      tpu.yield
    }) : () -> ()
    %barrier3A = arith.constant 0 : index
    tpu.barrier barrier_id(%barrier3A)
    %scan3A = arith.constant 0 : i32
    %scan3A_3 = arith.constant 0 : i32
    %scan3A_4 = arith.constant 79 : i32
    %scan3A_5 = arith.addi %scan3A_3, %scan3A_4 : i32
    %scan3A_6 = arith.constant 1 : i32
    scf.for %scan3A_14 = %scan3A_3 to %scan3A_5 step %scan3A_6  : i32 {
      %mul3A_15 = arith.constant 32 : i32
      %mul3A_16 = arith.muli %scan3A_14, %mul3A_15 : i32
      %add3A_17 = arith.addi %add3A, %mul3A_16 : i32
      %lt3A = arith.constant 2500 : i32
      %lt3A_18 = arith.cmpi slt, %add3A_17, %lt3A : i32
      %convert_element_type3A = arith.extui %lt3A_18 : i1 to i32
      %cond3A = arith.constant 0 : i32
      %cond3A_19 = arith.cmpi ne, %convert_element_type3A, %cond3A : i32
      scf.if %cond3A_19 {
        "tpu.region"() ({
          %run_scoped3A = tpu.sem_alloc : memref<!tpu.dma_semaphore, #tpu.memory_space<semaphore_mem>>
          %dma_start3A_38 = arith.constant 0 : i32
          %dma_start3A_39 = tpu.memref_slice %arg4[%add3A_17, %dma_start3A_38] : memref<2500x128xi32, #tpu.memory_space<hbm>> -> memref<1x128xi32, #tpu.memory_space<hbm>>
          %dma_start3A_40 = tpu.memref_squeeze %dma_start3A_39 : memref<1x128xi32, #tpu.memory_space<hbm>> -> memref<128xi32, #tpu.memory_space<hbm>>
          %dma_start3A_41 = arith.constant 0 : i32
          %dma_start3A_42 = tpu.memref_slice %arg4[%add3A_17, %dma_start3A_41] : memref<2500x128xi32, #tpu.memory_space<hbm>> -> memref<1x128xi32, #tpu.memory_space<hbm>>
          %dma_start3A_43 = tpu.memref_squeeze %dma_start3A_42 : memref<1x128xi32, #tpu.memory_space<hbm>> -> memref<128xi32, #tpu.memory_space<hbm>>
          tpu.enqueue_dma source(%dma_start3A_43 : memref<128xi32, #tpu.memory_space<hbm>>) target(%arg11 : memref<128xi32, #tpu.memory_space<vmem>>) target_semaphore(%run_scoped3A : memref<!tpu.dma_semaphore, #tpu.memory_space<semaphore_mem>>)
          %dma_wait3A_44 = arith.constant 0 : i32
          %dma_wait3A_45 = tpu.memref_slice %arg4[%add3A_17, %dma_wait3A_44] : memref<2500x128xi32, #tpu.memory_space<hbm>> -> memref<1x128xi32, #tpu.memory_space<hbm>>
          %dma_wait3A_46 = tpu.memref_squeeze %dma_wait3A_45 : memref<1x128xi32, #tpu.memory_space<hbm>> -> memref<128xi32, #tpu.memory_space<hbm>>
          %dma_wait3A_47 = arith.constant 0 : i32
          %dma_wait3A_48 = tpu.memref_slice %arg4[%add3A_17, %dma_wait3A_47] : memref<2500x128xi32, #tpu.memory_space<hbm>> -> memref<1x128xi32, #tpu.memory_space<hbm>>
          %dma_wait3A_49 = tpu.memref_squeeze %dma_wait3A_48 : memref<1x128xi32, #tpu.memory_space<hbm>> -> memref<128xi32, #tpu.memory_space<hbm>>
          tpu.wait_dma2 semaphore(%run_scoped3A : memref<!tpu.dma_semaphore, #tpu.memory_space<semaphore_mem>>) src(%dma_wait3A_49 : memref<128xi32, #tpu.memory_space<hbm>>) dst(%arg11 : memref<128xi32, #tpu.memory_space<vmem>>)
          tpu.yield
        }) : () -> ()
        "tpu.region"() ({
          %run_scoped3A = tpu.sem_alloc : memref<!tpu.dma_semaphore, #tpu.memory_space<semaphore_mem>>
          %dma_start3A_38 = arith.constant 0 : i32
          %dma_start3A_39 = tpu.memref_slice %arg5[%add3A_17, %dma_start3A_38] : memref<2500x128xi32, #tpu.memory_space<hbm>> -> memref<1x128xi32, #tpu.memory_space<hbm>>
          %dma_start3A_40 = tpu.memref_squeeze %dma_start3A_39 : memref<1x128xi32, #tpu.memory_space<hbm>> -> memref<128xi32, #tpu.memory_space<hbm>>
          %dma_start3A_41 = arith.constant 0 : i32
          %dma_start3A_42 = tpu.memref_slice %arg5[%add3A_17, %dma_start3A_41] : memref<2500x128xi32, #tpu.memory_space<hbm>> -> memref<1x128xi32, #tpu.memory_space<hbm>>
          %dma_start3A_43 = tpu.memref_squeeze %dma_start3A_42 : memref<1x128xi32, #tpu.memory_space<hbm>> -> memref<128xi32, #tpu.memory_space<hbm>>
          tpu.enqueue_dma source(%dma_start3A_43 : memref<128xi32, #tpu.memory_space<hbm>>) target(%arg12 : memref<128xi32, #tpu.memory_space<vmem>>) target_semaphore(%run_scoped3A : memref<!tpu.dma_semaphore, #tpu.memory_space<semaphore_mem>>)
          %dma_wait3A_44 = arith.constant 0 : i32
          %dma_wait3A_45 = tpu.memref_slice %arg5[%add3A_17, %dma_wait3A_44] : memref<2500x128xi32, #tpu.memory_space<hbm>> -> memref<1x128xi32, #tpu.memory_space<hbm>>
          %dma_wait3A_46 = tpu.memref_squeeze %dma_wait3A_45 : memref<1x128xi32, #tpu.memory_space<hbm>> -> memref<128xi32, #tpu.memory_space<hbm>>
          %dma_wait3A_47 = arith.constant 0 : i32
          %dma_wait3A_48 = tpu.memref_slice %arg5[%add3A_17, %dma_wait3A_47] : memref<2500x128xi32, #tpu.memory_space<hbm>> -> memref<1x128xi32, #tpu.memory_space<hbm>>
          %dma_wait3A_49 = tpu.memref_squeeze %dma_wait3A_48 : memref<1x128xi32, #tpu.memory_space<hbm>> -> memref<128xi32, #tpu.memory_space<hbm>>
          tpu.wait_dma2 semaphore(%run_scoped3A : memref<!tpu.dma_semaphore, #tpu.memory_space<semaphore_mem>>) src(%dma_wait3A_49 : memref<128xi32, #tpu.memory_space<hbm>>) dst(%arg12 : memref<128xi32, #tpu.memory_space<vmem>>)
          tpu.yield
        }) : () -> ()
        %mul3A_20 = arith.constant 128 : i32
        %mul3A_21 = arith.muli %add3A_17, %mul3A_20 : i32
        %dma_start3A = arith.constant 0 : i32
        %dma_start3A_22 = tpu.memref_slice %arg2[%mul3A_21, %dma_start3A] : memref<320000x64xf32, #tpu.memory_space<hbm>> -> memref<128x64xf32, #tpu.memory_space<hbm>>
        %dma_start3A_23 = arith.constant 0 : i32
        %dma_start3A_24 = tpu.memref_slice %arg2[%mul3A_21, %dma_start3A_23] : memref<320000x64xf32, #tpu.memory_space<hbm>> -> memref<128x64xf32, #tpu.memory_space<hbm>>
        tpu.enqueue_dma source(%dma_start3A_24 : memref<128x64xf32, #tpu.memory_space<hbm>>) target(%arg13 : memref<128x64xf32, #tpu.memory_space<vmem>>) target_semaphore(%arg15 : memref<!tpu.dma_semaphore, #tpu.memory_space<semaphore_mem>>)
        %mul3A_25 = arith.constant 128 : i32
        %mul3A_26 = arith.muli %add3A_17, %mul3A_25 : i32
        %dma_start3A_27 = arith.constant 0 : i32
        %dma_start3A_28 = tpu.memref_slice %arg3[%mul3A_26, %dma_start3A_27] : memref<320000x64xf32, #tpu.memory_space<hbm>> -> memref<128x64xf32, #tpu.memory_space<hbm>>
        %dma_start3A_29 = arith.constant 0 : i32
        %dma_start3A_30 = tpu.memref_slice %arg3[%mul3A_26, %dma_start3A_29] : memref<320000x64xf32, #tpu.memory_space<hbm>> -> memref<128x64xf32, #tpu.memory_space<hbm>>
        tpu.enqueue_dma source(%dma_start3A_30 : memref<128x64xf32, #tpu.memory_space<hbm>>) target(%arg14 : memref<128x64xf32, #tpu.memory_space<vmem>>) target_semaphore(%arg16 : memref<!tpu.dma_semaphore, #tpu.memory_space<semaphore_mem>>)
        %dma_wait3A = arith.constant 0 : i32
        %dma_wait3A_31 = tpu.memref_slice %arg2[%mul3A_21, %dma_wait3A] : memref<320000x64xf32, #tpu.memory_space<hbm>> -> memref<128x64xf32, #tpu.memory_space<hbm>>
        %dma_wait3A_32 = arith.constant 0 : i32
        %dma_wait3A_33 = tpu.memref_slice %arg2[%mul3A_21, %dma_wait3A_32] : memref<320000x64xf32, #tpu.memory_space<hbm>> -> memref<128x64xf32, #tpu.memory_space<hbm>>
        tpu.wait_dma2 semaphore(%arg15 : memref<!tpu.dma_semaphore, #tpu.memory_space<semaphore_mem>>) src(%dma_wait3A_33 : memref<128x64xf32, #tpu.memory_space<hbm>>) dst(%arg13 : memref<128x64xf32, #tpu.memory_space<vmem>>)
        %dma_wait3A_34 = arith.constant 0 : i32
        %dma_wait3A_35 = tpu.memref_slice %arg3[%mul3A_26, %dma_wait3A_34] : memref<320000x64xf32, #tpu.memory_space<hbm>> -> memref<128x64xf32, #tpu.memory_space<hbm>>
        %dma_wait3A_36 = arith.constant 0 : i32
        %dma_wait3A_37 = tpu.memref_slice %arg3[%mul3A_26, %dma_wait3A_36] : memref<320000x64xf32, #tpu.memory_space<hbm>> -> memref<128x64xf32, #tpu.memory_space<hbm>>
        tpu.wait_dma2 semaphore(%arg16 : memref<!tpu.dma_semaphore, #tpu.memory_space<semaphore_mem>>) src(%dma_wait3A_37 : memref<128x64xf32, #tpu.memory_space<hbm>>) dst(%arg14 : memref<128x64xf32, #tpu.memory_space<vmem>>)
        "tpu.region"() ({
          %run_scoped3A = tpu.sem_alloc : memref<!tpu.dma_semaphore, #tpu.memory_space<semaphore_mem>>
          %dma_start3A_38 = arith.constant 0 : i32
          %dma_start3A_39 = arith.constant 0 : i32
          %dma_start3A_40 = tpu.memref_slice %arg9[%dma_start3A_38, %dma_start3A_39] : memref<10000x64xf32, #tpu.memory_space<vmem_shared>> -> memref<10000x64xf32, #tpu.memory_space<vmem_shared>>
          tpu.enqueue_indirect_dma source(%arg13 : memref<128x64xf32, #tpu.memory_space<vmem>>) target(%dma_start3A_40 : memref<10000x64xf32, #tpu.memory_space<vmem_shared>>) offsets(%arg12 : memref<128xi32, #tpu.memory_space<vmem>>) semaphore(%run_scoped3A : memref<!tpu.dma_semaphore, #tpu.memory_space<semaphore_mem>>) {add = true}
          %dma_wait3A_41 = arith.constant 0 : i32
          %dma_wait3A_42 = arith.constant 0 : i32
          %dma_wait3A_43 = tpu.memref_slice %arg9[%dma_wait3A_41, %dma_wait3A_42] : memref<10000x64xf32, #tpu.memory_space<vmem_shared>> -> memref<10000x64xf32, #tpu.memory_space<vmem_shared>>
          tpu.wait_indirect_dma semaphore(%run_scoped3A : memref<!tpu.dma_semaphore, #tpu.memory_space<semaphore_mem>>) src(%arg13 : memref<128x64xf32, #tpu.memory_space<vmem>>) dst(%dma_wait3A_43 : memref<10000x64xf32, #tpu.memory_space<vmem_shared>>)
          tpu.yield
        }) : () -> ()
        "tpu.region"() ({
          %run_scoped3A = tpu.sem_alloc : memref<!tpu.dma_semaphore, #tpu.memory_space<semaphore_mem>>
          %dma_start3A_38 = arith.constant 0 : i32
          %dma_start3A_39 = arith.constant 0 : i32
          %dma_start3A_40 = tpu.memref_slice %arg10[%dma_start3A_38, %dma_start3A_39] : memref<10000x64xf32, #tpu.memory_space<vmem_shared>> -> memref<10000x64xf32, #tpu.memory_space<vmem_shared>>
          tpu.enqueue_indirect_dma source(%arg14 : memref<128x64xf32, #tpu.memory_space<vmem>>) target(%dma_start3A_40 : memref<10000x64xf32, #tpu.memory_space<vmem_shared>>) offsets(%arg11 : memref<128xi32, #tpu.memory_space<vmem>>) semaphore(%run_scoped3A : memref<!tpu.dma_semaphore, #tpu.memory_space<semaphore_mem>>) {add = true}
          %dma_wait3A_41 = arith.constant 0 : i32
          %dma_wait3A_42 = arith.constant 0 : i32
          %dma_wait3A_43 = tpu.memref_slice %arg10[%dma_wait3A_41, %dma_wait3A_42] : memref<10000x64xf32, #tpu.memory_space<vmem_shared>> -> memref<10000x64xf32, #tpu.memory_space<vmem_shared>>
          tpu.wait_indirect_dma semaphore(%run_scoped3A : memref<!tpu.dma_semaphore, #tpu.memory_space<semaphore_mem>>) src(%arg14 : memref<128x64xf32, #tpu.memory_space<vmem>>) dst(%dma_wait3A_43 : memref<10000x64xf32, #tpu.memory_space<vmem_shared>>)
          tpu.yield
        }) : () -> ()
      } else {
      }
    }
    %scan3A_7 = arith.constant 79 : i32
    %barrier3A_8 = arith.constant 0 : index
    tpu.barrier barrier_id(%barrier3A_8)
    %mul3A_9 = arith.constant 10000 : i32
    %mul3A_10 = arith.muli %arg0, %mul3A_9 : i32
    %mul3A_11 = arith.constant 625 : i32
    %mul3A_12 = arith.muli %arg1, %mul3A_11 : i32
    %add3A_13 = arith.addi %mul3A_10, %mul3A_12 : i32
    "tpu.region"() ({
      %run_scoped3A = tpu.sem_alloc : memref<!tpu.dma_semaphore, #tpu.memory_space<semaphore_mem>>
      %dma_start3A = arith.constant 0 : i32
      %dma_start3A_14 = tpu.memref_slice %arg7[%add3A_13, %dma_start3A] : memref<20000x64xf32, #tpu.memory_space<hbm>> -> memref<625x64xf32, #tpu.memory_space<hbm>>
      %dma_start3A_15 = arith.constant 0 : i32
      %dma_start3A_16 = tpu.memref_slice %arg9[%mul3A_2, %dma_start3A_15] : memref<10000x64xf32, #tpu.memory_space<vmem_shared>> -> memref<625x64xf32, #tpu.memory_space<vmem_shared>>
      tpu.enqueue_dma source(%dma_start3A_16 : memref<625x64xf32, #tpu.memory_space<vmem_shared>>) target(%dma_start3A_14 : memref<625x64xf32, #tpu.memory_space<hbm>>) target_semaphore(%run_scoped3A : memref<!tpu.dma_semaphore, #tpu.memory_space<semaphore_mem>>)
      %dma_wait3A = arith.constant 0 : i32
      %dma_wait3A_17 = tpu.memref_slice %arg7[%add3A_13, %dma_wait3A] : memref<20000x64xf32, #tpu.memory_space<hbm>> -> memref<625x64xf32, #tpu.memory_space<hbm>>
      %dma_wait3A_18 = arith.constant 0 : i32
      %dma_wait3A_19 = tpu.memref_slice %arg9[%mul3A_2, %dma_wait3A_18] : memref<10000x64xf32, #tpu.memory_space<vmem_shared>> -> memref<625x64xf32, #tpu.memory_space<vmem_shared>>
      tpu.wait_dma2 semaphore(%run_scoped3A : memref<!tpu.dma_semaphore, #tpu.memory_space<semaphore_mem>>) src(%dma_wait3A_19 : memref<625x64xf32, #tpu.memory_space<vmem_shared>>) dst(%dma_wait3A_17 : memref<625x64xf32, #tpu.memory_space<hbm>>)
      tpu.yield
    }) : () -> ()
    "tpu.region"() ({
      %run_scoped3A = tpu.sem_alloc : memref<!tpu.dma_semaphore, #tpu.memory_space<semaphore_mem>>
      %dma_start3A = arith.constant 0 : i32
      %dma_start3A_14 = tpu.memref_slice %arg8[%add3A_13, %dma_start3A] : memref<20000x64xf32, #tpu.memory_space<hbm>> -> memref<625x64xf32, #tpu.memory_space<hbm>>
      %dma_start3A_15 = arith.constant 0 : i32
      %dma_start3A_16 = tpu.memref_slice %arg10[%mul3A_2, %dma_start3A_15] : memref<10000x64xf32, #tpu.memory_space<vmem_shared>> -> memref<625x64xf32, #tpu.memory_space<vmem_shared>>
      tpu.enqueue_dma source(%dma_start3A_16 : memref<625x64xf32, #tpu.memory_space<vmem_shared>>) target(%dma_start3A_14 : memref<625x64xf32, #tpu.memory_space<hbm>>) target_semaphore(%run_scoped3A : memref<!tpu.dma_semaphore, #tpu.memory_space<semaphore_mem>>)
      %dma_wait3A = arith.constant 0 : i32
      %dma_wait3A_17 = tpu.memref_slice %arg8[%add3A_13, %dma_wait3A] : memref<20000x64xf32, #tpu.memory_space<hbm>> -> memref<625x64xf32, #tpu.memory_space<hbm>>
      %dma_wait3A_18 = arith.constant 0 : i32
      %dma_wait3A_19 = tpu.memref_slice %arg10[%mul3A_2, %dma_wait3A_18] : memref<10000x64xf32, #tpu.memory_space<vmem_shared>> -> memref<625x64xf32, #tpu.memory_space<vmem_shared>>
      tpu.wait_dma2 semaphore(%run_scoped3A : memref<!tpu.dma_semaphore, #tpu.memory_space<semaphore_mem>>) src(%dma_wait3A_19 : memref<625x64xf32, #tpu.memory_space<vmem_shared>>) dst(%dma_wait3A_17 : memref<625x64xf32, #tpu.memory_space<hbm>>)
      tpu.yield
    }) : () -> ()
    return
  }
}

#map = affine_map<(d0, d1) -> (0, 0)>
module attributes {stable_mosaic.version = 14 : i64} {
  func.func @_sc_scatter1(%arg0: i32, %arg1: i32, %arg2: memref<320000x64xf32, #tpu.memory_space<hbm>>, %arg3: memref<2500x128xi32, #tpu.memory_space<hbm>>, %arg4: memref<2500x128xi32, #tpu.memory_space<hbm>>, %arg5: memref<320000x16xf32, #tpu.memory_space<hbm>>, %arg6: memref<625x64xf32, #tpu.memory_space<hbm>>, %arg7: memref<625x16xf32, #tpu.memory_space<hbm>>, %arg8: memref<20000x64xf32, #tpu.memory_space<hbm>>, %arg9: memref<20000x64xf32, #tpu.memory_space<hbm>>, %arg10: memref<20000x16xf32, #tpu.memory_space<hbm>>, %arg11: memref<10000x64xf32, #tpu.memory_space<vmem_shared>>, %arg12: memref<10000x64xf32, #tpu.memory_space<vmem_shared>>, %arg13: memref<10000x16xf32, #tpu.memory_space<vmem_shared>>, %arg14: memref<128xi32, #tpu.memory_space<vmem>>, %arg15: memref<128xi32, #tpu.memory_space<vmem>>, %arg16: memref<128x64xf32, #tpu.memory_space<vmem>>, %arg17: memref<128x16xf32, #tpu.memory_space<vmem>>, %arg18: memref<!tpu.dma_semaphore, #tpu.memory_space<semaphore_mem>>, %arg19: memref<!tpu.dma_semaphore, #tpu.memory_space<semaphore_mem>>) attributes {dimension_semantics = [#tpu.dimension_semantics<core_parallel>, #tpu.dimension_semantics<subcore_parallel>], iteration_bounds = array<i64: 2, 16>, scalar_prefetch = 0 : i64, scratch_operands = 9 : i64, tpu.core_type = #tpu.core_type<sc_vector_subcore>, window_params = [{transform_indices = #map}, {transform_indices = #map}, {transform_indices = #map}, {transform_indices = #map}, {transform_indices = #map}, {transform_indices = #map}, {transform_indices = #map}, {transform_indices = #map}, {transform_indices = #map}]} {
    %mul3A = arith.constant 2 : i32
    %mul3A_0 = arith.muli %arg1, %mul3A : i32
    %add3A = arith.addi %mul3A_0, %arg0 : i32
    %mul3A_1 = arith.constant 625 : i32
    %mul3A_2 = arith.muli %arg1, %mul3A_1 : i32
    "tpu.region"() ({
      %run_scoped3A = tpu.sem_alloc : memref<!tpu.dma_semaphore, #tpu.memory_space<semaphore_mem>>
      %dma_start3A = arith.constant 0 : i32
      %dma_start3A_14 = tpu.memref_slice %arg11[%mul3A_2, %dma_start3A] : memref<10000x64xf32, #tpu.memory_space<vmem_shared>> -> memref<625x64xf32, #tpu.memory_space<vmem_shared>>
      tpu.enqueue_dma source(%arg6 : memref<625x64xf32, #tpu.memory_space<hbm>>) target(%dma_start3A_14 : memref<625x64xf32, #tpu.memory_space<vmem_shared>>) target_semaphore(%run_scoped3A : memref<!tpu.dma_semaphore, #tpu.memory_space<semaphore_mem>>)
      %dma_wait3A = arith.constant 0 : i32
      %dma_wait3A_15 = tpu.memref_slice %arg11[%mul3A_2, %dma_wait3A] : memref<10000x64xf32, #tpu.memory_space<vmem_shared>> -> memref<625x64xf32, #tpu.memory_space<vmem_shared>>
      tpu.wait_dma2 semaphore(%run_scoped3A : memref<!tpu.dma_semaphore, #tpu.memory_space<semaphore_mem>>) src(%arg6 : memref<625x64xf32, #tpu.memory_space<hbm>>) dst(%dma_wait3A_15 : memref<625x64xf32, #tpu.memory_space<vmem_shared>>)
      tpu.yield
    }) : () -> ()
    "tpu.region"() ({
      %run_scoped3A = tpu.sem_alloc : memref<!tpu.dma_semaphore, #tpu.memory_space<semaphore_mem>>
      %dma_start3A = arith.constant 0 : i32
      %dma_start3A_14 = tpu.memref_slice %arg12[%mul3A_2, %dma_start3A] : memref<10000x64xf32, #tpu.memory_space<vmem_shared>> -> memref<625x64xf32, #tpu.memory_space<vmem_shared>>
      tpu.enqueue_dma source(%arg6 : memref<625x64xf32, #tpu.memory_space<hbm>>) target(%dma_start3A_14 : memref<625x64xf32, #tpu.memory_space<vmem_shared>>) target_semaphore(%run_scoped3A : memref<!tpu.dma_semaphore, #tpu.memory_space<semaphore_mem>>)
      %dma_wait3A = arith.constant 0 : i32
      %dma_wait3A_15 = tpu.memref_slice %arg12[%mul3A_2, %dma_wait3A] : memref<10000x64xf32, #tpu.memory_space<vmem_shared>> -> memref<625x64xf32, #tpu.memory_space<vmem_shared>>
      tpu.wait_dma2 semaphore(%run_scoped3A : memref<!tpu.dma_semaphore, #tpu.memory_space<semaphore_mem>>) src(%arg6 : memref<625x64xf32, #tpu.memory_space<hbm>>) dst(%dma_wait3A_15 : memref<625x64xf32, #tpu.memory_space<vmem_shared>>)
      tpu.yield
    }) : () -> ()
    "tpu.region"() ({
      %run_scoped3A = tpu.sem_alloc : memref<!tpu.dma_semaphore, #tpu.memory_space<semaphore_mem>>
      %dma_start3A = arith.constant 0 : i32
      %dma_start3A_14 = tpu.memref_slice %arg13[%mul3A_2, %dma_start3A] : memref<10000x16xf32, #tpu.memory_space<vmem_shared>> -> memref<625x16xf32, #tpu.memory_space<vmem_shared>>
      tpu.enqueue_dma source(%arg7 : memref<625x16xf32, #tpu.memory_space<hbm>>) target(%dma_start3A_14 : memref<625x16xf32, #tpu.memory_space<vmem_shared>>) target_semaphore(%run_scoped3A : memref<!tpu.dma_semaphore, #tpu.memory_space<semaphore_mem>>)
      %dma_wait3A = arith.constant 0 : i32
      %dma_wait3A_15 = tpu.memref_slice %arg13[%mul3A_2, %dma_wait3A] : memref<10000x16xf32, #tpu.memory_space<vmem_shared>> -> memref<625x16xf32, #tpu.memory_space<vmem_shared>>
      tpu.wait_dma2 semaphore(%run_scoped3A : memref<!tpu.dma_semaphore, #tpu.memory_space<semaphore_mem>>) src(%arg7 : memref<625x16xf32, #tpu.memory_space<hbm>>) dst(%dma_wait3A_15 : memref<625x16xf32, #tpu.memory_space<vmem_shared>>)
      tpu.yield
    }) : () -> ()
    %barrier3A = arith.constant 0 : index
    tpu.barrier barrier_id(%barrier3A)
    %scan3A = arith.constant 0 : i32
    %scan3A_3 = arith.constant 0 : i32
    %scan3A_4 = arith.constant 79 : i32
    %scan3A_5 = arith.addi %scan3A_3, %scan3A_4 : i32
    %scan3A_6 = arith.constant 1 : i32
    scf.for %scan3A_14 = %scan3A_3 to %scan3A_5 step %scan3A_6  : i32 {
      %mul3A_15 = arith.constant 32 : i32
      %mul3A_16 = arith.muli %scan3A_14, %mul3A_15 : i32
      %add3A_17 = arith.addi %add3A, %mul3A_16 : i32
      %lt3A = arith.constant 2500 : i32
      %lt3A_18 = arith.cmpi slt, %add3A_17, %lt3A : i32
      %convert_element_type3A = arith.extui %lt3A_18 : i1 to i32
      %cond3A = arith.constant 0 : i32
      %cond3A_19 = arith.cmpi ne, %convert_element_type3A, %cond3A : i32
      scf.if %cond3A_19 {
        "tpu.region"() ({
          %run_scoped3A = tpu.sem_alloc : memref<!tpu.dma_semaphore, #tpu.memory_space<semaphore_mem>>
          %dma_start3A_38 = arith.constant 0 : i32
          %dma_start3A_39 = tpu.memref_slice %arg3[%add3A_17, %dma_start3A_38] : memref<2500x128xi32, #tpu.memory_space<hbm>> -> memref<1x128xi32, #tpu.memory_space<hbm>>
          %dma_start3A_40 = tpu.memref_squeeze %dma_start3A_39 : memref<1x128xi32, #tpu.memory_space<hbm>> -> memref<128xi32, #tpu.memory_space<hbm>>
          %dma_start3A_41 = arith.constant 0 : i32
          %dma_start3A_42 = tpu.memref_slice %arg3[%add3A_17, %dma_start3A_41] : memref<2500x128xi32, #tpu.memory_space<hbm>> -> memref<1x128xi32, #tpu.memory_space<hbm>>
          %dma_start3A_43 = tpu.memref_squeeze %dma_start3A_42 : memref<1x128xi32, #tpu.memory_space<hbm>> -> memref<128xi32, #tpu.memory_space<hbm>>
          tpu.enqueue_dma source(%dma_start3A_43 : memref<128xi32, #tpu.memory_space<hbm>>) target(%arg14 : memref<128xi32, #tpu.memory_space<vmem>>) target_semaphore(%run_scoped3A : memref<!tpu.dma_semaphore, #tpu.memory_space<semaphore_mem>>)
          %dma_wait3A_44 = arith.constant 0 : i32
          %dma_wait3A_45 = tpu.memref_slice %arg3[%add3A_17, %dma_wait3A_44] : memref<2500x128xi32, #tpu.memory_space<hbm>> -> memref<1x128xi32, #tpu.memory_space<hbm>>
          %dma_wait3A_46 = tpu.memref_squeeze %dma_wait3A_45 : memref<1x128xi32, #tpu.memory_space<hbm>> -> memref<128xi32, #tpu.memory_space<hbm>>
          %dma_wait3A_47 = arith.constant 0 : i32
          %dma_wait3A_48 = tpu.memref_slice %arg3[%add3A_17, %dma_wait3A_47] : memref<2500x128xi32, #tpu.memory_space<hbm>> -> memref<1x128xi32, #tpu.memory_space<hbm>>
          %dma_wait3A_49 = tpu.memref_squeeze %dma_wait3A_48 : memref<1x128xi32, #tpu.memory_space<hbm>> -> memref<128xi32, #tpu.memory_space<hbm>>
          tpu.wait_dma2 semaphore(%run_scoped3A : memref<!tpu.dma_semaphore, #tpu.memory_space<semaphore_mem>>) src(%dma_wait3A_49 : memref<128xi32, #tpu.memory_space<hbm>>) dst(%arg14 : memref<128xi32, #tpu.memory_space<vmem>>)
          tpu.yield
        }) : () -> ()
        "tpu.region"() ({
          %run_scoped3A = tpu.sem_alloc : memref<!tpu.dma_semaphore, #tpu.memory_space<semaphore_mem>>
          %dma_start3A_38 = arith.constant 0 : i32
          %dma_start3A_39 = tpu.memref_slice %arg4[%add3A_17, %dma_start3A_38] : memref<2500x128xi32, #tpu.memory_space<hbm>> -> memref<1x128xi32, #tpu.memory_space<hbm>>
          %dma_start3A_40 = tpu.memref_squeeze %dma_start3A_39 : memref<1x128xi32, #tpu.memory_space<hbm>> -> memref<128xi32, #tpu.memory_space<hbm>>
          %dma_start3A_41 = arith.constant 0 : i32
          %dma_start3A_42 = tpu.memref_slice %arg4[%add3A_17, %dma_start3A_41] : memref<2500x128xi32, #tpu.memory_space<hbm>> -> memref<1x128xi32, #tpu.memory_space<hbm>>
          %dma_start3A_43 = tpu.memref_squeeze %dma_start3A_42 : memref<1x128xi32, #tpu.memory_space<hbm>> -> memref<128xi32, #tpu.memory_space<hbm>>
          tpu.enqueue_dma source(%dma_start3A_43 : memref<128xi32, #tpu.memory_space<hbm>>) target(%arg15 : memref<128xi32, #tpu.memory_space<vmem>>) target_semaphore(%run_scoped3A : memref<!tpu.dma_semaphore, #tpu.memory_space<semaphore_mem>>)
          %dma_wait3A_44 = arith.constant 0 : i32
          %dma_wait3A_45 = tpu.memref_slice %arg4[%add3A_17, %dma_wait3A_44] : memref<2500x128xi32, #tpu.memory_space<hbm>> -> memref<1x128xi32, #tpu.memory_space<hbm>>
          %dma_wait3A_46 = tpu.memref_squeeze %dma_wait3A_45 : memref<1x128xi32, #tpu.memory_space<hbm>> -> memref<128xi32, #tpu.memory_space<hbm>>
          %dma_wait3A_47 = arith.constant 0 : i32
          %dma_wait3A_48 = tpu.memref_slice %arg4[%add3A_17, %dma_wait3A_47] : memref<2500x128xi32, #tpu.memory_space<hbm>> -> memref<1x128xi32, #tpu.memory_space<hbm>>
          %dma_wait3A_49 = tpu.memref_squeeze %dma_wait3A_48 : memref<1x128xi32, #tpu.memory_space<hbm>> -> memref<128xi32, #tpu.memory_space<hbm>>
          tpu.wait_dma2 semaphore(%run_scoped3A : memref<!tpu.dma_semaphore, #tpu.memory_space<semaphore_mem>>) src(%dma_wait3A_49 : memref<128xi32, #tpu.memory_space<hbm>>) dst(%arg15 : memref<128xi32, #tpu.memory_space<vmem>>)
          tpu.yield
        }) : () -> ()
        %mul3A_20 = arith.constant 128 : i32
        %mul3A_21 = arith.muli %add3A_17, %mul3A_20 : i32
        %dma_start3A = arith.constant 0 : i32
        %dma_start3A_22 = tpu.memref_slice %arg2[%mul3A_21, %dma_start3A] : memref<320000x64xf32, #tpu.memory_space<hbm>> -> memref<128x64xf32, #tpu.memory_space<hbm>>
        %dma_start3A_23 = arith.constant 0 : i32
        %dma_start3A_24 = tpu.memref_slice %arg2[%mul3A_21, %dma_start3A_23] : memref<320000x64xf32, #tpu.memory_space<hbm>> -> memref<128x64xf32, #tpu.memory_space<hbm>>
        tpu.enqueue_dma source(%dma_start3A_24 : memref<128x64xf32, #tpu.memory_space<hbm>>) target(%arg16 : memref<128x64xf32, #tpu.memory_space<vmem>>) target_semaphore(%arg18 : memref<!tpu.dma_semaphore, #tpu.memory_space<semaphore_mem>>)
        %mul3A_25 = arith.constant 128 : i32
        %mul3A_26 = arith.muli %add3A_17, %mul3A_25 : i32
        %dma_start3A_27 = arith.constant 0 : i32
        %dma_start3A_28 = tpu.memref_slice %arg5[%mul3A_26, %dma_start3A_27] : memref<320000x16xf32, #tpu.memory_space<hbm>> -> memref<128x16xf32, #tpu.memory_space<hbm>>
        %dma_start3A_29 = arith.constant 0 : i32
        %dma_start3A_30 = tpu.memref_slice %arg5[%mul3A_26, %dma_start3A_29] : memref<320000x16xf32, #tpu.memory_space<hbm>> -> memref<128x16xf32, #tpu.memory_space<hbm>>
        tpu.enqueue_dma source(%dma_start3A_30 : memref<128x16xf32, #tpu.memory_space<hbm>>) target(%arg17 : memref<128x16xf32, #tpu.memory_space<vmem>>) target_semaphore(%arg19 : memref<!tpu.dma_semaphore, #tpu.memory_space<semaphore_mem>>)
        %dma_wait3A = arith.constant 0 : i32
        %dma_wait3A_31 = tpu.memref_slice %arg2[%mul3A_21, %dma_wait3A] : memref<320000x64xf32, #tpu.memory_space<hbm>> -> memref<128x64xf32, #tpu.memory_space<hbm>>
        %dma_wait3A_32 = arith.constant 0 : i32
        %dma_wait3A_33 = tpu.memref_slice %arg2[%mul3A_21, %dma_wait3A_32] : memref<320000x64xf32, #tpu.memory_space<hbm>> -> memref<128x64xf32, #tpu.memory_space<hbm>>
        tpu.wait_dma2 semaphore(%arg18 : memref<!tpu.dma_semaphore, #tpu.memory_space<semaphore_mem>>) src(%dma_wait3A_33 : memref<128x64xf32, #tpu.memory_space<hbm>>) dst(%arg16 : memref<128x64xf32, #tpu.memory_space<vmem>>)
        %dma_wait3A_34 = arith.constant 0 : i32
        %dma_wait3A_35 = tpu.memref_slice %arg5[%mul3A_26, %dma_wait3A_34] : memref<320000x16xf32, #tpu.memory_space<hbm>> -> memref<128x16xf32, #tpu.memory_space<hbm>>
        %dma_wait3A_36 = arith.constant 0 : i32
        %dma_wait3A_37 = tpu.memref_slice %arg5[%mul3A_26, %dma_wait3A_36] : memref<320000x16xf32, #tpu.memory_space<hbm>> -> memref<128x16xf32, #tpu.memory_space<hbm>>
        tpu.wait_dma2 semaphore(%arg19 : memref<!tpu.dma_semaphore, #tpu.memory_space<semaphore_mem>>) src(%dma_wait3A_37 : memref<128x16xf32, #tpu.memory_space<hbm>>) dst(%arg17 : memref<128x16xf32, #tpu.memory_space<vmem>>)
        "tpu.region"() ({
          %run_scoped3A = tpu.sem_alloc : memref<!tpu.dma_semaphore, #tpu.memory_space<semaphore_mem>>
          %dma_start3A_38 = arith.constant 0 : i32
          %dma_start3A_39 = arith.constant 0 : i32
          %dma_start3A_40 = tpu.memref_slice %arg11[%dma_start3A_38, %dma_start3A_39] : memref<10000x64xf32, #tpu.memory_space<vmem_shared>> -> memref<10000x64xf32, #tpu.memory_space<vmem_shared>>
          tpu.enqueue_indirect_dma source(%arg16 : memref<128x64xf32, #tpu.memory_space<vmem>>) target(%dma_start3A_40 : memref<10000x64xf32, #tpu.memory_space<vmem_shared>>) offsets(%arg14 : memref<128xi32, #tpu.memory_space<vmem>>) semaphore(%run_scoped3A : memref<!tpu.dma_semaphore, #tpu.memory_space<semaphore_mem>>) {add = true}
          %dma_wait3A_41 = arith.constant 0 : i32
          %dma_wait3A_42 = arith.constant 0 : i32
          %dma_wait3A_43 = tpu.memref_slice %arg11[%dma_wait3A_41, %dma_wait3A_42] : memref<10000x64xf32, #tpu.memory_space<vmem_shared>> -> memref<10000x64xf32, #tpu.memory_space<vmem_shared>>
          tpu.wait_indirect_dma semaphore(%run_scoped3A : memref<!tpu.dma_semaphore, #tpu.memory_space<semaphore_mem>>) src(%arg16 : memref<128x64xf32, #tpu.memory_space<vmem>>) dst(%dma_wait3A_43 : memref<10000x64xf32, #tpu.memory_space<vmem_shared>>)
          tpu.yield
        }) : () -> ()
        "tpu.region"() ({
          %run_scoped3A = tpu.sem_alloc : memref<!tpu.dma_semaphore, #tpu.memory_space<semaphore_mem>>
          %dma_start3A_38 = arith.constant 0 : i32
          %dma_start3A_39 = arith.constant 0 : i32
          %dma_start3A_40 = tpu.memref_slice %arg12[%dma_start3A_38, %dma_start3A_39] : memref<10000x64xf32, #tpu.memory_space<vmem_shared>> -> memref<10000x64xf32, #tpu.memory_space<vmem_shared>>
          tpu.enqueue_indirect_dma source(%arg16 : memref<128x64xf32, #tpu.memory_space<vmem>>) target(%dma_start3A_40 : memref<10000x64xf32, #tpu.memory_space<vmem_shared>>) offsets(%arg15 : memref<128xi32, #tpu.memory_space<vmem>>) semaphore(%run_scoped3A : memref<!tpu.dma_semaphore, #tpu.memory_space<semaphore_mem>>) {add = true}
          %dma_wait3A_41 = arith.constant 0 : i32
          %dma_wait3A_42 = arith.constant 0 : i32
          %dma_wait3A_43 = tpu.memref_slice %arg12[%dma_wait3A_41, %dma_wait3A_42] : memref<10000x64xf32, #tpu.memory_space<vmem_shared>> -> memref<10000x64xf32, #tpu.memory_space<vmem_shared>>
          tpu.wait_indirect_dma semaphore(%run_scoped3A : memref<!tpu.dma_semaphore, #tpu.memory_space<semaphore_mem>>) src(%arg16 : memref<128x64xf32, #tpu.memory_space<vmem>>) dst(%dma_wait3A_43 : memref<10000x64xf32, #tpu.memory_space<vmem_shared>>)
          tpu.yield
        }) : () -> ()
        "tpu.region"() ({
          %run_scoped3A = tpu.sem_alloc : memref<!tpu.dma_semaphore, #tpu.memory_space<semaphore_mem>>
          %dma_start3A_38 = arith.constant 0 : i32
          %dma_start3A_39 = arith.constant 0 : i32
          %dma_start3A_40 = tpu.memref_slice %arg13[%dma_start3A_38, %dma_start3A_39] : memref<10000x16xf32, #tpu.memory_space<vmem_shared>> -> memref<10000x16xf32, #tpu.memory_space<vmem_shared>>
          tpu.enqueue_indirect_dma source(%arg17 : memref<128x16xf32, #tpu.memory_space<vmem>>) target(%dma_start3A_40 : memref<10000x16xf32, #tpu.memory_space<vmem_shared>>) offsets(%arg14 : memref<128xi32, #tpu.memory_space<vmem>>) semaphore(%run_scoped3A : memref<!tpu.dma_semaphore, #tpu.memory_space<semaphore_mem>>) {add = true}
          %dma_wait3A_41 = arith.constant 0 : i32
          %dma_wait3A_42 = arith.constant 0 : i32
          %dma_wait3A_43 = tpu.memref_slice %arg13[%dma_wait3A_41, %dma_wait3A_42] : memref<10000x16xf32, #tpu.memory_space<vmem_shared>> -> memref<10000x16xf32, #tpu.memory_space<vmem_shared>>
          tpu.wait_indirect_dma semaphore(%run_scoped3A : memref<!tpu.dma_semaphore, #tpu.memory_space<semaphore_mem>>) src(%arg17 : memref<128x16xf32, #tpu.memory_space<vmem>>) dst(%dma_wait3A_43 : memref<10000x16xf32, #tpu.memory_space<vmem_shared>>)
          tpu.yield
        }) : () -> ()
        "tpu.region"() ({
          %run_scoped3A = tpu.sem_alloc : memref<!tpu.dma_semaphore, #tpu.memory_space<semaphore_mem>>
          %dma_start3A_38 = arith.constant 0 : i32
          %dma_start3A_39 = arith.constant 0 : i32
          %dma_start3A_40 = tpu.memref_slice %arg13[%dma_start3A_38, %dma_start3A_39] : memref<10000x16xf32, #tpu.memory_space<vmem_shared>> -> memref<10000x16xf32, #tpu.memory_space<vmem_shared>>
          tpu.enqueue_indirect_dma source(%arg17 : memref<128x16xf32, #tpu.memory_space<vmem>>) target(%dma_start3A_40 : memref<10000x16xf32, #tpu.memory_space<vmem_shared>>) offsets(%arg15 : memref<128xi32, #tpu.memory_space<vmem>>) semaphore(%run_scoped3A : memref<!tpu.dma_semaphore, #tpu.memory_space<semaphore_mem>>) {add = true}
          %dma_wait3A_41 = arith.constant 0 : i32
          %dma_wait3A_42 = arith.constant 0 : i32
          %dma_wait3A_43 = tpu.memref_slice %arg13[%dma_wait3A_41, %dma_wait3A_42] : memref<10000x16xf32, #tpu.memory_space<vmem_shared>> -> memref<10000x16xf32, #tpu.memory_space<vmem_shared>>
          tpu.wait_indirect_dma semaphore(%run_scoped3A : memref<!tpu.dma_semaphore, #tpu.memory_space<semaphore_mem>>) src(%arg17 : memref<128x16xf32, #tpu.memory_space<vmem>>) dst(%dma_wait3A_43 : memref<10000x16xf32, #tpu.memory_space<vmem_shared>>)
          tpu.yield
        }) : () -> ()
      } else {
      }
    }
    %scan3A_7 = arith.constant 79 : i32
    %barrier3A_8 = arith.constant 0 : index
    tpu.barrier barrier_id(%barrier3A_8)
    %mul3A_9 = arith.constant 10000 : i32
    %mul3A_10 = arith.muli %arg0, %mul3A_9 : i32
    %mul3A_11 = arith.constant 625 : i32
    %mul3A_12 = arith.muli %arg1, %mul3A_11 : i32
    %add3A_13 = arith.addi %mul3A_10, %mul3A_12 : i32
    "tpu.region"() ({
      %run_scoped3A = tpu.sem_alloc : memref<!tpu.dma_semaphore, #tpu.memory_space<semaphore_mem>>
      %dma_start3A = arith.constant 0 : i32
      %dma_start3A_14 = tpu.memref_slice %arg8[%add3A_13, %dma_start3A] : memref<20000x64xf32, #tpu.memory_space<hbm>> -> memref<625x64xf32, #tpu.memory_space<hbm>>
      %dma_start3A_15 = arith.constant 0 : i32
      %dma_start3A_16 = tpu.memref_slice %arg11[%mul3A_2, %dma_start3A_15] : memref<10000x64xf32, #tpu.memory_space<vmem_shared>> -> memref<625x64xf32, #tpu.memory_space<vmem_shared>>
      tpu.enqueue_dma source(%dma_start3A_16 : memref<625x64xf32, #tpu.memory_space<vmem_shared>>) target(%dma_start3A_14 : memref<625x64xf32, #tpu.memory_space<hbm>>) target_semaphore(%run_scoped3A : memref<!tpu.dma_semaphore, #tpu.memory_space<semaphore_mem>>)
      %dma_wait3A = arith.constant 0 : i32
      %dma_wait3A_17 = tpu.memref_slice %arg8[%add3A_13, %dma_wait3A] : memref<20000x64xf32, #tpu.memory_space<hbm>> -> memref<625x64xf32, #tpu.memory_space<hbm>>
      %dma_wait3A_18 = arith.constant 0 : i32
      %dma_wait3A_19 = tpu.memref_slice %arg11[%mul3A_2, %dma_wait3A_18] : memref<10000x64xf32, #tpu.memory_space<vmem_shared>> -> memref<625x64xf32, #tpu.memory_space<vmem_shared>>
      tpu.wait_dma2 semaphore(%run_scoped3A : memref<!tpu.dma_semaphore, #tpu.memory_space<semaphore_mem>>) src(%dma_wait3A_19 : memref<625x64xf32, #tpu.memory_space<vmem_shared>>) dst(%dma_wait3A_17 : memref<625x64xf32, #tpu.memory_space<hbm>>)
      tpu.yield
    }) : () -> ()
    "tpu.region"() ({
      %run_scoped3A = tpu.sem_alloc : memref<!tpu.dma_semaphore, #tpu.memory_space<semaphore_mem>>
      %dma_start3A = arith.constant 0 : i32
      %dma_start3A_14 = tpu.memref_slice %arg9[%add3A_13, %dma_start3A] : memref<20000x64xf32, #tpu.memory_space<hbm>> -> memref<625x64xf32, #tpu.memory_space<hbm>>
      %dma_start3A_15 = arith.constant 0 : i32
      %dma_start3A_16 = tpu.memref_slice %arg12[%mul3A_2, %dma_start3A_15] : memref<10000x64xf32, #tpu.memory_space<vmem_shared>> -> memref<625x64xf32, #tpu.memory_space<vmem_shared>>
      tpu.enqueue_dma source(%dma_start3A_16 : memref<625x64xf32, #tpu.memory_space<vmem_shared>>) target(%dma_start3A_14 : memref<625x64xf32, #tpu.memory_space<hbm>>) target_semaphore(%run_scoped3A : memref<!tpu.dma_semaphore, #tpu.memory_space<semaphore_mem>>)
      %dma_wait3A = arith.constant 0 : i32
      %dma_wait3A_17 = tpu.memref_slice %arg9[%add3A_13, %dma_wait3A] : memref<20000x64xf32, #tpu.memory_space<hbm>> -> memref<625x64xf32, #tpu.memory_space<hbm>>
      %dma_wait3A_18 = arith.constant 0 : i32
      %dma_wait3A_19 = tpu.memref_slice %arg12[%mul3A_2, %dma_wait3A_18] : memref<10000x64xf32, #tpu.memory_space<vmem_shared>> -> memref<625x64xf32, #tpu.memory_space<vmem_shared>>
      tpu.wait_dma2 semaphore(%run_scoped3A : memref<!tpu.dma_semaphore, #tpu.memory_space<semaphore_mem>>) src(%dma_wait3A_19 : memref<625x64xf32, #tpu.memory_space<vmem_shared>>) dst(%dma_wait3A_17 : memref<625x64xf32, #tpu.memory_space<hbm>>)
      tpu.yield
    }) : () -> ()
    "tpu.region"() ({
      %run_scoped3A = tpu.sem_alloc : memref<!tpu.dma_semaphore, #tpu.memory_space<semaphore_mem>>
      %dma_start3A = arith.constant 0 : i32
      %dma_start3A_14 = tpu.memref_slice %arg10[%add3A_13, %dma_start3A] : memref<20000x16xf32, #tpu.memory_space<hbm>> -> memref<625x16xf32, #tpu.memory_space<hbm>>
      %dma_start3A_15 = arith.constant 0 : i32
      %dma_start3A_16 = tpu.memref_slice %arg13[%mul3A_2, %dma_start3A_15] : memref<10000x16xf32, #tpu.memory_space<vmem_shared>> -> memref<625x16xf32, #tpu.memory_space<vmem_shared>>
      tpu.enqueue_dma source(%dma_start3A_16 : memref<625x16xf32, #tpu.memory_space<vmem_shared>>) target(%dma_start3A_14 : memref<625x16xf32, #tpu.memory_space<hbm>>) target_semaphore(%run_scoped3A : memref<!tpu.dma_semaphore, #tpu.memory_space<semaphore_mem>>)
      %dma_wait3A = arith.constant 0 : i32
      %dma_wait3A_17 = tpu.memref_slice %arg10[%add3A_13, %dma_wait3A] : memref<20000x16xf32, #tpu.memory_space<hbm>> -> memref<625x16xf32, #tpu.memory_space<hbm>>
      %dma_wait3A_18 = arith.constant 0 : i32
      %dma_wait3A_19 = tpu.memref_slice %arg13[%mul3A_2, %dma_wait3A_18] : memref<10000x16xf32, #tpu.memory_space<vmem_shared>> -> memref<625x16xf32, #tpu.memory_space<vmem_shared>>
      tpu.wait_dma2 semaphore(%run_scoped3A : memref<!tpu.dma_semaphore, #tpu.memory_space<semaphore_mem>>) src(%dma_wait3A_19 : memref<625x16xf32, #tpu.memory_space<vmem_shared>>) dst(%dma_wait3A_17 : memref<625x16xf32, #tpu.memory_space<hbm>>)
      tpu.yield
    }) : () -> ()
    return
  }
}

module attributes {stable_mosaic.version = 14 : i64} {
  func.func @_tc_edge_pre(%arg0: i32, %arg1: memref<2000x2xf32, #tpu.memory_space<vmem>>, %arg2: memref<1x32xf32, #tpu.memory_space<vmem>>, %arg3: memref<1x32xf32, #tpu.memory_space<vmem>>, %arg4: memref<64x128xf32, #tpu.memory_space<vmem>>, %arg5: memref<1x128xf32, #tpu.memory_space<vmem>>, %arg6: memref<1x32xf32, #tpu.memory_space<vmem>>, %arg7: memref<1x32xf32, #tpu.memory_space<vmem>>, %arg8: memref<64x128xf32, #tpu.memory_space<vmem>>, %arg9: memref<1x128xf32, #tpu.memory_space<vmem>>, %arg10: memref<2000x128xf32, #tpu.memory_space<vmem>>, %arg11: memref<2000x128xf32, #tpu.memory_space<vmem>>, %arg12: memref<2000x16xf32, #tpu.memory_space<vmem>>) attributes {dimension_semantics = [#tpu.dimension_semantics<arbitrary>], iteration_bounds = array<i64: 160>, scalar_prefetch = 0 : i64, scratch_operands = 0 : i64, tpu.core_type = #tpu.core_type<tc>, window_params = [{transform_indices = @transform_0, window_bounds = array<i64: 2000, 2>}, {pipeline_mode = #tpu.pipeline_mode<synchronous>, transform_indices = @transform_1, window_bounds = array<i64: 1, 32>}, {pipeline_mode = #tpu.pipeline_mode<synchronous>, transform_indices = @transform_2, window_bounds = array<i64: 1, 32>}, {pipeline_mode = #tpu.pipeline_mode<synchronous>, transform_indices = @transform_3, window_bounds = array<i64: 64, 128>}, {pipeline_mode = #tpu.pipeline_mode<synchronous>, transform_indices = @transform_4, window_bounds = array<i64: 1, 128>}, {pipeline_mode = #tpu.pipeline_mode<synchronous>, transform_indices = @transform_5, window_bounds = array<i64: 1, 32>}, {pipeline_mode = #tpu.pipeline_mode<synchronous>, transform_indices = @transform_6, window_bounds = array<i64: 1, 32>}, {pipeline_mode = #tpu.pipeline_mode<synchronous>, transform_indices = @transform_7, window_bounds = array<i64: 64, 128>}, {pipeline_mode = #tpu.pipeline_mode<synchronous>, transform_indices = @transform_8, window_bounds = array<i64: 1, 128>}, {transform_indices = @transform_9, window_bounds = array<i64: 2000, 128>}, {transform_indices = @transform_10, window_bounds = array<i64: 2000, 128>}, {transform_indices = @transform_11, window_bounds = array<i64: 2000, 16>}]} {
    %get3A = arith.constant 0 : index
    %get3A_0 = arith.constant 0 : index
    %get3A_1 = vector.load %arg1[%get3A, %get3A_0] : memref<2000x2xf32, #tpu.memory_space<vmem>>, vector<2000x2xf32>
    %ne3A = arith.constant 0.000000e+00 : f32
    %ne3A_2 = vector.broadcast %ne3A : f32 to vector<2000x2xf32>
    %ne3A_3 = arith.cmpf one, %get3A_1, %ne3A_2 : vector<2000x2xf32>
    %div3A = arith.constant 1.000000e+00 : f32
    %div3A_4 = vector.broadcast %div3A : f32 to vector<2000x2xf32>
    %div3A_5 = arith.divf %div3A_4, %get3A_1 : vector<2000x2xf32>
    %jit3A = arith.constant 0.000000e+00 : f32
    %broadcast_in_dim3A = vector.broadcast %jit3A : f32 to vector<2000x2xf32>
    %select_n3A = arith.select %ne3A_3, %div3A_5, %broadcast_in_dim3A : vector<2000x2xi1>, vector<2000x2xf32>
    %get3A_6 = arith.constant 0 : index
    %get3A_7 = arith.constant 0 : index
    %get3A_8 = vector.load %arg2[%get3A_6, %get3A_7] : memref<1x32xf32, #tpu.memory_space<vmem>>, vector<1x32xf32>
    %get3A_9 = arith.constant 0 : index
    %get3A_10 = arith.constant 0 : index
    %get3A_11 = vector.load %arg3[%get3A_9, %get3A_10] : memref<1x32xf32, #tpu.memory_space<vmem>>, vector<1x32xf32>
    %slice3A = vector.extract_strided_slice %select_n3A {offsets = [0, 0], sizes = [2000, 1], strides = [1, 1]} : vector<2000x2xf32> to vector<2000x1xf32>
    %mul3A = vector.broadcast %slice3A : vector<2000x1xf32> to vector<2000x32xf32>
    %mul3A_12 = vector.broadcast %get3A_8 : vector<1x32xf32> to vector<2000x32xf32>
    %mul3A_13 = arith.mulf %mul3A, %mul3A_12 : vector<2000x32xf32>
    %add3A = vector.broadcast %get3A_11 : vector<1x32xf32> to vector<2000x32xf32>
    %add3A_14 = arith.addf %mul3A_13, %add3A : vector<2000x32xf32>
    %max3A = arith.constant 0.000000e+00 : f32
    %max3A_15 = vector.broadcast %max3A : f32 to vector<2000x32xf32>
    %max3A_16 = arith.maximumf %add3A_14, %max3A_15 : vector<2000x32xf32>
    %slice3A_17 = vector.extract_strided_slice %select_n3A {offsets = [0, 1], sizes = [2000, 1], strides = [1, 1]} : vector<2000x2xf32> to vector<2000x1xf32>
    %mul3A_18 = vector.broadcast %slice3A_17 : vector<2000x1xf32> to vector<2000x32xf32>
    %mul3A_19 = vector.broadcast %get3A_8 : vector<1x32xf32> to vector<2000x32xf32>
    %mul3A_20 = arith.mulf %mul3A_18, %mul3A_19 : vector<2000x32xf32>
    %add3A_21 = vector.broadcast %get3A_11 : vector<1x32xf32> to vector<2000x32xf32>
    %add3A_22 = arith.addf %mul3A_20, %add3A_21 : vector<2000x32xf32>
    %max3A_23 = arith.constant 0.000000e+00 : f32
    %max3A_24 = vector.broadcast %max3A_23 : f32 to vector<2000x32xf32>
    %max3A_25 = arith.maximumf %add3A_22, %max3A_24 : vector<2000x32xf32>
    %concatenate3A = tpu.concatenate %max3A_16, %max3A_25 in 1 : vector<2000x32xf32>, vector<2000x32xf32> -> vector<2000x64xf32>
    %get3A_26 = arith.constant 0 : index
    %get3A_27 = arith.constant 0 : index
    %get3A_28 = vector.load %arg4[%get3A_26, %get3A_27] : memref<64x128xf32, #tpu.memory_space<vmem>>, vector<64x128xf32>
    %dot_general3A = arith.constant dense<0.000000e+00> : vector<2000x128xf32>
    %dot_general3A_29 = tpu.matmul %concatenate3A, %get3A_28, %dot_general3A {dimension_numbers = #tpu.dot_dimension_numbers<[1], [0], [0], [1], [0, 0, 1, 1], [], []>, transpose_lhs_hint = false} : vector<2000x64xf32>, vector<64x128xf32>, vector<2000x128xf32> -> vector<2000x128xf32>
    %get3A_30 = arith.constant 0 : index
    %get3A_31 = arith.constant 0 : index
    %get3A_32 = vector.load %arg5[%get3A_30, %get3A_31] : memref<1x128xf32, #tpu.memory_space<vmem>>, vector<1x128xf32>
    %add3A_33 = vector.broadcast %get3A_32 : vector<1x128xf32> to vector<2000x128xf32>
    %add3A_34 = arith.addf %dot_general3A_29, %add3A_33 : vector<2000x128xf32>
    %swap3A = arith.constant 0 : index
    %swap3A_35 = arith.constant 0 : index
    %swap3A_36 = vector.load %arg10[%swap3A, %swap3A_35] : memref<2000x128xf32, #tpu.memory_space<vmem>>, vector<2000x128xf32>
    tpu.vector_store %arg10[%swap3A, %swap3A_35], %add3A_34 {strides = array<i32>} : memref<2000x128xf32, #tpu.memory_space<vmem>>, vector<2000x128xf32>,
    %get3A_37 = arith.constant 0 : index
    %get3A_38 = arith.constant 0 : index
    %get3A_39 = vector.load %arg6[%get3A_37, %get3A_38] : memref<1x32xf32, #tpu.memory_space<vmem>>, vector<1x32xf32>
    %get3A_40 = arith.constant 0 : index
    %get3A_41 = arith.constant 0 : index
    %get3A_42 = vector.load %arg7[%get3A_40, %get3A_41] : memref<1x32xf32, #tpu.memory_space<vmem>>, vector<1x32xf32>
    %slice3A_43 = vector.extract_strided_slice %get3A_1 {offsets = [0, 0], sizes = [2000, 1], strides = [1, 1]} : vector<2000x2xf32> to vector<2000x1xf32>
    %mul3A_44 = vector.broadcast %slice3A_43 : vector<2000x1xf32> to vector<2000x32xf32>
    %mul3A_45 = vector.broadcast %get3A_39 : vector<1x32xf32> to vector<2000x32xf32>
    %mul3A_46 = arith.mulf %mul3A_44, %mul3A_45 : vector<2000x32xf32>
    %add3A_47 = vector.broadcast %get3A_42 : vector<1x32xf32> to vector<2000x32xf32>
    %add3A_48 = arith.addf %mul3A_46, %add3A_47 : vector<2000x32xf32>
    %max3A_49 = arith.constant 0.000000e+00 : f32
    %max3A_50 = vector.broadcast %max3A_49 : f32 to vector<2000x32xf32>
    %max3A_51 = arith.maximumf %add3A_48, %max3A_50 : vector<2000x32xf32>
    %slice3A_52 = vector.extract_strided_slice %get3A_1 {offsets = [0, 1], sizes = [2000, 1], strides = [1, 1]} : vector<2000x2xf32> to vector<2000x1xf32>
    %mul3A_53 = vector.broadcast %slice3A_52 : vector<2000x1xf32> to vector<2000x32xf32>
    %mul3A_54 = vector.broadcast %get3A_39 : vector<1x32xf32> to vector<2000x32xf32>
    %mul3A_55 = arith.mulf %mul3A_53, %mul3A_54 : vector<2000x32xf32>
    %add3A_56 = vector.broadcast %get3A_42 : vector<1x32xf32> to vector<2000x32xf32>
    %add3A_57 = arith.addf %mul3A_55, %add3A_56 : vector<2000x32xf32>
    %max3A_58 = arith.constant 0.000000e+00 : f32
    %max3A_59 = vector.broadcast %max3A_58 : f32 to vector<2000x32xf32>
    %max3A_60 = arith.maximumf %add3A_57, %max3A_59 : vector<2000x32xf32>
    %concatenate3A_61 = tpu.concatenate %max3A_51, %max3A_60 in 1 : vector<2000x32xf32>, vector<2000x32xf32> -> vector<2000x64xf32>
    %get3A_62 = arith.constant 0 : index
    %get3A_63 = arith.constant 0 : index
    %get3A_64 = vector.load %arg8[%get3A_62, %get3A_63] : memref<64x128xf32, #tpu.memory_space<vmem>>, vector<64x128xf32>
    %dot_general3A_65 = arith.constant dense<0.000000e+00> : vector<2000x128xf32>
    %dot_general3A_66 = tpu.matmul %concatenate3A_61, %get3A_64, %dot_general3A_65 {dimension_numbers = #tpu.dot_dimension_numbers<[1], [0], [0], [1], [0, 0, 1, 1], [], []>, transpose_lhs_hint = false} : vector<2000x64xf32>, vector<64x128xf32>, vector<2000x128xf32> -> vector<2000x128xf32>
    %get3A_67 = arith.constant 0 : index
    %get3A_68 = arith.constant 0 : index
    %get3A_69 = vector.load %arg9[%get3A_67, %get3A_68] : memref<1x128xf32, #tpu.memory_space<vmem>>, vector<1x128xf32>
    %add3A_70 = vector.broadcast %get3A_69 : vector<1x128xf32> to vector<2000x128xf32>
    %add3A_71 = arith.addf %dot_general3A_66, %add3A_70 : vector<2000x128xf32>
    %swap3A_72 = arith.constant 0 : index
    %swap3A_73 = arith.constant 0 : index
    %swap3A_74 = vector.load %arg11[%swap3A_72, %swap3A_73] : memref<2000x128xf32, #tpu.memory_space<vmem>>, vector<2000x128xf32>
    tpu.vector_store %arg11[%swap3A_72, %swap3A_73], %add3A_71 {strides = array<i32>} : memref<2000x128xf32, #tpu.memory_space<vmem>>, vector<2000x128xf32>,
    %broadcast_in_dim3A_75 = arith.constant 0.000000e+00 : f32
    %broadcast_in_dim3A_76 = vector.broadcast %broadcast_in_dim3A_75 : f32 to vector<2000x14xf32>
    %concatenate3A_77 = tpu.concatenate %get3A_1, %broadcast_in_dim3A_76 in 1 : vector<2000x2xf32>, vector<2000x14xf32> -> vector<2000x16xf32>
    %swap3A_78 = arith.constant 0 : index
    %swap3A_79 = arith.constant 0 : index
    %swap3A_80 = vector.load %arg12[%swap3A_78, %swap3A_79] : memref<2000x16xf32, #tpu.memory_space<vmem>>, vector<2000x16xf32>
    tpu.vector_store %arg12[%swap3A_78, %swap3A_79], %concatenate3A_77 {strides = array<i32>} : memref<2000x16xf32, #tpu.memory_space<vmem>>, vector<2000x16xf32>,
    return
  }
  func.func @transform_0(%arg0: i32) -> (i32, i32) {
    %c0_i32 = arith.constant 0 : i32
    %c0_i32_0 = arith.constant 0 : i32
    return %arg0, %c0_i32 : i32, i32
  }
  func.func @transform_1(%arg0: i32) -> (i32, i32) {
    %c0_i32 = arith.constant 0 : i32
    %c0_i32_0 = arith.constant 0 : i32
    %c0_i32_1 = arith.constant 0 : i32
    return %c0_i32, %c0_i32_0 : i32, i32
  }
  func.func @transform_2(%arg0: i32) -> (i32, i32) {
    %c0_i32 = arith.constant 0 : i32
    %c0_i32_0 = arith.constant 0 : i32
    %c0_i32_1 = arith.constant 0 : i32
    return %c0_i32, %c0_i32_0 : i32, i32
  }
  func.func @transform_3(%arg0: i32) -> (i32, i32) {
    %c0_i32 = arith.constant 0 : i32
    %c0_i32_0 = arith.constant 0 : i32
    %c0_i32_1 = arith.constant 0 : i32
    return %c0_i32, %c0_i32_0 : i32, i32
  }
  func.func @transform_4(%arg0: i32) -> (i32, i32) {
    %c0_i32 = arith.constant 0 : i32
    %c0_i32_0 = arith.constant 0 : i32
    %c0_i32_1 = arith.constant 0 : i32
    return %c0_i32, %c0_i32_0 : i32, i32
  }
  func.func @transform_5(%arg0: i32) -> (i32, i32) {
    %c0_i32 = arith.constant 0 : i32
    %c0_i32_0 = arith.constant 0 : i32
    %c0_i32_1 = arith.constant 0 : i32
    return %c0_i32, %c0_i32_0 : i32, i32
  }
  func.func @transform_6(%arg0: i32) -> (i32, i32) {
    %c0_i32 = arith.constant 0 : i32
    %c0_i32_0 = arith.constant 0 : i32
    %c0_i32_1 = arith.constant 0 : i32
    return %c0_i32, %c0_i32_0 : i32, i32
  }
  func.func @transform_7(%arg0: i32) -> (i32, i32) {
    %c0_i32 = arith.constant 0 : i32
    %c0_i32_0 = arith.constant 0 : i32
    %c0_i32_1 = arith.constant 0 : i32
    return %c0_i32, %c0_i32_0 : i32, i32
  }
  func.func @transform_8(%arg0: i32) -> (i32, i32) {
    %c0_i32 = arith.constant 0 : i32
    %c0_i32_0 = arith.constant 0 : i32
    %c0_i32_1 = arith.constant 0 : i32
    return %c0_i32, %c0_i32_0 : i32, i32
  }
  func.func @transform_9(%arg0: i32) -> (i32, i32) {
    %c0_i32 = arith.constant 0 : i32
    %c0_i32_0 = arith.constant 0 : i32
    return %arg0, %c0_i32 : i32, i32
  }
  func.func @transform_10(%arg0: i32) -> (i32, i32) {
    %c0_i32 = arith.constant 0 : i32
    %c0_i32_0 = arith.constant 0 : i32
    return %arg0, %c0_i32 : i32, i32
  }
  func.func @transform_11(%arg0: i32) -> (i32, i32) {
    %c0_i32 = arith.constant 0 : i32
    %c0_i32_0 = arith.constant 0 : i32
    return %arg0, %c0_i32 : i32, i32
  }
}

module attributes {stable_mosaic.version = 14 : i64} {
  func.func @_tc_node_pre(%arg0: i32, %arg1: memref<2000x2xf32, #tpu.memory_space<vmem>>, %arg2: memref<1x64xf32, #tpu.memory_space<vmem>>, %arg3: memref<1x64xf32, #tpu.memory_space<vmem>>, %arg4: memref<128x128xf32, #tpu.memory_space<vmem>>, %arg5: memref<128x128xf32, #tpu.memory_space<vmem>>, %arg6: memref<2000x128xf32, #tpu.memory_space<vmem>>, %arg7: memref<2000x128xf32, #tpu.memory_space<vmem>>, %arg8: memref<2000x128xf32, #tpu.memory_space<vmem>>) attributes {dimension_semantics = [#tpu.dimension_semantics<arbitrary>], iteration_bounds = array<i64: 5>, scalar_prefetch = 0 : i64, scratch_operands = 0 : i64, tpu.core_type = #tpu.core_type<tc>, window_params = [{transform_indices = @transform_0, window_bounds = array<i64: 2000, 2>}, {pipeline_mode = #tpu.pipeline_mode<synchronous>, transform_indices = @transform_1, window_bounds = array<i64: 1, 64>}, {pipeline_mode = #tpu.pipeline_mode<synchronous>, transform_indices = @transform_2, window_bounds = array<i64: 1, 64>}, {pipeline_mode = #tpu.pipeline_mode<synchronous>, transform_indices = @transform_3, window_bounds = array<i64: 128, 128>}, {pipeline_mode = #tpu.pipeline_mode<synchronous>, transform_indices = @transform_4, window_bounds = array<i64: 128, 128>}, {transform_indices = @transform_5, window_bounds = array<i64: 2000, 128>}, {transform_indices = @transform_6, window_bounds = array<i64: 2000, 128>}, {transform_indices = @transform_7, window_bounds = array<i64: 2000, 128>}]} {
    %get3A = arith.constant 0 : index
    %get3A_0 = arith.constant 0 : index
    %get3A_1 = vector.load %arg1[%get3A, %get3A_0] : memref<2000x2xf32, #tpu.memory_space<vmem>>, vector<2000x2xf32>
    %get3A_2 = arith.constant 0 : index
    %get3A_3 = arith.constant 0 : index
    %get3A_4 = vector.load %arg2[%get3A_2, %get3A_3] : memref<1x64xf32, #tpu.memory_space<vmem>>, vector<1x64xf32>
    %get3A_5 = arith.constant 0 : index
    %get3A_6 = arith.constant 0 : index
    %get3A_7 = vector.load %arg3[%get3A_5, %get3A_6] : memref<1x64xf32, #tpu.memory_space<vmem>>, vector<1x64xf32>
    %slice3A = vector.extract_strided_slice %get3A_1 {offsets = [0, 0], sizes = [2000, 1], strides = [1, 1]} : vector<2000x2xf32> to vector<2000x1xf32>
    %mul3A = vector.broadcast %slice3A : vector<2000x1xf32> to vector<2000x64xf32>
    %mul3A_8 = vector.broadcast %get3A_4 : vector<1x64xf32> to vector<2000x64xf32>
    %mul3A_9 = arith.mulf %mul3A, %mul3A_8 : vector<2000x64xf32>
    %add3A = vector.broadcast %get3A_7 : vector<1x64xf32> to vector<2000x64xf32>
    %add3A_10 = arith.addf %mul3A_9, %add3A : vector<2000x64xf32>
    %max3A = arith.constant 0.000000e+00 : f32
    %max3A_11 = vector.broadcast %max3A : f32 to vector<2000x64xf32>
    %max3A_12 = arith.maximumf %add3A_10, %max3A_11 : vector<2000x64xf32>
    %slice3A_13 = vector.extract_strided_slice %get3A_1 {offsets = [0, 1], sizes = [2000, 1], strides = [1, 1]} : vector<2000x2xf32> to vector<2000x1xf32>
    %mul3A_14 = vector.broadcast %slice3A_13 : vector<2000x1xf32> to vector<2000x64xf32>
    %mul3A_15 = vector.broadcast %get3A_4 : vector<1x64xf32> to vector<2000x64xf32>
    %mul3A_16 = arith.mulf %mul3A_14, %mul3A_15 : vector<2000x64xf32>
    %add3A_17 = vector.broadcast %get3A_7 : vector<1x64xf32> to vector<2000x64xf32>
    %add3A_18 = arith.addf %mul3A_16, %add3A_17 : vector<2000x64xf32>
    %max3A_19 = arith.constant 0.000000e+00 : f32
    %max3A_20 = vector.broadcast %max3A_19 : f32 to vector<2000x64xf32>
    %max3A_21 = arith.maximumf %add3A_18, %max3A_20 : vector<2000x64xf32>
    %concatenate3A = tpu.concatenate %max3A_12, %max3A_21 in 1 : vector<2000x64xf32>, vector<2000x64xf32> -> vector<2000x128xf32>
    %swap3A = arith.constant 0 : index
    %swap3A_22 = arith.constant 0 : index
    %swap3A_23 = vector.load %arg6[%swap3A, %swap3A_22] : memref<2000x128xf32, #tpu.memory_space<vmem>>, vector<2000x128xf32>
    tpu.vector_store %arg6[%swap3A, %swap3A_22], %concatenate3A {strides = array<i32>} : memref<2000x128xf32, #tpu.memory_space<vmem>>, vector<2000x128xf32>,
    %get3A_24 = arith.constant 0 : index
    %get3A_25 = arith.constant 0 : index
    %get3A_26 = vector.load %arg4[%get3A_24, %get3A_25] : memref<128x128xf32, #tpu.memory_space<vmem>>, vector<128x128xf32>
    %dot_general3A = arith.constant dense<0.000000e+00> : vector<2000x128xf32>
    %dot_general3A_27 = tpu.matmul %concatenate3A, %get3A_26, %dot_general3A {dimension_numbers = #tpu.dot_dimension_numbers<[1], [0], [0], [1], [0, 0, 1, 1], [], []>, transpose_lhs_hint = false} : vector<2000x128xf32>, vector<128x128xf32>, vector<2000x128xf32> -> vector<2000x128xf32>
    %swap3A_28 = arith.constant 0 : index
    %swap3A_29 = arith.constant 0 : index
    %swap3A_30 = vector.load %arg7[%swap3A_28, %swap3A_29] : memref<2000x128xf32, #tpu.memory_space<vmem>>, vector<2000x128xf32>
    tpu.vector_store %arg7[%swap3A_28, %swap3A_29], %dot_general3A_27 {strides = array<i32>} : memref<2000x128xf32, #tpu.memory_space<vmem>>, vector<2000x128xf32>,
    %get3A_31 = arith.constant 0 : index
    %get3A_32 = arith.constant 0 : index
    %get3A_33 = vector.load %arg5[%get3A_31, %get3A_32] : memref<128x128xf32, #tpu.memory_space<vmem>>, vector<128x128xf32>
    %dot_general3A_34 = arith.constant dense<0.000000e+00> : vector<2000x128xf32>
    %dot_general3A_35 = tpu.matmul %concatenate3A, %get3A_33, %dot_general3A_34 {dimension_numbers = #tpu.dot_dimension_numbers<[1], [0], [0], [1], [0, 0, 1, 1], [], []>, transpose_lhs_hint = false} : vector<2000x128xf32>, vector<128x128xf32>, vector<2000x128xf32> -> vector<2000x128xf32>
    %swap3A_36 = arith.constant 0 : index
    %swap3A_37 = arith.constant 0 : index
    %swap3A_38 = vector.load %arg8[%swap3A_36, %swap3A_37] : memref<2000x128xf32, #tpu.memory_space<vmem>>, vector<2000x128xf32>
    tpu.vector_store %arg8[%swap3A_36, %swap3A_37], %dot_general3A_35 {strides = array<i32>} : memref<2000x128xf32, #tpu.memory_space<vmem>>, vector<2000x128xf32>,
    return
  }
  func.func @transform_0(%arg0: i32) -> (i32, i32) {
    %c0_i32 = arith.constant 0 : i32
    %c0_i32_0 = arith.constant 0 : i32
    return %arg0, %c0_i32 : i32, i32
  }
  func.func @transform_1(%arg0: i32) -> (i32, i32) {
    %c0_i32 = arith.constant 0 : i32
    %c0_i32_0 = arith.constant 0 : i32
    %c0_i32_1 = arith.constant 0 : i32
    return %c0_i32, %c0_i32_0 : i32, i32
  }
  func.func @transform_2(%arg0: i32) -> (i32, i32) {
    %c0_i32 = arith.constant 0 : i32
    %c0_i32_0 = arith.constant 0 : i32
    %c0_i32_1 = arith.constant 0 : i32
    return %c0_i32, %c0_i32_0 : i32, i32
  }
  func.func @transform_3(%arg0: i32) -> (i32, i32) {
    %c0_i32 = arith.constant 0 : i32
    %c0_i32_0 = arith.constant 0 : i32
    %c0_i32_1 = arith.constant 0 : i32
    return %c0_i32, %c0_i32_0 : i32, i32
  }
  func.func @transform_4(%arg0: i32) -> (i32, i32) {
    %c0_i32 = arith.constant 0 : i32
    %c0_i32_0 = arith.constant 0 : i32
    %c0_i32_1 = arith.constant 0 : i32
    return %c0_i32, %c0_i32_0 : i32, i32
  }
  func.func @transform_5(%arg0: i32) -> (i32, i32) {
    %c0_i32 = arith.constant 0 : i32
    %c0_i32_0 = arith.constant 0 : i32
    return %arg0, %c0_i32 : i32, i32
  }
  func.func @transform_6(%arg0: i32) -> (i32, i32) {
    %c0_i32 = arith.constant 0 : i32
    %c0_i32_0 = arith.constant 0 : i32
    return %arg0, %c0_i32 : i32, i32
  }
  func.func @transform_7(%arg0: i32) -> (i32, i32) {
    %c0_i32 = arith.constant 0 : i32
    %c0_i32_0 = arith.constant 0 : i32
    return %arg0, %c0_i32 : i32, i32
  }
}

module attributes {stable_mosaic.version = 14 : i64} {
  func.func @_tc_w2(%arg0: i32, %arg1: memref<2000x128xf32, #tpu.memory_space<vmem>>, %arg2: memref<128x64xf32, #tpu.memory_space<vmem>>, %arg3: memref<1x64xf32, #tpu.memory_space<vmem>>, %arg4: memref<2000x64xf32, #tpu.memory_space<vmem>>) attributes {dimension_semantics = [#tpu.dimension_semantics<arbitrary>], iteration_bounds = array<i64: 160>, scalar_prefetch = 0 : i64, scratch_operands = 0 : i64, tpu.core_type = #tpu.core_type<tc>, window_params = [{transform_indices = @transform_0, window_bounds = array<i64: 2000, 128>}, {pipeline_mode = #tpu.pipeline_mode<synchronous>, transform_indices = @transform_1, window_bounds = array<i64: 128, 64>}, {pipeline_mode = #tpu.pipeline_mode<synchronous>, transform_indices = @transform_2, window_bounds = array<i64: 1, 64>}, {transform_indices = @transform_3, window_bounds = array<i64: 2000, 64>}]} {
    %get3A = arith.constant 0 : index
    %get3A_0 = arith.constant 0 : index
    %get3A_1 = vector.load %arg1[%get3A, %get3A_0] : memref<2000x128xf32, #tpu.memory_space<vmem>>, vector<2000x128xf32>
    %get3A_2 = arith.constant 0 : index
    %get3A_3 = arith.constant 0 : index
    %get3A_4 = vector.load %arg2[%get3A_2, %get3A_3] : memref<128x64xf32, #tpu.memory_space<vmem>>, vector<128x64xf32>
    %dot_general3A = arith.constant dense<0.000000e+00> : vector<2000x64xf32>
    %dot_general3A_5 = tpu.matmul %get3A_1, %get3A_4, %dot_general3A {dimension_numbers = #tpu.dot_dimension_numbers<[1], [0], [0], [1], [0, 0, 1, 1], [], []>, transpose_lhs_hint = false} : vector<2000x128xf32>, vector<128x64xf32>, vector<2000x64xf32> -> vector<2000x64xf32>
    %get3A_6 = arith.constant 0 : index
    %get3A_7 = arith.constant 0 : index
    %get3A_8 = vector.load %arg3[%get3A_6, %get3A_7] : memref<1x64xf32, #tpu.memory_space<vmem>>, vector<1x64xf32>
    %add3A = vector.broadcast %get3A_8 : vector<1x64xf32> to vector<2000x64xf32>
    %add3A_9 = arith.addf %dot_general3A_5, %add3A : vector<2000x64xf32>
    %swap3A = arith.constant 0 : index
    %swap3A_10 = arith.constant 0 : index
    %swap3A_11 = vector.load %arg4[%swap3A, %swap3A_10] : memref<2000x64xf32, #tpu.memory_space<vmem>>, vector<2000x64xf32>
    tpu.vector_store %arg4[%swap3A, %swap3A_10], %add3A_9 {strides = array<i32>} : memref<2000x64xf32, #tpu.memory_space<vmem>>, vector<2000x64xf32>,
    return
  }
  func.func @transform_0(%arg0: i32) -> (i32, i32) {
    %c0_i32 = arith.constant 0 : i32
    %c0_i32_0 = arith.constant 0 : i32
    return %arg0, %c0_i32 : i32, i32
  }
  func.func @transform_1(%arg0: i32) -> (i32, i32) {
    %c0_i32 = arith.constant 0 : i32
    %c0_i32_0 = arith.constant 0 : i32
    %c0_i32_1 = arith.constant 0 : i32
    return %c0_i32, %c0_i32_0 : i32, i32
  }
  func.func @transform_2(%arg0: i32) -> (i32, i32) {
    %c0_i32 = arith.constant 0 : i32
    %c0_i32_0 = arith.constant 0 : i32
    %c0_i32_1 = arith.constant 0 : i32
    return %c0_i32, %c0_i32_0 : i32, i32
  }
  func.func @transform_3(%arg0: i32) -> (i32, i32) {
    %c0_i32 = arith.constant 0 : i32
    %c0_i32_0 = arith.constant 0 : i32
    return %arg0, %c0_i32 : i32, i32
  }
}

module attributes {stable_mosaic.version = 14 : i64} {
  func.func @_tc_mid(%arg0: i32, %arg1: memref<2x2000x64xf32, #tpu.memory_space<vmem>>, %arg2: memref<2x2000x64xf32, #tpu.memory_space<vmem>>, %arg3: memref<2x2000x16xf32, #tpu.memory_space<vmem>>, %arg4: memref<1x32xf32, #tpu.memory_space<vmem>>, %arg5: memref<1x32xf32, #tpu.memory_space<vmem>>, %arg6: memref<128x128xf32, #tpu.memory_space<vmem>>, %arg7: memref<192x128xf32, #tpu.memory_space<vmem>>, %arg8: memref<1x128xf32, #tpu.memory_space<vmem>>, %arg9: memref<128x128xf32, #tpu.memory_space<vmem>>, %arg10: memref<1x128xf32, #tpu.memory_space<vmem>>, %arg11: memref<2000x128xf32, #tpu.memory_space<vmem>>, %arg12: memref<2000x128xf32, #tpu.memory_space<vmem>>, %arg13: memref<2000x128xf32, #tpu.memory_space<vmem>>, %arg14: memref<2000x64xf32, #tpu.memory_space<vmem>>) attributes {dimension_semantics = [#tpu.dimension_semantics<arbitrary>], iteration_bounds = array<i64: 5>, scalar_prefetch = 0 : i64, scratch_operands = 0 : i64, tpu.core_type = #tpu.core_type<tc>, window_params = [{transform_indices = @transform_0, window_bounds = array<i64: 2, 2000, 64>}, {transform_indices = @transform_1, window_bounds = array<i64: 2, 2000, 64>}, {transform_indices = @transform_2, window_bounds = array<i64: 2, 2000, 16>}, {pipeline_mode = #tpu.pipeline_mode<synchronous>, transform_indices = @transform_3, window_bounds = array<i64: 1, 32>}, {pipeline_mode = #tpu.pipeline_mode<synchronous>, transform_indices = @transform_4, window_bounds = array<i64: 1, 32>}, {pipeline_mode = #tpu.pipeline_mode<synchronous>, transform_indices = @transform_5, window_bounds = array<i64: 128, 128>}, {pipeline_mode = #tpu.pipeline_mode<synchronous>, transform_indices = @transform_6, window_bounds = array<i64: 192, 128>}, {pipeline_mode = #tpu.pipeline_mode<synchronous>, transform_indices = @transform_7, window_bounds = array<i64: 1, 128>}, {pipeline_mode = #tpu.pipeline_mode<synchronous>, transform_indices = @transform_8, window_bounds = array<i64: 128, 128>}, {pipeline_mode = #tpu.pipeline_mode<synchronous>, transform_indices = @transform_9, window_bounds = array<i64: 1, 128>}, {transform_indices = @transform_10, window_bounds = array<i64: 2000, 128>}, {transform_indices = @transform_11, window_bounds = array<i64: 2000, 128>}, {transform_indices = @transform_12, window_bounds = array<i64: 2000, 128>}, {transform_indices = @transform_13, window_bounds = array<i64: 2000, 64>}]} {
    %get3A = arith.constant 0 : index
    %get3A_0 = arith.constant 0 : index
    %get3A_1 = arith.constant 0 : index
    %get3A_2 = vector.load %arg1[%get3A, %get3A_0, %get3A_1] : memref<2x2000x64xf32, #tpu.memory_space<vmem>>, vector<1x2000x64xf32>
    %get3A_3 = vector.shape_cast %get3A_2 : vector<1x2000x64xf32> to vector<2000x64xf32>
    %get3A_4 = arith.constant 1 : index
    %get3A_5 = arith.constant 0 : index
    %get3A_6 = arith.constant 0 : index
    %get3A_7 = vector.load %arg1[%get3A_4, %get3A_5, %get3A_6] : memref<2x2000x64xf32, #tpu.memory_space<vmem>>, vector<1x2000x64xf32>
    %get3A_8 = vector.shape_cast %get3A_7 : vector<1x2000x64xf32> to vector<2000x64xf32>
    %add3A = arith.addf %get3A_3, %get3A_8 : vector<2000x64xf32>
    %get3A_9 = arith.constant 0 : index
    %get3A_10 = arith.constant 0 : index
    %get3A_11 = arith.constant 0 : index
    %get3A_12 = vector.load %arg2[%get3A_9, %get3A_10, %get3A_11] : memref<2x2000x64xf32, #tpu.memory_space<vmem>>, vector<1x2000x64xf32>
    %get3A_13 = vector.shape_cast %get3A_12 : vector<1x2000x64xf32> to vector<2000x64xf32>
    %get3A_14 = arith.constant 1 : index
    %get3A_15 = arith.constant 0 : index
    %get3A_16 = arith.constant 0 : index
    %get3A_17 = vector.load %arg2[%get3A_14, %get3A_15, %get3A_16] : memref<2x2000x64xf32, #tpu.memory_space<vmem>>, vector<1x2000x64xf32>
    %get3A_18 = vector.shape_cast %get3A_17 : vector<1x2000x64xf32> to vector<2000x64xf32>
    %add3A_19 = arith.addf %get3A_13, %get3A_18 : vector<2000x64xf32>
    %get3A_20 = arith.constant 0 : index
    %get3A_21 = arith.constant 0 : index
    %get3A_22 = arith.constant 0 : index
    %get3A_23 = vector.load %arg3[%get3A_20, %get3A_21, %get3A_22] : memref<2x2000x16xf32, #tpu.memory_space<vmem>>, vector<1x2000x16xf32>
    %get3A_24 = vector.shape_cast %get3A_23 : vector<1x2000x16xf32> to vector<2000x16xf32>
    %get3A_25 = arith.constant 1 : index
    %get3A_26 = arith.constant 0 : index
    %get3A_27 = arith.constant 0 : index
    %get3A_28 = vector.load %arg3[%get3A_25, %get3A_26, %get3A_27] : memref<2x2000x16xf32, #tpu.memory_space<vmem>>, vector<1x2000x16xf32>
    %get3A_29 = vector.shape_cast %get3A_28 : vector<1x2000x16xf32> to vector<2000x16xf32>
    %add3A_30 = arith.addf %get3A_24, %get3A_29 : vector<2000x16xf32>
    %slice3A = vector.extract_strided_slice %add3A_30 {offsets = [0, 0], sizes = [2000, 2], strides = [1, 1]} : vector<2000x16xf32> to vector<2000x2xf32>
    %ne3A = arith.constant 0.000000e+00 : f32
    %ne3A_31 = vector.broadcast %ne3A : f32 to vector<2000x2xf32>
    %ne3A_32 = arith.cmpf one, %slice3A, %ne3A_31 : vector<2000x2xf32>
    %div3A = arith.constant 1.000000e+00 : f32
    %div3A_33 = vector.broadcast %div3A : f32 to vector<2000x2xf32>
    %div3A_34 = arith.divf %div3A_33, %slice3A : vector<2000x2xf32>
    %jit3A = arith.constant 0.000000e+00 : f32
    %broadcast_in_dim3A = vector.broadcast %jit3A : f32 to vector<2000x2xf32>
    %select_n3A = arith.select %ne3A_32, %div3A_34, %broadcast_in_dim3A : vector<2000x2xi1>, vector<2000x2xf32>
    %get3A_35 = arith.constant 0 : index
    %get3A_36 = arith.constant 0 : index
    %get3A_37 = vector.load %arg4[%get3A_35, %get3A_36] : memref<1x32xf32, #tpu.memory_space<vmem>>, vector<1x32xf32>
    %get3A_38 = arith.constant 0 : index
    %get3A_39 = arith.constant 0 : index
    %get3A_40 = vector.load %arg5[%get3A_38, %get3A_39] : memref<1x32xf32, #tpu.memory_space<vmem>>, vector<1x32xf32>
    %slice3A_41 = vector.extract_strided_slice %select_n3A {offsets = [0, 0], sizes = [2000, 1], strides = [1, 1]} : vector<2000x2xf32> to vector<2000x1xf32>
    %mul3A = vector.broadcast %slice3A_41 : vector<2000x1xf32> to vector<2000x32xf32>
    %mul3A_42 = vector.broadcast %get3A_37 : vector<1x32xf32> to vector<2000x32xf32>
    %mul3A_43 = arith.mulf %mul3A, %mul3A_42 : vector<2000x32xf32>
    %add3A_44 = vector.broadcast %get3A_40 : vector<1x32xf32> to vector<2000x32xf32>
    %add3A_45 = arith.addf %mul3A_43, %add3A_44 : vector<2000x32xf32>
    %max3A = arith.constant 0.000000e+00 : f32
    %max3A_46 = vector.broadcast %max3A : f32 to vector<2000x32xf32>
    %max3A_47 = arith.maximumf %add3A_45, %max3A_46 : vector<2000x32xf32>
    %slice3A_48 = vector.extract_strided_slice %select_n3A {offsets = [0, 1], sizes = [2000, 1], strides = [1, 1]} : vector<2000x2xf32> to vector<2000x1xf32>
    %mul3A_49 = vector.broadcast %slice3A_48 : vector<2000x1xf32> to vector<2000x32xf32>
    %mul3A_50 = vector.broadcast %get3A_37 : vector<1x32xf32> to vector<2000x32xf32>
    %mul3A_51 = arith.mulf %mul3A_49, %mul3A_50 : vector<2000x32xf32>
    %add3A_52 = vector.broadcast %get3A_40 : vector<1x32xf32> to vector<2000x32xf32>
    %add3A_53 = arith.addf %mul3A_51, %add3A_52 : vector<2000x32xf32>
    %max3A_54 = arith.constant 0.000000e+00 : f32
    %max3A_55 = vector.broadcast %max3A_54 : f32 to vector<2000x32xf32>
    %max3A_56 = arith.maximumf %add3A_53, %max3A_55 : vector<2000x32xf32>
    %concatenate3A = tpu.concatenate %max3A_47, %max3A_56 in 1 : vector<2000x32xf32>, vector<2000x32xf32> -> vector<2000x64xf32>
    %get3A_57 = arith.constant 0 : index
    %get3A_58 = arith.constant 0 : index
    %get3A_59 = vector.load %arg7[%get3A_57, %get3A_58] : memref<192x128xf32, #tpu.memory_space<vmem>>, vector<192x128xf32>
    %slice3A_60 = vector.extract_strided_slice %get3A_59 {offsets = [0, 0], sizes = [64, 128], strides = [1, 1]} : vector<192x128xf32> to vector<64x128xf32>
    %dot_general3A = arith.constant dense<0.000000e+00> : vector<2000x128xf32>
    %dot_general3A_61 = tpu.matmul %add3A, %slice3A_60, %dot_general3A {dimension_numbers = #tpu.dot_dimension_numbers<[1], [0], [0], [1], [0, 0, 1, 1], [], []>, transpose_lhs_hint = false} : vector<2000x64xf32>, vector<64x128xf32>, vector<2000x128xf32> -> vector<2000x128xf32>
    %slice3A_62 = vector.extract_strided_slice %get3A_59 {offsets = [64, 0], sizes = [64, 128], strides = [1, 1]} : vector<192x128xf32> to vector<64x128xf32>
    %dot_general3A_63 = arith.constant dense<0.000000e+00> : vector<2000x128xf32>
    %dot_general3A_64 = tpu.matmul %add3A_19, %slice3A_62, %dot_general3A_63 {dimension_numbers = #tpu.dot_dimension_numbers<[1], [0], [0], [1], [0, 0, 1, 1], [], []>, transpose_lhs_hint = false} : vector<2000x64xf32>, vector<64x128xf32>, vector<2000x128xf32> -> vector<2000x128xf32>
    %add3A_65 = arith.addf %dot_general3A_61, %dot_general3A_64 : vector<2000x128xf32>
    %slice3A_66 = vector.extract_strided_slice %get3A_59 {offsets = [128, 0], sizes = [64, 128], strides = [1, 1]} : vector<192x128xf32> to vector<64x128xf32>
    %dot_general3A_67 = arith.constant dense<0.000000e+00> : vector<2000x128xf32>
    %dot_general3A_68 = tpu.matmul %concatenate3A, %slice3A_66, %dot_general3A_67 {dimension_numbers = #tpu.dot_dimension_numbers<[1], [0], [0], [1], [0, 0, 1, 1], [], []>, transpose_lhs_hint = false} : vector<2000x64xf32>, vector<64x128xf32>, vector<2000x128xf32> -> vector<2000x128xf32>
    %add3A_69 = arith.addf %add3A_65, %dot_general3A_68 : vector<2000x128xf32>
    %get3A_70 = arith.constant 0 : index
    %get3A_71 = arith.constant 0 : index
    %get3A_72 = vector.load %arg8[%get3A_70, %get3A_71] : memref<1x128xf32, #tpu.memory_space<vmem>>, vector<1x128xf32>
    %add3A_73 = vector.broadcast %get3A_72 : vector<1x128xf32> to vector<2000x128xf32>
    %add3A_74 = arith.addf %add3A_69, %add3A_73 : vector<2000x128xf32>
    %max3A_75 = arith.constant 0.000000e+00 : f32
    %max3A_76 = vector.broadcast %max3A_75 : f32 to vector<2000x128xf32>
    %max3A_77 = arith.maximumf %add3A_74, %max3A_76 : vector<2000x128xf32>
    %get3A_78 = arith.constant 0 : index
    %get3A_79 = arith.constant 0 : index
    %get3A_80 = vector.load %arg9[%get3A_78, %get3A_79] : memref<128x128xf32, #tpu.memory_space<vmem>>, vector<128x128xf32>
    %dot_general3A_81 = arith.constant dense<0.000000e+00> : vector<2000x128xf32>
    %dot_general3A_82 = tpu.matmul %max3A_77, %get3A_80, %dot_general3A_81 {dimension_numbers = #tpu.dot_dimension_numbers<[1], [0], [0], [1], [0, 0, 1, 1], [], []>, transpose_lhs_hint = false} : vector<2000x128xf32>, vector<128x128xf32>, vector<2000x128xf32> -> vector<2000x128xf32>
    %get3A_83 = arith.constant 0 : index
    %get3A_84 = arith.constant 0 : index
    %get3A_85 = vector.load %arg10[%get3A_83, %get3A_84] : memref<1x128xf32, #tpu.memory_space<vmem>>, vector<1x128xf32>
    %add3A_86 = vector.broadcast %get3A_85 : vector<1x128xf32> to vector<2000x128xf32>
    %add3A_87 = arith.addf %dot_general3A_82, %add3A_86 : vector<2000x128xf32>
    %swap3A = arith.constant 0 : index
    %swap3A_88 = arith.constant 0 : index
    %swap3A_89 = vector.load %arg11[%swap3A, %swap3A_88] : memref<2000x128xf32, #tpu.memory_space<vmem>>, vector<2000x128xf32>
    tpu.vector_store %arg11[%swap3A, %swap3A_88], %add3A_87 {strides = array<i32>} : memref<2000x128xf32, #tpu.memory_space<vmem>>, vector<2000x128xf32>,
    %get3A_90 = arith.constant 0 : index
    %get3A_91 = arith.constant 0 : index
    %get3A_92 = vector.load %arg6[%get3A_90, %get3A_91] : memref<128x128xf32, #tpu.memory_space<vmem>>, vector<128x128xf32>
    %slice3A_93 = vector.extract_strided_slice %get3A_92 {offsets = [64, 0], sizes = [64, 128], strides = [1, 1]} : vector<128x128xf32> to vector<64x128xf32>
    %dot_general3A_94 = arith.constant dense<0.000000e+00> : vector<2000x128xf32>
    %dot_general3A_95 = tpu.matmul %add3A, %slice3A_93, %dot_general3A_94 {dimension_numbers = #tpu.dot_dimension_numbers<[1], [0], [0], [1], [0, 0, 1, 1], [], []>, transpose_lhs_hint = false} : vector<2000x64xf32>, vector<64x128xf32>, vector<2000x128xf32> -> vector<2000x128xf32>
    %swap3A_96 = arith.constant 0 : index
    %swap3A_97 = arith.constant 0 : index
    %swap3A_98 = vector.load %arg12[%swap3A_96, %swap3A_97] : memref<2000x128xf32, #tpu.memory_space<vmem>>, vector<2000x128xf32>
    tpu.vector_store %arg12[%swap3A_96, %swap3A_97], %dot_general3A_95 {strides = array<i32>} : memref<2000x128xf32, #tpu.memory_space<vmem>>, vector<2000x128xf32>,
    %dot_general3A_99 = arith.constant dense<0.000000e+00> : vector<2000x128xf32>
    %dot_general3A_100 = tpu.matmul %add3A_19, %slice3A_93, %dot_general3A_99 {dimension_numbers = #tpu.dot_dimension_numbers<[1], [0], [0], [1], [0, 0, 1, 1], [], []>, transpose_lhs_hint = false} : vector<2000x64xf32>, vector<64x128xf32>, vector<2000x128xf32> -> vector<2000x128xf32>
    %swap3A_101 = arith.constant 0 : index
    %swap3A_102 = arith.constant 0 : index
    %swap3A_103 = vector.load %arg13[%swap3A_101, %swap3A_102] : memref<2000x128xf32, #tpu.memory_space<vmem>>, vector<2000x128xf32>
    tpu.vector_store %arg13[%swap3A_101, %swap3A_102], %dot_general3A_100 {strides = array<i32>} : memref<2000x128xf32, #tpu.memory_space<vmem>>, vector<2000x128xf32>,
    %swap3A_104 = arith.constant 0 : index
    %swap3A_105 = arith.constant 0 : index
    %swap3A_106 = vector.load %arg14[%swap3A_104, %swap3A_105] : memref<2000x64xf32, #tpu.memory_space<vmem>>, vector<2000x64xf32>
    tpu.vector_store %arg14[%swap3A_104, %swap3A_105], %concatenate3A {strides = array<i32>} : memref<2000x64xf32, #tpu.memory_space<vmem>>, vector<2000x64xf32>,
    return
  }
  func.func @transform_0(%arg0: i32) -> (i32, i32, i32) {
    %c0_i32 = arith.constant 0 : i32
    %c0_i32_0 = arith.constant 0 : i32
    %c0_i32_1 = arith.constant 0 : i32
    return %c0_i32, %arg0, %c0_i32_0 : i32, i32, i32
  }
  func.func @transform_1(%arg0: i32) -> (i32, i32, i32) {
    %c0_i32 = arith.constant 0 : i32
    %c0_i32_0 = arith.constant 0 : i32
    %c0_i32_1 = arith.constant 0 : i32
    return %c0_i32, %arg0, %c0_i32_0 : i32, i32, i32
  }
  func.func @transform_2(%arg0: i32) -> (i32, i32, i32) {
    %c0_i32 = arith.constant 0 : i32
    %c0_i32_0 = arith.constant 0 : i32
    %c0_i32_1 = arith.constant 0 : i32
    return %c0_i32, %arg0, %c0_i32_0 : i32, i32, i32
  }
  func.func @transform_3(%arg0: i32) -> (i32, i32) {
    %c0_i32 = arith.constant 0 : i32
    %c0_i32_0 = arith.constant 0 : i32
    %c0_i32_1 = arith.constant 0 : i32
    return %c0_i32, %c0_i32_0 : i32, i32
  }
  func.func @transform_4(%arg0: i32) -> (i32, i32) {
    %c0_i32 = arith.constant 0 : i32
    %c0_i32_0 = arith.constant 0 : i32
    %c0_i32_1 = arith.constant 0 : i32
    return %c0_i32, %c0_i32_0 : i32, i32
  }
  func.func @transform_5(%arg0: i32) -> (i32, i32) {
    %c0_i32 = arith.constant 0 : i32
    %c0_i32_0 = arith.constant 0 : i32
    %c0_i32_1 = arith.constant 0 : i32
    return %c0_i32, %c0_i32_0 : i32, i32
  }
  func.func @transform_6(%arg0: i32) -> (i32, i32) {
    %c0_i32 = arith.constant 0 : i32
    %c0_i32_0 = arith.constant 0 : i32
    %c0_i32_1 = arith.constant 0 : i32
    return %c0_i32, %c0_i32_0 : i32, i32
  }
  func.func @transform_7(%arg0: i32) -> (i32, i32) {
    %c0_i32 = arith.constant 0 : i32
    %c0_i32_0 = arith.constant 0 : i32
    %c0_i32_1 = arith.constant 0 : i32
    return %c0_i32, %c0_i32_0 : i32, i32
  }
  func.func @transform_8(%arg0: i32) -> (i32, i32) {
    %c0_i32 = arith.constant 0 : i32
    %c0_i32_0 = arith.constant 0 : i32
    %c0_i32_1 = arith.constant 0 : i32
    return %c0_i32, %c0_i32_0 : i32, i32
  }
  func.func @transform_9(%arg0: i32) -> (i32, i32) {
    %c0_i32 = arith.constant 0 : i32
    %c0_i32_0 = arith.constant 0 : i32
    %c0_i32_1 = arith.constant 0 : i32
    return %c0_i32, %c0_i32_0 : i32, i32
  }
  func.func @transform_10(%arg0: i32) -> (i32, i32) {
    %c0_i32 = arith.constant 0 : i32
    %c0_i32_0 = arith.constant 0 : i32
    return %arg0, %c0_i32 : i32, i32
  }
  func.func @transform_11(%arg0: i32) -> (i32, i32) {
    %c0_i32 = arith.constant 0 : i32
    %c0_i32_0 = arith.constant 0 : i32
    return %arg0, %c0_i32 : i32, i32
  }
  func.func @transform_12(%arg0: i32) -> (i32, i32) {
    %c0_i32 = arith.constant 0 : i32
    %c0_i32_0 = arith.constant 0 : i32
    return %arg0, %c0_i32 : i32, i32
  }
  func.func @transform_13(%arg0: i32) -> (i32, i32) {
    %c0_i32 = arith.constant 0 : i32
    %c0_i32_0 = arith.constant 0 : i32
    return %arg0, %c0_i32 : i32, i32
  }
}

module attributes {stable_mosaic.version = 14 : i64} {
  func.func @_tc_final(%arg0: i32, %arg1: memref<2000x128xf32, #tpu.memory_space<vmem>>, %arg2: memref<2000x128xf32, #tpu.memory_space<vmem>>, %arg3: memref<2x2000x64xf32, #tpu.memory_space<vmem>>, %arg4: memref<2x2000x64xf32, #tpu.memory_space<vmem>>, %arg5: memref<2000x64xf32, #tpu.memory_space<vmem>>, %arg6: memref<1x1x2000xi32, #tpu.memory_space<vmem>>, %arg7: memref<8x1xf32, #tpu.memory_space<vmem>>, %arg8: memref<1x16xf32, #tpu.memory_space<vmem>>, %arg9: memref<1x16xf32, #tpu.memory_space<vmem>>, %arg10: memref<192x128xf32, #tpu.memory_space<vmem>>, %arg11: memref<1x128xf32, #tpu.memory_space<vmem>>, %arg12: memref<128x128xf32, #tpu.memory_space<vmem>>, %arg13: memref<1x128xf32, #tpu.memory_space<vmem>>, %arg14: memref<416x128xf32, #tpu.memory_space<vmem>>, %arg15: memref<1x128xf32, #tpu.memory_space<vmem>>, %arg16: memref<128x128xf32, #tpu.memory_space<vmem>>, %arg17: memref<1x128xf32, #tpu.memory_space<vmem>>, %arg18: memref<128x2xf32, #tpu.memory_space<vmem>>, %arg19: memref<1x2xf32, #tpu.memory_space<vmem>>, %arg20: memref<2000x2xf32, #tpu.memory_space<vmem>>) attributes {dimension_semantics = [#tpu.dimension_semantics<arbitrary>], iteration_bounds = array<i64: 5>, scalar_prefetch = 0 : i64, scratch_operands = 0 : i64, tpu.core_type = #tpu.core_type<tc>, window_params = [{transform_indices = @transform_0, window_bounds = array<i64: 2000, 128>}, {transform_indices = @transform_1, window_bounds = array<i64: 2000, 128>}, {transform_indices = @transform_2, window_bounds = array<i64: 2, 2000, 64>}, {transform_indices = @transform_3, window_bounds = array<i64: 2, 2000, 64>}, {transform_indices = @transform_4, window_bounds = array<i64: 2000, 64>}, {transform_indices = @transform_5, window_bounds = array<i64: 1, 1, 2000>}, {pipeline_mode = #tpu.pipeline_mode<synchronous>, transform_indices = @transform_6, window_bounds = array<i64: 8, 1>}, {pipeline_mode = #tpu.pipeline_mode<synchronous>, transform_indices = @transform_7, window_bounds = array<i64: 1, 16>}, {pipeline_mode = #tpu.pipeline_mode<synchronous>, transform_indices = @transform_8, window_bounds = array<i64: 1, 16>}, {pipeline_mode = #tpu.pipeline_mode<synchronous>, transform_indices = @transform_9, window_bounds = array<i64: 192, 128>}, {pipeline_mode = #tpu.pipeline_mode<synchronous>, transform_indices = @transform_10, window_bounds = array<i64: 1, 128>}, {pipeline_mode = #tpu.pipeline_mode<synchronous>, transform_indices = @transform_11, window_bounds = array<i64: 128, 128>}, {pipeline_mode = #tpu.pipeline_mode<synchronous>, transform_indices = @transform_12, window_bounds = array<i64: 1, 128>}, {pipeline_mode = #tpu.pipeline_mode<synchronous>, transform_indices = @transform_13, window_bounds = array<i64: 416, 128>}, {pipeline_mode = #tpu.pipeline_mode<synchronous>, transform_indices = @transform_14, window_bounds = array<i64: 1, 128>}, {pipeline_mode = #tpu.pipeline_mode<synchronous>, transform_indices = @transform_15, window_bounds = array<i64: 128, 128>}, {pipeline_mode = #tpu.pipeline_mode<synchronous>, transform_indices = @transform_16, window_bounds = array<i64: 1, 128>}, {pipeline_mode = #tpu.pipeline_mode<synchronous>, transform_indices = @transform_17, window_bounds = array<i64: 128, 2>}, {pipeline_mode = #tpu.pipeline_mode<synchronous>, transform_indices = @transform_18, window_bounds = array<i64: 1, 2>}, {transform_indices = @transform_19, window_bounds = array<i64: 2000, 2>}]} {
    %get3A = arith.constant 0 : index
    %get3A_0 = arith.constant 0 : index
    %get3A_1 = arith.constant 0 : index
    %get3A_2 = vector.load %arg3[%get3A, %get3A_0, %get3A_1] : memref<2x2000x64xf32, #tpu.memory_space<vmem>>, vector<1x2000x64xf32>
    %get3A_3 = vector.shape_cast %get3A_2 : vector<1x2000x64xf32> to vector<2000x64xf32>
    %get3A_4 = arith.constant 1 : index
    %get3A_5 = arith.constant 0 : index
    %get3A_6 = arith.constant 0 : index
    %get3A_7 = vector.load %arg3[%get3A_4, %get3A_5, %get3A_6] : memref<2x2000x64xf32, #tpu.memory_space<vmem>>, vector<1x2000x64xf32>
    %get3A_8 = vector.shape_cast %get3A_7 : vector<1x2000x64xf32> to vector<2000x64xf32>
    %add3A = arith.addf %get3A_3, %get3A_8 : vector<2000x64xf32>
    %get3A_9 = arith.constant 0 : index
    %get3A_10 = arith.constant 0 : index
    %get3A_11 = arith.constant 0 : index
    %get3A_12 = vector.load %arg4[%get3A_9, %get3A_10, %get3A_11] : memref<2x2000x64xf32, #tpu.memory_space<vmem>>, vector<1x2000x64xf32>
    %get3A_13 = vector.shape_cast %get3A_12 : vector<1x2000x64xf32> to vector<2000x64xf32>
    %get3A_14 = arith.constant 1 : index
    %get3A_15 = arith.constant 0 : index
    %get3A_16 = arith.constant 0 : index
    %get3A_17 = vector.load %arg4[%get3A_14, %get3A_15, %get3A_16] : memref<2x2000x64xf32, #tpu.memory_space<vmem>>, vector<1x2000x64xf32>
    %get3A_18 = vector.shape_cast %get3A_17 : vector<1x2000x64xf32> to vector<2000x64xf32>
    %add3A_19 = arith.addf %get3A_13, %get3A_18 : vector<2000x64xf32>
    %get3A_20 = arith.constant 0 : index
    %get3A_21 = arith.constant 0 : index
    %get3A_22 = vector.load %arg5[%get3A_20, %get3A_21] : memref<2000x64xf32, #tpu.memory_space<vmem>>, vector<2000x64xf32>
    %get3A_23 = arith.constant 0 : index
    %get3A_24 = arith.constant 0 : index
    %get3A_25 = vector.load %arg10[%get3A_23, %get3A_24] : memref<192x128xf32, #tpu.memory_space<vmem>>, vector<192x128xf32>
    %slice3A = vector.extract_strided_slice %get3A_25 {offsets = [0, 0], sizes = [64, 128], strides = [1, 1]} : vector<192x128xf32> to vector<64x128xf32>
    %dot_general3A = arith.constant dense<0.000000e+00> : vector<2000x128xf32>
    %dot_general3A_26 = tpu.matmul %add3A, %slice3A, %dot_general3A {dimension_numbers = #tpu.dot_dimension_numbers<[1], [0], [0], [1], [0, 0, 1, 1], [], []>, transpose_lhs_hint = false} : vector<2000x64xf32>, vector<64x128xf32>, vector<2000x128xf32> -> vector<2000x128xf32>
    %slice3A_27 = vector.extract_strided_slice %get3A_25 {offsets = [64, 0], sizes = [64, 128], strides = [1, 1]} : vector<192x128xf32> to vector<64x128xf32>
    %dot_general3A_28 = arith.constant dense<0.000000e+00> : vector<2000x128xf32>
    %dot_general3A_29 = tpu.matmul %add3A_19, %slice3A_27, %dot_general3A_28 {dimension_numbers = #tpu.dot_dimension_numbers<[1], [0], [0], [1], [0, 0, 1, 1], [], []>, transpose_lhs_hint = false} : vector<2000x64xf32>, vector<64x128xf32>, vector<2000x128xf32> -> vector<2000x128xf32>
    %add3A_30 = arith.addf %dot_general3A_26, %dot_general3A_29 : vector<2000x128xf32>
    %slice3A_31 = vector.extract_strided_slice %get3A_25 {offsets = [128, 0], sizes = [64, 128], strides = [1, 1]} : vector<192x128xf32> to vector<64x128xf32>
    %dot_general3A_32 = arith.constant dense<0.000000e+00> : vector<2000x128xf32>
    %dot_general3A_33 = tpu.matmul %get3A_22, %slice3A_31, %dot_general3A_32 {dimension_numbers = #tpu.dot_dimension_numbers<[1], [0], [0], [1], [0, 0, 1, 1], [], []>, transpose_lhs_hint = false} : vector<2000x64xf32>, vector<64x128xf32>, vector<2000x128xf32> -> vector<2000x128xf32>
    %add3A_34 = arith.addf %add3A_30, %dot_general3A_33 : vector<2000x128xf32>
    %get3A_35 = arith.constant 0 : index
    %get3A_36 = arith.constant 0 : index
    %get3A_37 = vector.load %arg11[%get3A_35, %get3A_36] : memref<1x128xf32, #tpu.memory_space<vmem>>, vector<1x128xf32>
    %add3A_38 = vector.broadcast %get3A_37 : vector<1x128xf32> to vector<2000x128xf32>
    %add3A_39 = arith.addf %add3A_34, %add3A_38 : vector<2000x128xf32>
    %max3A = arith.constant 0.000000e+00 : f32
    %max3A_40 = vector.broadcast %max3A : f32 to vector<2000x128xf32>
    %max3A_41 = arith.maximumf %add3A_39, %max3A_40 : vector<2000x128xf32>
    %get3A_42 = arith.constant 0 : index
    %get3A_43 = arith.constant 0 : index
    %get3A_44 = vector.load %arg12[%get3A_42, %get3A_43] : memref<128x128xf32, #tpu.memory_space<vmem>>, vector<128x128xf32>
    %dot_general3A_45 = arith.constant dense<0.000000e+00> : vector<2000x128xf32>
    %dot_general3A_46 = tpu.matmul %max3A_41, %get3A_44, %dot_general3A_45 {dimension_numbers = #tpu.dot_dimension_numbers<[1], [0], [0], [1], [0, 0, 1, 1], [], []>, transpose_lhs_hint = false} : vector<2000x128xf32>, vector<128x128xf32>, vector<2000x128xf32> -> vector<2000x128xf32>
    %get3A_47 = arith.constant 0 : index
    %get3A_48 = arith.constant 0 : index
    %get3A_49 = vector.load %arg13[%get3A_47, %get3A_48] : memref<1x128xf32, #tpu.memory_space<vmem>>, vector<1x128xf32>
    %add3A_50 = vector.broadcast %get3A_49 : vector<1x128xf32> to vector<2000x128xf32>
    %add3A_51 = arith.addf %dot_general3A_46, %add3A_50 : vector<2000x128xf32>
    %get3A_52 = arith.constant 0 : index
    %get3A_53 = arith.constant 0 : index
    %get3A_54 = vector.load %arg7[%get3A_52, %get3A_53] : memref<8x1xf32, #tpu.memory_space<vmem>>, vector<8x1xf32>
    %get3A_55 = arith.constant 0 : index
    %get3A_56 = arith.constant 0 : index
    %get3A_57 = vector.load %arg8[%get3A_55, %get3A_56] : memref<1x16xf32, #tpu.memory_space<vmem>>, vector<1x16xf32>
    %mul3A = vector.broadcast %get3A_54 : vector<8x1xf32> to vector<8x16xf32>
    %mul3A_58 = vector.broadcast %get3A_57 : vector<1x16xf32> to vector<8x16xf32>
    %mul3A_59 = arith.mulf %mul3A, %mul3A_58 : vector<8x16xf32>
    %get3A_60 = arith.constant 0 : index
    %get3A_61 = arith.constant 0 : index
    %get3A_62 = vector.load %arg9[%get3A_60, %get3A_61] : memref<1x16xf32, #tpu.memory_space<vmem>>, vector<1x16xf32>
    %add3A_63 = vector.broadcast %get3A_62 : vector<1x16xf32> to vector<8x16xf32>
    %add3A_64 = arith.addf %mul3A_59, %add3A_63 : vector<8x16xf32>
    %max3A_65 = arith.constant 0.000000e+00 : f32
    %max3A_66 = vector.broadcast %max3A_65 : f32 to vector<8x16xf32>
    %max3A_67 = arith.maximumf %add3A_64, %max3A_66 : vector<8x16xf32>
    %concatenate3A = tpu.concatenate %max3A_67, %max3A_67 in 1 : vector<8x16xf32>, vector<8x16xf32> -> vector<8x32xf32>
    %get3A_68 = arith.constant 0 : index
    %get3A_69 = arith.constant 0 : index
    %get3A_70 = arith.constant 0 : index
    %get3A_71 = vector.load %arg6[%get3A_68, %get3A_69, %get3A_70] : memref<1x1x2000xi32, #tpu.memory_space<vmem>>, vector<1x1x2000xi32>
    %get3A_72 = vector.shape_cast %get3A_71 : vector<1x1x2000xi32> to vector<2000xi32>
    %broadcast_in_dim3A = vector.shape_cast %get3A_72 : vector<2000xi32> to vector<2000x1xi32>
    %iota3A = tpu.iota {dimensions = array<i32: 1>} : vector<2000x8xi32>
    %eq3A = vector.broadcast %broadcast_in_dim3A : vector<2000x1xi32> to vector<2000x8xi32>
    %eq3A_73 = arith.cmpi eq, %eq3A, %iota3A : vector<2000x8xi32>
    %convert_element_type3A = arith.extui %eq3A_73 : vector<2000x8xi1> to vector<2000x8xi32>
    %convert_element_type3A_74 = arith.sitofp %convert_element_type3A : vector<2000x8xi32> to vector<2000x8xf32>
    %dot_general3A_75 = arith.constant dense<0.000000e+00> : vector<2000x32xf32>
    %dot_general3A_76 = tpu.matmul %convert_element_type3A_74, %concatenate3A, %dot_general3A_75 {dimension_numbers = #tpu.dot_dimension_numbers<[1], [0], [0], [1], [0, 0, 1, 1], [], []>, transpose_lhs_hint = false} : vector<2000x8xf32>, vector<8x32xf32>, vector<2000x32xf32> -> vector<2000x32xf32>
    %get3A_77 = arith.constant 0 : index
    %get3A_78 = arith.constant 0 : index
    %get3A_79 = vector.load %arg1[%get3A_77, %get3A_78] : memref<2000x128xf32, #tpu.memory_space<vmem>>, vector<2000x128xf32>
    %get3A_80 = arith.constant 0 : index
    %get3A_81 = arith.constant 0 : index
    %get3A_82 = vector.load %arg2[%get3A_80, %get3A_81] : memref<2000x128xf32, #tpu.memory_space<vmem>>, vector<2000x128xf32>
    %get3A_83 = arith.constant 0 : index
    %get3A_84 = arith.constant 0 : index
    %get3A_85 = vector.load %arg14[%get3A_83, %get3A_84] : memref<416x128xf32, #tpu.memory_space<vmem>>, vector<416x128xf32>
    %slice3A_86 = vector.extract_strided_slice %get3A_85 {offsets = [0, 0], sizes = [128, 128], strides = [1, 1]} : vector<416x128xf32> to vector<128x128xf32>
    %dot_general3A_87 = arith.constant dense<0.000000e+00> : vector<2000x128xf32>
    %dot_general3A_88 = tpu.matmul %get3A_79, %slice3A_86, %dot_general3A_87 {dimension_numbers = #tpu.dot_dimension_numbers<[1], [0], [0], [1], [0, 0, 1, 1], [], []>, transpose_lhs_hint = false} : vector<2000x128xf32>, vector<128x128xf32>, vector<2000x128xf32> -> vector<2000x128xf32>
    %slice3A_89 = vector.extract_strided_slice %get3A_85 {offsets = [128, 0], sizes = [128, 128], strides = [1, 1]} : vector<416x128xf32> to vector<128x128xf32>
    %dot_general3A_90 = arith.constant dense<0.000000e+00> : vector<2000x128xf32>
    %dot_general3A_91 = tpu.matmul %add3A_51, %slice3A_89, %dot_general3A_90 {dimension_numbers = #tpu.dot_dimension_numbers<[1], [0], [0], [1], [0, 0, 1, 1], [], []>, transpose_lhs_hint = false} : vector<2000x128xf32>, vector<128x128xf32>, vector<2000x128xf32> -> vector<2000x128xf32>
    %add3A_92 = arith.addf %dot_general3A_88, %dot_general3A_91 : vector<2000x128xf32>
    %slice3A_93 = vector.extract_strided_slice %get3A_85 {offsets = [256, 0], sizes = [32, 128], strides = [1, 1]} : vector<416x128xf32> to vector<32x128xf32>
    %dot_general3A_94 = arith.constant dense<0.000000e+00> : vector<2000x128xf32>
    %dot_general3A_95 = tpu.matmul %dot_general3A_76, %slice3A_93, %dot_general3A_94 {dimension_numbers = #tpu.dot_dimension_numbers<[1], [0], [0], [1], [0, 0, 1, 1], [], []>, transpose_lhs_hint = false} : vector<2000x32xf32>, vector<32x128xf32>, vector<2000x128xf32> -> vector<2000x128xf32>
    %add3A_96 = arith.addf %add3A_92, %dot_general3A_95 : vector<2000x128xf32>
    %slice3A_97 = vector.extract_strided_slice %get3A_85 {offsets = [288, 0], sizes = [128, 128], strides = [1, 1]} : vector<416x128xf32> to vector<128x128xf32>
    %dot_general3A_98 = arith.constant dense<0.000000e+00> : vector<2000x128xf32>
    %dot_general3A_99 = tpu.matmul %get3A_82, %slice3A_97, %dot_general3A_98 {dimension_numbers = #tpu.dot_dimension_numbers<[1], [0], [0], [1], [0, 0, 1, 1], [], []>, transpose_lhs_hint = false} : vector<2000x128xf32>, vector<128x128xf32>, vector<2000x128xf32> -> vector<2000x128xf32>
    %add3A_100 = arith.addf %add3A_96, %dot_general3A_99 : vector<2000x128xf32>
    %get3A_101 = arith.constant 0 : index
    %get3A_102 = arith.constant 0 : index
    %get3A_103 = vector.load %arg15[%get3A_101, %get3A_102] : memref<1x128xf32, #tpu.memory_space<vmem>>, vector<1x128xf32>
    %add3A_104 = vector.broadcast %get3A_103 : vector<1x128xf32> to vector<2000x128xf32>
    %add3A_105 = arith.addf %add3A_100, %add3A_104 : vector<2000x128xf32>
    %max3A_106 = arith.constant 0.000000e+00 : f32
    %max3A_107 = vector.broadcast %max3A_106 : f32 to vector<2000x128xf32>
    %max3A_108 = arith.maximumf %add3A_105, %max3A_107 : vector<2000x128xf32>
    %get3A_109 = arith.constant 0 : index
    %get3A_110 = arith.constant 0 : index
    %get3A_111 = vector.load %arg16[%get3A_109, %get3A_110] : memref<128x128xf32, #tpu.memory_space<vmem>>, vector<128x128xf32>
    %dot_general3A_112 = arith.constant dense<0.000000e+00> : vector<2000x128xf32>
    %dot_general3A_113 = tpu.matmul %max3A_108, %get3A_111, %dot_general3A_112 {dimension_numbers = #tpu.dot_dimension_numbers<[1], [0], [0], [1], [0, 0, 1, 1], [], []>, transpose_lhs_hint = false} : vector<2000x128xf32>, vector<128x128xf32>, vector<2000x128xf32> -> vector<2000x128xf32>
    %get3A_114 = arith.constant 0 : index
    %get3A_115 = arith.constant 0 : index
    %get3A_116 = vector.load %arg17[%get3A_114, %get3A_115] : memref<1x128xf32, #tpu.memory_space<vmem>>, vector<1x128xf32>
    %add3A_117 = vector.broadcast %get3A_116 : vector<1x128xf32> to vector<2000x128xf32>
    %add3A_118 = arith.addf %dot_general3A_113, %add3A_117 : vector<2000x128xf32>
    %get3A_119 = arith.constant 0 : index
    %get3A_120 = arith.constant 0 : index
    %get3A_121 = vector.load %arg18[%get3A_119, %get3A_120] : memref<128x2xf32, #tpu.memory_space<vmem>>, vector<128x2xf32>
    %dot_general3A_122 = arith.constant dense<0.000000e+00> : vector<2000x2xf32>
    %dot_general3A_123 = tpu.matmul %add3A_118, %get3A_121, %dot_general3A_122 {dimension_numbers = #tpu.dot_dimension_numbers<[1], [0], [0], [1], [0, 0, 1, 1], [], []>, transpose_lhs_hint = false} : vector<2000x128xf32>, vector<128x2xf32>, vector<2000x2xf32> -> vector<2000x2xf32>
    %get3A_124 = arith.constant 0 : index
    %get3A_125 = arith.constant 0 : index
    %get3A_126 = vector.load %arg19[%get3A_124, %get3A_125] : memref<1x2xf32, #tpu.memory_space<vmem>>, vector<1x2xf32>
    %add3A_127 = vector.broadcast %get3A_126 : vector<1x2xf32> to vector<2000x2xf32>
    %add3A_128 = arith.addf %dot_general3A_123, %add3A_127 : vector<2000x2xf32>
    %swap3A = arith.constant 0 : index
    %swap3A_129 = arith.constant 0 : index
    %swap3A_130 = vector.load %arg20[%swap3A, %swap3A_129] : memref<2000x2xf32, #tpu.memory_space<vmem>>, vector<2000x2xf32>
    tpu.vector_store %arg20[%swap3A, %swap3A_129], %add3A_128 {strides = array<i32>} : memref<2000x2xf32, #tpu.memory_space<vmem>>, vector<2000x2xf32>,
    return
  }
  func.func @transform_0(%arg0: i32) -> (i32, i32) {
    %c0_i32 = arith.constant 0 : i32
    %c0_i32_0 = arith.constant 0 : i32
    return %arg0, %c0_i32 : i32, i32
  }
  func.func @transform_1(%arg0: i32) -> (i32, i32) {
    %c0_i32 = arith.constant 0 : i32
    %c0_i32_0 = arith.constant 0 : i32
    return %arg0, %c0_i32 : i32, i32
  }
  func.func @transform_2(%arg0: i32) -> (i32, i32, i32) {
    %c0_i32 = arith.constant 0 : i32
    %c0_i32_0 = arith.constant 0 : i32
    %c0_i32_1 = arith.constant 0 : i32
    return %c0_i32, %arg0, %c0_i32_0 : i32, i32, i32
  }
  func.func @transform_3(%arg0: i32) -> (i32, i32, i32) {
    %c0_i32 = arith.constant 0 : i32
    %c0_i32_0 = arith.constant 0 : i32
    %c0_i32_1 = arith.constant 0 : i32
    return %c0_i32, %arg0, %c0_i32_0 : i32, i32, i32
  }
  func.func @transform_4(%arg0: i32) -> (i32, i32) {
    %c0_i32 = arith.constant 0 : i32
    %c0_i32_0 = arith.constant 0 : i32
    return %arg0, %c0_i32 : i32, i32
  }
  func.func @transform_5(%arg0: i32) -> (i32, i32, i32) {
    %c0_i32 = arith.constant 0 : i32
    %c0_i32_0 = arith.constant 0 : i32
    %c0_i32_1 = arith.constant 0 : i32
    return %arg0, %c0_i32, %c0_i32_0 : i32, i32, i32
  }
  func.func @transform_6(%arg0: i32) -> (i32, i32) {
    %c0_i32 = arith.constant 0 : i32
    %c0_i32_0 = arith.constant 0 : i32
    %c0_i32_1 = arith.constant 0 : i32
    return %c0_i32, %c0_i32_0 : i32, i32
  }
  func.func @transform_7(%arg0: i32) -> (i32, i32) {
    %c0_i32 = arith.constant 0 : i32
    %c0_i32_0 = arith.constant 0 : i32
    %c0_i32_1 = arith.constant 0 : i32
    return %c0_i32, %c0_i32_0 : i32, i32
  }
  func.func @transform_8(%arg0: i32) -> (i32, i32) {
    %c0_i32 = arith.constant 0 : i32
    %c0_i32_0 = arith.constant 0 : i32
    %c0_i32_1 = arith.constant 0 : i32
    return %c0_i32, %c0_i32_0 : i32, i32
  }
  func.func @transform_9(%arg0: i32) -> (i32, i32) {
    %c0_i32 = arith.constant 0 : i32
    %c0_i32_0 = arith.constant 0 : i32
    %c0_i32_1 = arith.constant 0 : i32
    return %c0_i32, %c0_i32_0 : i32, i32
  }
  func.func @transform_10(%arg0: i32) -> (i32, i32) {
    %c0_i32 = arith.constant 0 : i32
    %c0_i32_0 = arith.constant 0 : i32
    %c0_i32_1 = arith.constant 0 : i32
    return %c0_i32, %c0_i32_0 : i32, i32
  }
  func.func @transform_11(%arg0: i32) -> (i32, i32) {
    %c0_i32 = arith.constant 0 : i32
    %c0_i32_0 = arith.constant 0 : i32
    %c0_i32_1 = arith.constant 0 : i32
    return %c0_i32, %c0_i32_0 : i32, i32
  }
  func.func @transform_12(%arg0: i32) -> (i32, i32) {
    %c0_i32 = arith.constant 0 : i32
    %c0_i32_0 = arith.constant 0 : i32
    %c0_i32_1 = arith.constant 0 : i32
    return %c0_i32, %c0_i32_0 : i32, i32
  }
  func.func @transform_13(%arg0: i32) -> (i32, i32) {
    %c0_i32 = arith.constant 0 : i32
    %c0_i32_0 = arith.constant 0 : i32
    %c0_i32_1 = arith.constant 0 : i32
    return %c0_i32, %c0_i32_0 : i32, i32
  }
  func.func @transform_14(%arg0: i32) -> (i32, i32) {
    %c0_i32 = arith.constant 0 : i32
    %c0_i32_0 = arith.constant 0 : i32
    %c0_i32_1 = arith.constant 0 : i32
    return %c0_i32, %c0_i32_0 : i32, i32
  }
  func.func @transform_15(%arg0: i32) -> (i32, i32) {
    %c0_i32 = arith.constant 0 : i32
    %c0_i32_0 = arith.constant 0 : i32
    %c0_i32_1 = arith.constant 0 : i32
    return %c0_i32, %c0_i32_0 : i32, i32
  }
  func.func @transform_16(%arg0: i32) -> (i32, i32) {
    %c0_i32 = arith.constant 0 : i32
    %c0_i32_0 = arith.constant 0 : i32
    %c0_i32_1 = arith.constant 0 : i32
    return %c0_i32, %c0_i32_0 : i32, i32
  }
  func.func @transform_17(%arg0: i32) -> (i32, i32) {
    %c0_i32 = arith.constant 0 : i32
    %c0_i32_0 = arith.constant 0 : i32
    %c0_i32_1 = arith.constant 0 : i32
    return %c0_i32, %c0_i32_0 : i32, i32
  }
  func.func @transform_18(%arg0: i32) -> (i32, i32) {
    %c0_i32 = arith.constant 0 : i32
    %c0_i32_0 = arith.constant 0 : i32
    %c0_i32_1 = arith.constant 0 : i32
    return %c0_i32, %c0_i32_0 : i32, i32
  }
  func.func @transform_19(%arg0: i32) -> (i32, i32) {
    %c0_i32 = arith.constant 0 : i32
    %c0_i32_0 = arith.constant 0 : i32
    return %arg0, %c0_i32 : i32, i32
  }
}

</mosaic_0001>

<sc_bundles>
// kernel: _impl.13.cloned.1.call-start
scs
__scs_entry_jumppad:
0x0: {  	(pc) =	sbr.rel $0x88, $3  }
0x1: {  	(tag) =	ssettag $0x0;
	lr =	simm.s32 $0x1  }
0x2: {  	[smem:$0x3F7E] =	sst lr;
	_ =	strace $0xD0000000  }
0x3: {  	_ = 	snop  }
0x4: {  	_ = 	snop  }
0x5: {  	_ = 	snop  }
0x6: {  	_ = 	snop  }
0x7: {  	_ = 	snop  }
__scs_overlays_trampoline_lowered:
0x8: {  	[smem:$0x3F8D] =	sst s0  }
0x9: {  	[smem:$0x3F8E] =	sst s1  }
0xa: {  	[smem:$0x3F8F] =	sst s2  }
0xb: {  	[smem:$0x3F90] =	sst s3  }
0xc: {  	[smem:$0x3F91] =	sst s4  }
0xd: {  	[smem:$0x3F92] =	sst s5  }
0xe: {  	[smem:$0x3F93] =	sst s6  }
0xf: {  	[smem:$0x3F94] =	sst s7  }
0x10: {  	[smem:$0x3F95] =	sst s8  }
0x11: {  	[smem:$0x3F96] =	sst s9;
	s0 =	simm.s32 @!p0 $0x0  }
0x12: {  	s1 =	sld [smem:$0x3F7C];
	s0 =	simm.s32 @p0 $0x1  }
0x13: {  	[smem:$0x3F97] =	sst s0;
	s0 =	simm.s32 @!p1 $0x0  }
0x14: {  	s2 =	sld [smem:$0x3F7B];
	s0 =	simm.s32 @p1 $0x1  }
0x15: {  	[smem:$0x3F98] =	sst s0;
	s0 =	simm.s32 @!p2 $0x0  }
0x16: {  	s3 =	sld [smem:$0x3FDB];
	s0 =	simm.s32 @p2 $0x1  }
0x17: {  	s4 =	simm.s32 $0x1BF5;
	[smem:$0x3F9A] =	sst s0  }
0x18: {  	s0 =	sld [smem:$0x3F7D];
	_ =	swait.ge [sflag:s4], $0x0  }
0x19: {  	s7 =	sld [smem:$0x3F7E]  }
0x1a: {  	s8 =	sadd.s32 $0xFFFFE003, lr  }
0x1b: {  	s9 =	sadd.s32 $0xFFFFFEF7, lr;
	s5 =	simm.s32 $0xFFFFFFFF;
	p2 =	slt.u32 s8, $0xFFFFF086  }
0x1c: {  	p1 =	slt.u32 s9, $0xF7A;
	s5 =	simm.s32 @!p2 $0x0  }
0x1d: {  	s5 =	simm.s32 @p1 $0x1;
	p0 =	seq.s32 s7, s2  }
0x1e: {  	s7 =	smul.u32 @!p0 $0xF7A, s2;
	p2 =	seq.s32 @!p0 s5, $0x0  }
0x1f: {  	s9 =	smul.u32 $0xF7A, s1;
	s8 =	simm.s32 @!p0 $0x1BF5;
	p2 =	por !p2, p0  }
0x20: {  	[sflag:s8] =	ssyncset.s32 @!p0 $0xFFFFF086;
	s6 =	sadd.s32 @!p0 s3, s7;
	s7 =	simm.s32 @!p0 $0x108  }
0x21: {  	s3 =	sadd.s32 s3, s9;
	s6 =	sadd.s32 @!p0 $0x88, s6;
	s7 =	simm.s32 @p2 $0x1082  }
0x22: {  	[simem:s7], [sflag:s8] =	dma.local @!p0 [hbm:s6], $0xF7A  }
0x23: {  	s9 =	sor.u32 $0xD0000000, s2;
	s6 =	simm.s32 $0x108;
	_ =	swait.ge @!p0 [sflag:s8], $0x0  }
0x24: {  	s3 =	sadd.s32 $0x88, s3;
	s6 =	simm.s32 @!p1 $0x1082;
	[sflag:s4] =	ssyncset.s32 $0xFFFFF086  }
0x25: {  	[simem:s6], [sflag:s4] =	dma.local [hbm:s3], $0xF7A  }
0x26: {  	[smem:$0x3F7E] =	sst s1;
	(tag) =	ssettag s2;
	_ =	strace s9  }
0x27: {  	s1 =	sld [smem:$0x3F8E]  }
0x28: {  	s2 =	sld [smem:$0x3F8F]  }
0x29: {  	s4 =	sld [smem:$0x3F91]  }
0x2a: {  	p0 =	seq.s32 s5, $0x0;
	s5 =	sld [smem:$0x3F92]  }
0x2b: {  	s6 =	sld [smem:$0x3F93]  }
0x2c: {  	s7 =	sld [smem:$0x3F94]  }
0x2d: {  	s3 =	simm.s32 $0x108;
	s8 =	sld [smem:$0x3F95]  }
0x2e: {  	s3 =	simm.s32 @!p0 $0x1082;
	s9 =	sld [smem:$0x3F96]  }
0x2f: {  	lr =	sadd.s32 s0, s3;
	s0 =	sld [smem:$0x3F8D]  }
0x30: {  	s3 =	sld [smem:$0x3F90]  }
0x31: {  	[smem:$0x3F99] =	sst s10  }
0x32: {  	s10 =	sld [smem:$0x3F97];
	_ =	sdelay $0x3  }
0x33: {  	p0 =	seq.s32 s10, $0x1;
	s10 =	sld [smem:$0x3F99];
	_ =	sdelay $0x3  }
0x34: {  	[smem:$0x3F99] =	sst s10  }
0x35: {  	s10 =	sld [smem:$0x3F98];
	_ =	sdelay $0x3  }
0x36: {  	p1 =	seq.s32 s10, $0x1;
	s10 =	sld [smem:$0x3F99];
	_ =	sdelay $0x3  }
0x37: {  	[smem:$0x3F99] =	sst s10  }
0x38: {  	s10 =	sld [smem:$0x3F9A]  }
0x39: {  	_ = 	snop;
	(pc) =	sbr.ind lr, $3  }
0x3a: {  	_ = 	snop  }
0x3b: {  	_ = 	snop  }
0x3c: {  	p2 =	seq.s32 s10, $0x1;
	s10 =	sld [smem:$0x3F99]  }
0x3d: {  	_ =	shalt  }
0x3e: {  	_ =	shalt  }
0x3f: {  	_ =	shalt  }
0x40: {  	_ =	shalt  }
0x41: {  	_ =	shalt  }
0x42: {  	_ =	shalt  }
0x43: {  	_ =	shalt  }
0x44: {  	_ =	shalt  }
0x45: {  	_ =	shalt  }
0x46: {  	_ =	shalt  }
0x47: {  	_ =	shalt  }
0x48: {  	_ =	shalt  }
0x49: {  	_ =	shalt  }
0x4a: {  	_ =	shalt  }
0x4b: {  	_ =	shalt  }
0x4c: {  	_ =	shalt  }
0x4d: {  	_ =	shalt  }
0x4e: {  	_ =	shalt  }
0x4f: {  	_ =	shalt  }
0x50: {  	_ =	shalt  }
0x51: {  	_ =	shalt  }
0x52: {  	_ =	shalt  }
0x53: {  	_ =	shalt  }
0x54: {  	_ =	shalt  }
0x55: {  	_ =	shalt  }
0x56: {  	_ =	shalt  }
0x57: {  	_ =	shalt  }
0x58: {  	_ =	shalt  }
0x59: {  	_ =	shalt  }
0x5a: {  	_ =	shalt  }
0x5b: {  	_ =	shalt  }
0x5c: {  	_ =	shalt  }
0x5d: {  	_ =	shalt  }
0x5e: {  	_ =	shalt  }
0x5f: {  	_ =	shalt  }
0x60: {  	_ =	shalt  }
0x61: {  	_ =	shalt  }
0x62: {  	_ =	shalt  }
0x63: {  	_ =	shalt  }
0x64: {  	_ =	shalt  }
0x65: {  	_ =	shalt  }
0x66: {  	_ =	shalt  }
0x67: {  	_ =	shalt  }
0x68: {  	_ =	shalt  }
0x69: {  	_ =	shalt  }
0x6a: {  	_ =	shalt  }
0x6b: {  	_ =	shalt  }
0x6c: {  	_ =	shalt  }
0x6d: {  	_ =	shalt  }
0x6e: {  	_ =	shalt  }
0x6f: {  	_ =	shalt  }
0x70: {  	_ =	shalt  }
0x71: {  	_ =	shalt  }
0x72: {  	_ =	shalt  }
0x73: {  	_ =	shalt  }
0x74: {  	_ =	shalt  }
0x75: {  	_ =	shalt  }
0x76: {  	_ =	shalt  }
0x77: {  	_ =	shalt  }
0x78: {  	_ =	shalt  }
0x79: {  	_ =	shalt  }
0x7a: {  	_ =	shalt  }
0x7b: {  	_ =	shalt  }
0x7c: {  	_ =	shalt  }
0x7d: {  	_ =	shalt  }
0x7e: {  	_ =	shalt  }
0x7f: {  	_ =	shalt  }
0x80: {  	_ =	shalt  }
0x81: {  	_ =	shalt  }
0x82: {  	_ =	shalt  }
0x83: {  	_ =	shalt  }
0x84: {  	_ =	shalt  }
0x85: {  	_ =	shalt  }
0x86: {  	_ =	shalt  }
0x87: {  	_ =	shalt  }
.Lfunc_end0:
.L_simem_size_0:
called_computation_lowered:
.L_overlay_start_0:
0x88: {  	s2 =	sld [smem:$0x3FD9]  }
0x89: {  	s3 =	sld [smem:$0x3FFE];
	_ =	sdelay $0x1  }
0x8a: {  	s1 =	srdreg.scid  }
0x8b: {  	s0 =	sand.u32 $0x1, s1  }
0x8c: {  	s16 =	sshll.u32 s0, $0xA;
	s2 =	sadd.s32 s3, s2  }
0x8d: {  	s2 =	sadd.s32 s2, s16  }
0x8e: {  	[smem:$0x3FA5] =	sst s2  }
0x8f: {  	_ = 	snop  }
0x90: {  	(tm) =	ssettm $0x1  }
0x91: {  	s17 =	sld [smem:$0x3FFB];
	_ =	sdelay $0x3  }
0x92: {  	_ =	strace s17  }
0x93: {  	s2 =	sld [smem:$0x3FFC];
	_ =	sdelay $0x3  }
0x94: {  	_ =	strace s2  }
0x95: {  	s2 =	sld [smem:$0x3FFD];
	_ =	sdelay $0x3  }
0x96: {  	_ =	strace s2  }
0x97: {  	_ =	strace $0x8FFFFFFF  }
0x98: {  	s18 =	sld [smem:$0x3FDB];
	_ =	sdelay $0x1  }
0x99: {  	s19 =	simm.s32 $_scs_section_size  }
0x9a: {  	s4 =	simm.s32 $_size__tile_overlayer_lowered;
	s5 =	simm.s32 $_tile_overlayer_lowered  }
0x9b: {  	s22 =	simm.s32 $0x1BFF;
	s21 =	sshll.u32 s5, $0x1;
	s2 =	sadd.s32 s19, s18  }
0x9c: {  	s6 =	simm.s32 $0x0;
	s20 =	sshll.u32 s4, $0x1;
	s4 =	sadd.s32 s21, s2  }
0x9d: {  	[timem:s6], [sflag:s22] =	dma.local [hbm:s4], s20  }
0x9e: {  	_ =	swait.ge [sflag:s22], s20  }
0x9f: {  	s3 =	ssub.s32 $0x0, s20;
	[sflag:s22] =	ssyncset.done $0x0  }
0xa0: {  	[sflag:s22] =	ssyncadd.s32 s3;
	_ =	sdelay $0x1  }
0xa1: {  	s23 =	simm.s32 $0x1B8B  }
0xa2: {  	_ =	swait.ge [sflag:s23], $0x1  }
0xa3: {  	[sflag:s23] =	ssyncset.done $0x0  }
0xa4: {  	s25 =	simm.s32 $0x1B8E;
	s24 =	sld [smem:$0x3FFE];
	[sflag:s23] =	ssyncadd.s32 $0xFFFFFFFF  }
0xa5: {  	s26 =	simm.s32 $execute0_lowered;
	[smem:$0x3FD2] =	sst s25  }
0xa6: {  	s4 =	sshll.u32 s26, $0x1;
	_ =	strace $0x80000046;
	[dreg:$0x1] =	wrdreg $0xFFFFFFFF  }
0xa7: {  	s28 =	simm.s32 $_size_execute0_lowered;
	s2 =	sadd.s32 s2, s4;
	[dreg:$0x0] =	wrdreg $0x0  }
0xa8: {  	s4 =	sshll.u32 s28, $0x1;
	[dreg:$0x2] =	wrdreg s2  }
0xa9: {  	[dreg:$0x3] =	wrdreg s4  }
0xaa: {  	[dreg:$0x4] =	wrdreg $0xC0  }
0xab: {  	_ =	task [dreg:s6], $0x5FFFF  }
0xac: {  	[dreg:$0x1] =	wrdreg $0xFFFFFFFF  }
0xad: {  	[dreg:$0x0] =	wrdreg $0x60  }
0xae: {  	[dreg:$0x2] =	wrdreg s24  }
0xaf: {  	[dreg:$0x3] =	wrdreg $0x9  }
0xb0: {  	_ =	task.clear_ibuf [dreg:s6], $0x4FFFF;
	_ =	strace $0x90000046  }
0xb1: {  	s29 =	simm.s32 $0x9;
	_ =	strace $0x80000048  }
0xb2: {  	_ =	swait.ge [sflag:s29], $0x1  }
0xb3: {  	[sflag:s29] =	ssyncadd.s32 $0xFFFFFFFF  }
0xb4: {  	_ =	strace $0x90000048  }
0xb5: {  	_ =	sfence  }
0xb6: {  	s30 =	sld [smem:$0x0];
	_ =	sdelay $0x2  }
0xb7: {  	s31 =	sshll.u32 s1, $0xD;
	s1 =	sshrl.u32 s1, $0x2  }
0xb8: {  	s3 =	sand.u32 $0x4000, s31;
	s1 =	sadd.s32 s1, s30  }
0xb9: {  	s0 =	sor.u32 s3, s0;
	s1 =	sshll.u32 s1, $0x11  }
0xba: {  	s0 =	sor.u32 s1, s0  }
0xbb: {  	s0 =	sadd.s32 $0x8F2B, s0  }
0xbc: {  	[sflag:s0] =	ssyncadd.remote.s32 $0x1  }
0xbd: {  	_ =	sfence.sel $0xFFFF  }
0xbe: {  	[dreg:$0x0] =	wrdreg $0xFFFFFFFF;
	(pc) =	sbr.abs _section_cstart, $3  }
0xbf: {  	[dreg:$0x1] =	wrdreg $0xFFFFFFFF  }
0xc0: {  	_ =	task.clear_ibuf [dreg:s6], $0x2FFFF;
	_ =	strace $0x9FFFFFFF  }
0xc1: {  	(tm) =	ssettm $0x7FFFFFFF  }
tec
execute0_lowered:
.L_overlay_start_1:
0x0: {  	(tag) =	ssettag $0x1  }
0x1: {  	s6 =	rddreg [dreg:$0x0]  }
0x2: {  	s0 =	rddreg [dreg:$0x1];
	s1 =	simm.s32 $0x0  }
0x3: {  	s3 =	srdreg.scid;
	s12 =	simm.s32 $0x1;
	s13 =	simm.s32 $0x2  }
0x4: {  	s14 =	simm.s32 $0x3;
	s15 =	simm.s32 $0x18200;
	s16 =	simm.s32 $0x8  }
0x5: {  	s17 =	simm.s32 $0x4;
	s18 =	simm.s32 $0x5;
	s19 =	simm.s32 $0x6  }
0x6: {  	s20 =	simm.s32 $0x7;
	s21 =	simm.s32 $0x0;
	[smem:$0x7FF] =	sst s1  }
.Ltmp0:
0x7: {  	s2 =	sadd.s32 $0x4FEA00, s6;
	s3 =	sand.u32 $0x1, s3;
	(pc) =	sbr.rel .LBB2_1-.Ltmp0, $4  }
0x8: {  	s4 =	sadd.s32 $0x525C00, s6;
	s5 =	sadd.s32 $0xA56000, s6;
	s10 =	ssub.s32 $0x2, s3  }
0x9: {  	s7 =	sadd.s32 $0x4F4C00, s6;
	s8 =	sadd.s32 $0x4EAE00, s6;
	s11 =	sshrl.u32 s10, $0x1  }
0xa: {  	s9 =	sadd.s32 $0x8E00, s6;
	s6 =	stileid.u32;
	s11 =	ssub.s32 s10, s11  }
0xb: {  	_ =	strace $0x80000047;
	s10 =	sshll.u32 s6, $0x1;
	s11 =	smax.u32 s11, $0x1  }
.LBB2_11:
0xc: {  	s21 =	sadd.s32 $0x1, s21  }
0xd: {  	p0 =	sne.s32 s21, s11  }
.Ltmp1:
0xe: {  	_ = 	snop;
	(pc) =	sbr.rel @!p0 .LBB2_12-.Ltmp1, $1  }
0xf: {  	_ =	sdelay $0x3  }
.LBB2_1:
.Ltmp2:
0x10: {  	(pc) =	sbr.rel .LBB2_2-.Ltmp2, $2  }
0x11: {  	_ =	sdelay $0x2  }
0x12: {  	s22 =	simm.s32 $0x0  }
.LBB2_10:
0x13: {  	s22 =	sadd.s32 $0x1, s22  }
0x14: {  	p0 =	sne.s32 s22, $0x28  }
.Ltmp3:
0x15: {  	_ = 	snop;
	(pc) =	sbr.rel @!p0 .LBB2_11-.Ltmp3, $1  }
0x16: {  	_ =	sdelay $0x3  }
.LBB2_2:
0x17: {  	s23 =	sshll.u32 s22, $0x6  }
0x18: {  	s23 =	sor.u32 s23, s10  }
0x19: {  	s24 =	sor.u32 s3, s23;
	p1 =	sgt.u32 s23, $0x9C3  }
0x1a: {  	s23 =	sshll.u32 @!p1 s24, $0x4  }
0x1b: {  	s26 =	simm.s32 @!p1 $0x0;
	s25 =	sadd.s32 @!p1 s7, s23  }
0x1c: {  	[tilespmem:s26], [sflag:$0x8] =	stream.linear.gather @!p1 [hbm4b:s25+s26], $0x80, $0x38;
	[tilespmem:$0x1C200] =	vst v63  }
0x1d: {  	s25 =	simm.s32 @!p1 $0x8  }
0x1e: {  	_ =	swait.ge @!p1 [sflag:s25], $0x80  }
0x1f: {  	[sflag:s25] =	ssyncset.done @!p1 $0x0  }
0x20: {  	s28 =	simm.s32 @!p1 $0x80;
	s23 =	sadd.s32 @!p1 s8, s23;
	[sflag:s25] =	ssyncadd.s32 @!p1 $0xFFFFFF80  }
0x21: {  	[tilespmem:s28], [sflag:$0x8] =	stream.linear.gather @!p1 [hbm4b:s23+s26], $0x80, $0x38;
	[tilespmem:$0x1C200] =	vst v63  }
0x22: {  	_ =	swait.ge @!p1 [sflag:s25], $0x80  }
0x23: {  	[sflag:s25] =	ssyncset.done @!p1 $0x0  }
0x24: {  	s23 =	simm.s32 @!p1 $0x100;
	[sflag:s25] =	ssyncadd.s32 @!p1 $0xFFFFFF80  }
0x25: {  	[tilespmem:s23], [sflag:$0x1] =	stream.indirect.gather @!p1 [hbm4b:s2+s28], $0x80, s26, s28, $0xb8;
	[tilespmem:$0x1C200] =	vst v63  }
0x26: {  	s23 =	simm.s32 @!p1 $0x4100  }
0x27: {  	[tilespmem:s23], [sflag:$0x2] =	stream.indirect.gather @!p1 [hbm4b:s4+s28], $0x80, s28, s28, $0xb8;
	[tilespmem:$0x1C200] =	vst v63  }
0x28: {  	s23 =	sshll.u32 @!p1 s24, $0xB  }
0x29: {  	s25 =	simm.s32 @!p1 $0x8100;
	s23 =	sadd.s32 @!p1 s5, s23  }
0x2a: {  	[tilespmem:s25], [sflag:$0x3] =	stream.linear.gather @!p1 [hbm4b:s23+s26], $0x4000, $0x38;
	[tilespmem:$0x1C200] =	vst v63  }
0x2b: {  	s23 =	sor.u32 $0x20, s24  }
0x2c: {  	p0 =	sgt.u32 s23, $0x9C3  }
0x2d: {  	s25 =	sshll.u32 @!p0 s23, $0x4  }
0x2e: {  	s28 =	simm.s32 @!p0 $0x0;
	s29 =	simm.s32 @!p0 $0xC100;
	s26 =	sadd.s32 @!p0 s7, s25  }
0x2f: {  	[tilespmem:s29], [sflag:$0x8] =	stream.linear.gather @!p0 [hbm4b:s26+s28], $0x80, $0x38;
	[tilespmem:$0x1C200] =	vst v63  }
0x30: {  	s26 =	simm.s32 @!p0 $0x8  }
0x31: {  	_ =	swait.ge @!p0 [sflag:s26], $0x80  }
0x32: {  	[sflag:s26] =	ssyncset.done @!p0 $0x0  }
0x33: {  	s30 =	simm.s32 @!p0 $0xC180;
	s25 =	sadd.s32 @!p0 s8, s25;
	[sflag:s26] =	ssyncadd.s32 @!p0 $0xFFFFFF80  }
0x34: {  	[tilespmem:s30], [sflag:$0x8] =	stream.linear.gather @!p0 [hbm4b:s25+s28], $0x80, $0x38;
	[tilespmem:$0x1C200] =	vst v63  }
0x35: {  	_ =	swait.ge @!p0 [sflag:s26], $0x80  }
0x36: {  	[sflag:s26] =	ssyncset.done @!p0 $0x0  }
0x37: {  	s25 =	simm.s32 @!p0 $0x80;
	[sflag:s26] =	ssyncadd.s32 @!p0 $0xFFFFFF80;
	s26 =	simm.s32 @!p0 $0xC200  }
0x38: {  	[tilespmem:s26], [sflag:$0x4] =	stream.indirect.gather @!p0 [hbm4b:s2+s25], $0x80, s29, s25, $0xb8;
	[tilespmem:$0x1C200] =	vst v63  }
.Ltmp4:
0x39: {  	s26 =	simm.s32 @!p0 $0x10200;
	(pc) =	sbr.rel @p1 .LBB2_6-.Ltmp4, $4  }
0x3a: {  	[tilespmem:s26], [sflag:$0x5] =	stream.indirect.gather @!p0 [hbm4b:s4+s25], $0x80, s30, s25, $0xb8;
	[tilespmem:$0x1C200] =	vst v63  }
0x3b: {  	s25 =	sshll.u32 @!p0 s23, $0xB  }
0x3c: {  	s26 =	simm.s32 @!p0 $0x14200;
	s25 =	sadd.s32 @!p0 s5, s25  }
0x3d: {  	[tilespmem:s26], [sflag:$0x6] =	stream.linear.gather @!p0 [hbm4b:s25+s28], $0x4000, $0x38;
	[tilespmem:$0x1C200] =	vst v63  }
0x3e: {  	_ =	swait.ge [sflag:s12], $0x4000  }
0x3f: {  	[sflag:s12] =	ssyncset.done $0x0  }
0x40: {  	[sflag:s12] =	ssyncadd.s32 $0xFFFFC000  }
0x41: {  	_ =	swait.ge [sflag:s13], $0x4000  }
0x42: {  	[sflag:s13] =	ssyncset.done $0x0  }
0x43: {  	[sflag:s13] =	ssyncadd.s32 $0xFFFFC000  }
0x44: {  	_ =	swait.ge [sflag:s14], $0x4000  }
0x45: {  	[sflag:s14] =	ssyncset.done $0x0  }
0x46: {  	s25 =	simm.s32 $0x0;
	[sflag:s14] =	ssyncadd.s32 $0xFFFFC000  }
0x47: {  	v0 =	vld [tilespmem:s25+$0x170]  }
0x48: {  	v1 =	vld [tilespmem:s25+$0x4170]  }
0x49: {  	v2 =	vld [tilespmem:s25+$0x100]  }
0x4a: {  	v3 =	vld [tilespmem:s25+$0x8170]  }
0x4b: {  	v4 =	vld [tilespmem:s25+$0x4100]  }
0x4c: {  	v5 =	vld [tilespmem:s25+$0x110]  }
0x4d: {  	v6 =	vld [tilespmem:s25+$0x4110]  }
0x4e: {  	v7 =	vld [tilespmem:s25+$0x4120]  }
0x4f: {  	v9 =	vld [tilespmem:s25+$0x4130]  }
0x50: {  	v10 =	vld [tilespmem:s25+$0x140]  }
0x51: {  	v11 =	vld [tilespmem:s25+$0x150]  }
0x52: {  	v12 =	vld [tilespmem:s25+$0x4150]  }
0x53: {  	v13 =	vld [tilespmem:s25+$0x160];
	v0 =	vadd.f32 v1, v0  }
0x54: {  	v14 =	vld [tilespmem:s25+$0x4160]  }
0x55: {  	v15 =	vld [tilespmem:s25+$0x8100];
	v0 =	vadd.f32 v3, v0  }
0x56: {  	v1 =	vld [tilespmem:s25+$0x120]  }
0x57: {  	v3 =	vld [tilespmem:s25+$0x130];
	v0 =	vmax.f32 v0, $0.0e+00  }
0x58: {  	[tilespmem:s25+$0x18270] =	vst v0;
	v0 =	vld [tilespmem:s25+$0x4140]  }
0x59: {  	v16 =	vld [tilespmem:s25+$0x8110]  }
0x5a: {  	v17 =	vld [tilespmem:s25+$0x8120]  }
0x5b: {  	v8 =	vld [tilespmem:s25+$0x8130];
	v2 =	vadd.f32 v4, v2;
	v18 =	vadd.f32 v6, v5  }
0x5c: {  	v19 =	vadd.f32 v7, v1;
	v7 =	vld [tilespmem:s25+$0x8140];
	v4 =	vadd.f32 v9, v3  }
0x5d: {  	v6 =	vld [tilespmem:s25+$0x8150];
	v3 =	vadd.f32 v0, v10;
	v10 =	vadd.f32 v15, v2  }
0x5e: {  	s26 =	simm.s32 $0x80;
	v5 =	vld [tilespmem:s25+$0x8160];
	v9 =	vadd.f32 v16, v18;
	v2 =	vadd.f32 v12, v11  }
0x5f: {  	s28 =	simm.s32 $0x400;
	v1 =	vld [tilespmem:s26+$0x170];
	v0 =	vadd.f32 v14, v13;
	v11 =	vmax.f32 v10, $0.0e+00;
	v10 =	vadd.f32 v17, v19  }
.LBB2_4:
0x60: {  	p1 =	sne.s32 s28, $0xFE00;
	v12 =	vld [tilespmem:s26+$0x4170];
	[tilespmem:s25+$0x18200] =	vst v11;
	v9 =	vmax.f32 v9, $0.0e+00;
	v4 =	vadd.f32 v8, v4  }
0x61: {  	v8 =	vld [tilespmem:s26+$0x100];
	[tilespmem:s25+$0x18210] =	vst v9;
	v9 =	vmax.f32 v10, $0.0e+00;
	v3 =	vadd.f32 v7, v3  }
0x62: {  	v7 =	vld [tilespmem:s26+$0x8170];
	[tilespmem:s25+$0x18220] =	vst v9;
	v4 =	vmax.f32 v4, $0.0e+00;
	v2 =	vadd.f32 v6, v2  }
0x63: {  	v6 =	vld [tilespmem:s26+$0x4100];
	[tilespmem:s25+$0x18230] =	vst v4;
	v3 =	vmax.f32 v3, $0.0e+00;
	v0 =	vadd.f32 v5, v0  }
0x64: {  	v4 =	vld [tilespmem:s26+$0x110];
	[tilespmem:s25+$0x18240] =	vst v3;
	v2 =	vmax.f32 v2, $0.0e+00  }
0x65: {  	v3 =	vld [tilespmem:s26+$0x4110];
	v1 =	vadd.f32 v12, v1;
	[tilespmem:s25+$0x18250] =	vst v2;
	v0 =	vmax.f32 v0, $0.0e+00  }
0x66: {  	v2 =	vld [tilespmem:s26+$0x120];
	[tilespmem:s25+$0x18260] =	vst v0;
	s25 =	smov.u32 s26  }
0x67: {  	v0 =	vld [tilespmem:s25+$0x4120];
	v1 =	vadd.f32 v7, v1  }
0x68: {  	v5 =	vadd.f32 v6, v8;
	v6 =	vld [tilespmem:s25+$0x130]  }
0x69: {  	v7 =	vld [tilespmem:s25+$0x4130];
	v1 =	vmax.f32 v1, $0.0e+00  }
0x6a: {  	v9 =	vadd.f32 v3, v4;
	v3 =	vld [tilespmem:s25+$0x140];
	[tilespmem:s25+$0x18270] =	vst v1  }
0x6b: {  	v1 =	vld [tilespmem:s25+$0x4140]  }
0x6c: {  	v10 =	vadd.f32 v0, v2;
	v0 =	vld [tilespmem:s25+$0x150]  }
0x6d: {  	v2 =	vld [tilespmem:s25+$0x4150]  }
0x6e: {  	v4 =	vadd.f32 v7, v6;
	v6 =	vld [tilespmem:s25+$0x160]  }
0x6f: {  	v11 =	vld [tilespmem:s25+$0x4160]  }
0x70: {  	v12 =	vld [tilespmem:s25+$0x8100];
	v3 =	vadd.f32 v1, v3  }
0x71: {  	v1 =	vld [tilespmem:s25+$0x8110]  }
0x72: {  	v13 =	vld [tilespmem:s25+$0x8120];
	v2 =	vadd.f32 v2, v0  }
.Ltmp5:
0x73: {  	v8 =	vld [tilespmem:s25+$0x8130];
	(pc) =	sbr.rel @p1 .LBB2_4-.Ltmp5, $4  }
0x74: {  	v7 =	vld [tilespmem:s25+$0x8140];
	v0 =	vadd.f32 v11, v6  }
0x75: {  	v11 =	vadd.f32 v12, v5;
	v6 =	vld [tilespmem:s25+$0x8150]  }
0x76: {  	s26 =	sshra.s32 s28, $0x2;
	v9 =	vadd.f32 v1, v9;
	v5 =	vld [tilespmem:s25+$0x8160]  }
0x77: {  	s28 =	sadd.s32 $0x200, s28;
	v1 =	vld [tilespmem:s26+$0x170];
	v11 =	vmax.f32 v11, $0.0e+00;
	v10 =	vadd.f32 v13, v10  }
0x78: {  	v12 =	vld [tilespmem:s26+$0x4170];
	[tilespmem:s25+$0x18200] =	vst v11;
	v9 =	vmax.f32 v9, $0.0e+00;
	v4 =	vadd.f32 v8, v4  }
0x79: {  	v11 =	vld [tilespmem:s26+$0x100];
	[tilespmem:s25+$0x18210] =	vst v9;
	v41 =	vmax.f32 v10, $0.0e+00;
	v3 =	vadd.f32 v7, v3  }
0x7a: {  	v9 =	vld [tilespmem:s26+$0x8170];
	[tilespmem:s25+$0x18220] =	vst v41;
	v4 =	vmax.f32 v4, $0.0e+00;
	v2 =	vadd.f32 v6, v2  }
0x7b: {  	v42 =	vld [tilespmem:s26+$0x4100];
	[tilespmem:s25+$0x18230] =	vst v4;
	v3 =	vmax.f32 v3, $0.0e+00;
	v0 =	vadd.f32 v5, v0  }
0x7c: {  	v4 =	vld [tilespmem:s26+$0x110];
	[tilespmem:s25+$0x18240] =	vst v3;
	v2 =	vmax.f32 v2, $0.0e+00  }
0x7d: {  	v3 =	vld [tilespmem:s26+$0x4110];
	[tilespmem:s25+$0x18250] =	vst v2;
	v0 =	vmax.f32 v0, $0.0e+00  }
0x7e: {  	v2 =	vld [tilespmem:s26+$0x120];
	[tilespmem:s25+$0x18260] =	vst v0  }
0x7f: {  	v0 =	vld [tilespmem:s26+$0x4120]  }
0x80: {  	v43 =	vld [tilespmem:s26+$0x130]  }
0x81: {  	v44 =	vld [tilespmem:s26+$0x4130]  }
0x82: {  	v8 =	vld [tilespmem:s26+$0x140]  }
0x83: {  	v45 =	vld [tilespmem:s26+$0x4140]  }
0x84: {  	v46 =	vld [tilespmem:s26+$0x150]  }
0x85: {  	v47 =	vld [tilespmem:s26+$0x4150]  }
0x86: {  	v48 =	vld [tilespmem:s26+$0x160]  }
0x87: {  	v13 =	vld [tilespmem:s26+$0x4160]  }
0x88: {  	v14 =	vld [tilespmem:s26+$0x8100]  }
0x89: {  	v15 =	vld [tilespmem:s26+$0x8110]  }
0x8a: {  	v1 =	vadd.f32 v12, v1;
	v16 =	vld [tilespmem:s26+$0x8120]  }
0x8b: {  	v49 =	vld [tilespmem:s26+$0x8130];
	v7 =	vadd.f32 v42, v11  }
0x8c: {  	v1 =	vadd.f32 v9, v1;
	v50 =	vld [tilespmem:s26+$0x8140];
	v3 =	vadd.f32 v3, v4  }
0x8d: {  	v52 =	vld [tilespmem:s26+$0x8150];
	v0 =	vadd.f32 v0, v2;
	v51 =	vadd.f32 v14, v7  }
0x8e: {  	v53 =	vld [tilespmem:s26+$0x8160];
	v1 =	vmax.f32 v1, $0.0e+00;
	v5 =	vadd.f32 v44, v43;
	v3 =	vadd.f32 v15, v3  }
0x8f: {  	[tilespmem:s26+$0x18270] =	vst v1;
	v1 =	vadd.f32 v45, v8;
	v0 =	vadd.f32 v16, v0;
	v2 =	vmax.f32 v51, $0.0e+00  }
0x90: {  	v54 =	vadd.f32 v47, v46;
	v55 =	vmax.f32 v3, $0.0e+00;
	v56 =	vadd.f32 v49, v5;
	[tilespmem:s26+$0x18200] =	vst v2  }
0x91: {  	v57 =	vadd.f32 v13, v48;
	v1 =	vadd.f32 v50, v1;
	[tilespmem:s26+$0x18210] =	vst v55;
	v0 =	vmax.f32 v0, $0.0e+00  }
0x92: {  	v59 =	vadd.f32 v52, v54;
	v58 =	vmax.f32 v56, $0.0e+00;
	[tilespmem:s26+$0x18220] =	vst v0  }
0x93: {  	v61 =	vadd.f32 v53, v57;
	v60 =	vmax.f32 v1, $0.0e+00;
	[tilespmem:s26+$0x18230] =	vst v58  }
0x94: {  	v62 =	vmax.f32 v59, $0.0e+00;
	[tilespmem:s26+$0x18240] =	vst v60  }
0x95: {  	s24 =	sshll.u32 s24, $0xB;
	v63 =	vmax.f32 v61, $0.0e+00;
	[tilespmem:s26+$0x18250] =	vst v62  }
0x96: {  	s24 =	sadd.s32 s9, s24;
	[tilespmem:s26+$0x18260] =	vst v63  }
0x97: {  	[hbm4b:s24+s1] =	stream.linear.scatter [tilespmem:s15], [sflag:$0x8], $0x4000, $0x38;
	[tilespmem:$0x1C200] =	vst v63  }
0x98: {  	_ =	swait.ge [sflag:s16], $0x4000  }
0x99: {  	[sflag:s16] =	ssyncset.done $0x0  }
0x9a: {  	[sflag:s16] =	ssyncadd.s32 $0xFFFFC000  }
.LBB2_6:
.Ltmp6:
0x9b: {  	(pc) =	sbr.rel @p0 .LBB2_10-.Ltmp6, $1  }
0x9c: {  	_ =	sdelay $0x3  }
0x9d: {  	_ =	swait.ge [sflag:s17], $0x4000  }
0x9e: {  	[sflag:s17] =	ssyncset.done $0x0  }
0x9f: {  	[sflag:s17] =	ssyncadd.s32 $0xFFFFC000  }
0xa0: {  	_ =	swait.ge [sflag:s18], $0x4000  }
0xa1: {  	[sflag:s18] =	ssyncset.done $0x0  }
0xa2: {  	[sflag:s18] =	ssyncadd.s32 $0xFFFFC000  }
0xa3: {  	_ =	swait.ge [sflag:s19], $0x4000  }
0xa4: {  	[sflag:s19] =	ssyncset.done $0x0  }
0xa5: {  	s24 =	simm.s32 $0x0;
	[sflag:s19] =	ssyncadd.s32 $0xFFFFC000  }
0xa6: {  	v0 =	vld [tilespmem:s24+$0xC270]  }
0xa7: {  	v1 =	vld [tilespmem:s24+$0x10270]  }
0xa8: {  	v2 =	vld [tilespmem:s24+$0xC200]  }
0xa9: {  	v3 =	vld [tilespmem:s24+$0x14270]  }
0xaa: {  	v4 =	vld [tilespmem:s24+$0x10200]  }
0xab: {  	v5 =	vld [tilespmem:s24+$0xC210]  }
0xac: {  	v6 =	vld [tilespmem:s24+$0x10210]  }
0xad: {  	v7 =	vld [tilespmem:s24+$0x10220]  }
0xae: {  	v9 =	vld [tilespmem:s24+$0x10230]  }
0xaf: {  	v10 =	vld [tilespmem:s24+$0xC240]  }
0xb0: {  	v11 =	vld [tilespmem:s24+$0xC250]  }
0xb1: {  	v12 =	vld [tilespmem:s24+$0x10250]  }
0xb2: {  	v13 =	vld [tilespmem:s24+$0xC260];
	v0 =	vadd.f32 v1, v0  }
0xb3: {  	v14 =	vld [tilespmem:s24+$0x10260]  }
0xb4: {  	v15 =	vld [tilespmem:s24+$0x14200];
	v0 =	vadd.f32 v3, v0  }
0xb5: {  	v1 =	vld [tilespmem:s24+$0xC220]  }
0xb6: {  	v3 =	vld [tilespmem:s24+$0xC230];
	v0 =	vmax.f32 v0, $0.0e+00  }
0xb7: {  	[tilespmem:s24+$0x18270] =	vst v0;
	v0 =	vld [tilespmem:s24+$0x10240]  }
0xb8: {  	v16 =	vld [tilespmem:s24+$0x14210]  }
0xb9: {  	v17 =	vld [tilespmem:s24+$0x14220]  }
0xba: {  	v8 =	vld [tilespmem:s24+$0x14230];
	v2 =	vadd.f32 v4, v2;
	v18 =	vadd.f32 v6, v5  }
0xbb: {  	v19 =	vadd.f32 v7, v1;
	v7 =	vld [tilespmem:s24+$0x14240];
	v4 =	vadd.f32 v9, v3  }
0xbc: {  	v6 =	vld [tilespmem:s24+$0x14250];
	v3 =	vadd.f32 v0, v10;
	v10 =	vadd.f32 v15, v2  }
0xbd: {  	s25 =	simm.s32 $0x80;
	v5 =	vld [tilespmem:s24+$0x14260];
	v9 =	vadd.f32 v16, v18;
	v2 =	vadd.f32 v12, v11  }
0xbe: {  	s26 =	simm.s32 $0x400;
	v1 =	vld [tilespmem:s25+$0xC270];
	v0 =	vadd.f32 v14, v13;
	v11 =	vmax.f32 v10, $0.0e+00;
	v10 =	vadd.f32 v17, v19  }
.LBB2_8:
0xbf: {  	p0 =	sne.s32 s26, $0xFE00;
	v12 =	vld [tilespmem:s25+$0x10270];
	[tilespmem:s24+$0x18200] =	vst v11;
	v9 =	vmax.f32 v9, $0.0e+00;
	v4 =	vadd.f32 v8, v4  }
0xc0: {  	v8 =	vld [tilespmem:s25+$0xC200];
	[tilespmem:s24+$0x18210] =	vst v9;
	v9 =	vmax.f32 v10, $0.0e+00;
	v3 =	vadd.f32 v7, v3  }
0xc1: {  	v7 =	vld [tilespmem:s25+$0x14270];
	[tilespmem:s24+$0x18220] =	vst v9;
	v4 =	vmax.f32 v4, $0.0e+00;
	v2 =	vadd.f32 v6, v2  }
0xc2: {  	v6 =	vld [tilespmem:s25+$0x10200];
	[tilespmem:s24+$0x18230] =	vst v4;
	v3 =	vmax.f32 v3, $0.0e+00;
	v0 =	vadd.f32 v5, v0  }
0xc3: {  	v4 =	vld [tilespmem:s25+$0xC210];
	[tilespmem:s24+$0x18240] =	vst v3;
	v2 =	vmax.f32 v2, $0.0e+00  }
0xc4: {  	v3 =	vld [tilespmem:s25+$0x10210];
	v1 =	vadd.f32 v12, v1;
	[tilespmem:s24+$0x18250] =	vst v2;
	v0 =	vmax.f32 v0, $0.0e+00  }
0xc5: {  	v2 =	vld [tilespmem:s25+$0xC220];
	[tilespmem:s24+$0x18260] =	vst v0;
	s24 =	smov.u32 s25  }
0xc6: {  	v0 =	vld [tilespmem:s24+$0x10220];
	v1 =	vadd.f32 v7, v1  }
0xc7: {  	v5 =	vadd.f32 v6, v8;
	v6 =	vld [tilespmem:s24+$0xC230]  }
0xc8: {  	v7 =	vld [tilespmem:s24+$0x10230];
	v1 =	vmax.f32 v1, $0.0e+00  }
0xc9: {  	v9 =	vadd.f32 v3, v4;
	v3 =	vld [tilespmem:s24+$0xC240];
	[tilespmem:s24+$0x18270] =	vst v1  }
0xca: {  	v1 =	vld [tilespmem:s24+$0x10240]  }
0xcb: {  	v10 =	vadd.f32 v0, v2;
	v0 =	vld [tilespmem:s24+$0xC250]  }
0xcc: {  	v2 =	vld [tilespmem:s24+$0x10250]  }
0xcd: {  	v4 =	vadd.f32 v7, v6;
	v6 =	vld [tilespmem:s24+$0xC260]  }
0xce: {  	v11 =	vld [tilespmem:s24+$0x10260]  }
0xcf: {  	v12 =	vld [tilespmem:s24+$0x14200];
	v3 =	vadd.f32 v1, v3  }
0xd0: {  	v1 =	vld [tilespmem:s24+$0x14210]  }
0xd1: {  	v13 =	vld [tilespmem:s24+$0x14220];
	v2 =	vadd.f32 v2, v0  }
.Ltmp7:
0xd2: {  	v8 =	vld [tilespmem:s24+$0x14230];
	(pc) =	sbr.rel @p0 .LBB2_8-.Ltmp7, $4  }
0xd3: {  	v7 =	vld [tilespmem:s24+$0x14240];
	v0 =	vadd.f32 v11, v6  }
0xd4: {  	v11 =	vadd.f32 v12, v5;
	v6 =	vld [tilespmem:s24+$0x14250]  }
0xd5: {  	s25 =	sshra.s32 s26, $0x2;
	v9 =	vadd.f32 v1, v9;
	v5 =	vld [tilespmem:s24+$0x14260]  }
0xd6: {  	s26 =	sadd.s32 $0x200, s26;
	v1 =	vld [tilespmem:s25+$0xC270];
	v11 =	vmax.f32 v11, $0.0e+00;
	v10 =	vadd.f32 v13, v10  }
0xd7: {  	v12 =	vld [tilespmem:s25+$0x10270];
	[tilespmem:s24+$0x18200] =	vst v11;
	v9 =	vmax.f32 v9, $0.0e+00;
	v4 =	vadd.f32 v8, v4  }
0xd8: {  	v11 =	vld [tilespmem:s25+$0xC200];
	[tilespmem:s24+$0x18210] =	vst v9;
	v41 =	vmax.f32 v10, $0.0e+00;
	v3 =	vadd.f32 v7, v3  }
0xd9: {  	v9 =	vld [tilespmem:s25+$0x14270];
	[tilespmem:s24+$0x18220] =	vst v41;
	v4 =	vmax.f32 v4, $0.0e+00;
	v2 =	vadd.f32 v6, v2  }
0xda: {  	v42 =	vld [tilespmem:s25+$0x10200];
	[tilespmem:s24+$0x18230] =	vst v4;
	v3 =	vmax.f32 v3, $0.0e+00;
	v0 =	vadd.f32 v5, v0  }
0xdb: {  	v4 =	vld [tilespmem:s25+$0xC210];
	[tilespmem:s24+$0x18240] =	vst v3;
	v2 =	vmax.f32 v2, $0.0e+00  }
0xdc: {  	v3 =	vld [tilespmem:s25+$0x10210];
	[tilespmem:s24+$0x18250] =	vst v2;
	v0 =	vmax.f32 v0, $0.0e+00  }
0xdd: {  	v2 =	vld [tilespmem:s25+$0xC220];
	[tilespmem:s24+$0x18260] =	vst v0  }
0xde: {  	v0 =	vld [tilespmem:s25+$0x10220]  }
0xdf: {  	v43 =	vld [tilespmem:s25+$0xC230]  }
0xe0: {  	v44 =	vld [tilespmem:s25+$0x10230]  }
0xe1: {  	v8 =	vld [tilespmem:s25+$0xC240]  }
0xe2: {  	v45 =	vld [tilespmem:s25+$0x10240]  }
0xe3: {  	v46 =	vld [tilespmem:s25+$0xC250]  }
0xe4: {  	v47 =	vld [tilespmem:s25+$0x10250]  }
0xe5: {  	v48 =	vld [tilespmem:s25+$0xC260]  }
0xe6: {  	v13 =	vld [tilespmem:s25+$0x10260]  }
0xe7: {  	v14 =	vld [tilespmem:s25+$0x14200]  }
0xe8: {  	v15 =	vld [tilespmem:s25+$0x14210]  }
0xe9: {  	v1 =	vadd.f32 v12, v1;
	v16 =	vld [tilespmem:s25+$0x14220]  }
0xea: {  	v49 =	vld [tilespmem:s25+$0x14230];
	v7 =	vadd.f32 v42, v11  }
0xeb: {  	v1 =	vadd.f32 v9, v1;
	v50 =	vld [tilespmem:s25+$0x14240];
	v3 =	vadd.f32 v3, v4  }
0xec: {  	v52 =	vld [tilespmem:s25+$0x14250];
	v0 =	vadd.f32 v0, v2;
	v51 =	vadd.f32 v14, v7  }
0xed: {  	v53 =	vld [tilespmem:s25+$0x14260];
	v1 =	vmax.f32 v1, $0.0e+00;
	v5 =	vadd.f32 v44, v43;
	v3 =	vadd.f32 v15, v3  }
0xee: {  	[tilespmem:s25+$0x18270] =	vst v1;
	v1 =	vadd.f32 v45, v8;
	v0 =	vadd.f32 v16, v0;
	v2 =	vmax.f32 v51, $0.0e+00  }
0xef: {  	v54 =	vadd.f32 v47, v46;
	v55 =	vmax.f32 v3, $0.0e+00;
	v56 =	vadd.f32 v49, v5;
	[tilespmem:s25+$0x18200] =	vst v2  }
0xf0: {  	v57 =	vadd.f32 v13, v48;
	v1 =	vadd.f32 v50, v1;
	[tilespmem:s25+$0x18210] =	vst v55;
	v0 =	vmax.f32 v0, $0.0e+00  }
0xf1: {  	v59 =	vadd.f32 v52, v54;
	v58 =	vmax.f32 v56, $0.0e+00;
	[tilespmem:s25+$0x18220] =	vst v0  }
0xf2: {  	v61 =	vadd.f32 v53, v57;
	v60 =	vmax.f32 v1, $0.0e+00;
	[tilespmem:s25+$0x18230] =	vst v58  }
0xf3: {  	v62 =	vmax.f32 v59, $0.0e+00;
	[tilespmem:s25+$0x18240] =	vst v60  }
0xf4: {  	s23 =	sshll.u32 s23, $0xB;
	v63 =	vmax.f32 v61, $0.0e+00;
	[tilespmem:s25+$0x18250] =	vst v62  }
.Ltmp8:
0xf5: {  	s23 =	sadd.s32 s9, s23;
	[tilespmem:s25+$0x18260] =	vst v63;
	(pc) =	sbr.rel .LBB2_10-.Ltmp8, $4  }
0xf6: {  	[hbm4b:s23+s1] =	stream.linear.scatter [tilespmem:s15], [sflag:$0x7], $0x4000, $0x38;
	[tilespmem:$0x1C200] =	vst v63  }
0xf7: {  	_ =	swait.ge [sflag:s20], $0x4000  }
0xf8: {  	[sflag:s20] =	ssyncset.done $0x0  }
0xf9: {  	[sflag:s20] =	ssyncadd.s32 $0xFFFFC000  }
.LBB2_12:
0xfa: {  	_ =	sfence.sel $0x180000  }
0xfb: {  	[bflag:$0x0] =	sbarrier.arrive $0xFFFF  }
0xfc: {  	p0 =	sne.s32 s6, $0x0;
	_ =	strace $0x90000047  }
0xfd: {  	s0 =	sadd.s32 @!p0 $0x100000, s0;
	[bflag:$0x2] =	sbarrier.arrive $0xFFFF  }
0xfe: {  	[sflag:s0] =	ssyncadd.tile.s32 @!p0 $0x1;
	_ =	shalt  }
.Lfunc_end2:
_tile_overlayer_lowered:
.L_overlay_start_2:
0xff: {  	(tag) =	ssettag $0x2  }
0x100: {  	s0 =	rddreg [dreg:$0x0];
	s2 =	stileid.u32  }
0x101: {  	s1 =	rddreg [dreg:$0x1];
	p0 =	sne.s32 s2, $0x0  }
0x102: {  	s3 =	rddreg [dreg:$0x2];
	[bflag:$0x3] =	sbarrier.arrive $0xFFFF;
	s2 =	simm.s32 @!p0 $0x1C07  }
0x103: {  	[timem:s3], [sflag:s2] =	dma.local @!p0 [hbm:s0], s1  }
0x104: {  	s0 =	simm.s32 @!p0 $0x7  }
0x105: {  	_ =	swait.ge @!p0 [sflag:s0], s1  }
0x106: {  	s1 =	ssub.s32 @!p0 $0x0, s1;
	[sflag:s0] =	ssyncset.done @!p0 $0x0  }
0x107: {  	[sflag:s0] =	ssyncadd.s32 @!p0 s1  }
0x108: {  	[bflag:$0x3] =	sbarrier.arrive $0xFFFF  }
0x109: {  	_ =	shalt  }

// kernel: _impl.16.cloned.1.call-start
scs
__scs_entry_jumppad:
0x0: {  	(pc) =	sbr.rel $0x88, $3  }
0x1: {  	(tag) =	ssettag $0x0;
	lr =	simm.s32 $0x1  }
0x2: {  	[smem:$0x3F7E] =	sst lr;
	_ =	strace $0xD0000000  }
0x3: {  	_ = 	snop  }
0x4: {  	_ = 	snop  }
0x5: {  	_ = 	snop  }
0x6: {  	_ = 	snop  }
0x7: {  	_ = 	snop  }
__scs_overlays_trampoline_lowered:
0x8: {  	[smem:$0x3F8D] =	sst s0  }
0x9: {  	[smem:$0x3F8E] =	sst s1  }
0xa: {  	[smem:$0x3F8F] =	sst s2  }
0xb: {  	[smem:$0x3F90] =	sst s3  }
0xc: {  	[smem:$0x3F91] =	sst s4  }
0xd: {  	[smem:$0x3F92] =	sst s5  }
0xe: {  	[smem:$0x3F93] =	sst s6  }
0xf: {  	[smem:$0x3F94] =	sst s7  }
0x10: {  	[smem:$0x3F95] =	sst s8  }
0x11: {  	[smem:$0x3F96] =	sst s9;
	s0 =	simm.s32 @!p0 $0x0  }
0x12: {  	s1 =	sld [smem:$0x3F7C];
	s0 =	simm.s32 @p0 $0x1  }
0x13: {  	[smem:$0x3F97] =	sst s0;
	s0 =	simm.s32 @!p1 $0x0  }
0x14: {  	s2 =	sld [smem:$0x3F7B];
	s0 =	simm.s32 @p1 $0x1  }
0x15: {  	[smem:$0x3F98] =	sst s0;
	s0 =	simm.s32 @!p2 $0x0  }
0x16: {  	s3 =	sld [smem:$0x3FDB];
	s0 =	simm.s32 @p2 $0x1  }
0x17: {  	s4 =	simm.s32 $0x1BF5;
	[smem:$0x3F9A] =	sst s0  }
0x18: {  	s0 =	sld [smem:$0x3F7D];
	_ =	swait.ge [sflag:s4], $0x0  }
0x19: {  	s7 =	sld [smem:$0x3F7E]  }
0x1a: {  	s8 =	sadd.s32 $0xFFFFE003, lr  }
0x1b: {  	s9 =	sadd.s32 $0xFFFFFEF7, lr;
	s5 =	simm.s32 $0xFFFFFFFF;
	p2 =	slt.u32 s8, $0xFFFFF086  }
0x1c: {  	p1 =	slt.u32 s9, $0xF7A;
	s5 =	simm.s32 @!p2 $0x0  }
0x1d: {  	s5 =	simm.s32 @p1 $0x1;
	p0 =	seq.s32 s7, s2  }
0x1e: {  	s7 =	smul.u32 @!p0 $0xF7A, s2;
	p2 =	seq.s32 @!p0 s5, $0x0  }
0x1f: {  	s9 =	smul.u32 $0xF7A, s1;
	s8 =	simm.s32 @!p0 $0x1BF5;
	p2 =	por !p2, p0  }
0x20: {  	[sflag:s8] =	ssyncset.s32 @!p0 $0xFFFFF086;
	s6 =	sadd.s32 @!p0 s3, s7;
	s7 =	simm.s32 @!p0 $0x108  }
0x21: {  	s3 =	sadd.s32 s3, s9;
	s6 =	sadd.s32 @!p0 $0x88, s6;
	s7 =	simm.s32 @p2 $0x1082  }
0x22: {  	[simem:s7], [sflag:s8] =	dma.local @!p0 [hbm:s6], $0xF7A  }
0x23: {  	s9 =	sor.u32 $0xD0000000, s2;
	s6 =	simm.s32 $0x108;
	_ =	swait.ge @!p0 [sflag:s8], $0x0  }
0x24: {  	s3 =	sadd.s32 $0x88, s3;
	s6 =	simm.s32 @!p1 $0x1082;
	[sflag:s4] =	ssyncset.s32 $0xFFFFF086  }
0x25: {  	[simem:s6], [sflag:s4] =	dma.local [hbm:s3], $0xF7A  }
0x26: {  	[smem:$0x3F7E] =	sst s1;
	(tag) =	ssettag s2;
	_ =	strace s9  }
0x27: {  	s1 =	sld [smem:$0x3F8E]  }
0x28: {  	s2 =	sld [smem:$0x3F8F]  }
0x29: {  	s4 =	sld [smem:$0x3F91]  }
0x2a: {  	p0 =	seq.s32 s5, $0x0;
	s5 =	sld [smem:$0x3F92]  }
0x2b: {  	s6 =	sld [smem:$0x3F93]  }
0x2c: {  	s7 =	sld [smem:$0x3F94]  }
0x2d: {  	s3 =	simm.s32 $0x108;
	s8 =	sld [smem:$0x3F95]  }
0x2e: {  	s3 =	simm.s32 @!p0 $0x1082;
	s9 =	sld [smem:$0x3F96]  }
0x2f: {  	lr =	sadd.s32 s0, s3;
	s0 =	sld [smem:$0x3F8D]  }
0x30: {  	s3 =	sld [smem:$0x3F90]  }
0x31: {  	[smem:$0x3F99] =	sst s10  }
0x32: {  	s10 =	sld [smem:$0x3F97];
	_ =	sdelay $0x3  }
0x33: {  	p0 =	seq.s32 s10, $0x1;
	s10 =	sld [smem:$0x3F99];
	_ =	sdelay $0x3  }
0x34: {  	[smem:$0x3F99] =	sst s10  }
0x35: {  	s10 =	sld [smem:$0x3F98];
	_ =	sdelay $0x3  }
0x36: {  	p1 =	seq.s32 s10, $0x1;
	s10 =	sld [smem:$0x3F99];
	_ =	sdelay $0x3  }
0x37: {  	[smem:$0x3F99] =	sst s10  }
0x38: {  	s10 =	sld [smem:$0x3F9A]  }
0x39: {  	_ = 	snop;
	(pc) =	sbr.ind lr, $3  }
0x3a: {  	_ = 	snop  }
0x3b: {  	_ = 	snop  }
0x3c: {  	p2 =	seq.s32 s10, $0x1;
	s10 =	sld [smem:$0x3F99]  }
0x3d: {  	_ =	shalt  }
0x3e: {  	_ =	shalt  }
0x3f: {  	_ =	shalt  }
0x40: {  	_ =	shalt  }
0x41: {  	_ =	shalt  }
0x42: {  	_ =	shalt  }
0x43: {  	_ =	shalt  }
0x44: {  	_ =	shalt  }
0x45: {  	_ =	shalt  }
0x46: {  	_ =	shalt  }
0x47: {  	_ =	shalt  }
0x48: {  	_ =	shalt  }
0x49: {  	_ =	shalt  }
0x4a: {  	_ =	shalt  }
0x4b: {  	_ =	shalt  }
0x4c: {  	_ =	shalt  }
0x4d: {  	_ =	shalt  }
0x4e: {  	_ =	shalt  }
0x4f: {  	_ =	shalt  }
0x50: {  	_ =	shalt  }
0x51: {  	_ =	shalt  }
0x52: {  	_ =	shalt  }
0x53: {  	_ =	shalt  }
0x54: {  	_ =	shalt  }
0x55: {  	_ =	shalt  }
0x56: {  	_ =	shalt  }
0x57: {  	_ =	shalt  }
0x58: {  	_ =	shalt  }
0x59: {  	_ =	shalt  }
0x5a: {  	_ =	shalt  }
0x5b: {  	_ =	shalt  }
0x5c: {  	_ =	shalt  }
0x5d: {  	_ =	shalt  }
0x5e: {  	_ =	shalt  }
0x5f: {  	_ =	shalt  }
0x60: {  	_ =	shalt  }
0x61: {  	_ =	shalt  }
0x62: {  	_ =	shalt  }
0x63: {  	_ =	shalt  }
0x64: {  	_ =	shalt  }
0x65: {  	_ =	shalt  }
0x66: {  	_ =	shalt  }
0x67: {  	_ =	shalt  }
0x68: {  	_ =	shalt  }
0x69: {  	_ =	shalt  }
0x6a: {  	_ =	shalt  }
0x6b: {  	_ =	shalt  }
0x6c: {  	_ =	shalt  }
0x6d: {  	_ =	shalt  }
0x6e: {  	_ =	shalt  }
0x6f: {  	_ =	shalt  }
0x70: {  	_ =	shalt  }
0x71: {  	_ =	shalt  }
0x72: {  	_ =	shalt  }
0x73: {  	_ =	shalt  }
0x74: {  	_ =	shalt  }
0x75: {  	_ =	shalt  }
0x76: {  	_ =	shalt  }
0x77: {  	_ =	shalt  }
0x78: {  	_ =	shalt  }
0x79: {  	_ =	shalt  }
0x7a: {  	_ =	shalt  }
0x7b: {  	_ =	shalt  }
0x7c: {  	_ =	shalt  }
0x7d: {  	_ =	shalt  }
0x7e: {  	_ =	shalt  }
0x7f: {  	_ =	shalt  }
0x80: {  	_ =	shalt  }
0x81: {  	_ =	shalt  }
0x82: {  	_ =	shalt  }
0x83: {  	_ =	shalt  }
0x84: {  	_ =	shalt  }
0x85: {  	_ =	shalt  }
0x86: {  	_ =	shalt  }
0x87: {  	_ =	shalt  }
.Lfunc_end0:
.L_simem_size_0:
called_computation.1_lowered:
.L_overlay_start_0:
0x88: {  	s2 =	sld [smem:$0x3FD9]  }
0x89: {  	s3 =	sld [smem:$0x3FFE];
	_ =	sdelay $0x1  }
0x8a: {  	s1 =	srdreg.scid  }
0x8b: {  	s0 =	sand.u32 $0x1, s1  }
0x8c: {  	s17 =	sshll.u32 s0, $0xA;
	s2 =	sadd.s32 s3, s2  }
0x8d: {  	s2 =	sadd.s32 s2, s17  }
0x8e: {  	[smem:$0x3FA5] =	sst s2  }
0x8f: {  	_ = 	snop  }
0x90: {  	s2 =	sld [smem:$0x3FD0];
	(tm) =	ssettm $0x1  }
0x91: {  	s18 =	sld [smem:$0x3FFB];
	_ =	sdelay $0x3  }
0x92: {  	_ =	strace s18  }
0x93: {  	s3 =	sld [smem:$0x3FFC];
	_ =	sdelay $0x3  }
0x94: {  	_ =	strace s3  }
0x95: {  	s3 =	sld [smem:$0x3FFD];
	_ =	sdelay $0x3  }
0x96: {  	_ =	strace s3  }
0x97: {  	_ =	strace $0x8FFFFFFF  }
0x98: {  	s19 =	sld [smem:$0x3FDB];
	_ =	sdelay $0x1  }
0x99: {  	s4 =	simm.s32 $_scs_section_size  }
0x9a: {  	s5 =	simm.s32 $_size__tile_overlayer_lowered;
	s6 =	simm.s32 $_tile_overlayer_lowered  }
0x9b: {  	s22 =	simm.s32 $0x1BFF;
	s21 =	sshll.u32 s6, $0x1;
	s3 =	sadd.s32 s4, s19  }
0x9c: {  	s7 =	simm.s32 $0x0;
	s20 =	sshll.u32 s5, $0x1;
	s5 =	sadd.s32 s21, s3  }
0x9d: {  	[timem:s7], [sflag:s22] =	dma.local [hbm:s5], s20  }
0x9e: {  	_ =	swait.ge [sflag:s22], s20  }
0x9f: {  	s4 =	ssub.s32 $0x0, s20;
	[sflag:s22] =	ssyncset.done $0x0  }
0xa0: {  	[sflag:s22] =	ssyncadd.s32 s4;
	_ =	sdelay $0x1  }
0xa1: {  	s23 =	simm.s32 $0x1B8B  }
0xa2: {  	_ =	swait.ge [sflag:s23], $0x1  }
0xa3: {  	[sflag:s23] =	ssyncset.done $0x0  }
0xa4: {  	s25 =	simm.s32 $0x1B8E;
	s24 =	sld [smem:$0x3FFE];
	[sflag:s23] =	ssyncadd.s32 $0xFFFFFFFF  }
0xa5: {  	s26 =	simm.s32 $execute0_lowered;
	[smem:$0x3FD2] =	sst s25  }
0xa6: {  	s5 =	sshll.u32 s26, $0x1;
	_ =	strace $0x80000049;
	[dreg:$0x1] =	wrdreg $0xFFFFFFFF  }
0xa7: {  	s28 =	simm.s32 $_size_execute0_lowered;
	s3 =	sadd.s32 s3, s5;
	[dreg:$0x0] =	wrdreg $0x0  }
0xa8: {  	s5 =	sshll.u32 s28, $0x1;
	[dreg:$0x2] =	wrdreg s3  }
0xa9: {  	[dreg:$0x3] =	wrdreg s5  }
0xaa: {  	[dreg:$0x4] =	wrdreg $0xC0  }
0xab: {  	_ =	task [dreg:s7], $0x5FFFF  }
0xac: {  	[dreg:$0x1] =	wrdreg $0xFFFFFFFF  }
0xad: {  	[dreg:$0x0] =	wrdreg $0x60  }
0xae: {  	[dreg:$0x2] =	wrdreg s24  }
0xaf: {  	[dreg:$0x3] =	wrdreg s2  }
0xb0: {  	[dreg:$0x4] =	wrdreg $0x0  }
0xb1: {  	[dreg:$0x5] =	wrdreg $0x9C400  }
0xb2: {  	[dreg:$0x6] =	wrdreg $0x138800  }
0xb3: {  	[dreg:$0x7] =	wrdreg $0x9  }
0xb4: {  	_ =	task.clear_ibuf [dreg:s7], $0x8FFFF;
	_ =	strace $0x90000049  }
0xb5: {  	s29 =	simm.s32 $0x9;
	_ =	strace $0x8000004B  }
0xb6: {  	_ =	swait.ge [sflag:s29], $0x1  }
0xb7: {  	[sflag:s29] =	ssyncadd.s32 $0xFFFFFFFF  }
0xb8: {  	_ =	strace $0x9000004B  }
0xb9: {  	_ =	sfence  }
0xba: {  	s30 =	sld [smem:$0x0];
	_ =	sdelay $0x2  }
0xbb: {  	s31 =	sshll.u32 s1, $0xD;
	s1 =	sshrl.u32 s1, $0x2  }
0xbc: {  	s3 =	sand.u32 $0x4000, s31;
	s1 =	sadd.s32 s1, s30  }
0xbd: {  	s0 =	sor.u32 s3, s0;
	s1 =	sshll.u32 s1, $0x11  }
0xbe: {  	s0 =	sor.u32 s1, s0  }
0xbf: {  	s0 =	sadd.s32 $0x8F2B, s0  }
0xc0: {  	[sflag:s0] =	ssyncadd.remote.s32 $0x1  }
0xc1: {  	_ =	sfence.sel $0xFFFF  }
0xc2: {  	[dreg:$0x0] =	wrdreg $0xFFFFFFFF;
	(pc) =	sbr.abs _section_cstart, $3  }
0xc3: {  	[dreg:$0x1] =	wrdreg $0xFFFFFFFF  }
0xc4: {  	_ =	task.clear_ibuf [dreg:s7], $0x2FFFF;
	_ =	strace $0x9FFFFFFF  }
0xc5: {  	(tm) =	ssettm $0x7FFFFFFF  }
tec
execute0_lowered:
.L_overlay_start_1:
0x0: {  	(tag) =	ssettag $0x1  }
0x1: {  	s0 =	rddreg [dreg:$0x0]  }
0x2: {  	s2 =	rddreg [dreg:$0x2]  }
0x3: {  	s4 =	rddreg [dreg:$0x3]  }
0x4: {  	s5 =	rddreg [dreg:$0x4];
	s6 =	simm.s32 $0x0;
	s1 =	stileid.u32  }
0x5: {  	s7 =	srdreg.scid;
	[smem:$0x7FF] =	sst s6  }
0x6: {  	s14 =	sand.u32 $0x1, s7;
	s19 =	smul.u32 $0x271, s1;
	s8 =	sshll.u32 s1, $0xB  }
0x7: {  	s20 =	sshll.u32 s1, $0x5;
	s10 =	sshll.u32 s1, $0x9;
	s7 =	sadd.s32 $0x4FEA00, s0  }
0x8: {  	s12 =	smul.u32 $0x9C40, s1;
	s23 =	sshll.u32 s1, $0x6;
	_ =	strace $0x8000004A  }
0x9: {  	s9 =	smul.u32 $0x2710, s14;
	s15 =	sadd.s32 s8, s0;
	s16 =	sadd.s32 s20, s0  }
0xa: {  	s13 =	sadd.s32 s10, s0;
	s22 =	ssub.s32 $0x2, s14;
	s20 =	sshll.u32 s14, $0x8  }
0xb: {  	s28 =	sshll.u32 s14, $0xA;
	s30 =	sshll.u32 s14, $0x4;
	s11 =	sshrl.u32 s22, $0x1  }
0xc: {  	s24 =	sshrl.u32 s12, $0x2;
	s26 =	sadd.s32 s20, s13;
	s29 =	sadd.s32 s28, s15  }
0xd: {  	s31 =	sadd.s32 s30, s16;
	s20 =	simm.s32 $0x3;
	s21 =	sadd.s32 s19, s9  }
0xe: {  	s18 =	ssub.s32 s22, s11;
	s19 =	sadd.s32 s12, s2;
	s25 =	sadd.s32 s24, s5  }
0xf: {  	s14 =	sadd.s32 $0x141A000, s26;
	s15 =	sadd.s32 $0x8E00, s29;
	s9 =	sshll.u32 s21, $0x3  }
0x10: {  	s8 =	sshll.u32 s21, $0x1;
	s21 =	sadd.s32 s12, s4;
	[dreg:$0x6] =	wrdreg s25  }
0x11: {  	s16 =	smax.u32 s18, $0x1;
	s18 =	sadd.s32 $0x4F4C00, s31;
	s19 =	sshrl.u32 s19, $0x3  }
0x12: {  	s17 =	sadd.s32 s9, s0;
	s0 =	sadd.s32 s8, s0;
	s9 =	sor.u32 $0x1C03, s23  }
0x13: {  	s8 =	sshll.u32 s1, $0x1;
	s11 =	sadd.s32 $0x4FFE00, s17;
	s12 =	sadd.s32 $0x279E00, s17  }
0x14: {  	s21 =	sshrl.u32 s21, $0x3;
	s13 =	sadd.s32 $0x527000, s0;
	s17 =	sadd.s32 $0x4EAE00, s31  }
.LBB2_1:
0x15: {  	[spmem:s19], [sflag:s9] =	dma.local [hbm:s7], $0x1388  }
0x16: {  	_ =	swait.ge [sflag:s20], $0x1388  }
0x17: {  	[sflag:s20] =	ssyncset.done $0x0  }
0x18: {  	[sflag:s20] =	ssyncadd.s32 $0xFFFFEC78  }
0x19: {  	[spmem:s21], [sflag:s9] =	dma.local [hbm:s7], $0x1388  }
0x1a: {  	_ =	swait.ge [sflag:s20], $0x1388  }
0x1b: {  	[sflag:s20] =	ssyncset.done $0x0  }
0x1c: {  	s0 =	rddreg [dreg:$0x6];
	[sflag:s20] =	ssyncadd.s32 $0xFFFFEC78  }
0x1d: {  	s22 =	sshrl.u32 s0, $0x3;
	s31 =	rddreg [dreg:$0x1]  }
0x1e: {  	[spmem:s22], [sflag:s9] =	dma.local [hbm:s31], $0x4E2  }
0x1f: {  	_ =	swait.ge [sflag:s20], $0x4E2  }
0x20: {  	p0 =	sgt.u32 s8, $0x9C3;
	[sflag:s20] =	ssyncset.done $0x0  }
0x21: {  	s23 =	simm.s32 @!p0 $0x0;
	s24 =	simm.s32 @!p0 $0x15F90;
	[sflag:s20] =	ssyncadd.s32 $0xFFFFFB1E  }
0x22: {  	s28 =	simm.s32 @!p0 $0x4;
	s0 =	sadd.s32 @!p0 $0x0, s18;
	[bflag:$0x0] =	sbarrier.arrive $0xFFFF  }
0x23: {  	[tilespmem:s24], [sflag:$0x4] =	stream.linear.gather @!p0 [hbm4b:s0+s23], $0x80, $0x38;
	[tilespmem:$0x18890] =	vst v63  }
0x24: {  	_ =	swait.ge @!p0 [sflag:s28], $0x80  }
0x25: {  	[sflag:s28] =	ssyncset.done @!p0 $0x0  }
0x26: {  	s29 =	simm.s32 @!p0 $0x16010;
	s0 =	sadd.s32 @!p0 $0x0, s17;
	[sflag:s28] =	ssyncadd.s32 @!p0 $0xFFFFFF80  }
0x27: {  	[tilespmem:s29], [sflag:$0x4] =	stream.linear.gather @!p0 [hbm4b:s0+s23], $0x80, $0x38;
	[tilespmem:$0x18890] =	vst v63  }
0x28: {  	_ =	swait.ge @!p0 [sflag:s28], $0x80;
	p0 =	por p0, p0  }
0x29: {  	[sflag:s28] =	ssyncset.done @!p0 $0x0  }
0x2a: {  	s0 =	simm.s32 @!p0 $0x16090;
	[sflag:s28] =	ssyncadd.s32 @!p0 $0xFFFFFF80  }
0x2b: {  	[tilespmem:s0], [sflag:$0x1] =	stream.linear.gather @!p0 [hbm4b:s15+s23], $0x2000, $0x38;
	[tilespmem:$0x18890] =	vst v63  }
0x2c: {  	s30 =	simm.s32 @!p0 $0x18090;
	s25 =	simm.s32 @!p0 $0x1  }
0x2d: {  	[tilespmem:s30], [sflag:$0x2] =	stream.linear.gather @!p0 [hbm4b:s14+s23], $0x800, $0x38;
	[tilespmem:$0x18890] =	vst v63  }
0x2e: {  	_ =	swait.ge @!p0 [sflag:s25], $0x2000  }
0x2f: {  	[sflag:s25] =	ssyncset.done @!p0 $0x0  }
0x30: {  	s23 =	simm.s32 @!p0 $0x2;
	[sflag:s25] =	ssyncadd.s32 @!p0 $0xFFFFE000  }
0x31: {  	_ =	swait.ge @!p0 [sflag:s23], $0x800  }
0x32: {  	[sflag:s23] =	ssyncset.done @!p0 $0x0  }
0x33: {  	s31 =	simm.s32 @!p0 $0x80;
	[sflag:s23] =	ssyncadd.s32 @!p0 $0xFFFFF800  }
0x34: {  	[spmem:s2] =	stream.indirect.scatter.add.f32 @!p0 [tilespmem:s0], [sflag:$0x4], $0x40, s24, s31, $0xb8;
	[tilespmem:$0x18890] =	vst v63  }
0x35: {  	_ =	swait.ge @!p0 [sflag:s28], $0x2000  }
0x36: {  	[sflag:s28] =	ssyncset.done @!p0 $0x0  }
0x37: {  	[sflag:s28] =	ssyncadd.s32 @!p0 $0xFFFFE000  }
0x38: {  	[spmem:s4] =	stream.indirect.scatter.add.f32 @!p0 [tilespmem:s0], [sflag:$0x4], $0x40, s29, s31, $0xb8;
	[tilespmem:$0x18890] =	vst v63  }
0x39: {  	_ =	swait.ge @!p0 [sflag:s28], $0x2000  }
0x3a: {  	[sflag:s28] =	ssyncset.done @!p0 $0x0  }
0x3b: {  	[sflag:s28] =	ssyncadd.s32 @!p0 $0xFFFFE000  }
0x3c: {  	[spmem:s5] =	stream.indirect.scatter.add.f32 @!p0 [tilespmem:s30], [sflag:$0x4], $0x10, s24, s31, $0xb8;
	[tilespmem:$0x18890] =	vst v63  }
0x3d: {  	s26 =	simm.s32 $0x400;
	_ =	swait.ge @!p0 [sflag:s28], $0x800  }
0x3e: {  	s25 =	simm.s32 $0x200;
	s23 =	sadd.s32 $0x8000, s15;
	[sflag:s28] =	ssyncset.done @!p0 $0x0  }
0x3f: {  	s0 =	simm.s32 @!p0 $0x3;
	[sflag:s28] =	ssyncadd.s32 @!p0 $0xFFFFF800;
	s28 =	sadd.s32 $0x20, s8  }
0x40: {  	[spmem:s5] =	stream.indirect.scatter.add.f32 @!p0 [tilespmem:s30], [sflag:$0x3], $0x10, s29, s31, $0xb8;
	[tilespmem:$0x18890] =	vst v63  }
0x41: {  	s24 =	sadd.s32 $0x2000, s14;
	p2 =	sgt.u32 s28, $0x9C3;
	_ =	swait.ge @!p0 [sflag:s0], $0x800  }
.LBB2_2:
0x42: {  	s31 =	sadd.s32 @!p2 s25, s18;
	s3 =	simm.s32 @!p2 $0x0;
	[sflag:s0] =	ssyncset.done @!p0 $0x0  }
0x43: {  	s30 =	simm.s32 @!p2 $0x15F90;
	s29 =	simm.s32 @!p2 $0x4;
	[sflag:s0] =	ssyncadd.s32 @!p0 $0xFFFFF800  }
0x44: {  	[tilespmem:s30], [sflag:$0x4] =	stream.linear.gather @!p2 [hbm4b:s31+s3], $0x80, $0x38;
	[tilespmem:$0x18890] =	vst v63  }
0x45: {  	s0 =	smov.u32 s26;
	s26 =	sadd.s32 $0x200, s26;
	_ =	swait.ge @!p2 [sflag:s29], $0x80  }
0x46: {  	s1 =	sadd.s32 @!p2 s25, s17;
	s31 =	simm.s32 @!p2 $0x16010;
	[sflag:s29] =	ssyncset.done @!p2 $0x0  }
0x47: {  	p1 =	sne.s32 s26, $0x9E00;
	s25 =	smov.u32 s0;
	[sflag:s29] =	ssyncadd.s32 @!p2 $0xFFFFFF80  }
0x48: {  	[tilespmem:s31], [sflag:$0x4] =	stream.linear.gather @!p2 [hbm4b:s1+s3], $0x80, $0x38;
	[tilespmem:$0x18890] =	vst v63  }
0x49: {  	p0 =	por p2, p2;
	_ =	swait.ge @!p2 [sflag:s29], $0x80  }
0x4a: {  	s0 =	simm.s32 @!p0 $0x16090;
	[sflag:s29] =	ssyncset.done @!p0 $0x0  }
0x4b: {  	s1 =	simm.s32 @!p0 $0x18090;
	[sflag:s29] =	ssyncadd.s32 @!p0 $0xFFFFFF80  }
0x4c: {  	[tilespmem:s0], [sflag:$0x1] =	stream.linear.gather @!p0 [hbm4b:s23+s3], $0x2000, $0x38;
	[tilespmem:$0x18890] =	vst v63  }
0x4d: {  	s10 =	simm.s32 @!p0 $0x1  }
0x4e: {  	[tilespmem:s1], [sflag:$0x2] =	stream.linear.gather @!p0 [hbm4b:s24+s3], $0x800, $0x38;
	[tilespmem:$0x18890] =	vst v63  }
0x4f: {  	_ =	swait.ge @!p0 [sflag:s10], $0x2000  }
0x50: {  	s3 =	simm.s32 @!p0 $0x2;
	[sflag:s10] =	ssyncset.done @!p0 $0x0  }
0x51: {  	[sflag:s10] =	ssyncadd.s32 @!p0 $0xFFFFE000  }
0x52: {  	_ =	swait.ge @!p0 [sflag:s3], $0x800  }
0x53: {  	s10 =	simm.s32 @!p0 $0x80;
	[sflag:s3] =	ssyncset.done @!p0 $0x0  }
0x54: {  	[sflag:s3] =	ssyncadd.s32 @!p0 $0xFFFFF800  }
0x55: {  	[spmem:s2] =	stream.indirect.scatter.add.f32 @!p0 [tilespmem:s0], [sflag:$0x4], $0x40, s30, s10, $0xb8;
	[tilespmem:$0x18890] =	vst v63  }
0x56: {  	_ =	swait.ge @!p0 [sflag:s29], $0x2000  }
0x57: {  	[sflag:s29] =	ssyncset.done @!p0 $0x0  }
0x58: {  	[sflag:s29] =	ssyncadd.s32 @!p0 $0xFFFFE000  }
0x59: {  	[spmem:s4] =	stream.indirect.scatter.add.f32 @!p0 [tilespmem:s0], [sflag:$0x4], $0x40, s31, s10, $0xb8;
	[tilespmem:$0x18890] =	vst v63  }
0x5a: {  	_ =	swait.ge @!p0 [sflag:s29], $0x2000  }
0x5b: {  	[sflag:s29] =	ssyncset.done @!p0 $0x0  }
0x5c: {  	[sflag:s29] =	ssyncadd.s32 @!p0 $0xFFFFE000  }
0x5d: {  	[spmem:s5] =	stream.indirect.scatter.add.f32 @!p0 [tilespmem:s1], [sflag:$0x4], $0x10, s30, s10, $0xb8;
	[tilespmem:$0x18890] =	vst v63  }
.Ltmp0:
0x5e: {  	_ =	swait.ge @!p0 [sflag:s29], $0x800;
	(pc) =	sbr.rel @p1 .LBB2_2-.Ltmp0, $4  }
0x5f: {  	s23 =	sadd.s32 $0x8000, s23;
	[sflag:s29] =	ssyncset.done @!p0 $0x0  }
0x60: {  	s28 =	sadd.s32 $0x20, s28;
	s0 =	simm.s32 @!p0 $0x3;
	[sflag:s29] =	ssyncadd.s32 @!p0 $0xFFFFF800  }
0x61: {  	[spmem:s5] =	stream.indirect.scatter.add.f32 @!p0 [tilespmem:s1], [sflag:$0x3], $0x10, s31, s10, $0xb8;
	[tilespmem:$0x18890] =	vst v63  }
0x62: {  	p2 =	sgt.u32 s28, $0x9C3;
	s24 =	sadd.s32 $0x2000, s24;
	_ =	swait.ge @!p0 [sflag:s0], $0x800  }
0x63: {  	s1 =	sadd.s32 @!p2 s25, s18;
	s3 =	simm.s32 @!p2 $0x0;
	[sflag:s0] =	ssyncset.done @!p0 $0x0  }
0x64: {  	s10 =	simm.s32 @!p2 $0x15F90;
	s26 =	simm.s32 @!p2 $0x4;
	[sflag:s0] =	ssyncadd.s32 @!p0 $0xFFFFF800  }
0x65: {  	[tilespmem:s10], [sflag:$0x4] =	stream.linear.gather @!p2 [hbm4b:s1+s3], $0x80, $0x38;
	[tilespmem:$0x18890] =	vst v63  }
0x66: {  	_ =	swait.ge @!p2 [sflag:s26], $0x80  }
0x67: {  	[sflag:s26] =	ssyncset.done @!p2 $0x0  }
0x68: {  	s0 =	sadd.s32 @!p2 s25, s17;
	s1 =	simm.s32 @!p2 $0x16010;
	[sflag:s26] =	ssyncadd.s32 @!p2 $0xFFFFFF80  }
0x69: {  	[tilespmem:s1], [sflag:$0x4] =	stream.linear.gather @!p2 [hbm4b:s0+s3], $0x80, $0x38;
	[tilespmem:$0x18890] =	vst v63  }
0x6a: {  	p0 =	por p2, p2;
	_ =	swait.ge @!p2 [sflag:s26], $0x80  }
0x6b: {  	[sflag:s26] =	ssyncset.done @!p0 $0x0  }
0x6c: {  	s0 =	simm.s32 @!p0 $0x16090;
	[sflag:s26] =	ssyncadd.s32 @!p0 $0xFFFFFF80  }
0x6d: {  	[tilespmem:s0], [sflag:$0x1] =	stream.linear.gather @!p0 [hbm4b:s23+s3], $0x2000, $0x38;
	[tilespmem:$0x18890] =	vst v63  }
0x6e: {  	s25 =	simm.s32 @!p0 $0x1;
	s23 =	simm.s32 @!p0 $0x18090  }
0x6f: {  	[tilespmem:s23], [sflag:$0x2] =	stream.linear.gather @!p0 [hbm4b:s24+s3], $0x800, $0x38;
	[tilespmem:$0x18890] =	vst v63  }
0x70: {  	_ =	swait.ge @!p0 [sflag:s25], $0x2000  }
0x71: {  	[sflag:s25] =	ssyncset.done @!p0 $0x0  }
0x72: {  	s3 =	simm.s32 @!p0 $0x2;
	[sflag:s25] =	ssyncadd.s32 @!p0 $0xFFFFE000  }
0x73: {  	_ =	swait.ge @!p0 [sflag:s3], $0x800  }
0x74: {  	[sflag:s3] =	ssyncset.done @!p0 $0x0  }
0x75: {  	s24 =	simm.s32 @!p0 $0x80;
	[sflag:s3] =	ssyncadd.s32 @!p0 $0xFFFFF800  }
0x76: {  	[spmem:s2] =	stream.indirect.scatter.add.f32 @!p0 [tilespmem:s0], [sflag:$0x4], $0x40, s10, s24, $0xb8;
	[tilespmem:$0x18890] =	vst v63  }
0x77: {  	_ =	swait.ge @!p0 [sflag:s26], $0x2000  }
0x78: {  	[sflag:s26] =	ssyncset.done @!p0 $0x0  }
0x79: {  	[sflag:s26] =	ssyncadd.s32 @!p0 $0xFFFFE000  }
0x7a: {  	[spmem:s4] =	stream.indirect.scatter.add.f32 @!p0 [tilespmem:s0], [sflag:$0x4], $0x40, s1, s24, $0xb8;
	[tilespmem:$0x18890] =	vst v63  }
0x7b: {  	_ =	swait.ge @!p0 [sflag:s26], $0x2000  }
0x7c: {  	[sflag:s26] =	ssyncset.done @!p0 $0x0  }
0x7d: {  	[sflag:s26] =	ssyncadd.s32 @!p0 $0xFFFFE000  }
0x7e: {  	[spmem:s5] =	stream.indirect.scatter.add.f32 @!p0 [tilespmem:s23], [sflag:$0x4], $0x10, s10, s24, $0xb8;
	[tilespmem:$0x18890] =	vst v63  }
0x7f: {  	_ =	swait.ge @!p0 [sflag:s26], $0x800  }
0x80: {  	[sflag:s26] =	ssyncset.done @!p0 $0x0  }
0x81: {  	s0 =	simm.s32 @!p0 $0x3;
	[sflag:s26] =	ssyncadd.s32 @!p0 $0xFFFFF800  }
0x82: {  	[spmem:s5] =	stream.indirect.scatter.add.f32 @!p0 [tilespmem:s23], [sflag:$0x3], $0x10, s1, s24, $0xb8;
	[tilespmem:$0x18890] =	vst v63  }
0x83: {  	_ =	swait.ge @!p0 [sflag:s0], $0x800  }
0x84: {  	[sflag:s0] =	ssyncset.done @!p0 $0x0  }
0x85: {  	[sflag:s0] =	ssyncadd.s32 @!p0 $0xFFFFF800  }
0x86: {  	[bflag:$0x0] =	sbarrier.arrive $0xFFFF  }
0x87: {  	[hbm:s11], [sflag:s9] =	dma.local [spmem:s19], $0x1388  }
0x88: {  	_ =	swait.ge [sflag:s20], $0x1388  }
0x89: {  	[sflag:s20] =	ssyncset.done $0x0  }
0x8a: {  	[sflag:s20] =	ssyncadd.s32 $0xFFFFEC78  }
0x8b: {  	[hbm:s12], [sflag:s9] =	dma.local [spmem:s21], $0x1388  }
0x8c: {  	s6 =	sadd.s32 $0x1, s6;
	_ =	swait.ge [sflag:s20], $0x1388  }
0x8d: {  	p0 =	sne.s32 s6, s16;
	[sflag:s20] =	ssyncset.done $0x0  }
.Ltmp1:
0x8e: {  	[sflag:s20] =	ssyncadd.s32 $0xFFFFEC78;
	(pc) =	sbr.rel @p0 .LBB2_1-.Ltmp1, $4  }
0x8f: {  	[hbm:s13], [sflag:s9] =	dma.local [spmem:s22], $0x4E2  }
0x90: {  	_ =	swait.ge [sflag:s20], $0x4E2  }
0x91: {  	[sflag:s20] =	ssyncset.done $0x0  }
0x92: {  	[sflag:s20] =	ssyncadd.s32 $0xFFFFFB1E  }
0x93: {  	_ =	sfence.sel $0x180000  }
0x94: {  	[bflag:$0x0] =	sbarrier.arrive $0xFFFF  }
0x95: {  	_ =	strace $0x9000004A  }
0x96: {  	s0 =	stileid.u32;
	[bflag:$0x2] =	sbarrier.arrive $0xFFFF  }
0x97: {  	p0 =	sne.s32 s0, $0x0;
	s0 =	rddreg [dreg:$0x5]  }
0x98: {  	s0 =	sadd.s32 @!p0 $0x100000, s0  }
0x99: {  	[sflag:s0] =	ssyncadd.tile.s32 @!p0 $0x1;
	_ =	shalt  }
.Lfunc_end2:
_tile_overlayer_lowered:
.L_overlay_start_2:
0x9a: {  	(tag) =	ssettag $0x2  }
0x9b: {  	s0 =	rddreg [dreg:$0x0];
	s2 =	stileid.u32  }
0x9c: {  	s1 =	rddreg [dreg:$0x1];
	p0 =	sne.s32 s2, $0x0  }
0x9d: {  	s3 =	rddreg [dreg:$0x2];
	[bflag:$0x3] =	sbarrier.arrive $0xFFFF;
	s2 =	simm.s32 @!p0 $0x1C03  }
0x9e: {  	[timem:s3], [sflag:s2] =	dma.local @!p0 [hbm:s0], s1  }
0x9f: {  	s0 =	simm.s32 @!p0 $0x3  }
0xa0: {  	_ =	swait.ge @!p0 [sflag:s0], s1  }
0xa1: {  	s1 =	ssub.s32 @!p0 $0x0, s1;
	[sflag:s0] =	ssyncset.done @!p0 $0x0  }
0xa2: {  	[sflag:s0] =	ssyncadd.s32 @!p0 s1  }
0xa3: {  	[bflag:$0x3] =	sbarrier.arrive $0xFFFF  }
0xa4: {  	_ =	shalt  }

// kernel: _impl.19.cloned.1.call-start
scs
__scs_entry_jumppad:
0x0: {  	(pc) =	sbr.rel $0x88, $3  }
0x1: {  	(tag) =	ssettag $0x0;
	lr =	simm.s32 $0x1  }
0x2: {  	[smem:$0x3F7E] =	sst lr;
	_ =	strace $0xD0000000  }
0x3: {  	_ = 	snop  }
0x4: {  	_ = 	snop  }
0x5: {  	_ = 	snop  }
0x6: {  	_ = 	snop  }
0x7: {  	_ = 	snop  }
__scs_overlays_trampoline_lowered:
0x8: {  	[smem:$0x3F8D] =	sst s0  }
0x9: {  	[smem:$0x3F8E] =	sst s1  }
0xa: {  	[smem:$0x3F8F] =	sst s2  }
0xb: {  	[smem:$0x3F90] =	sst s3  }
0xc: {  	[smem:$0x3F91] =	sst s4  }
0xd: {  	[smem:$0x3F92] =	sst s5  }
0xe: {  	[smem:$0x3F93] =	sst s6  }
0xf: {  	[smem:$0x3F94] =	sst s7  }
0x10: {  	[smem:$0x3F95] =	sst s8  }
0x11: {  	[smem:$0x3F96] =	sst s9;
	s0 =	simm.s32 @!p0 $0x0  }
0x12: {  	s1 =	sld [smem:$0x3F7C];
	s0 =	simm.s32 @p0 $0x1  }
0x13: {  	[smem:$0x3F97] =	sst s0;
	s0 =	simm.s32 @!p1 $0x0  }
0x14: {  	s2 =	sld [smem:$0x3F7B];
	s0 =	simm.s32 @p1 $0x1  }
0x15: {  	[smem:$0x3F98] =	sst s0;
	s0 =	simm.s32 @!p2 $0x0  }
0x16: {  	s3 =	sld [smem:$0x3FDB];
	s0 =	simm.s32 @p2 $0x1  }
0x17: {  	s4 =	simm.s32 $0x1BF5;
	[smem:$0x3F9A] =	sst s0  }
0x18: {  	s0 =	sld [smem:$0x3F7D];
	_ =	swait.ge [sflag:s4], $0x0  }
0x19: {  	s7 =	sld [smem:$0x3F7E]  }
0x1a: {  	s8 =	sadd.s32 $0xFFFFE003, lr  }
0x1b: {  	s9 =	sadd.s32 $0xFFFFFEF7, lr;
	s5 =	simm.s32 $0xFFFFFFFF;
	p2 =	slt.u32 s8, $0xFFFFF086  }
0x1c: {  	p1 =	slt.u32 s9, $0xF7A;
	s5 =	simm.s32 @!p2 $0x0  }
0x1d: {  	s5 =	simm.s32 @p1 $0x1;
	p0 =	seq.s32 s7, s2  }
0x1e: {  	s7 =	smul.u32 @!p0 $0xF7A, s2;
	p2 =	seq.s32 @!p0 s5, $0x0  }
0x1f: {  	s9 =	smul.u32 $0xF7A, s1;
	s8 =	simm.s32 @!p0 $0x1BF5;
	p2 =	por !p2, p0  }
0x20: {  	[sflag:s8] =	ssyncset.s32 @!p0 $0xFFFFF086;
	s6 =	sadd.s32 @!p0 s3, s7;
	s7 =	simm.s32 @!p0 $0x108  }
0x21: {  	s3 =	sadd.s32 s3, s9;
	s6 =	sadd.s32 @!p0 $0x88, s6;
	s7 =	simm.s32 @p2 $0x1082  }
0x22: {  	[simem:s7], [sflag:s8] =	dma.local @!p0 [hbm:s6], $0xF7A  }
0x23: {  	s9 =	sor.u32 $0xD0000000, s2;
	s6 =	simm.s32 $0x108;
	_ =	swait.ge @!p0 [sflag:s8], $0x0  }
0x24: {  	s3 =	sadd.s32 $0x88, s3;
	s6 =	simm.s32 @!p1 $0x1082;
	[sflag:s4] =	ssyncset.s32 $0xFFFFF086  }
0x25: {  	[simem:s6], [sflag:s4] =	dma.local [hbm:s3], $0xF7A  }
0x26: {  	[smem:$0x3F7E] =	sst s1;
	(tag) =	ssettag s2;
	_ =	strace s9  }
0x27: {  	s1 =	sld [smem:$0x3F8E]  }
0x28: {  	s2 =	sld [smem:$0x3F8F]  }
0x29: {  	s4 =	sld [smem:$0x3F91]  }
0x2a: {  	p0 =	seq.s32 s5, $0x0;
	s5 =	sld [smem:$0x3F92]  }
0x2b: {  	s6 =	sld [smem:$0x3F93]  }
0x2c: {  	s7 =	sld [smem:$0x3F94]  }
0x2d: {  	s3 =	simm.s32 $0x108;
	s8 =	sld [smem:$0x3F95]  }
0x2e: {  	s3 =	simm.s32 @!p0 $0x1082;
	s9 =	sld [smem:$0x3F96]  }
0x2f: {  	lr =	sadd.s32 s0, s3;
	s0 =	sld [smem:$0x3F8D]  }
0x30: {  	s3 =	sld [smem:$0x3F90]  }
0x31: {  	[smem:$0x3F99] =	sst s10  }
0x32: {  	s10 =	sld [smem:$0x3F97];
	_ =	sdelay $0x3  }
0x33: {  	p0 =	seq.s32 s10, $0x1;
	s10 =	sld [smem:$0x3F99];
	_ =	sdelay $0x3  }
0x34: {  	[smem:$0x3F99] =	sst s10  }
0x35: {  	s10 =	sld [smem:$0x3F98];
	_ =	sdelay $0x3  }
0x36: {  	p1 =	seq.s32 s10, $0x1;
	s10 =	sld [smem:$0x3F99];
	_ =	sdelay $0x3  }
0x37: {  	[smem:$0x3F99] =	sst s10  }
0x38: {  	s10 =	sld [smem:$0x3F9A]  }
0x39: {  	_ = 	snop;
	(pc) =	sbr.ind lr, $3  }
0x3a: {  	_ = 	snop  }
0x3b: {  	_ = 	snop  }
0x3c: {  	p2 =	seq.s32 s10, $0x1;
	s10 =	sld [smem:$0x3F99]  }
0x3d: {  	_ =	shalt  }
0x3e: {  	_ =	shalt  }
0x3f: {  	_ =	shalt  }
0x40: {  	_ =	shalt  }
0x41: {  	_ =	shalt  }
0x42: {  	_ =	shalt  }
0x43: {  	_ =	shalt  }
0x44: {  	_ =	shalt  }
0x45: {  	_ =	shalt  }
0x46: {  	_ =	shalt  }
0x47: {  	_ =	shalt  }
0x48: {  	_ =	shalt  }
0x49: {  	_ =	shalt  }
0x4a: {  	_ =	shalt  }
0x4b: {  	_ =	shalt  }
0x4c: {  	_ =	shalt  }
0x4d: {  	_ =	shalt  }
0x4e: {  	_ =	shalt  }
0x4f: {  	_ =	shalt  }
0x50: {  	_ =	shalt  }
0x51: {  	_ =	shalt  }
0x52: {  	_ =	shalt  }
0x53: {  	_ =	shalt  }
0x54: {  	_ =	shalt  }
0x55: {  	_ =	shalt  }
0x56: {  	_ =	shalt  }
0x57: {  	_ =	shalt  }
0x58: {  	_ =	shalt  }
0x59: {  	_ =	shalt  }
0x5a: {  	_ =	shalt  }
0x5b: {  	_ =	shalt  }
0x5c: {  	_ =	shalt  }
0x5d: {  	_ =	shalt  }
0x5e: {  	_ =	shalt  }
0x5f: {  	_ =	shalt  }
0x60: {  	_ =	shalt  }
0x61: {  	_ =	shalt  }
0x62: {  	_ =	shalt  }
0x63: {  	_ =	shalt  }
0x64: {  	_ =	shalt  }
0x65: {  	_ =	shalt  }
0x66: {  	_ =	shalt  }
0x67: {  	_ =	shalt  }
0x68: {  	_ =	shalt  }
0x69: {  	_ =	shalt  }
0x6a: {  	_ =	shalt  }
0x6b: {  	_ =	shalt  }
0x6c: {  	_ =	shalt  }
0x6d: {  	_ =	shalt  }
0x6e: {  	_ =	shalt  }
0x6f: {  	_ =	shalt  }
0x70: {  	_ =	shalt  }
0x71: {  	_ =	shalt  }
0x72: {  	_ =	shalt  }
0x73: {  	_ =	shalt  }
0x74: {  	_ =	shalt  }
0x75: {  	_ =	shalt  }
0x76: {  	_ =	shalt  }
0x77: {  	_ =	shalt  }
0x78: {  	_ =	shalt  }
0x79: {  	_ =	shalt  }
0x7a: {  	_ =	shalt  }
0x7b: {  	_ =	shalt  }
0x7c: {  	_ =	shalt  }
0x7d: {  	_ =	shalt  }
0x7e: {  	_ =	shalt  }
0x7f: {  	_ =	shalt  }
0x80: {  	_ =	shalt  }
0x81: {  	_ =	shalt  }
0x82: {  	_ =	shalt  }
0x83: {  	_ =	shalt  }
0x84: {  	_ =	shalt  }
0x85: {  	_ =	shalt  }
0x86: {  	_ =	shalt  }
0x87: {  	_ =	shalt  }
.Lfunc_end0:
.L_simem_size_0:
called_computation.2_lowered:
.L_overlay_start_0:
0x88: {  	s2 =	sld [smem:$0x3FD9]  }
0x89: {  	s3 =	sld [smem:$0x3FFE];
	_ =	sdelay $0x1  }
0x8a: {  	s1 =	srdreg.scid  }
0x8b: {  	s0 =	sand.u32 $0x1, s1  }
0x8c: {  	s16 =	sshll.u32 s0, $0xA;
	s2 =	sadd.s32 s3, s2  }
0x8d: {  	s2 =	sadd.s32 s2, s16  }
0x8e: {  	[smem:$0x3FA5] =	sst s2  }
0x8f: {  	_ = 	snop  }
0x90: {  	(tm) =	ssettm $0x1  }
0x91: {  	s17 =	sld [smem:$0x3FFB];
	_ =	sdelay $0x3  }
0x92: {  	_ =	strace s17  }
0x93: {  	s2 =	sld [smem:$0x3FFC];
	_ =	sdelay $0x3  }
0x94: {  	_ =	strace s2  }
0x95: {  	s2 =	sld [smem:$0x3FFD];
	_ =	sdelay $0x3  }
0x96: {  	_ =	strace s2  }
0x97: {  	_ =	strace $0x8FFFFFFF  }
0x98: {  	s18 =	sld [smem:$0x3FDB];
	_ =	sdelay $0x1  }
0x99: {  	s19 =	simm.s32 $_scs_section_size  }
0x9a: {  	s4 =	simm.s32 $_size__tile_overlayer_lowered;
	s5 =	simm.s32 $_tile_overlayer_lowered  }
0x9b: {  	s22 =	simm.s32 $0x1BFF;
	s21 =	sshll.u32 s5, $0x1;
	s2 =	sadd.s32 s19, s18  }
0x9c: {  	s6 =	simm.s32 $0x0;
	s20 =	sshll.u32 s4, $0x1;
	s4 =	sadd.s32 s21, s2  }
0x9d: {  	[timem:s6], [sflag:s22] =	dma.local [hbm:s4], s20  }
0x9e: {  	_ =	swait.ge [sflag:s22], s20  }
0x9f: {  	s3 =	ssub.s32 $0x0, s20;
	[sflag:s22] =	ssyncset.done $0x0  }
0xa0: {  	[sflag:s22] =	ssyncadd.s32 s3;
	_ =	sdelay $0x1  }
0xa1: {  	s23 =	simm.s32 $0x1B8B  }
0xa2: {  	_ =	swait.ge [sflag:s23], $0x1  }
0xa3: {  	[sflag:s23] =	ssyncset.done $0x0  }
0xa4: {  	s25 =	simm.s32 $0x1B8E;
	s24 =	sld [smem:$0x3FFE];
	[sflag:s23] =	ssyncadd.s32 $0xFFFFFFFF  }
0xa5: {  	s26 =	simm.s32 $execute0_lowered;
	[smem:$0x3FD2] =	sst s25  }
0xa6: {  	s4 =	sshll.u32 s26, $0x1;
	_ =	strace $0x8000004C;
	[dreg:$0x1] =	wrdreg $0xFFFFFFFF  }
0xa7: {  	s28 =	simm.s32 $_size_execute0_lowered;
	s2 =	sadd.s32 s2, s4;
	[dreg:$0x0] =	wrdreg $0x0  }
0xa8: {  	s4 =	sshll.u32 s28, $0x1;
	[dreg:$0x2] =	wrdreg s2  }
0xa9: {  	[dreg:$0x3] =	wrdreg s4  }
0xaa: {  	[dreg:$0x4] =	wrdreg $0xC0  }
0xab: {  	_ =	task [dreg:s6], $0x5FFFF  }
0xac: {  	[dreg:$0x1] =	wrdreg $0xFFFFFFFF  }
0xad: {  	[dreg:$0x0] =	wrdreg $0x60  }
0xae: {  	[dreg:$0x2] =	wrdreg s24  }
0xaf: {  	[dreg:$0x3] =	wrdreg $0x9  }
0xb0: {  	_ =	task.clear_ibuf [dreg:s6], $0x4FFFF;
	_ =	strace $0x9000004C  }
0xb1: {  	s29 =	simm.s32 $0x9;
	_ =	strace $0x8000004E  }
0xb2: {  	_ =	swait.ge [sflag:s29], $0x1  }
0xb3: {  	[sflag:s29] =	ssyncadd.s32 $0xFFFFFFFF  }
0xb4: {  	_ =	strace $0x9000004E  }
0xb5: {  	_ =	sfence  }
0xb6: {  	s30 =	sld [smem:$0x0];
	_ =	sdelay $0x2  }
0xb7: {  	s31 =	sshll.u32 s1, $0xD;
	s1 =	sshrl.u32 s1, $0x2  }
0xb8: {  	s3 =	sand.u32 $0x4000, s31;
	s1 =	sadd.s32 s1, s30  }
0xb9: {  	s0 =	sor.u32 s3, s0;
	s1 =	sshll.u32 s1, $0x11  }
0xba: {  	s0 =	sor.u32 s1, s0  }
0xbb: {  	s0 =	sadd.s32 $0x8F2B, s0  }
0xbc: {  	[sflag:s0] =	ssyncadd.remote.s32 $0x1  }
0xbd: {  	_ =	sfence.sel $0xFFFF  }
0xbe: {  	[dreg:$0x0] =	wrdreg $0xFFFFFFFF;
	(pc) =	sbr.abs _section_cstart, $3  }
0xbf: {  	[dreg:$0x1] =	wrdreg $0xFFFFFFFF  }
0xc0: {  	_ =	task.clear_ibuf [dreg:s6], $0x2FFFF;
	_ =	strace $0x9FFFFFFF  }
0xc1: {  	(tm) =	ssettm $0x7FFFFFFF  }
tec
execute0_lowered:
.L_overlay_start_1:
0x0: {  	(tag) =	ssettag $0x1  }
0x1: {  	s10 =	rddreg [dreg:$0x0]  }
0x2: {  	s1 =	simm.s32 $0x0;
	s5 =	srdreg.scid;
	s6 =	stileid.u32  }
0x3: {  	s13 =	simm.s32 $0x10200;
	s14 =	simm.s32 $0x1;
	s15 =	simm.s32 $0x2  }
0x4: {  	s16 =	simm.s32 $0x5;
	s17 =	simm.s32 $0x14200;
	s18 =	simm.s32 $0x7  }
0x5: {  	s19 =	simm.s32 $0x18200;
	s20 =	simm.s32 $0x3;
	s21 =	simm.s32 $0x4  }
0x6: {  	s22 =	simm.s32 $0x6;
	s23 =	simm.s32 $0x0;
	[smem:$0x7FF] =	sst s1  }
.Ltmp0:
0x7: {  	s2 =	sadd.s32 $0x4FFE00, s10;
	s5 =	sand.u32 $0x1, s5;
	(pc) =	sbr.rel .LBB2_1-.Ltmp0, $4  }
0x8: {  	s3 =	sadd.s32 $0x8E00, s10;
	s4 =	sadd.s32 $0xF38000, s10;
	s11 =	ssub.s32 $0x2, s5  }
0x9: {  	s7 =	sadd.s32 $0x4F4C00, s10;
	s8 =	sadd.s32 $0x4EAE00, s10;
	s12 =	sshrl.u32 s11, $0x1  }
0xa: {  	s9 =	sadd.s32 $0x574000, s10;
	s10 =	sadd.s32 $0xA56000, s10;
	s12 =	ssub.s32 s11, s12  }
0xb: {  	_ =	strace $0x8000004D;
	s11 =	sshll.u32 s6, $0x1;
	s12 =	smax.u32 s12, $0x1  }
.LBB2_11:
0xc: {  	s23 =	sadd.s32 $0x1, s23  }
0xd: {  	p0 =	sne.s32 s23, s12  }
.Ltmp1:
0xe: {  	_ = 	snop;
	(pc) =	sbr.rel @!p0 .LBB2_12-.Ltmp1, $1  }
0xf: {  	_ =	sdelay $0x3  }
.LBB2_1:
.Ltmp2:
0x10: {  	(pc) =	sbr.rel .LBB2_2-.Ltmp2, $2  }
0x11: {  	_ =	sdelay $0x2  }
0x12: {  	s24 =	simm.s32 $0x0  }
.LBB2_10:
0x13: {  	s24 =	sadd.s32 $0x1, s24  }
0x14: {  	p0 =	sne.s32 s24, $0x28  }
.Ltmp3:
0x15: {  	_ = 	snop;
	(pc) =	sbr.rel @!p0 .LBB2_11-.Ltmp3, $1  }
0x16: {  	_ =	sdelay $0x3  }
.LBB2_2:
0x17: {  	s25 =	sshll.u32 s24, $0x6  }
0x18: {  	s25 =	sor.u32 s25, s11  }
0x19: {  	s26 =	sor.u32 s5, s25;
	p1 =	sgt.u32 s25, $0x9C3  }
0x1a: {  	s25 =	sshll.u32 @!p1 s26, $0x4  }
0x1b: {  	s29 =	simm.s32 @!p1 $0x0;
	s28 =	sadd.s32 @!p1 s7, s25  }
0x1c: {  	[tilespmem:s29], [sflag:$0x7] =	stream.linear.gather @!p1 [hbm4b:s28+s29], $0x80, $0x38;
	[tilespmem:$0x1C200] =	vst v63  }
0x1d: {  	s28 =	simm.s32 @!p1 $0x7  }
0x1e: {  	_ =	swait.ge @!p1 [sflag:s28], $0x80  }
0x1f: {  	[sflag:s28] =	ssyncset.done @!p1 $0x0  }
0x20: {  	s30 =	simm.s32 @!p1 $0x80;
	s25 =	sadd.s32 @!p1 s8, s25;
	[sflag:s28] =	ssyncadd.s32 @!p1 $0xFFFFFF80  }
0x21: {  	[tilespmem:s30], [sflag:$0x7] =	stream.linear.gather @!p1 [hbm4b:s25+s29], $0x80, $0x38;
	[tilespmem:$0x1C200] =	vst v63  }
0x22: {  	_ =	swait.ge @!p1 [sflag:s28], $0x80  }
0x23: {  	[sflag:s28] =	ssyncset.done @!p1 $0x0  }
0x24: {  	s25 =	simm.s32 @!p1 $0x100;
	[sflag:s28] =	ssyncadd.s32 @!p1 $0xFFFFFF80  }
0x25: {  	[tilespmem:s25], [sflag:$0x1] =	stream.indirect.gather @!p1 [hbm4b:s2+s30], $0x80, s30, s30, $0xb8;
	[tilespmem:$0x1C200] =	vst v63  }
0x26: {  	s25 =	simm.s32 @!p1 $0x4100  }
0x27: {  	[tilespmem:s25], [sflag:$0x2] =	stream.indirect.gather @!p1 [hbm4b:s3+s30], $0x80, s29, s30, $0xb8;
	[tilespmem:$0x1C200] =	vst v63  }
0x28: {  	s25 =	sor.u32 $0x20, s26  }
0x29: {  	p0 =	sgt.u32 s25, $0x9C3  }
0x2a: {  	s28 =	sshll.u32 @!p0 s25, $0x4  }
0x2b: {  	s30 =	simm.s32 @!p0 $0x0;
	s31 =	simm.s32 @!p0 $0x8100;
	s29 =	sadd.s32 @!p0 s7, s28  }
0x2c: {  	[tilespmem:s31], [sflag:$0x7] =	stream.linear.gather @!p0 [hbm4b:s29+s30], $0x80, $0x38;
	[tilespmem:$0x1C200] =	vst v63  }
0x2d: {  	s29 =	simm.s32 @!p0 $0x7  }
0x2e: {  	_ =	swait.ge @!p0 [sflag:s29], $0x80  }
0x2f: {  	[sflag:s29] =	ssyncset.done @!p0 $0x0  }
0x30: {  	s0 =	simm.s32 @!p0 $0x8180;
	s28 =	sadd.s32 @!p0 s8, s28;
	[sflag:s29] =	ssyncadd.s32 @!p0 $0xFFFFFF80  }
0x31: {  	[tilespmem:s0], [sflag:$0x7] =	stream.linear.gather @!p0 [hbm4b:s28+s30], $0x80, $0x38;
	[tilespmem:$0x1C200] =	vst v63  }
0x32: {  	_ =	swait.ge @!p0 [sflag:s29], $0x80  }
.Ltmp4:
0x33: {  	[sflag:s29] =	ssyncset.done @!p0 $0x0;
	(pc) =	sbr.rel @p1 .LBB2_6-.Ltmp4, $4  }
0x34: {  	s28 =	simm.s32 @!p0 $0x80;
	[sflag:s29] =	ssyncadd.s32 @!p0 $0xFFFFFF80;
	s29 =	simm.s32 @!p0 $0x8200  }
0x35: {  	[tilespmem:s29], [sflag:$0x3] =	stream.indirect.gather @!p0 [hbm4b:s2+s28], $0x80, s0, s28, $0xb8;
	[tilespmem:$0x1C200] =	vst v63  }
0x36: {  	s0 =	simm.s32 @!p0 $0xC200  }
0x37: {  	[tilespmem:s0], [sflag:$0x4] =	stream.indirect.gather @!p0 [hbm4b:s3+s28], $0x80, s31, s28, $0xb8;
	[tilespmem:$0x1C200] =	vst v63  }
0x38: {  	s26 =	sshll.u32 s26, $0xB  }
0x39: {  	s28 =	simm.s32 $0x0;
	s0 =	sadd.s32 s4, s26  }
0x3a: {  	[tilespmem:s13], [sflag:$0x5] =	stream.linear.gather [hbm4b:s0+s28], $0x4000, $0x38;
	[tilespmem:$0x1C200] =	vst v63  }
0x3b: {  	_ =	swait.ge [sflag:s14], $0x4000  }
0x3c: {  	[sflag:s14] =	ssyncset.done $0x0  }
0x3d: {  	[sflag:s14] =	ssyncadd.s32 $0xFFFFC000  }
0x3e: {  	_ =	swait.ge [sflag:s15], $0x4000  }
0x3f: {  	[sflag:s15] =	ssyncset.done $0x0  }
0x40: {  	[sflag:s15] =	ssyncadd.s32 $0xFFFFC000  }
0x41: {  	_ =	swait.ge [sflag:s16], $0x4000  }
0x42: {  	[sflag:s16] =	ssyncset.done $0x0  }
0x43: {  	s28 =	simm.s32 $0x0;
	[sflag:s16] =	ssyncadd.s32 $0xFFFFC000  }
0x44: {  	v0 =	vld [tilespmem:s28+$0x10270]  }
0x45: {  	v1 =	vld [tilespmem:s28+$0x4170]  }
0x46: {  	v2 =	vld [tilespmem:s28+$0x10200]  }
0x47: {  	v3 =	vld [tilespmem:s28+$0x100]  }
0x48: {  	v4 =	vld [tilespmem:s28+$0x4100]  }
0x49: {  	v5 =	vld [tilespmem:s28+$0x10210]  }
0x4a: {  	v6 =	vld [tilespmem:s28+$0x110]  }
0x4b: {  	v7 =	vld [tilespmem:s28+$0x4110];
	v1 =	vadd.f32 v1, v0  }
0x4c: {  	v8 =	vld [tilespmem:s28+$0x10220];
	v3 =	vadd.f32 v3, v2  }
0x4d: {  	v9 =	vld [tilespmem:s28+$0x120];
	v1 =	vmax.f32 v1, $0.0e+00  }
0x4e: {  	[tilespmem:s28+$0x18270] =	vst v1;
	v1 =	vadd.f32 v4, v2;
	v2 =	vmax.f32 v3, $0.0e+00;
	v3 =	vld [tilespmem:s28+$0x4120]  }
0x4f: {  	v4 =	vadd.f32 v6, v5;
	v6 =	vld [tilespmem:s28+$0x4130]  }
0x50: {  	v5 =	vadd.f32 v7, v5;
	[tilespmem:s28+$0x14200] =	vst v2;
	v2 =	vld [tilespmem:s28+$0x10230];
	v1 =	vmax.f32 v1, $0.0e+00  }
0x51: {  	v4 =	vmax.f32 v4, $0.0e+00;
	[tilespmem:s28+$0x18200] =	vst v1;
	v1 =	vld [tilespmem:s28+$0x130]  }
0x52: {  	[tilespmem:s28+$0x14210] =	vst v4;
	v4 =	vmax.f32 v5, $0.0e+00;
	v5 =	vld [tilespmem:s28+$0x10240]  }
0x53: {  	v7 =	vadd.f32 v9, v8;
	[tilespmem:s28+$0x18210] =	vst v4;
	v4 =	vld [tilespmem:s28+$0x140]  }
0x54: {  	v3 =	vadd.f32 v3, v8;
	v8 =	vld [tilespmem:s28+$0x4140]  }
0x55: {  	v63 =	vld [tilespmem:s28+$0x150];
	v7 =	vmax.f32 v7, $0.0e+00  }
0x56: {  	[tilespmem:s28+$0x14220] =	vst v7;
	v7 =	vld [tilespmem:s28+$0x10250];
	v1 =	vadd.f32 v1, v2  }
0x57: {  	v10 =	vld [tilespmem:s28+$0x4150];
	v3 =	vmax.f32 v3, $0.0e+00;
	v2 =	vadd.f32 v6, v2  }
0x58: {  	[tilespmem:s28+$0x18220] =	vst v3;
	v3 =	vadd.f32 v4, v5;
	v4 =	vld [tilespmem:s28+$0x160];
	v1 =	vmax.f32 v1, $0.0e+00  }
0x59: {  	v6 =	vadd.f32 v8, v5;
	[tilespmem:s28+$0x14230] =	vst v1;
	v1 =	vmax.f32 v2, $0.0e+00;
	v2 =	vld [tilespmem:s28+$0x10260]  }
0x5a: {  	[tilespmem:s28+$0x18230] =	vst v1;
	v1 =	vmax.f32 v3, $0.0e+00;
	v3 =	vld [tilespmem:s28+$0x4160]  }
0x5b: {  	s29 =	simm.s32 $0x80;
	v5 =	vld [tilespmem:s28+$0x170];
	v8 =	vmax.f32 v6, $0.0e+00;
	v6 =	vadd.f32 v63, v7;
	[tilespmem:s28+$0x14240] =	vst v1  }
0x5c: {  	s30 =	simm.s32 $0x400;
	v7 =	vadd.f32 v10, v7;
	v1 =	vld [tilespmem:s29+$0x10270];
	[tilespmem:s28+$0x18240] =	vst v8  }
.LBB2_4:
0x5d: {  	p1 =	sne.s32 s30, $0xFE00;
	v8 =	vld [tilespmem:s29+$0x4170];
	v6 =	vmax.f32 v6, $0.0e+00  }
0x5e: {  	v9 =	vld [tilespmem:s29+$0x10200];
	[tilespmem:s28+$0x14250] =	vst v6;
	v6 =	vmax.f32 v7, $0.0e+00;
	v4 =	vadd.f32 v4, v2  }
0x5f: {  	v7 =	vld [tilespmem:s29+$0x100];
	[tilespmem:s28+$0x18250] =	vst v6;
	v2 =	vadd.f32 v3, v2  }
0x60: {  	v3 =	vld [tilespmem:s29+$0x4100];
	v4 =	vmax.f32 v4, $0.0e+00;
	v5 =	vadd.f32 v5, v0  }
0x61: {  	v6 =	vld [tilespmem:s29+$0x10210];
	[tilespmem:s28+$0x14260] =	vst v4;
	v2 =	vmax.f32 v2, $0.0e+00;
	v0 =	vmov v1  }
0x62: {  	v1 =	vld [tilespmem:s29+$0x110];
	v4 =	vadd.f32 v8, v0;
	[tilespmem:s28+$0x18260] =	vst v2;
	v2 =	vmax.f32 v5, $0.0e+00  }
0x63: {  	v5 =	vld [tilespmem:s29+$0x4110];
	[tilespmem:s28+$0x14270] =	vst v2;
	s28 =	smov.u32 s29  }
0x64: {  	v2 =	vadd.f32 v7, v9;
	v7 =	vld [tilespmem:s28+$0x10220];
	v4 =	vmax.f32 v4, $0.0e+00  }
0x65: {  	v3 =	vadd.f32 v3, v9;
	v8 =	vld [tilespmem:s28+$0x120];
	[tilespmem:s28+$0x18270] =	vst v4  }
0x66: {  	v2 =	vmax.f32 v2, $0.0e+00;
	v4 =	vld [tilespmem:s28+$0x4120]  }
0x67: {  	[tilespmem:s28+$0x14200] =	vst v2;
	v2 =	vmax.f32 v3, $0.0e+00;
	v1 =	vadd.f32 v1, v6;
	v3 =	vld [tilespmem:s28+$0x10230]  }
0x68: {  	[tilespmem:s28+$0x18200] =	vst v2;
	v2 =	vadd.f32 v5, v6;
	v5 =	vld [tilespmem:s28+$0x130]  }
0x69: {  	v1 =	vmax.f32 v1, $0.0e+00;
	v6 =	vld [tilespmem:s28+$0x4130]  }
0x6a: {  	[tilespmem:s28+$0x14210] =	vst v1;
	v1 =	vmax.f32 v2, $0.0e+00;
	v2 =	vadd.f32 v8, v7;
	v8 =	vld [tilespmem:s28+$0x10240]  }
0x6b: {  	[tilespmem:s28+$0x18210] =	vst v1;
	v1 =	vadd.f32 v4, v7;
	v4 =	vld [tilespmem:s28+$0x140]  }
0x6c: {  	v2 =	vmax.f32 v2, $0.0e+00;
	v7 =	vld [tilespmem:s28+$0x4140]  }
0x6d: {  	[tilespmem:s28+$0x14220] =	vst v2;
	v1 =	vmax.f32 v1, $0.0e+00;
	v2 =	vadd.f32 v5, v3;
	v9 =	vld [tilespmem:s28+$0x10250]  }
0x6e: {  	[tilespmem:s28+$0x18220] =	vst v1;
	v1 =	vadd.f32 v6, v3;
	v5 =	vld [tilespmem:s28+$0x150]  }
0x6f: {  	v2 =	vmax.f32 v2, $0.0e+00;
	v10 =	vld [tilespmem:s28+$0x4150]  }
.Ltmp5:
0x70: {  	[tilespmem:s28+$0x14230] =	vst v2;
	v1 =	vmax.f32 v1, $0.0e+00;
	v3 =	vadd.f32 v4, v8;
	v2 =	vld [tilespmem:s28+$0x10260];
	(pc) =	sbr.rel @p1 .LBB2_4-.Ltmp5, $4  }
0x71: {  	[tilespmem:s28+$0x18230] =	vst v1;
	v1 =	vadd.f32 v7, v8;
	v4 =	vld [tilespmem:s28+$0x160]  }
0x72: {  	v6 =	vmax.f32 v3, $0.0e+00;
	v3 =	vld [tilespmem:s28+$0x4160]  }
0x73: {  	s29 =	sshra.s32 s30, $0x2;
	[tilespmem:s28+$0x14240] =	vst v6;
	v7 =	vmax.f32 v1, $0.0e+00;
	v6 =	vadd.f32 v5, v9;
	v5 =	vld [tilespmem:s28+$0x170]  }
0x74: {  	s30 =	sadd.s32 $0x200, s30;
	v1 =	vld [tilespmem:s29+$0x10270];
	[tilespmem:s28+$0x18240] =	vst v7;
	v7 =	vadd.f32 v10, v9  }
0x75: {  	v8 =	vld [tilespmem:s29+$0x4170];
	v6 =	vmax.f32 v6, $0.0e+00  }
0x76: {  	v9 =	vld [tilespmem:s29+$0x10200];
	[tilespmem:s28+$0x14250] =	vst v6;
	v32 =	vmax.f32 v7, $0.0e+00;
	v4 =	vadd.f32 v4, v2  }
0x77: {  	v33 =	vld [tilespmem:s29+$0x100];
	[tilespmem:s28+$0x18250] =	vst v32;
	v34 =	vadd.f32 v3, v2  }
0x78: {  	v6 =	vld [tilespmem:s29+$0x4100];
	v35 =	vmax.f32 v4, $0.0e+00;
	v0 =	vadd.f32 v5, v0  }
0x79: {  	v36 =	vld [tilespmem:s29+$0x10210];
	[tilespmem:s28+$0x14260] =	vst v35;
	v2 =	vmax.f32 v34, $0.0e+00  }
0x7a: {  	v3 =	vld [tilespmem:s29+$0x110];
	[tilespmem:s28+$0x18260] =	vst v2;
	v0 =	vmax.f32 v0, $0.0e+00  }
0x7b: {  	v2 =	vld [tilespmem:s29+$0x4110];
	[tilespmem:s28+$0x14270] =	vst v0  }
0x7c: {  	v0 =	vld [tilespmem:s29+$0x10220]  }
0x7d: {  	v38 =	vld [tilespmem:s29+$0x120]  }
0x7e: {  	v41 =	vld [tilespmem:s29+$0x4120]  }
0x7f: {  	v42 =	vld [tilespmem:s29+$0x10230]  }
0x80: {  	v43 =	vld [tilespmem:s29+$0x130]  }
0x81: {  	v37 =	vadd.f32 v8, v1;
	v44 =	vld [tilespmem:s29+$0x4130]  }
0x82: {  	v7 =	vadd.f32 v33, v9;
	v45 =	vld [tilespmem:s29+$0x10240]  }
0x83: {  	v5 =	vmax.f32 v37, $0.0e+00;
	v49 =	vld [tilespmem:s29+$0x10250];
	v39 =	vadd.f32 v6, v9  }
0x84: {  	v51 =	vld [tilespmem:s29+$0x4150];
	[tilespmem:s29+$0x18270] =	vst v5;
	v40 =	vmax.f32 v7, $0.0e+00;
	v3 =	vadd.f32 v3, v36  }
0x85: {  	v52 =	vld [tilespmem:s29+$0x10260];
	[tilespmem:s29+$0x14200] =	vst v40;
	v5 =	vmax.f32 v39, $0.0e+00;
	v2 =	vadd.f32 v2, v36  }
0x86: {  	v53 =	vld [tilespmem:s29+$0x160];
	[tilespmem:s29+$0x18200] =	vst v5;
	v3 =	vmax.f32 v3, $0.0e+00;
	v8 =	vadd.f32 v38, v0  }
0x87: {  	v54 =	vld [tilespmem:s29+$0x4160];
	v0 =	vadd.f32 v41, v0;
	[tilespmem:s29+$0x14210] =	vst v3;
	v2 =	vmax.f32 v2, $0.0e+00  }
0x88: {  	v56 =	vld [tilespmem:s29+$0x170];
	v5 =	vadd.f32 v43, v42;
	[tilespmem:s29+$0x18210] =	vst v2;
	v47 =	vmax.f32 v8, $0.0e+00  }
0x89: {  	v46 =	vld [tilespmem:s29+$0x140];
	v4 =	vadd.f32 v44, v42;
	v0 =	vmax.f32 v0, $0.0e+00;
	[tilespmem:s29+$0x14220] =	vst v47  }
0x8a: {  	v48 =	vld [tilespmem:s29+$0x4140];
	v6 =	vadd.f32 v51, v49;
	v5 =	vmax.f32 v5, $0.0e+00;
	[tilespmem:s29+$0x18220] =	vst v0  }
0x8b: {  	v50 =	vld [tilespmem:s29+$0x150];
	v57 =	vadd.f32 v53, v52;
	v4 =	vmax.f32 v4, $0.0e+00;
	[tilespmem:s29+$0x14230] =	vst v5  }
0x8c: {  	v59 =	vadd.f32 v54, v52;
	v58 =	vmax.f32 v6, $0.0e+00;
	[tilespmem:s29+$0x18230] =	vst v4  }
0x8d: {  	v61 =	vadd.f32 v56, v1;
	v60 =	vmax.f32 v57, $0.0e+00;
	[tilespmem:s29+$0x18250] =	vst v58  }
0x8e: {  	v2 =	vadd.f32 v46, v45;
	v62 =	vmax.f32 v59, $0.0e+00;
	[tilespmem:s29+$0x14260] =	vst v60  }
0x8f: {  	v55 =	vadd.f32 v48, v45;
	v63 =	vmax.f32 v61, $0.0e+00;
	[tilespmem:s29+$0x18260] =	vst v62  }
0x90: {  	v0 =	vadd.f32 v50, v49;
	[tilespmem:s29+$0x14270] =	vst v63;
	v2 =	vmax.f32 v2, $0.0e+00  }
0x91: {  	[tilespmem:s29+$0x14240] =	vst v2;
	v2 =	vmax.f32 v55, $0.0e+00  }
0x92: {  	v0 =	vmax.f32 v0, $0.0e+00;
	[tilespmem:s29+$0x18240] =	vst v2  }
0x93: {  	s0 =	sadd.s32 s9, s26;
	[tilespmem:s29+$0x14250] =	vst v0  }
0x94: {  	[hbm4b:s0+s1] =	stream.linear.scatter [tilespmem:s17], [sflag:$0x7], $0x4000, $0x38;
	[tilespmem:$0x1C200] =	vst v63  }
0x95: {  	_ =	swait.ge [sflag:s18], $0x4000  }
0x96: {  	[sflag:s18] =	ssyncset.done $0x0  }
0x97: {  	s31 =	sadd.s32 s10, s26;
	[sflag:s18] =	ssyncadd.s32 $0xFFFFC000  }
0x98: {  	[hbm4b:s31+s1] =	stream.linear.scatter [tilespmem:s19], [sflag:$0x7], $0x4000, $0x38;
	[tilespmem:$0x1C200] =	vst v63  }
0x99: {  	_ =	swait.ge [sflag:s18], $0x4000  }
0x9a: {  	[sflag:s18] =	ssyncset.done $0x0  }
0x9b: {  	[sflag:s18] =	ssyncadd.s32 $0xFFFFC000  }
.LBB2_6:
.Ltmp6:
0x9c: {  	(pc) =	sbr.rel @p0 .LBB2_10-.Ltmp6, $1  }
0x9d: {  	_ =	sdelay $0x3  }
0x9e: {  	s25 =	sshll.u32 s25, $0xB  }
0x9f: {  	s26 =	simm.s32 $0x0;
	s0 =	sadd.s32 s4, s25  }
0xa0: {  	[tilespmem:s13], [sflag:$0x5] =	stream.linear.gather [hbm4b:s0+s26], $0x4000, $0x38;
	[tilespmem:$0x1C200] =	vst v63  }
0xa1: {  	_ =	swait.ge [sflag:s20], $0x4000  }
0xa2: {  	[sflag:s20] =	ssyncset.done $0x0  }
0xa3: {  	[sflag:s20] =	ssyncadd.s32 $0xFFFFC000  }
0xa4: {  	_ =	swait.ge [sflag:s21], $0x4000  }
0xa5: {  	[sflag:s21] =	ssyncset.done $0x0  }
0xa6: {  	[sflag:s21] =	ssyncadd.s32 $0xFFFFC000  }
0xa7: {  	_ =	swait.ge [sflag:s16], $0x4000  }
0xa8: {  	[sflag:s16] =	ssyncset.done $0x0  }
0xa9: {  	s26 =	simm.s32 $0x0;
	[sflag:s16] =	ssyncadd.s32 $0xFFFFC000  }
0xaa: {  	v0 =	vld [tilespmem:s26+$0x10270]  }
0xab: {  	v1 =	vld [tilespmem:s26+$0xC270]  }
0xac: {  	v2 =	vld [tilespmem:s26+$0x10200]  }
0xad: {  	v3 =	vld [tilespmem:s26+$0x8200]  }
0xae: {  	v4 =	vld [tilespmem:s26+$0xC200]  }
0xaf: {  	v5 =	vld [tilespmem:s26+$0x10210]  }
0xb0: {  	v6 =	vld [tilespmem:s26+$0x8210]  }
0xb1: {  	v7 =	vld [tilespmem:s26+$0xC210];
	v1 =	vadd.f32 v1, v0  }
0xb2: {  	v8 =	vld [tilespmem:s26+$0x10220];
	v3 =	vadd.f32 v3, v2  }
0xb3: {  	v9 =	vld [tilespmem:s26+$0x8220];
	v1 =	vmax.f32 v1, $0.0e+00  }
0xb4: {  	[tilespmem:s26+$0x18270] =	vst v1;
	v1 =	vadd.f32 v4, v2;
	v2 =	vmax.f32 v3, $0.0e+00;
	v3 =	vld [tilespmem:s26+$0xC220]  }
0xb5: {  	v4 =	vadd.f32 v6, v5;
	v6 =	vld [tilespmem:s26+$0xC230]  }
0xb6: {  	v5 =	vadd.f32 v7, v5;
	[tilespmem:s26+$0x14200] =	vst v2;
	v2 =	vld [tilespmem:s26+$0x10230];
	v1 =	vmax.f32 v1, $0.0e+00  }
0xb7: {  	v4 =	vmax.f32 v4, $0.0e+00;
	[tilespmem:s26+$0x18200] =	vst v1;
	v1 =	vld [tilespmem:s26+$0x8230]  }
0xb8: {  	[tilespmem:s26+$0x14210] =	vst v4;
	v4 =	vmax.f32 v5, $0.0e+00;
	v5 =	vld [tilespmem:s26+$0x10240]  }
0xb9: {  	v7 =	vadd.f32 v9, v8;
	[tilespmem:s26+$0x18210] =	vst v4;
	v4 =	vld [tilespmem:s26+$0x8240]  }
0xba: {  	v3 =	vadd.f32 v3, v8;
	v8 =	vld [tilespmem:s26+$0xC240]  }
0xbb: {  	v63 =	vld [tilespmem:s26+$0x8250];
	v7 =	vmax.f32 v7, $0.0e+00  }
0xbc: {  	[tilespmem:s26+$0x14220] =	vst v7;
	v7 =	vld [tilespmem:s26+$0x10250];
	v1 =	vadd.f32 v1, v2  }
0xbd: {  	v10 =	vld [tilespmem:s26+$0xC250];
	v3 =	vmax.f32 v3, $0.0e+00;
	v2 =	vadd.f32 v6, v2  }
0xbe: {  	[tilespmem:s26+$0x18220] =	vst v3;
	v3 =	vadd.f32 v4, v5;
	v4 =	vld [tilespmem:s26+$0x8260];
	v1 =	vmax.f32 v1, $0.0e+00  }
0xbf: {  	v6 =	vadd.f32 v8, v5;
	[tilespmem:s26+$0x14230] =	vst v1;
	v1 =	vmax.f32 v2, $0.0e+00;
	v2 =	vld [tilespmem:s26+$0x10260]  }
0xc0: {  	[tilespmem:s26+$0x18230] =	vst v1;
	v1 =	vmax.f32 v3, $0.0e+00;
	v3 =	vld [tilespmem:s26+$0xC260]  }
0xc1: {  	s28 =	simm.s32 $0x80;
	v5 =	vld [tilespmem:s26+$0x8270];
	v8 =	vmax.f32 v6, $0.0e+00;
	v6 =	vadd.f32 v63, v7;
	[tilespmem:s26+$0x14240] =	vst v1  }
0xc2: {  	s29 =	simm.s32 $0x400;
	v7 =	vadd.f32 v10, v7;
	v1 =	vld [tilespmem:s28+$0x10270];
	[tilespmem:s26+$0x18240] =	vst v8  }
.LBB2_8:
0xc3: {  	p0 =	sne.s32 s29, $0xFE00;
	v8 =	vld [tilespmem:s28+$0xC270];
	v6 =	vmax.f32 v6, $0.0e+00  }
0xc4: {  	v9 =	vld [tilespmem:s28+$0x10200];
	[tilespmem:s26+$0x14250] =	vst v6;
	v6 =	vmax.f32 v7, $0.0e+00;
	v4 =	vadd.f32 v4, v2  }
0xc5: {  	v7 =	vld [tilespmem:s28+$0x8200];
	[tilespmem:s26+$0x18250] =	vst v6;
	v2 =	vadd.f32 v3, v2  }
0xc6: {  	v3 =	vld [tilespmem:s28+$0xC200];
	v4 =	vmax.f32 v4, $0.0e+00;
	v5 =	vadd.f32 v5, v0  }
0xc7: {  	v6 =	vld [tilespmem:s28+$0x10210];
	[tilespmem:s26+$0x14260] =	vst v4;
	v2 =	vmax.f32 v2, $0.0e+00;
	v0 =	vmov v1  }
0xc8: {  	v1 =	vld [tilespmem:s28+$0x8210];
	v4 =	vadd.f32 v8, v0;
	[tilespmem:s26+$0x18260] =	vst v2;
	v2 =	vmax.f32 v5, $0.0e+00  }
0xc9: {  	v5 =	vld [tilespmem:s28+$0xC210];
	[tilespmem:s26+$0x14270] =	vst v2;
	s26 =	smov.u32 s28  }
0xca: {  	v2 =	vadd.f32 v7, v9;
	v7 =	vld [tilespmem:s26+$0x10220];
	v4 =	vmax.f32 v4, $0.0e+00  }
0xcb: {  	v3 =	vadd.f32 v3, v9;
	v8 =	vld [tilespmem:s26+$0x8220];
	[tilespmem:s26+$0x18270] =	vst v4  }
0xcc: {  	v2 =	vmax.f32 v2, $0.0e+00;
	v4 =	vld [tilespmem:s26+$0xC220]  }
0xcd: {  	[tilespmem:s26+$0x14200] =	vst v2;
	v2 =	vmax.f32 v3, $0.0e+00;
	v1 =	vadd.f32 v1, v6;
	v3 =	vld [tilespmem:s26+$0x10230]  }
0xce: {  	[tilespmem:s26+$0x18200] =	vst v2;
	v2 =	vadd.f32 v5, v6;
	v5 =	vld [tilespmem:s26+$0x8230]  }
0xcf: {  	v1 =	vmax.f32 v1, $0.0e+00;
	v6 =	vld [tilespmem:s26+$0xC230]  }
0xd0: {  	[tilespmem:s26+$0x14210] =	vst v1;
	v1 =	vmax.f32 v2, $0.0e+00;
	v2 =	vadd.f32 v8, v7;
	v8 =	vld [tilespmem:s26+$0x10240]  }
0xd1: {  	[tilespmem:s26+$0x18210] =	vst v1;
	v1 =	vadd.f32 v4, v7;
	v4 =	vld [tilespmem:s26+$0x8240]  }
0xd2: {  	v2 =	vmax.f32 v2, $0.0e+00;
	v7 =	vld [tilespmem:s26+$0xC240]  }
0xd3: {  	[tilespmem:s26+$0x14220] =	vst v2;
	v1 =	vmax.f32 v1, $0.0e+00;
	v2 =	vadd.f32 v5, v3;
	v9 =	vld [tilespmem:s26+$0x10250]  }
0xd4: {  	[tilespmem:s26+$0x18220] =	vst v1;
	v1 =	vadd.f32 v6, v3;
	v5 =	vld [tilespmem:s26+$0x8250]  }
0xd5: {  	v2 =	vmax.f32 v2, $0.0e+00;
	v10 =	vld [tilespmem:s26+$0xC250]  }
.Ltmp7:
0xd6: {  	[tilespmem:s26+$0x14230] =	vst v2;
	v1 =	vmax.f32 v1, $0.0e+00;
	v3 =	vadd.f32 v4, v8;
	v2 =	vld [tilespmem:s26+$0x10260];
	(pc) =	sbr.rel @p0 .LBB2_8-.Ltmp7, $4  }
0xd7: {  	[tilespmem:s26+$0x18230] =	vst v1;
	v1 =	vadd.f32 v7, v8;
	v4 =	vld [tilespmem:s26+$0x8260]  }
0xd8: {  	v6 =	vmax.f32 v3, $0.0e+00;
	v3 =	vld [tilespmem:s26+$0xC260]  }
0xd9: {  	s28 =	sshra.s32 s29, $0x2;
	[tilespmem:s26+$0x14240] =	vst v6;
	v7 =	vmax.f32 v1, $0.0e+00;
	v6 =	vadd.f32 v5, v9;
	v5 =	vld [tilespmem:s26+$0x8270]  }
0xda: {  	s29 =	sadd.s32 $0x200, s29;
	v1 =	vld [tilespmem:s28+$0x10270];
	[tilespmem:s26+$0x18240] =	vst v7;
	v7 =	vadd.f32 v10, v9  }
0xdb: {  	v8 =	vld [tilespmem:s28+$0xC270];
	v6 =	vmax.f32 v6, $0.0e+00  }
0xdc: {  	v9 =	vld [tilespmem:s28+$0x10200];
	[tilespmem:s26+$0x14250] =	vst v6;
	v32 =	vmax.f32 v7, $0.0e+00;
	v4 =	vadd.f32 v4, v2  }
0xdd: {  	v33 =	vld [tilespmem:s28+$0x8200];
	[tilespmem:s26+$0x18250] =	vst v32;
	v34 =	vadd.f32 v3, v2  }
0xde: {  	v6 =	vld [tilespmem:s28+$0xC200];
	v35 =	vmax.f32 v4, $0.0e+00;
	v0 =	vadd.f32 v5, v0  }
0xdf: {  	v36 =	vld [tilespmem:s28+$0x10210];
	[tilespmem:s26+$0x14260] =	vst v35;
	v2 =	vmax.f32 v34, $0.0e+00  }
0xe0: {  	v3 =	vld [tilespmem:s28+$0x8210];
	[tilespmem:s26+$0x18260] =	vst v2;
	v0 =	vmax.f32 v0, $0.0e+00  }
0xe1: {  	v2 =	vld [tilespmem:s28+$0xC210];
	[tilespmem:s26+$0x14270] =	vst v0  }
0xe2: {  	v0 =	vld [tilespmem:s28+$0x10220]  }
0xe3: {  	v38 =	vld [tilespmem:s28+$0x8220]  }
0xe4: {  	v41 =	vld [tilespmem:s28+$0xC220]  }
0xe5: {  	v42 =	vld [tilespmem:s28+$0x10230]  }
0xe6: {  	v43 =	vld [tilespmem:s28+$0x8230]  }
0xe7: {  	v37 =	vadd.f32 v8, v1;
	v44 =	vld [tilespmem:s28+$0xC230]  }
0xe8: {  	v7 =	vadd.f32 v33, v9;
	v45 =	vld [tilespmem:s28+$0x10240]  }
0xe9: {  	v5 =	vmax.f32 v37, $0.0e+00;
	v49 =	vld [tilespmem:s28+$0x10250];
	v39 =	vadd.f32 v6, v9  }
0xea: {  	v51 =	vld [tilespmem:s28+$0xC250];
	[tilespmem:s28+$0x18270] =	vst v5;
	v40 =	vmax.f32 v7, $0.0e+00;
	v3 =	vadd.f32 v3, v36  }
0xeb: {  	v52 =	vld [tilespmem:s28+$0x10260];
	[tilespmem:s28+$0x14200] =	vst v40;
	v5 =	vmax.f32 v39, $0.0e+00;
	v2 =	vadd.f32 v2, v36  }
0xec: {  	v53 =	vld [tilespmem:s28+$0x8260];
	[tilespmem:s28+$0x18200] =	vst v5;
	v3 =	vmax.f32 v3, $0.0e+00;
	v8 =	vadd.f32 v38, v0  }
0xed: {  	v54 =	vld [tilespmem:s28+$0xC260];
	v0 =	vadd.f32 v41, v0;
	[tilespmem:s28+$0x14210] =	vst v3;
	v2 =	vmax.f32 v2, $0.0e+00  }
0xee: {  	v56 =	vld [tilespmem:s28+$0x8270];
	v5 =	vadd.f32 v43, v42;
	[tilespmem:s28+$0x18210] =	vst v2;
	v47 =	vmax.f32 v8, $0.0e+00  }
0xef: {  	v46 =	vld [tilespmem:s28+$0x8240];
	v4 =	vadd.f32 v44, v42;
	v0 =	vmax.f32 v0, $0.0e+00;
	[tilespmem:s28+$0x14220] =	vst v47  }
0xf0: {  	v48 =	vld [tilespmem:s28+$0xC240];
	v6 =	vadd.f32 v51, v49;
	v5 =	vmax.f32 v5, $0.0e+00;
	[tilespmem:s28+$0x18220] =	vst v0  }
0xf1: {  	v50 =	vld [tilespmem:s28+$0x8250];
	v57 =	vadd.f32 v53, v52;
	v4 =	vmax.f32 v4, $0.0e+00;
	[tilespmem:s28+$0x14230] =	vst v5  }
0xf2: {  	v59 =	vadd.f32 v54, v52;
	v58 =	vmax.f32 v6, $0.0e+00;
	[tilespmem:s28+$0x18230] =	vst v4  }
0xf3: {  	v61 =	vadd.f32 v56, v1;
	v60 =	vmax.f32 v57, $0.0e+00;
	[tilespmem:s28+$0x18250] =	vst v58  }
0xf4: {  	v2 =	vadd.f32 v46, v45;
	v62 =	vmax.f32 v59, $0.0e+00;
	[tilespmem:s28+$0x14260] =	vst v60  }
0xf5: {  	v55 =	vadd.f32 v48, v45;
	v63 =	vmax.f32 v61, $0.0e+00;
	[tilespmem:s28+$0x18260] =	vst v62  }
0xf6: {  	v0 =	vadd.f32 v50, v49;
	[tilespmem:s28+$0x14270] =	vst v63;
	v2 =	vmax.f32 v2, $0.0e+00  }
0xf7: {  	[tilespmem:s28+$0x14240] =	vst v2;
	v2 =	vmax.f32 v55, $0.0e+00  }
0xf8: {  	v0 =	vmax.f32 v0, $0.0e+00;
	[tilespmem:s28+$0x18240] =	vst v2  }
0xf9: {  	s0 =	sadd.s32 s9, s25;
	[tilespmem:s28+$0x14250] =	vst v0  }
0xfa: {  	[hbm4b:s0+s1] =	stream.linear.scatter [tilespmem:s17], [sflag:$0x7], $0x4000, $0x38;
	[tilespmem:$0x1C200] =	vst v63  }
0xfb: {  	_ =	swait.ge [sflag:s18], $0x4000  }
0xfc: {  	[sflag:s18] =	ssyncset.done $0x0  }
.Ltmp8:
0xfd: {  	s31 =	sadd.s32 s10, s25;
	[sflag:s18] =	ssyncadd.s32 $0xFFFFC000;
	(pc) =	sbr.rel .LBB2_10-.Ltmp8, $4  }
0xfe: {  	[hbm4b:s31+s1] =	stream.linear.scatter [tilespmem:s19], [sflag:$0x6], $0x4000, $0x38;
	[tilespmem:$0x1C200] =	vst v63  }
0xff: {  	_ =	swait.ge [sflag:s22], $0x4000  }
0x100: {  	[sflag:s22] =	ssyncset.done $0x0  }
0x101: {  	[sflag:s22] =	ssyncadd.s32 $0xFFFFC000  }
.LBB2_12:
0x102: {  	_ =	sfence.sel $0x180000  }
0x103: {  	[bflag:$0x0] =	sbarrier.arrive $0xFFFF  }
0x104: {  	_ =	strace $0x9000004D  }
0x105: {  	[bflag:$0x2] =	sbarrier.arrive $0xFFFF  }
0x106: {  	p0 =	sne.s32 s6, $0x0;
	s0 =	rddreg [dreg:$0x1]  }
0x107: {  	s0 =	sadd.s32 @!p0 $0x100000, s0  }
0x108: {  	[sflag:s0] =	ssyncadd.tile.s32 @!p0 $0x1;
	_ =	shalt  }
.Lfunc_end2:
_tile_overlayer_lowered:
.L_overlay_start_2:
0x109: {  	(tag) =	ssettag $0x2  }
0x10a: {  	s0 =	rddreg [dreg:$0x0];
	s2 =	stileid.u32  }
0x10b: {  	s1 =	rddreg [dreg:$0x1];
	p0 =	sne.s32 s2, $0x0  }
0x10c: {  	s3 =	rddreg [dreg:$0x2];
	[bflag:$0x3] =	sbarrier.arrive $0xFFFF;
	s2 =	simm.s32 @!p0 $0x1C06  }
0x10d: {  	[timem:s3], [sflag:s2] =	dma.local @!p0 [hbm:s0], s1  }
0x10e: {  	s0 =	simm.s32 @!p0 $0x6  }
0x10f: {  	_ =	swait.ge @!p0 [sflag:s0], s1  }
0x110: {  	s1 =	ssub.s32 @!p0 $0x0, s1;
	[sflag:s0] =	ssyncset.done @!p0 $0x0  }
0x111: {  	[sflag:s0] =	ssyncadd.s32 @!p0 s1  }
0x112: {  	[bflag:$0x3] =	sbarrier.arrive $0xFFFF  }
0x113: {  	_ =	shalt  }

// kernel: _impl.22.cloned.1.call-start
scs
__scs_entry_jumppad:
0x0: {  	(pc) =	sbr.rel $0x88, $3  }
0x1: {  	(tag) =	ssettag $0x0;
	lr =	simm.s32 $0x1  }
0x2: {  	[smem:$0x3F7E] =	sst lr;
	_ =	strace $0xD0000000  }
0x3: {  	_ = 	snop  }
0x4: {  	_ = 	snop  }
0x5: {  	_ = 	snop  }
0x6: {  	_ = 	snop  }
0x7: {  	_ = 	snop  }
__scs_overlays_trampoline_lowered:
0x8: {  	[smem:$0x3F8D] =	sst s0  }
0x9: {  	[smem:$0x3F8E] =	sst s1  }
0xa: {  	[smem:$0x3F8F] =	sst s2  }
0xb: {  	[smem:$0x3F90] =	sst s3  }
0xc: {  	[smem:$0x3F91] =	sst s4  }
0xd: {  	[smem:$0x3F92] =	sst s5  }
0xe: {  	[smem:$0x3F93] =	sst s6  }
0xf: {  	[smem:$0x3F94] =	sst s7  }
0x10: {  	[smem:$0x3F95] =	sst s8  }
0x11: {  	[smem:$0x3F96] =	sst s9;
	s0 =	simm.s32 @!p0 $0x0  }
0x12: {  	s1 =	sld [smem:$0x3F7C];
	s0 =	simm.s32 @p0 $0x1  }
0x13: {  	[smem:$0x3F97] =	sst s0;
	s0 =	simm.s32 @!p1 $0x0  }
0x14: {  	s2 =	sld [smem:$0x3F7B];
	s0 =	simm.s32 @p1 $0x1  }
0x15: {  	[smem:$0x3F98] =	sst s0;
	s0 =	simm.s32 @!p2 $0x0  }
0x16: {  	s3 =	sld [smem:$0x3FDB];
	s0 =	simm.s32 @p2 $0x1  }
0x17: {  	s4 =	simm.s32 $0x1BF5;
	[smem:$0x3F9A] =	sst s0  }
0x18: {  	s0 =	sld [smem:$0x3F7D];
	_ =	swait.ge [sflag:s4], $0x0  }
0x19: {  	s7 =	sld [smem:$0x3F7E]  }
0x1a: {  	s8 =	sadd.s32 $0xFFFFE003, lr  }
0x1b: {  	s9 =	sadd.s32 $0xFFFFFEF7, lr;
	s5 =	simm.s32 $0xFFFFFFFF;
	p2 =	slt.u32 s8, $0xFFFFF086  }
0x1c: {  	p1 =	slt.u32 s9, $0xF7A;
	s5 =	simm.s32 @!p2 $0x0  }
0x1d: {  	s5 =	simm.s32 @p1 $0x1;
	p0 =	seq.s32 s7, s2  }
0x1e: {  	s7 =	smul.u32 @!p0 $0xF7A, s2;
	p2 =	seq.s32 @!p0 s5, $0x0  }
0x1f: {  	s9 =	smul.u32 $0xF7A, s1;
	s8 =	simm.s32 @!p0 $0x1BF5;
	p2 =	por !p2, p0  }
0x20: {  	[sflag:s8] =	ssyncset.s32 @!p0 $0xFFFFF086;
	s6 =	sadd.s32 @!p0 s3, s7;
	s7 =	simm.s32 @!p0 $0x108  }
0x21: {  	s3 =	sadd.s32 s3, s9;
	s6 =	sadd.s32 @!p0 $0x88, s6;
	s7 =	simm.s32 @p2 $0x1082  }
0x22: {  	[simem:s7], [sflag:s8] =	dma.local @!p0 [hbm:s6], $0xF7A  }
0x23: {  	s9 =	sor.u32 $0xD0000000, s2;
	s6 =	simm.s32 $0x108;
	_ =	swait.ge @!p0 [sflag:s8], $0x0  }
0x24: {  	s3 =	sadd.s32 $0x88, s3;
	s6 =	simm.s32 @!p1 $0x1082;
	[sflag:s4] =	ssyncset.s32 $0xFFFFF086  }
0x25: {  	[simem:s6], [sflag:s4] =	dma.local [hbm:s3], $0xF7A  }
0x26: {  	[smem:$0x3F7E] =	sst s1;
	(tag) =	ssettag s2;
	_ =	strace s9  }
0x27: {  	s1 =	sld [smem:$0x3F8E]  }
0x28: {  	s2 =	sld [smem:$0x3F8F]  }
0x29: {  	s4 =	sld [smem:$0x3F91]  }
0x2a: {  	p0 =	seq.s32 s5, $0x0;
	s5 =	sld [smem:$0x3F92]  }
0x2b: {  	s6 =	sld [smem:$0x3F93]  }
0x2c: {  	s7 =	sld [smem:$0x3F94]  }
0x2d: {  	s3 =	simm.s32 $0x108;
	s8 =	sld [smem:$0x3F95]  }
0x2e: {  	s3 =	simm.s32 @!p0 $0x1082;
	s9 =	sld [smem:$0x3F96]  }
0x2f: {  	lr =	sadd.s32 s0, s3;
	s0 =	sld [smem:$0x3F8D]  }
0x30: {  	s3 =	sld [smem:$0x3F90]  }
0x31: {  	[smem:$0x3F99] =	sst s10  }
0x32: {  	s10 =	sld [smem:$0x3F97];
	_ =	sdelay $0x3  }
0x33: {  	p0 =	seq.s32 s10, $0x1;
	s10 =	sld [smem:$0x3F99];
	_ =	sdelay $0x3  }
0x34: {  	[smem:$0x3F99] =	sst s10  }
0x35: {  	s10 =	sld [smem:$0x3F98];
	_ =	sdelay $0x3  }
0x36: {  	p1 =	seq.s32 s10, $0x1;
	s10 =	sld [smem:$0x3F99];
	_ =	sdelay $0x3  }
0x37: {  	[smem:$0x3F99] =	sst s10  }
0x38: {  	s10 =	sld [smem:$0x3F9A]  }
0x39: {  	_ = 	snop;
	(pc) =	sbr.ind lr, $3  }
0x3a: {  	_ = 	snop  }
0x3b: {  	_ = 	snop  }
0x3c: {  	p2 =	seq.s32 s10, $0x1;
	s10 =	sld [smem:$0x3F99]  }
0x3d: {  	_ =	shalt  }
0x3e: {  	_ =	shalt  }
0x3f: {  	_ =	shalt  }
0x40: {  	_ =	shalt  }
0x41: {  	_ =	shalt  }
0x42: {  	_ =	shalt  }
0x43: {  	_ =	shalt  }
0x44: {  	_ =	shalt  }
0x45: {  	_ =	shalt  }
0x46: {  	_ =	shalt  }
0x47: {  	_ =	shalt  }
0x48: {  	_ =	shalt  }
0x49: {  	_ =	shalt  }
0x4a: {  	_ =	shalt  }
0x4b: {  	_ =	shalt  }
0x4c: {  	_ =	shalt  }
0x4d: {  	_ =	shalt  }
0x4e: {  	_ =	shalt  }
0x4f: {  	_ =	shalt  }
0x50: {  	_ =	shalt  }
0x51: {  	_ =	shalt  }
0x52: {  	_ =	shalt  }
0x53: {  	_ =	shalt  }
0x54: {  	_ =	shalt  }
0x55: {  	_ =	shalt  }
0x56: {  	_ =	shalt  }
0x57: {  	_ =	shalt  }
0x58: {  	_ =	shalt  }
0x59: {  	_ =	shalt  }
0x5a: {  	_ =	shalt  }
0x5b: {  	_ =	shalt  }
0x5c: {  	_ =	shalt  }
0x5d: {  	_ =	shalt  }
0x5e: {  	_ =	shalt  }
0x5f: {  	_ =	shalt  }
0x60: {  	_ =	shalt  }
0x61: {  	_ =	shalt  }
0x62: {  	_ =	shalt  }
0x63: {  	_ =	shalt  }
0x64: {  	_ =	shalt  }
0x65: {  	_ =	shalt  }
0x66: {  	_ =	shalt  }
0x67: {  	_ =	shalt  }
0x68: {  	_ =	shalt  }
0x69: {  	_ =	shalt  }
0x6a: {  	_ =	shalt  }
0x6b: {  	_ =	shalt  }
0x6c: {  	_ =	shalt  }
0x6d: {  	_ =	shalt  }
0x6e: {  	_ =	shalt  }
0x6f: {  	_ =	shalt  }
0x70: {  	_ =	shalt  }
0x71: {  	_ =	shalt  }
0x72: {  	_ =	shalt  }
0x73: {  	_ =	shalt  }
0x74: {  	_ =	shalt  }
0x75: {  	_ =	shalt  }
0x76: {  	_ =	shalt  }
0x77: {  	_ =	shalt  }
0x78: {  	_ =	shalt  }
0x79: {  	_ =	shalt  }
0x7a: {  	_ =	shalt  }
0x7b: {  	_ =	shalt  }
0x7c: {  	_ =	shalt  }
0x7d: {  	_ =	shalt  }
0x7e: {  	_ =	shalt  }
0x7f: {  	_ =	shalt  }
0x80: {  	_ =	shalt  }
0x81: {  	_ =	shalt  }
0x82: {  	_ =	shalt  }
0x83: {  	_ =	shalt  }
0x84: {  	_ =	shalt  }
0x85: {  	_ =	shalt  }
0x86: {  	_ =	shalt  }
0x87: {  	_ =	shalt  }
.Lfunc_end0:
.L_simem_size_0:
called_computation.3_lowered:
.L_overlay_start_0:
0x88: {  	s2 =	sld [smem:$0x3FD9]  }
0x89: {  	s3 =	sld [smem:$0x3FFE];
	_ =	sdelay $0x1  }
0x8a: {  	s1 =	srdreg.scid  }
0x8b: {  	s0 =	sand.u32 $0x1, s1  }
0x8c: {  	s16 =	sshll.u32 s0, $0xA;
	s2 =	sadd.s32 s3, s2  }
0x8d: {  	s2 =	sadd.s32 s2, s16  }
0x8e: {  	[smem:$0x3FA5] =	sst s2  }
0x8f: {  	_ = 	snop  }
0x90: {  	(tm) =	ssettm $0x1  }
0x91: {  	s17 =	sld [smem:$0x3FFB];
	_ =	sdelay $0x3  }
0x92: {  	_ =	strace s17  }
0x93: {  	s2 =	sld [smem:$0x3FFC];
	_ =	sdelay $0x3  }
0x94: {  	_ =	strace s2  }
0x95: {  	s2 =	sld [smem:$0x3FFD];
	_ =	sdelay $0x3  }
0x96: {  	_ =	strace s2  }
0x97: {  	_ =	strace $0x8FFFFFFF  }
0x98: {  	s18 =	sld [smem:$0x3FDB];
	_ =	sdelay $0x1  }
0x99: {  	s19 =	simm.s32 $_scs_section_size  }
0x9a: {  	s4 =	simm.s32 $_size__tile_overlayer_lowered;
	s5 =	simm.s32 $_tile_overlayer_lowered  }
0x9b: {  	s22 =	simm.s32 $0x1BFF;
	s21 =	sshll.u32 s5, $0x1;
	s2 =	sadd.s32 s19, s18  }
0x9c: {  	s6 =	simm.s32 $0x0;
	s20 =	sshll.u32 s4, $0x1;
	s4 =	sadd.s32 s21, s2  }
0x9d: {  	[timem:s6], [sflag:s22] =	dma.local [hbm:s4], s20  }
0x9e: {  	_ =	swait.ge [sflag:s22], s20  }
0x9f: {  	s3 =	ssub.s32 $0x0, s20;
	[sflag:s22] =	ssyncset.done $0x0  }
0xa0: {  	[sflag:s22] =	ssyncadd.s32 s3;
	_ =	sdelay $0x1  }
0xa1: {  	s23 =	simm.s32 $0x1B8B  }
0xa2: {  	_ =	swait.ge [sflag:s23], $0x1  }
0xa3: {  	[sflag:s23] =	ssyncset.done $0x0  }
0xa4: {  	s25 =	simm.s32 $0x1B8E;
	s24 =	sld [smem:$0x3FFE];
	[sflag:s23] =	ssyncadd.s32 $0xFFFFFFFF  }
0xa5: {  	s26 =	simm.s32 $execute0_lowered;
	[smem:$0x3FD2] =	sst s25  }
0xa6: {  	s4 =	sshll.u32 s26, $0x1;
	_ =	strace $0x8000004F;
	[dreg:$0x1] =	wrdreg $0xFFFFFFFF  }
0xa7: {  	s28 =	simm.s32 $_size_execute0_lowered;
	s2 =	sadd.s32 s2, s4;
	[dreg:$0x0] =	wrdreg $0x0  }
0xa8: {  	s4 =	sshll.u32 s28, $0x1;
	[dreg:$0x2] =	wrdreg s2  }
0xa9: {  	[dreg:$0x3] =	wrdreg s4  }
0xaa: {  	[dreg:$0x4] =	wrdreg $0xC0  }
0xab: {  	_ =	task [dreg:s6], $0x5FFFF  }
0xac: {  	[dreg:$0x1] =	wrdreg $0xFFFFFFFF  }
0xad: {  	[dreg:$0x0] =	wrdreg $0x60  }
0xae: {  	[dreg:$0x2] =	wrdreg s24  }
0xaf: {  	[dreg:$0x3] =	wrdreg $0x0  }
0xb0: {  	[dreg:$0x4] =	wrdreg $0x9C400  }
0xb1: {  	[dreg:$0x5] =	wrdreg $0x9  }
0xb2: {  	_ =	task.clear_ibuf [dreg:s6], $0x6FFFF;
	_ =	strace $0x9000004F  }
0xb3: {  	s29 =	simm.s32 $0x9;
	_ =	strace $0x80000051  }
0xb4: {  	_ =	swait.ge [sflag:s29], $0x1  }
0xb5: {  	[sflag:s29] =	ssyncadd.s32 $0xFFFFFFFF  }
0xb6: {  	_ =	strace $0x90000051  }
0xb7: {  	_ =	sfence  }
0xb8: {  	s30 =	sld [smem:$0x0];
	_ =	sdelay $0x2  }
0xb9: {  	s31 =	sshll.u32 s1, $0xD;
	s1 =	sshrl.u32 s1, $0x2  }
0xba: {  	s3 =	sand.u32 $0x4000, s31;
	s1 =	sadd.s32 s1, s30  }
0xbb: {  	s0 =	sor.u32 s3, s0;
	s1 =	sshll.u32 s1, $0x11  }
0xbc: {  	s0 =	sor.u32 s1, s0  }
0xbd: {  	s0 =	sadd.s32 $0x8F2B, s0  }
0xbe: {  	[sflag:s0] =	ssyncadd.remote.s32 $0x1  }
0xbf: {  	_ =	sfence.sel $0xFFFF  }
0xc0: {  	[dreg:$0x0] =	wrdreg $0xFFFFFFFF;
	(pc) =	sbr.abs _section_cstart, $3  }
0xc1: {  	[dreg:$0x1] =	wrdreg $0xFFFFFFFF  }
0xc2: {  	_ =	task.clear_ibuf [dreg:s6], $0x2FFFF;
	_ =	strace $0x9FFFFFFF  }
0xc3: {  	(tm) =	ssettm $0x7FFFFFFF  }
tec
execute0_lowered:
.L_overlay_start_1:
0x0: {  	(tag) =	ssettag $0x1  }
0x1: {  	s6 =	rddreg [dreg:$0x0]  }
0x2: {  	s2 =	rddreg [dreg:$0x1]  }
0x3: {  	s3 =	rddreg [dreg:$0x2]  }
0x4: {  	s0 =	rddreg [dreg:$0x3]  }
0x5: {  	s4 =	simm.s32 $0x0;
	s1 =	stileid.u32;
	s5 =	srdreg.scid  }
0x6: {  	[smem:$0x7FF] =	sst s4;
	s10 =	sand.u32 $0x1, s5;
	s7 =	smul.u32 $0x271, s1  }
0x7: {  	s25 =	sshll.u32 s1, $0xB;
	s8 =	sshll.u32 s1, $0x5;
	s13 =	smul.u32 $0x9C40, s1  }
0x8: {  	s5 =	sadd.s32 $0x4FEA00, s6;
	s29 =	sshll.u32 s1, $0x6;
	s9 =	smul.u32 $0x2710, s10  }
0x9: {  	_ =	strace $0x80000050;
	s12 =	sadd.s32 s25, s6;
	s11 =	sadd.s32 s8, s6  }
0xa: {  	s26 =	ssub.s32 $0x2, s10;
	s30 =	sshll.u32 s10, $0x4;
	s31 =	sshll.u32 s10, $0xA  }
0xb: {  	s28 =	sshrl.u32 s26, $0x1;
	s16 =	sadd.s32 s13, s2;
	s17 =	sadd.s32 s13, s3  }
0xc: {  	s13 =	sadd.s32 s30, s11;
	s7 =	sadd.s32 s7, s9;
	s15 =	ssub.s32 s26, s28  }
0xd: {  	s11 =	sadd.s32 $0x4EAE00, s13;
	s17 =	sshrl.u32 s17, $0x3;
	s7 =	sshll.u32 s7, $0x3  }
0xe: {  	s10 =	smax.u32 s15, $0x1;
	s15 =	sshrl.u32 s16, $0x3;
	s16 =	simm.s32 $0x3  }
0xf: {  	s14 =	sadd.s32 s7, s6;
	s6 =	sshll.u32 s1, $0x1;
	s7 =	sor.u32 $0x1C03, s29  }
0x10: {  	s8 =	sadd.s32 $0x8E00, s14;
	s9 =	sadd.s32 $0x4FFE00, s14;
	s14 =	sadd.s32 s31, s12  }
0x11: {  	s12 =	sadd.s32 $0x4F4C00, s13;
	s13 =	sadd.s32 $0xA56000, s14;
	s14 =	sadd.s32 $0x7E400, s14  }
.LBB2_1:
0x12: {  	[spmem:s15], [sflag:s7] =	dma.local [hbm:s5], $0x1388  }
0x13: {  	_ =	swait.ge [sflag:s16], $0x1388  }
0x14: {  	[sflag:s16] =	ssyncset.done $0x0  }
0x15: {  	[sflag:s16] =	ssyncadd.s32 $0xFFFFEC78  }
0x16: {  	[spmem:s17], [sflag:s7] =	dma.local [hbm:s5], $0x1388  }
0x17: {  	_ =	swait.ge [sflag:s16], $0x1388  }
0x18: {  	p0 =	sgt.u32 s6, $0x9C3;
	[sflag:s16] =	ssyncset.done $0x0  }
0x19: {  	s18 =	sadd.s32 @!p0 $0x0, s12;
	s19 =	simm.s32 @!p0 $0x0;
	[sflag:s16] =	ssyncadd.s32 $0xFFFFEC78  }
0x1a: {  	s22 =	simm.s32 @!p0 $0x13880;
	s23 =	simm.s32 @!p0 $0x4;
	[bflag:$0x0] =	sbarrier.arrive $0xFFFF  }
0x1b: {  	[tilespmem:s22], [sflag:$0x4] =	stream.linear.gather @!p0 [hbm4b:s18+s19], $0x80, $0x38;
	[tilespmem:$0x17980] =	vst v63  }
0x1c: {  	_ =	swait.ge @!p0 [sflag:s23], $0x80  }
0x1d: {  	[sflag:s23] =	ssyncset.done @!p0 $0x0  }
0x1e: {  	s20 =	simm.s32 @!p0 $0x13900;
	s18 =	sadd.s32 @!p0 $0x0, s11;
	[sflag:s23] =	ssyncadd.s32 @!p0 $0xFFFFFF80  }
0x1f: {  	[tilespmem:s20], [sflag:$0x4] =	stream.linear.gather @!p0 [hbm4b:s18+s19], $0x80, $0x38;
	[tilespmem:$0x17980] =	vst v63  }
0x20: {  	_ =	swait.ge @!p0 [sflag:s23], $0x80;
	p0 =	por p0, p0  }
0x21: {  	[sflag:s23] =	ssyncset.done @!p0 $0x0  }
0x22: {  	s18 =	simm.s32 @!p0 $0x13980;
	[sflag:s23] =	ssyncadd.s32 @!p0 $0xFFFFFF80  }
0x23: {  	[tilespmem:s18], [sflag:$0x1] =	stream.linear.gather @!p0 [hbm4b:s14+s19], $0x2000, $0x38;
	[tilespmem:$0x17980] =	vst v63  }
0x24: {  	s24 =	simm.s32 @!p0 $0x15980;
	s21 =	simm.s32 @!p0 $0x1  }
0x25: {  	[tilespmem:s24], [sflag:$0x2] =	stream.linear.gather @!p0 [hbm4b:s13+s19], $0x2000, $0x38;
	[tilespmem:$0x17980] =	vst v63  }
0x26: {  	_ =	swait.ge @!p0 [sflag:s21], $0x2000  }
0x27: {  	[sflag:s21] =	ssyncset.done @!p0 $0x0  }
0x28: {  	s19 =	simm.s32 @!p0 $0x2;
	[sflag:s21] =	ssyncadd.s32 @!p0 $0xFFFFE000  }
0x29: {  	_ =	swait.ge @!p0 [sflag:s19], $0x2000  }
0x2a: {  	[sflag:s19] =	ssyncset.done @!p0 $0x0  }
0x2b: {  	s25 =	simm.s32 @!p0 $0x80;
	[sflag:s19] =	ssyncadd.s32 @!p0 $0xFFFFE000  }
0x2c: {  	[spmem:s2] =	stream.indirect.scatter.add.f32 @!p0 [tilespmem:s18], [sflag:$0x4], $0x40, s20, s25, $0xb8;
	[tilespmem:$0x17980] =	vst v63  }
0x2d: {  	_ =	swait.ge @!p0 [sflag:s23], $0x2000  }
0x2e: {  	[sflag:s23] =	ssyncset.done @!p0 $0x0  }
0x2f: {  	s21 =	simm.s32 $0x400;
	s19 =	sadd.s32 $0x8000, s13;
	[sflag:s23] =	ssyncadd.s32 @!p0 $0xFFFFE000  }
0x30: {  	[spmem:s3] =	stream.indirect.scatter.add.f32 @!p0 [tilespmem:s24], [sflag:$0x3], $0x40, s22, s25, $0xb8;
	[tilespmem:$0x17980] =	vst v63  }
0x31: {  	s20 =	simm.s32 $0x200;
	s23 =	simm.s32 @!p0 $0x3;
	s22 =	sadd.s32 $0x20, s6  }
0x32: {  	s18 =	sadd.s32 $0x8000, s14;
	p2 =	sgt.u32 s22, $0x9C3;
	_ =	swait.ge @!p0 [sflag:s23], $0x2000  }
.LBB2_2:
0x33: {  	s24 =	sadd.s32 @!p2 s20, s12;
	s25 =	simm.s32 @!p2 $0x0;
	[sflag:s23] =	ssyncset.done @!p0 $0x0  }
0x34: {  	s26 =	simm.s32 @!p2 $0x13880;
	s28 =	simm.s32 @!p2 $0x4;
	[sflag:s23] =	ssyncadd.s32 @!p0 $0xFFFFE000  }
0x35: {  	[tilespmem:s26], [sflag:$0x4] =	stream.linear.gather @!p2 [hbm4b:s24+s25], $0x80, $0x38;
	[tilespmem:$0x17980] =	vst v63  }
0x36: {  	s23 =	smov.u32 s21;
	s21 =	sadd.s32 $0x200, s21;
	_ =	swait.ge @!p2 [sflag:s28], $0x80  }
0x37: {  	s29 =	simm.s32 @!p2 $0x13900;
	s24 =	sadd.s32 @!p2 s20, s11;
	[sflag:s28] =	ssyncset.done @!p2 $0x0  }
0x38: {  	p1 =	sne.s32 s21, $0x9E00;
	s20 =	smov.u32 s23;
	[sflag:s28] =	ssyncadd.s32 @!p2 $0xFFFFFF80  }
0x39: {  	[tilespmem:s29], [sflag:$0x4] =	stream.linear.gather @!p2 [hbm4b:s24+s25], $0x80, $0x38;
	[tilespmem:$0x17980] =	vst v63  }
0x3a: {  	p0 =	por p2, p2;
	_ =	swait.ge @!p2 [sflag:s28], $0x80  }
0x3b: {  	s23 =	simm.s32 @!p0 $0x13980;
	[sflag:s28] =	ssyncset.done @!p0 $0x0  }
0x3c: {  	s24 =	simm.s32 @!p0 $0x15980;
	[sflag:s28] =	ssyncadd.s32 @!p0 $0xFFFFFF80  }
0x3d: {  	[tilespmem:s23], [sflag:$0x1] =	stream.linear.gather @!p0 [hbm4b:s18+s25], $0x2000, $0x38;
	[tilespmem:$0x17980] =	vst v63  }
0x3e: {  	s30 =	simm.s32 @!p0 $0x1  }
0x3f: {  	[tilespmem:s24], [sflag:$0x2] =	stream.linear.gather @!p0 [hbm4b:s19+s25], $0x2000, $0x38;
	[tilespmem:$0x17980] =	vst v63  }
0x40: {  	_ =	swait.ge @!p0 [sflag:s30], $0x2000  }
0x41: {  	s25 =	simm.s32 @!p0 $0x2;
	[sflag:s30] =	ssyncset.done @!p0 $0x0  }
0x42: {  	[sflag:s30] =	ssyncadd.s32 @!p0 $0xFFFFE000  }
0x43: {  	_ =	swait.ge @!p0 [sflag:s25], $0x2000  }
0x44: {  	s30 =	simm.s32 @!p0 $0x80;
	[sflag:s25] =	ssyncset.done @!p0 $0x0  }
0x45: {  	[sflag:s25] =	ssyncadd.s32 @!p0 $0xFFFFE000  }
0x46: {  	[spmem:s2] =	stream.indirect.scatter.add.f32 @!p0 [tilespmem:s23], [sflag:$0x4], $0x40, s29, s30, $0xb8;
	[tilespmem:$0x17980] =	vst v63  }
.Ltmp0:
0x47: {  	_ =	swait.ge @!p0 [sflag:s28], $0x2000;
	(pc) =	sbr.rel @p1 .LBB2_2-.Ltmp0, $4  }
0x48: {  	s18 =	sadd.s32 $0x8000, s18;
	[sflag:s28] =	ssyncset.done @!p0 $0x0  }
0x49: {  	s22 =	sadd.s32 $0x20, s22;
	s23 =	simm.s32 @!p0 $0x3;
	[sflag:s28] =	ssyncadd.s32 @!p0 $0xFFFFE000  }
0x4a: {  	[spmem:s3] =	stream.indirect.scatter.add.f32 @!p0 [tilespmem:s24], [sflag:$0x3], $0x40, s26, s30, $0xb8;
	[tilespmem:$0x17980] =	vst v63  }
0x4b: {  	p2 =	sgt.u32 s22, $0x9C3;
	s19 =	sadd.s32 $0x8000, s19;
	_ =	swait.ge @!p0 [sflag:s23], $0x2000  }
0x4c: {  	s21 =	sadd.s32 @!p2 s20, s12;
	s22 =	simm.s32 @!p2 $0x0;
	[sflag:s23] =	ssyncset.done @!p0 $0x0  }
0x4d: {  	s24 =	simm.s32 @!p2 $0x13880;
	s25 =	simm.s32 @!p2 $0x4;
	[sflag:s23] =	ssyncadd.s32 @!p0 $0xFFFFE000  }
0x4e: {  	[tilespmem:s24], [sflag:$0x4] =	stream.linear.gather @!p2 [hbm4b:s21+s22], $0x80, $0x38;
	[tilespmem:$0x17980] =	vst v63  }
0x4f: {  	_ =	swait.ge @!p2 [sflag:s25], $0x80  }
0x50: {  	[sflag:s25] =	ssyncset.done @!p2 $0x0  }
0x51: {  	s20 =	sadd.s32 @!p2 s20, s11;
	s21 =	simm.s32 @!p2 $0x13900;
	[sflag:s25] =	ssyncadd.s32 @!p2 $0xFFFFFF80  }
0x52: {  	[tilespmem:s21], [sflag:$0x4] =	stream.linear.gather @!p2 [hbm4b:s20+s22], $0x80, $0x38;
	[tilespmem:$0x17980] =	vst v63  }
0x53: {  	p0 =	por p2, p2;
	_ =	swait.ge @!p2 [sflag:s25], $0x80  }
0x54: {  	[sflag:s25] =	ssyncset.done @!p0 $0x0  }
0x55: {  	s20 =	simm.s32 @!p0 $0x13980;
	[sflag:s25] =	ssyncadd.s32 @!p0 $0xFFFFFF80  }
0x56: {  	[tilespmem:s20], [sflag:$0x1] =	stream.linear.gather @!p0 [hbm4b:s18+s22], $0x2000, $0x38;
	[tilespmem:$0x17980] =	vst v63  }
0x57: {  	s23 =	simm.s32 @!p0 $0x1;
	s18 =	simm.s32 @!p0 $0x15980  }
0x58: {  	[tilespmem:s18], [sflag:$0x2] =	stream.linear.gather @!p0 [hbm4b:s19+s22], $0x2000, $0x38;
	[tilespmem:$0x17980] =	vst v63  }
0x59: {  	_ =	swait.ge @!p0 [sflag:s23], $0x2000  }
0x5a: {  	[sflag:s23] =	ssyncset.done @!p0 $0x0  }
0x5b: {  	s19 =	simm.s32 @!p0 $0x2;
	[sflag:s23] =	ssyncadd.s32 @!p0 $0xFFFFE000  }
0x5c: {  	_ =	swait.ge @!p0 [sflag:s19], $0x2000  }
0x5d: {  	[sflag:s19] =	ssyncset.done @!p0 $0x0  }
0x5e: {  	s22 =	simm.s32 @!p0 $0x80;
	[sflag:s19] =	ssyncadd.s32 @!p0 $0xFFFFE000  }
0x5f: {  	[spmem:s2] =	stream.indirect.scatter.add.f32 @!p0 [tilespmem:s20], [sflag:$0x4], $0x40, s21, s22, $0xb8;
	[tilespmem:$0x17980] =	vst v63  }
0x60: {  	_ =	swait.ge @!p0 [sflag:s25], $0x2000  }
0x61: {  	[sflag:s25] =	ssyncset.done @!p0 $0x0  }
0x62: {  	s19 =	simm.s32 @!p0 $0x3;
	[sflag:s25] =	ssyncadd.s32 @!p0 $0xFFFFE000  }
0x63: {  	[spmem:s3] =	stream.indirect.scatter.add.f32 @!p0 [tilespmem:s18], [sflag:$0x3], $0x40, s24, s22, $0xb8;
	[tilespmem:$0x17980] =	vst v63  }
0x64: {  	_ =	swait.ge @!p0 [sflag:s19], $0x2000  }
0x65: {  	[sflag:s19] =	ssyncset.done @!p0 $0x0  }
0x66: {  	[sflag:s19] =	ssyncadd.s32 @!p0 $0xFFFFE000  }
0x67: {  	[bflag:$0x0] =	sbarrier.arrive $0xFFFF  }
0x68: {  	[hbm:s8], [sflag:s7] =	dma.local [spmem:s15], $0x1388  }
0x69: {  	s4 =	sadd.s32 $0x1, s4;
	_ =	swait.ge [sflag:s16], $0x1388  }
0x6a: {  	p0 =	sne.s32 s4, s10;
	[sflag:s16] =	ssyncset.done $0x0  }
.Ltmp1:
0x6b: {  	[sflag:s16] =	ssyncadd.s32 $0xFFFFEC78;
	(pc) =	sbr.rel @p0 .LBB2_1-.Ltmp1, $4  }
0x6c: {  	[hbm:s9], [sflag:s7] =	dma.local [spmem:s17], $0x1388  }
0x6d: {  	_ =	swait.ge [sflag:s16], $0x1388  }
0x6e: {  	[sflag:s16] =	ssyncset.done $0x0  }
0x6f: {  	[sflag:s16] =	ssyncadd.s32 $0xFFFFEC78  }
0x70: {  	_ =	sfence.sel $0x180000  }
0x71: {  	[bflag:$0x0] =	sbarrier.arrive $0xFFFF  }
0x72: {  	p0 =	sne.s32 s1, $0x0;
	_ =	strace $0x90000050  }
0x73: {  	s0 =	sadd.s32 @!p0 $0x100000, s0;
	[bflag:$0x2] =	sbarrier.arrive $0xFFFF  }
0x74: {  	[sflag:s0] =	ssyncadd.tile.s32 @!p0 $0x1;
	_ =	shalt  }
.Lfunc_end2:
_tile_overlayer_lowered:
.L_overlay_start_2:
0x75: {  	(tag) =	ssettag $0x2  }
0x76: {  	s0 =	rddreg [dreg:$0x0];
	s2 =	stileid.u32  }
0x77: {  	s1 =	rddreg [dreg:$0x1];
	p0 =	sne.s32 s2, $0x0  }
0x78: {  	s3 =	rddreg [dreg:$0x2];
	[bflag:$0x3] =	sbarrier.arrive $0xFFFF;
	s2 =	simm.s32 @!p0 $0x1C03  }
0x79: {  	[timem:s3], [sflag:s2] =	dma.local @!p0 [hbm:s0], s1  }
0x7a: {  	s0 =	simm.s32 @!p0 $0x3  }
0x7b: {  	_ =	swait.ge @!p0 [sflag:s0], s1  }
0x7c: {  	s1 =	ssub.s32 @!p0 $0x0, s1;
	[sflag:s0] =	ssyncset.done @!p0 $0x0  }
0x7d: {  	[sflag:s0] =	ssyncadd.s32 @!p0 s1  }
0x7e: {  	[bflag:$0x3] =	sbarrier.arrive $0xFFFF  }
0x7f: {  	_ =	shalt  }

</sc_bundles>
